<compile_context>
chip_gen: v7x
topology: tpu7x:2x2x1
jax: 0.10.2.dev20260603
libtpu: 0.0.44.dev20260713+nightly
codegen_flags: <defaults>
</compile_context>

<pallas_src>
import functools

import jax
import jax.numpy as jnp
from jax import lax
from jax.experimental import pallas as pl
from jax.experimental.pallas import tpu as pltpu
from jax.experimental.pallas import tpu_sc as plsc

_ALPHA = 0.5
_T = 5.0
_K = 25

_L = 16
_HIGH = 160
_CAPBUF = 320
_AUXW = 896
_TAIL0 = 800

_NEG = float("-inf")


def _bfly_max(v):
    for sh in (1, 2, 4, 8):
        v = jnp.maximum(v, jnp.take(v, lax.iota(jnp.int32, _L) ^ sh))
    return v


def _bfly_min(v):
    for sh in (1, 2, 4, 8):
        v = jnp.minimum(v, jnp.take(v, lax.iota(jnp.int32, _L) ^ sh))
    return v


def _count_eq(vs, mxv):
    ones = jnp.where(vs[0] == mxv, 1, 0)
    for w in vs[1:]:
        ones = ones + jnp.where(w == mxv, 1, 0)
    for sh in (1, 2, 4, 8):
        ones = ones + jnp.take(ones, lax.iota(jnp.int32, _L) ^ sh)
    return ones[0]


def _sc_topk_body(logits_hbm, stats_hbm, aux_hbm, out_hbm, aux_vmem, buf_vmem,
                  top_vmem, st_vmem, tile_vmem, *, rows_per_w):
    neg_vec = jnp.full((_L,), _NEG)
    iota = lax.iota(jnp.int32, _L)
    nwork = _CAPBUF // _L
    c_real = logits_hbm.shape[1]

    info = plsc.get_sparse_core_info()
    wid = lax.axis_index("s") * info.num_cores + lax.axis_index("c")

    pltpu.sync_copy(stats_hbm, st_vmem.at[pl.ds(0, stats_hbm.shape[0])])

    def _reselect(c):
        cnt, t = c
        for i in range(2):
            buf_vmem[pl.ds(cnt + i * _L, _L)] = top_vmem[pl.ds(i * _L, _L)]

        def rbody(_, st):
            k_rem, p, tt = st
            ws = [buf_vmem[pl.ds(i * _L, _L)] for i in range(nwork)]
            mt = ws[0]
            for w in ws[1:]:
                mt = jnp.maximum(mt, w)
            mx = _bfly_max(mt)[0]
            mxv = jnp.full((_L,), mx)
            ceq = _count_eq(ws, mxv)
            act = k_rem > 0

            @pl.when(act)
            def _():
                top_vmem[pl.ds(p, _L)] = mxv

            fill = jnp.full((_L,), jnp.where(act, _NEG, mx))
            for i in range(nwork):
                buf_vmem[pl.ds(i * _L, _L)] = jnp.where(ws[i] == mxv, fill, ws[i])
            p2 = jnp.where(act, jnp.minimum(p + ceq, _K), p)
            return (k_rem - jnp.where(act, ceq, 0), p2,
                    jnp.where(act, mx, tt))

        _, _, t_new = lax.fori_loop(
            0, _K, rbody, (jnp.int32(_K), jnp.int32(0), t))
        top_vmem[pl.ds(_K, _L)] = neg_vec
        for i in range(nwork):
            buf_vmem[pl.ds(i * _L, _L)] = neg_vec
        return jnp.int32(0), t_new

    def row_body(r, _):
        row = wid * rows_per_w + r
        rb8 = (row // 8) * 8
        s = row % 8
        pltpu.sync_copy(aux_hbm.at[row], aux_vmem)
        tau = st_vmem[pl.ds(row * 8, _L)][5]
        tauv = jnp.full((_L,), tau)
        top_vmem[pl.ds(0, _L)] = tauv
        top_vmem[pl.ds(_L, _L)] = tauv
        top_vmem[pl.ds(2 * _L, _L)] = neg_vec
        for i in range(nwork):
            buf_vmem[pl.ds(i * _L, _L)] = neg_vec

        cnt = jnp.int32(0)
        t = tau
        for k in (_TAIL0, _TAIL0 + _L):
            v = aux_vmem[pl.ds(k, _L)]
            buf_vmem[pl.ds(cnt, _L)] = v
            cnt = jnp.where(_bfly_max(v)[0] > t, cnt + _L, cnt)

        def drill_one(j, cc):
            cnt, t = cc
            av = aux_vmem[pl.ds(j * _L, _L)]
            amx = _bfly_max(av)[0]
            amxv = jnp.full((_L,), amx)
            argl = _bfly_min(jnp.where(av == amxv, iota, _L))[0]
            cid = j * _L + argl
            pltpu.sync_copy(
                logits_hbm.at[pl.ds(rb8, 8), pl.ds(cid * 128, 128)], tile_vmem)
            for u in range(8):
                v = tile_vmem[s, pl.ds(u * _L, _L)]
                buf_vmem[pl.ds(cnt, _L)] = v
                cnt = jnp.where(_bfly_max(v)[0] > t, cnt + _L, cnt)
            cnt, t = lax.cond(cnt >= _HIGH, _reselect, lambda q: q, (cnt, t))
            aux_vmem[pl.ds(j * _L, _L)] = jnp.where(iota == argl, neg_vec, av)
            return cnt, t

        def scan_body(j, carry):
            cnt, t = carry
            av = aux_vmem[pl.ds(j * _L, _L)]
            amx = _bfly_max(av)[0]

            def hit(c):
                cnt, t = drill_one(j, c)

                def fallback(c2):
                    def fb_body(_, c3):
                        cnt, t = c3
                        av3 = aux_vmem[pl.ds(j * _L, _L)]
                        amx3 = _bfly_max(av3)[0]
                        return lax.cond(
                            amx3 > t, lambda q: drill_one(j, q),
                            lambda q: q, (cnt, t))

                    return lax.fori_loop(0, _L, fb_body, c2)

                av2 = aux_vmem[pl.ds(j * _L, _L)]
                amx2 = _bfly_max(av2)[0]
                return lax.cond(amx2 > t, fallback, lambda q: q, (cnt, t))

            return lax.cond(amx > t, hit, lambda c: c, (cnt, t))

        carry = lax.fori_loop(0, 49, scan_body, (cnt, t))
        _reselect(carry)
        pltpu.sync_copy(top_vmem.at[pl.ds(0, 2 * _L)],
                        out_hbm.at[pl.ds(row * 2 * _L, 2 * _L)])
        return 0

    lax.fori_loop(0, rows_per_w, row_body, 0)


def _stats_body(label_ref, logits_ref, stats_ref, aux_ref, *, rb):
    i = pl.program_id(0)
    l = logits_ref[...]
    C = l.shape[1]
    inv_t = 1.0 / _T

    col = lax.broadcasted_iota(jnp.int32, (rb, C), 1)
    m = jnp.max(l, axis=1, keepdims=True)
    sum_l = jnp.sum(l, axis=1, keepdims=True)
    e = jnp.exp((l - m) * inv_t)
    sT = jnp.sum(e, axis=1, keepdims=True)
    e2 = e * e
    e4 = e2 * e2
    s1 = jnp.sum(e4 * e, axis=1, keepdims=True)

    row_iota = lax.broadcasted_iota(jnp.int32, (rb, 1), 0)
    lab = jnp.zeros((rb, 1), jnp.int32)
    for r in range(rb):
        lab = jnp.where(row_iota == r, label_ref[i * rb + r], lab)
    l_lab = jnp.sum(jnp.where(col == lab, l, 0.0), axis=1, keepdims=True)

    nch = (C - 32) // 128
    cm = jnp.max(l[:, :nch * 128].reshape(rb, nch, 128), axis=2)
    tail = l[:, nch * 128:]
    negs = jnp.full((rb, _AUXW - _TAIL0 - 32), _NEG, jnp.float32)
    aux = jnp.concatenate(
        [cm, negs[:, : _TAIL0 - nch], tail, negs[:, : _AUXW - _TAIL0 - 32]],
        axis=1)
    aux_ref[...] = aux

    def step(_, carry):
        x, cum, t = carry
        M = jnp.max(x, axis=1, keepdims=True)
        eqm = x == M
        cc = jnp.sum(jnp.where(eqm, 1.0, 0.0), axis=1, keepdims=True)
        active = cum < _K
        t = jnp.where(active, M, t)
        cum = cum + cc
        x = jnp.where(eqm, jnp.float32(_NEG), x)
        return x, cum, t

    zeros = m * 0.0
    _, _, tau = lax.fori_loop(0, _K, step, (aux, zeros, zeros))

    ci = lax.broadcasted_iota(jnp.int32, (rb, 8), 1)
    st = jnp.zeros((rb, 8), jnp.float32)
    for j, v in enumerate((m, s1, sT, sum_l, l_lab, tau)):
        st = jnp.where(ci == j, v, st)
    stats_ref[...] = st


def _combine_body(stats_ref, topk_ref, out_ref, *, b, c):
    st = stats_ref[...]
    tv = topk_ref[...]
    inv_t = 1.0 / _T

    ci = lax.broadcasted_iota(jnp.int32, (b, 8), 1)

    def colget(j):
        return jnp.sum(jnp.where(ci == j, st, 0.0), axis=1, keepdims=True)

    m, s1, sT, sum_l, l_lab = (colget(j) for j in range(5))

    mask25 = lax.broadcasted_iota(jnp.int32, (b, 32), 1) < _K
    s_l_top = jnp.sum(jnp.where(mask25, tv, 0.0), axis=1, keepdims=True)
    e_top = jnp.exp((tv - m) * inv_t)
    s_e_top = jnp.sum(jnp.where(mask25, e_top, 0.0), axis=1, keepdims=True)

    log_s1 = jnp.log(s1)
    log_sT = jnp.log(sT)
    nll = -(l_lab - m - log_s1)
    base = (1.0 - s_e_top / sT) / (c - _K)
    off = m * inv_t + log_sT
    sum_all_logq = sum_l * inv_t - c * off
    sum_top_logq = s_l_top * inv_t - _K * off
    kl_row = base * ((c - _K) * jnp.log(base) - (sum_all_logq - sum_top_logq))

    out_ref[...] = (
        jnp.sum((1.0 - _ALPHA) * nll + _ALPHA * kl_row, axis=(0, 1), keepdims=True)
        / b
    )


def kernel(logits, label, teacher):
    del teacher
    b, c = logits.shape
    rb = 8
    label = label.astype(jnp.int32)

    stats, aux = pl.pallas_call(
        functools.partial(_stats_body, rb=rb),
        grid=(b // rb,),
        in_specs=[pl.BlockSpec(memory_space=pltpu.SMEM),
                  pl.BlockSpec((rb, c), lambda i: (i, 0))],
        out_specs=[pl.BlockSpec((rb, 8), lambda i: (i, 0)),
                   pl.BlockSpec((rb, _AUXW), lambda i: (i, 0))],
        out_shape=[jax.ShapeDtypeStruct((b, 8), jnp.float32),
                   jax.ShapeDtypeStruct((b, _AUXW), jnp.float32)],
        compiler_params=pltpu.CompilerParams(
            dimension_semantics=("parallel",)),
    )(label, logits)

    info = plsc.get_sparse_core_info()
    nw = info.num_cores * info.num_subcores
    rows_per_w = b // nw

    mesh = plsc.VectorSubcoreMesh(core_axis_name="c", subcore_axis_name="s")
    sc_topk = pl.kernel(
        functools.partial(_sc_topk_body, rows_per_w=rows_per_w),
        mesh=mesh,
        out_type=jax.ShapeDtypeStruct((b * 32,), jnp.float32),
        scratch_types=[
            pltpu.VMEM((_AUXW,), jnp.float32),
            pltpu.VMEM((_CAPBUF,), jnp.float32),
            pltpu.VMEM((3 * _L,), jnp.float32),
            pltpu.VMEM((b * 8 + _L,), jnp.float32),
            pltpu.VMEM((8, 128), jnp.float32),
        ],
    )
    topk = sc_topk(logits, stats.reshape(-1), aux).reshape(b, 32)

    out = pl.pallas_call(
        functools.partial(_combine_body, b=b, c=float(c)),
        out_shape=jax.ShapeDtypeStruct((1, 1), jnp.float32),
    )(stats, topk)
    return out[0, 0]

# --- scband reference (transcript-rebuilt; emitter-appended) ---
"""Pipeline reference for scband-kdloss2-64836826300651 (READ-ONLY COPY).

The authoritative reference and input builder live on the scoring server;
editing this copy changes nothing except your own understanding.
"""

import jax, jax.numpy as jnp
import numpy as np

ALPHA = 0.5
T = 5.0
TOPK = 25


def setup_inputs(seed: int = 0) -> dict:
    key = jax.random.key(seed)
    k1, k2, k3 = jax.random.split(key, 3)
    B, C = 128, 100000
    logits = jax.random.normal(k1, (B, C), dtype=jnp.float32)
    label = jax.random.randint(k2, (B,), 0, C, dtype=jnp.int64)
    teacher = jax.random.normal(k3, (B, C), dtype=jnp.float32)
    return {"logits": logits, "label": label, "teacher": teacher}


def _kdtopk(probs, topk, classes):
    topk_vals, topk_idx = jax.lax.top_k(probs, topk)
    missing_classes = classes - topk
    missing_prob = 1.0 - topk_vals.sum(axis=1)
    base = jnp.broadcast_to(missing_prob[:, None] / missing_classes, probs.shape)
    rows = jnp.arange(probs.shape[0])[:, None]
    return base.at[rows, topk_idx].set(topk_vals)


def reference(logits, label, teacher):
    B = logits.shape[0]
    # hard loss: (1 - alpha) * cross_entropy(logits, label) with mean reduction
    log_probs = jax.nn.log_softmax(logits, axis=1)
    nll = -log_probs[jnp.arange(B), label]
    hard = (1.0 - ALPHA) * nll.mean()
    # soft target built under no_grad in torch -> stop_gradient here
    classes = teacher.shape[1]
    tprob = jax.nn.softmax(logits / T, axis=1)
    tprob = _kdtopk(tprob, TOPK, classes)
    tprob = jax.lax.stop_gradient(tprob)
    # kl_div(log_softmax(logits/T), tprob, reduction='batchmean', log_target=False)
    log_q = jax.nn.log_softmax(logits / T, axis=1)
    kl = (tprob * (jnp.log(tprob) - log_q)).sum() / B
    soft = ALPHA * kl
    return hard + soft

if __name__ == "__main__":
    import jax
    _d = setup_inputs()
    print(jax.jit(kernel)(*tuple(_d.values())))

</pallas_src>

<mosaic_0001>
#map = affine_map<(d0, d1) -> (0, 0)>
#map1 = affine_map<(d0, d1) -> (0)>
module attributes {stable_mosaic.version = 14 : i64} {
  func.func @_sc_topk_body(%arg0: i32, %arg1: i32, %arg2: memref<128x100000xf32, #tpu.memory_space<hbm>>, %arg3: memref<1024xf32, #tpu.memory_space<hbm>>, %arg4: memref<128x896xf32, #tpu.memory_space<hbm>>, %arg5: memref<4096xf32, #tpu.memory_space<hbm>>, %arg6: memref<896xf32, #tpu.memory_space<vmem>>, %arg7: memref<320xf32, #tpu.memory_space<vmem>>, %arg8: memref<48xf32, #tpu.memory_space<vmem>>, %arg9: memref<1040xf32, #tpu.memory_space<vmem>>, %arg10: memref<8x128xf32, #tpu.memory_space<vmem>>) attributes {dimension_semantics = [#tpu.dimension_semantics<core_parallel>, #tpu.dimension_semantics<subcore_parallel>], iteration_bounds = array<i64: 2, 16>, scalar_prefetch = 0 : i64, scratch_operands = 5 : i64, tpu.core_type = #tpu.core_type<sc_vector_subcore>, window_params = [{transform_indices = #map}, {transform_indices = #map1}, {transform_indices = #map}, {transform_indices = #map1}]} {
    %broadcast_in_dim3A = arith.constant 0xFF800000 : f32
    %broadcast_in_dim3A_0 = vector.broadcast %broadcast_in_dim3A : f32 to vector<16xf32>
    %iota3A = tpu.iota {dimensions = array<i32: 0>} : vector<16xi32>
    %mul3A = arith.constant 2 : i32
    %mul3A_1 = arith.muli %arg1, %mul3A : i32
    %add3A = arith.addi %mul3A_1, %arg0 : i32
    "tpu.region"() ({
      %run_scoped3A = tpu.sem_alloc : memref<!tpu.dma_semaphore, #tpu.memory_space<semaphore_mem>>
      %dma_start3A = arith.constant 0 : i32
      %dma_start3A_8 = tpu.memref_slice %arg9[%dma_start3A] : memref<1040xf32, #tpu.memory_space<vmem>> -> memref<1024xf32, #tpu.memory_space<vmem>>
      %dma_start3A_9 = arith.constant 0 : i32
      %dma_start3A_10 = tpu.memref_slice %arg9[%dma_start3A_9] : memref<1040xf32, #tpu.memory_space<vmem>> -> memref<1024xf32, #tpu.memory_space<vmem>>
      tpu.enqueue_dma source(%arg3 : memref<1024xf32, #tpu.memory_space<hbm>>) target(%dma_start3A_10 : memref<1024xf32, #tpu.memory_space<vmem>>) target_semaphore(%run_scoped3A : memref<!tpu.dma_semaphore, #tpu.memory_space<semaphore_mem>>)
      %dma_wait3A = arith.constant 0 : i32
      %dma_wait3A_11 = tpu.memref_slice %arg9[%dma_wait3A] : memref<1040xf32, #tpu.memory_space<vmem>> -> memref<1024xf32, #tpu.memory_space<vmem>>
      %dma_wait3A_12 = arith.constant 0 : i32
      %dma_wait3A_13 = tpu.memref_slice %arg9[%dma_wait3A_12] : memref<1040xf32, #tpu.memory_space<vmem>> -> memref<1024xf32, #tpu.memory_space<vmem>>
      tpu.wait_dma2 semaphore(%run_scoped3A : memref<!tpu.dma_semaphore, #tpu.memory_space<semaphore_mem>>) src(%arg3 : memref<1024xf32, #tpu.memory_space<hbm>>) dst(%dma_wait3A_13 : memref<1024xf32, #tpu.memory_space<vmem>>)
      tpu.yield
    }) : () -> ()
    %scan3A = arith.constant 0 : i32
    %scan3A_2 = arith.constant 0 : i32
    %scan3A_3 = arith.constant 4 : i32
    %scan3A_4 = arith.addi %scan3A_2, %scan3A_3 : i32
    %scan3A_5 = arith.constant 1 : i32
    %scan3A_6 = scf.for %scan3A_8 = %scan3A_2 to %scan3A_4 step %scan3A_5 iter_args(%scan3A_9 = %scan3A) -> (i32)  : i32 {
      %mul3A_10 = arith.constant 4 : i32
      %mul3A_11 = arith.muli %add3A, %mul3A_10 : i32
      %add3A_12 = arith.addi %mul3A_11, %scan3A_8 : i32
      %jit3A = arith.constant 8 : i32
      %div3A = arith.divsi %add3A_12, %jit3A : i32
      %sign3A = arith.constant 0 : i32
      %sign3A_13 = arith.cmpi sgt, %add3A_12, %sign3A : i32
      %sign3A_14 = arith.extui %sign3A_13 : i1 to i32
      %sign3A_15 = arith.constant 0 : i32
      %sign3A_16 = arith.cmpi slt, %add3A_12, %sign3A_15 : i32
      %sign3A_17 = arith.extui %sign3A_16 : i1 to i32
      %sign3A_18 = arith.subi %sign3A_14, %sign3A_17 : i32
      %sign3A_19 = arith.constant 0 : i32
      %sign3A_20 = arith.cmpi sgt, %jit3A, %sign3A_19 : i32
      %sign3A_21 = arith.extui %sign3A_20 : i1 to i32
      %sign3A_22 = arith.constant 0 : i32
      %sign3A_23 = arith.cmpi slt, %jit3A, %sign3A_22 : i32
      %sign3A_24 = arith.extui %sign3A_23 : i1 to i32
      %sign3A_25 = arith.subi %sign3A_21, %sign3A_24 : i32
      %ne3A = arith.cmpi ne, %sign3A_18, %sign3A_25 : i32
      %rem3A = arith.remsi %add3A_12, %jit3A : i32
      %ne3A_26 = arith.constant 0 : i32
      %ne3A_27 = arith.cmpi ne, %rem3A, %ne3A_26 : i32
      %and3A = arith.andi %ne3A, %ne3A_27 : i1
      %sub3A = arith.constant 1 : i32
      %sub3A_28 = arith.subi %div3A, %sub3A : i32
      %select_n3A = arith.select %and3A, %sub3A_28, %div3A : i32
      %mul3A_29 = arith.constant 8 : i32
      %mul3A_30 = arith.muli %select_n3A, %mul3A_29 : i32
      %jit3A_31 = arith.constant 8 : i32
      %eq3A = arith.constant 0 : i32
      %eq3A_32 = arith.cmpi eq, %jit3A_31, %eq3A : i32
      %jit3A_33 = arith.constant 1 : i32
      %select_n3A_34 = arith.select %eq3A_32, %jit3A_33, %jit3A_31 : i32
      %rem3A_35 = arith.remsi %add3A_12, %select_n3A_34 : i32
      %ne3A_36 = arith.constant 0 : i32
      %ne3A_37 = arith.cmpi ne, %rem3A_35, %ne3A_36 : i32
      %lt3A = arith.constant 0 : i32
      %lt3A_38 = arith.cmpi slt, %rem3A_35, %lt3A : i32
      %lt3A_39 = arith.constant 0 : i32
      %lt3A_40 = arith.cmpi slt, %select_n3A_34, %lt3A_39 : i32
      %ne3A_41 = arith.xori %lt3A_38, %lt3A_40 : i1
      %and3A_42 = arith.andi %ne3A_41, %ne3A_37 : i1
      %add3A_43 = arith.addi %rem3A_35, %select_n3A_34 : i32
      %select_n3A_44 = arith.select %and3A_42, %add3A_43, %rem3A_35 : i32
      "tpu.region"() ({
        %run_scoped3A = tpu.sem_alloc : memref<!tpu.dma_semaphore, #tpu.memory_space<semaphore_mem>>
        %dma_start3A = arith.constant 0 : i32
        %dma_start3A_407 = tpu.memref_slice %arg4[%add3A_12, %dma_start3A] : memref<128x896xf32, #tpu.memory_space<hbm>> -> memref<1x896xf32, #tpu.memory_space<hbm>>
        %dma_start3A_408 = tpu.memref_squeeze %dma_start3A_407 : memref<1x896xf32, #tpu.memory_space<hbm>> -> memref<896xf32, #tpu.memory_space<hbm>>
        %dma_start3A_409 = arith.constant 0 : i32
        %dma_start3A_410 = tpu.memref_slice %arg4[%add3A_12, %dma_start3A_409] : memref<128x896xf32, #tpu.memory_space<hbm>> -> memref<1x896xf32, #tpu.memory_space<hbm>>
        %dma_start3A_411 = tpu.memref_squeeze %dma_start3A_410 : memref<1x896xf32, #tpu.memory_space<hbm>> -> memref<896xf32, #tpu.memory_space<hbm>>
        tpu.enqueue_dma source(%dma_start3A_411 : memref<896xf32, #tpu.memory_space<hbm>>) target(%arg6 : memref<896xf32, #tpu.memory_space<vmem>>) target_semaphore(%run_scoped3A : memref<!tpu.dma_semaphore, #tpu.memory_space<semaphore_mem>>)
        %dma_wait3A = arith.constant 0 : i32
        %dma_wait3A_412 = tpu.memref_slice %arg4[%add3A_12, %dma_wait3A] : memref<128x896xf32, #tpu.memory_space<hbm>> -> memref<1x896xf32, #tpu.memory_space<hbm>>
        %dma_wait3A_413 = tpu.memref_squeeze %dma_wait3A_412 : memref<1x896xf32, #tpu.memory_space<hbm>> -> memref<896xf32, #tpu.memory_space<hbm>>
        %dma_wait3A_414 = arith.constant 0 : i32
        %dma_wait3A_415 = tpu.memref_slice %arg4[%add3A_12, %dma_wait3A_414] : memref<128x896xf32, #tpu.memory_space<hbm>> -> memref<1x896xf32, #tpu.memory_space<hbm>>
        %dma_wait3A_416 = tpu.memref_squeeze %dma_wait3A_415 : memref<1x896xf32, #tpu.memory_space<hbm>> -> memref<896xf32, #tpu.memory_space<hbm>>
        tpu.wait_dma2 semaphore(%run_scoped3A : memref<!tpu.dma_semaphore, #tpu.memory_space<semaphore_mem>>) src(%dma_wait3A_416 : memref<896xf32, #tpu.memory_space<hbm>>) dst(%arg6 : memref<896xf32, #tpu.memory_space<vmem>>)
        tpu.yield
      }) : () -> ()
      %mul3A_45 = arith.constant 8 : i32
      %mul3A_46 = arith.muli %add3A_12, %mul3A_45 : i32
      %get3A = arith.index_cast %mul3A_46 : i32 to index
      %get3A_47 = tpu.vector_load %arg9[%get3A] {strides = array<i32>} : memref<1040xf32, #tpu.memory_space<vmem>>, vector<16xf32>,
      %get3A_48 = vector.shape_cast %get3A_47 : vector<16xf32> to vector<16xf32>
      %slice3A = vector.extract_strided_slice %get3A_48 {offsets = [5], sizes = [1], strides = [1]} : vector<16xf32> to vector<1xf32>
      %squeeze3A = vector.extract %slice3A[0] : f32 from vector<1xf32>
      %broadcast_in_dim3A_49 = vector.broadcast %squeeze3A : f32 to vector<16xf32>
      %swap3A = arith.constant 0 : index
      %swap3A_50 = tpu.vector_load %arg8[%swap3A] {strides = array<i32>} : memref<48xf32, #tpu.memory_space<vmem>>, vector<16xf32>,
      %swap3A_51 = vector.shape_cast %swap3A_50 : vector<16xf32> to vector<16xf32>
      %swap3A_52 = vector.shape_cast %broadcast_in_dim3A_49 : vector<16xf32> to vector<16xf32>
      tpu.vector_store %arg8[%swap3A], %swap3A_52 {strides = array<i32>} : memref<48xf32, #tpu.memory_space<vmem>>, vector<16xf32>,
      %swap3A_53 = arith.constant 16 : index
      %swap3A_54 = tpu.vector_load %arg8[%swap3A_53] {strides = array<i32>} : memref<48xf32, #tpu.memory_space<vmem>>, vector<16xf32>,
      %swap3A_55 = vector.shape_cast %swap3A_54 : vector<16xf32> to vector<16xf32>
      %swap3A_56 = vector.shape_cast %broadcast_in_dim3A_49 : vector<16xf32> to vector<16xf32>
      tpu.vector_store %arg8[%swap3A_53], %swap3A_56 {strides = array<i32>} : memref<48xf32, #tpu.memory_space<vmem>>, vector<16xf32>,
      %swap3A_57 = arith.constant 32 : index
      %swap3A_58 = tpu.vector_load %arg8[%swap3A_57] {strides = array<i32>} : memref<48xf32, #tpu.memory_space<vmem>>, vector<16xf32>,
      %swap3A_59 = vector.shape_cast %swap3A_58 : vector<16xf32> to vector<16xf32>
      %swap3A_60 = vector.shape_cast %broadcast_in_dim3A_0 : vector<16xf32> to vector<16xf32>
      tpu.vector_store %arg8[%swap3A_57], %swap3A_60 {strides = array<i32>} : memref<48xf32, #tpu.memory_space<vmem>>, vector<16xf32>,
      %swap3A_61 = arith.constant 0 : index
      %swap3A_62 = tpu.vector_load %arg7[%swap3A_61] {strides = array<i32>} : memref<320xf32, #tpu.memory_space<vmem>>, vector<16xf32>,
      %swap3A_63 = vector.shape_cast %swap3A_62 : vector<16xf32> to vector<16xf32>
      %swap3A_64 = vector.shape_cast %broadcast_in_dim3A_0 : vector<16xf32> to vector<16xf32>
      tpu.vector_store %arg7[%swap3A_61], %swap3A_64 {strides = array<i32>} : memref<320xf32, #tpu.memory_space<vmem>>, vector<16xf32>,
      %swap3A_65 = arith.constant 16 : index
      %swap3A_66 = tpu.vector_load %arg7[%swap3A_65] {strides = array<i32>} : memref<320xf32, #tpu.memory_space<vmem>>, vector<16xf32>,
      %swap3A_67 = vector.shape_cast %swap3A_66 : vector<16xf32> to vector<16xf32>
      %swap3A_68 = vector.shape_cast %broadcast_in_dim3A_0 : vector<16xf32> to vector<16xf32>
      tpu.vector_store %arg7[%swap3A_65], %swap3A_68 {strides = array<i32>} : memref<320xf32, #tpu.memory_space<vmem>>, vector<16xf32>,
      %swap3A_69 = arith.constant 32 : index
      %swap3A_70 = tpu.vector_load %arg7[%swap3A_69] {strides = array<i32>} : memref<320xf32, #tpu.memory_space<vmem>>, vector<16xf32>,
      %swap3A_71 = vector.shape_cast %swap3A_70 : vector<16xf32> to vector<16xf32>
      %swap3A_72 = vector.shape_cast %broadcast_in_dim3A_0 : vector<16xf32> to vector<16xf32>
      tpu.vector_store %arg7[%swap3A_69], %swap3A_72 {strides = array<i32>} : memref<320xf32, #tpu.memory_space<vmem>>, vector<16xf32>,
      %swap3A_73 = arith.constant 48 : index
      %swap3A_74 = tpu.vector_load %arg7[%swap3A_73] {strides = array<i32>} : memref<320xf32, #tpu.memory_space<vmem>>, vector<16xf32>,
      %swap3A_75 = vector.shape_cast %swap3A_74 : vector<16xf32> to vector<16xf32>
      %swap3A_76 = vector.shape_cast %broadcast_in_dim3A_0 : vector<16xf32> to vector<16xf32>
      tpu.vector_store %arg7[%swap3A_73], %swap3A_76 {strides = array<i32>} : memref<320xf32, #tpu.memory_space<vmem>>, vector<16xf32>,
      %swap3A_77 = arith.constant 64 : index
      %swap3A_78 = tpu.vector_load %arg7[%swap3A_77] {strides = array<i32>} : memref<320xf32, #tpu.memory_space<vmem>>, vector<16xf32>,
      %swap3A_79 = vector.shape_cast %swap3A_78 : vector<16xf32> to vector<16xf32>
      %swap3A_80 = vector.shape_cast %broadcast_in_dim3A_0 : vector<16xf32> to vector<16xf32>
      tpu.vector_store %arg7[%swap3A_77], %swap3A_80 {strides = array<i32>} : memref<320xf32, #tpu.memory_space<vmem>>, vector<16xf32>,
      %swap3A_81 = arith.constant 80 : index
      %swap3A_82 = tpu.vector_load %arg7[%swap3A_81] {strides = array<i32>} : memref<320xf32, #tpu.memory_space<vmem>>, vector<16xf32>,
      %swap3A_83 = vector.shape_cast %swap3A_82 : vector<16xf32> to vector<16xf32>
      %swap3A_84 = vector.shape_cast %broadcast_in_dim3A_0 : vector<16xf32> to vector<16xf32>
      tpu.vector_store %arg7[%swap3A_81], %swap3A_84 {strides = array<i32>} : memref<320xf32, #tpu.memory_space<vmem>>, vector<16xf32>,
      %swap3A_85 = arith.constant 96 : index
      %swap3A_86 = tpu.vector_load %arg7[%swap3A_85] {strides = array<i32>} : memref<320xf32, #tpu.memory_space<vmem>>, vector<16xf32>,
      %swap3A_87 = vector.shape_cast %swap3A_86 : vector<16xf32> to vector<16xf32>
      %swap3A_88 = vector.shape_cast %broadcast_in_dim3A_0 : vector<16xf32> to vector<16xf32>
      tpu.vector_store %arg7[%swap3A_85], %swap3A_88 {strides = array<i32>} : memref<320xf32, #tpu.memory_space<vmem>>, vector<16xf32>,
      %swap3A_89 = arith.constant 112 : index
      %swap3A_90 = tpu.vector_load %arg7[%swap3A_89] {strides = array<i32>} : memref<320xf32, #tpu.memory_space<vmem>>, vector<16xf32>,
      %swap3A_91 = vector.shape_cast %swap3A_90 : vector<16xf32> to vector<16xf32>
      %swap3A_92 = vector.shape_cast %broadcast_in_dim3A_0 : vector<16xf32> to vector<16xf32>
      tpu.vector_store %arg7[%swap3A_89], %swap3A_92 {strides = array<i32>} : memref<320xf32, #tpu.memory_space<vmem>>, vector<16xf32>,
      %swap3A_93 = arith.constant 128 : index
      %swap3A_94 = tpu.vector_load %arg7[%swap3A_93] {strides = array<i32>} : memref<320xf32, #tpu.memory_space<vmem>>, vector<16xf32>,
      %swap3A_95 = vector.shape_cast %swap3A_94 : vector<16xf32> to vector<16xf32>
      %swap3A_96 = vector.shape_cast %broadcast_in_dim3A_0 : vector<16xf32> to vector<16xf32>
      tpu.vector_store %arg7[%swap3A_93], %swap3A_96 {strides = array<i32>} : memref<320xf32, #tpu.memory_space<vmem>>, vector<16xf32>,
      %swap3A_97 = arith.constant 144 : index
      %swap3A_98 = tpu.vector_load %arg7[%swap3A_97] {strides = array<i32>} : memref<320xf32, #tpu.memory_space<vmem>>, vector<16xf32>,
      %swap3A_99 = vector.shape_cast %swap3A_98 : vector<16xf32> to vector<16xf32>
      %swap3A_100 = vector.shape_cast %broadcast_in_dim3A_0 : vector<16xf32> to vector<16xf32>
      tpu.vector_store %arg7[%swap3A_97], %swap3A_100 {strides = array<i32>} : memref<320xf32, #tpu.memory_space<vmem>>, vector<16xf32>,
      %swap3A_101 = arith.constant 160 : index
      %swap3A_102 = tpu.vector_load %arg7[%swap3A_101] {strides = array<i32>} : memref<320xf32, #tpu.memory_space<vmem>>, vector<16xf32>,
      %swap3A_103 = vector.shape_cast %swap3A_102 : vector<16xf32> to vector<16xf32>
      %swap3A_104 = vector.shape_cast %broadcast_in_dim3A_0 : vector<16xf32> to vector<16xf32>
      tpu.vector_store %arg7[%swap3A_101], %swap3A_104 {strides = array<i32>} : memref<320xf32, #tpu.memory_space<vmem>>, vector<16xf32>,
      %swap3A_105 = arith.constant 176 : index
      %swap3A_106 = tpu.vector_load %arg7[%swap3A_105] {strides = array<i32>} : memref<320xf32, #tpu.memory_space<vmem>>, vector<16xf32>,
      %swap3A_107 = vector.shape_cast %swap3A_106 : vector<16xf32> to vector<16xf32>
      %swap3A_108 = vector.shape_cast %broadcast_in_dim3A_0 : vector<16xf32> to vector<16xf32>
      tpu.vector_store %arg7[%swap3A_105], %swap3A_108 {strides = array<i32>} : memref<320xf32, #tpu.memory_space<vmem>>, vector<16xf32>,
      %swap3A_109 = arith.constant 192 : index
      %swap3A_110 = tpu.vector_load %arg7[%swap3A_109] {strides = array<i32>} : memref<320xf32, #tpu.memory_space<vmem>>, vector<16xf32>,
      %swap3A_111 = vector.shape_cast %swap3A_110 : vector<16xf32> to vector<16xf32>
      %swap3A_112 = vector.shape_cast %broadcast_in_dim3A_0 : vector<16xf32> to vector<16xf32>
      tpu.vector_store %arg7[%swap3A_109], %swap3A_112 {strides = array<i32>} : memref<320xf32, #tpu.memory_space<vmem>>, vector<16xf32>,
      %swap3A_113 = arith.constant 208 : index
      %swap3A_114 = tpu.vector_load %arg7[%swap3A_113] {strides = array<i32>} : memref<320xf32, #tpu.memory_space<vmem>>, vector<16xf32>,
      %swap3A_115 = vector.shape_cast %swap3A_114 : vector<16xf32> to vector<16xf32>
      %swap3A_116 = vector.shape_cast %broadcast_in_dim3A_0 : vector<16xf32> to vector<16xf32>
      tpu.vector_store %arg7[%swap3A_113], %swap3A_116 {strides = array<i32>} : memref<320xf32, #tpu.memory_space<vmem>>, vector<16xf32>,
      %swap3A_117 = arith.constant 224 : index
      %swap3A_118 = tpu.vector_load %arg7[%swap3A_117] {strides = array<i32>} : memref<320xf32, #tpu.memory_space<vmem>>, vector<16xf32>,
      %swap3A_119 = vector.shape_cast %swap3A_118 : vector<16xf32> to vector<16xf32>
      %swap3A_120 = vector.shape_cast %broadcast_in_dim3A_0 : vector<16xf32> to vector<16xf32>
      tpu.vector_store %arg7[%swap3A_117], %swap3A_120 {strides = array<i32>} : memref<320xf32, #tpu.memory_space<vmem>>, vector<16xf32>,
      %swap3A_121 = arith.constant 240 : index
      %swap3A_122 = tpu.vector_load %arg7[%swap3A_121] {strides = array<i32>} : memref<320xf32, #tpu.memory_space<vmem>>, vector<16xf32>,
      %swap3A_123 = vector.shape_cast %swap3A_122 : vector<16xf32> to vector<16xf32>
      %swap3A_124 = vector.shape_cast %broadcast_in_dim3A_0 : vector<16xf32> to vector<16xf32>
      tpu.vector_store %arg7[%swap3A_121], %swap3A_124 {strides = array<i32>} : memref<320xf32, #tpu.memory_space<vmem>>, vector<16xf32>,
      %swap3A_125 = arith.constant 256 : index
      %swap3A_126 = tpu.vector_load %arg7[%swap3A_125] {strides = array<i32>} : memref<320xf32, #tpu.memory_space<vmem>>, vector<16xf32>,
      %swap3A_127 = vector.shape_cast %swap3A_126 : vector<16xf32> to vector<16xf32>
      %swap3A_128 = vector.shape_cast %broadcast_in_dim3A_0 : vector<16xf32> to vector<16xf32>
      tpu.vector_store %arg7[%swap3A_125], %swap3A_128 {strides = array<i32>} : memref<320xf32, #tpu.memory_space<vmem>>, vector<16xf32>,
      %swap3A_129 = arith.constant 272 : index
      %swap3A_130 = tpu.vector_load %arg7[%swap3A_129] {strides = array<i32>} : memref<320xf32, #tpu.memory_space<vmem>>, vector<16xf32>,
      %swap3A_131 = vector.shape_cast %swap3A_130 : vector<16xf32> to vector<16xf32>
      %swap3A_132 = vector.shape_cast %broadcast_in_dim3A_0 : vector<16xf32> to vector<16xf32>
      tpu.vector_store %arg7[%swap3A_129], %swap3A_132 {strides = array<i32>} : memref<320xf32, #tpu.memory_space<vmem>>, vector<16xf32>,
      %swap3A_133 = arith.constant 288 : index
      %swap3A_134 = tpu.vector_load %arg7[%swap3A_133] {strides = array<i32>} : memref<320xf32, #tpu.memory_space<vmem>>, vector<16xf32>,
      %swap3A_135 = vector.shape_cast %swap3A_134 : vector<16xf32> to vector<16xf32>
      %swap3A_136 = vector.shape_cast %broadcast_in_dim3A_0 : vector<16xf32> to vector<16xf32>
      tpu.vector_store %arg7[%swap3A_133], %swap3A_136 {strides = array<i32>} : memref<320xf32, #tpu.memory_space<vmem>>, vector<16xf32>,
      %swap3A_137 = arith.constant 304 : index
      %swap3A_138 = tpu.vector_load %arg7[%swap3A_137] {strides = array<i32>} : memref<320xf32, #tpu.memory_space<vmem>>, vector<16xf32>,
      %swap3A_139 = vector.shape_cast %swap3A_138 : vector<16xf32> to vector<16xf32>
      %swap3A_140 = vector.shape_cast %broadcast_in_dim3A_0 : vector<16xf32> to vector<16xf32>
      tpu.vector_store %arg7[%swap3A_137], %swap3A_140 {strides = array<i32>} : memref<320xf32, #tpu.memory_space<vmem>>, vector<16xf32>,
      %get3A_141 = arith.constant 800 : index
      %get3A_142 = tpu.vector_load %arg6[%get3A_141] {strides = array<i32>} : memref<896xf32, #tpu.memory_space<vmem>>, vector<16xf32>,
      %get3A_143 = vector.shape_cast %get3A_142 : vector<16xf32> to vector<16xf32>
      %swap3A_144 = arith.constant 0 : i32
      %swap3A_145 = arith.index_cast %swap3A_144 : i32 to index
      %swap3A_146 = tpu.vector_load %arg7[%swap3A_145] {strides = array<i32>} : memref<320xf32, #tpu.memory_space<vmem>>, vector<16xf32>,
      %swap3A_147 = vector.shape_cast %swap3A_146 : vector<16xf32> to vector<16xf32>
      %swap3A_148 = vector.shape_cast %get3A_143 : vector<16xf32> to vector<16xf32>
      tpu.vector_store %arg7[%swap3A_145], %swap3A_148 {strides = array<i32>} : memref<320xf32, #tpu.memory_space<vmem>>, vector<16xf32>,
      %iota3A_149 = tpu.iota {dimensions = array<i32: 0>} : vector<16xi32>
      %xor3A = arith.constant 1 : i32
      %xor3A_150 = vector.broadcast %xor3A : i32 to vector<16xi32>
      %xor3A_151 = arith.xori %iota3A_149, %xor3A_150 : vector<16xi32>
      %lt3A_152 = arith.constant 0 : i32
      %lt3A_153 = vector.broadcast %lt3A_152 : i32 to vector<16xi32>
      %lt3A_154 = arith.cmpi slt, %xor3A_151, %lt3A_153 : vector<16xi32>
      %add3A_155 = arith.constant 16 : i32
      %add3A_156 = vector.broadcast %add3A_155 : i32 to vector<16xi32>
      %add3A_157 = arith.addi %xor3A_151, %add3A_156 : vector<16xi32>
      %select_n3A_158 = arith.select %lt3A_154, %add3A_157, %xor3A_151 : vector<16xi1>, vector<16xi32>
      %broadcast_in_dim3A_159 = vector.shape_cast %select_n3A_158 : vector<16xi32> to vector<16x1xi32>
      %gather3A = vector.shape_cast %broadcast_in_dim3A_159 : vector<16x1xi32> to vector<16xi32>
      %gather3A_160 = tpu.dynamic_gather %get3A_143[%gather3A] in [0] : vector<16xf32>, vector<16xi32> -> vector<16xf32>
      %max3A = arith.maximumf %get3A_143, %gather3A_160 : vector<16xf32>
      %iota3A_161 = tpu.iota {dimensions = array<i32: 0>} : vector<16xi32>
      %xor3A_162 = arith.constant 2 : i32
      %xor3A_163 = vector.broadcast %xor3A_162 : i32 to vector<16xi32>
      %xor3A_164 = arith.xori %iota3A_161, %xor3A_163 : vector<16xi32>
      %lt3A_165 = arith.constant 0 : i32
      %lt3A_166 = vector.broadcast %lt3A_165 : i32 to vector<16xi32>
      %lt3A_167 = arith.cmpi slt, %xor3A_164, %lt3A_166 : vector<16xi32>
      %add3A_168 = arith.constant 16 : i32
      %add3A_169 = vector.broadcast %add3A_168 : i32 to vector<16xi32>
      %add3A_170 = arith.addi %xor3A_164, %add3A_169 : vector<16xi32>
      %select_n3A_171 = arith.select %lt3A_167, %add3A_170, %xor3A_164 : vector<16xi1>, vector<16xi32>
      %broadcast_in_dim3A_172 = vector.shape_cast %select_n3A_171 : vector<16xi32> to vector<16x1xi32>
      %gather3A_173 = vector.shape_cast %broadcast_in_dim3A_172 : vector<16x1xi32> to vector<16xi32>
      %gather3A_174 = tpu.dynamic_gather %max3A[%gather3A_173] in [0] : vector<16xf32>, vector<16xi32> -> vector<16xf32>
      %max3A_175 = arith.maximumf %max3A, %gather3A_174 : vector<16xf32>
      %iota3A_176 = tpu.iota {dimensions = array<i32: 0>} : vector<16xi32>
      %xor3A_177 = arith.constant 4 : i32
      %xor3A_178 = vector.broadcast %xor3A_177 : i32 to vector<16xi32>
      %xor3A_179 = arith.xori %iota3A_176, %xor3A_178 : vector<16xi32>
      %lt3A_180 = arith.constant 0 : i32
      %lt3A_181 = vector.broadcast %lt3A_180 : i32 to vector<16xi32>
      %lt3A_182 = arith.cmpi slt, %xor3A_179, %lt3A_181 : vector<16xi32>
      %add3A_183 = arith.constant 16 : i32
      %add3A_184 = vector.broadcast %add3A_183 : i32 to vector<16xi32>
      %add3A_185 = arith.addi %xor3A_179, %add3A_184 : vector<16xi32>
      %select_n3A_186 = arith.select %lt3A_182, %add3A_185, %xor3A_179 : vector<16xi1>, vector<16xi32>
      %broadcast_in_dim3A_187 = vector.shape_cast %select_n3A_186 : vector<16xi32> to vector<16x1xi32>
      %gather3A_188 = vector.shape_cast %broadcast_in_dim3A_187 : vector<16x1xi32> to vector<16xi32>
      %gather3A_189 = tpu.dynamic_gather %max3A_175[%gather3A_188] in [0] : vector<16xf32>, vector<16xi32> -> vector<16xf32>
      %max3A_190 = arith.maximumf %max3A_175, %gather3A_189 : vector<16xf32>
      %iota3A_191 = tpu.iota {dimensions = array<i32: 0>} : vector<16xi32>
      %xor3A_192 = arith.constant 8 : i32
      %xor3A_193 = vector.broadcast %xor3A_192 : i32 to vector<16xi32>
      %xor3A_194 = arith.xori %iota3A_191, %xor3A_193 : vector<16xi32>
      %lt3A_195 = arith.constant 0 : i32
      %lt3A_196 = vector.broadcast %lt3A_195 : i32 to vector<16xi32>
      %lt3A_197 = arith.cmpi slt, %xor3A_194, %lt3A_196 : vector<16xi32>
      %add3A_198 = arith.constant 16 : i32
      %add3A_199 = vector.broadcast %add3A_198 : i32 to vector<16xi32>
      %add3A_200 = arith.addi %xor3A_194, %add3A_199 : vector<16xi32>
      %select_n3A_201 = arith.select %lt3A_197, %add3A_200, %xor3A_194 : vector<16xi1>, vector<16xi32>
      %broadcast_in_dim3A_202 = vector.shape_cast %select_n3A_201 : vector<16xi32> to vector<16x1xi32>
      %gather3A_203 = vector.shape_cast %broadcast_in_dim3A_202 : vector<16x1xi32> to vector<16xi32>
      %gather3A_204 = tpu.dynamic_gather %max3A_190[%gather3A_203] in [0] : vector<16xf32>, vector<16xi32> -> vector<16xf32>
      %max3A_205 = arith.maximumf %max3A_190, %gather3A_204 : vector<16xf32>
      %slice3A_206 = vector.extract_strided_slice %max3A_205 {offsets = [0], sizes = [1], strides = [1]} : vector<16xf32> to vector<1xf32>
      %squeeze3A_207 = vector.extract %slice3A_206[0] : f32 from vector<1xf32>
      %gt3A = arith.cmpf ogt, %squeeze3A_207, %squeeze3A : f32
      %add3A_208 = arith.constant 0 : i32
      %add3A_209 = arith.constant 16 : i32
      %add3A_210 = arith.addi %add3A_208, %add3A_209 : i32
      %jit3A_211 = arith.constant 0 : i32
      %select_n3A_212 = arith.select %gt3A, %add3A_210, %jit3A_211 : i32
      %get3A_213 = arith.constant 816 : index
      %get3A_214 = tpu.vector_load %arg6[%get3A_213] {strides = array<i32>} : memref<896xf32, #tpu.memory_space<vmem>>, vector<16xf32>,
      %get3A_215 = vector.shape_cast %get3A_214 : vector<16xf32> to vector<16xf32>
      %swap3A_216 = arith.index_cast %select_n3A_212 : i32 to index
      %swap3A_217 = tpu.vector_load %arg7[%swap3A_216] {strides = array<i32>} : memref<320xf32, #tpu.memory_space<vmem>>, vector<16xf32>,
      %swap3A_218 = vector.shape_cast %swap3A_217 : vector<16xf32> to vector<16xf32>
      %swap3A_219 = vector.shape_cast %get3A_215 : vector<16xf32> to vector<16xf32>
      tpu.vector_store %arg7[%swap3A_216], %swap3A_219 {strides = array<i32>} : memref<320xf32, #tpu.memory_space<vmem>>, vector<16xf32>,
      %iota3A_220 = tpu.iota {dimensions = array<i32: 0>} : vector<16xi32>
      %xor3A_221 = arith.constant 1 : i32
      %xor3A_222 = vector.broadcast %xor3A_221 : i32 to vector<16xi32>
      %xor3A_223 = arith.xori %iota3A_220, %xor3A_222 : vector<16xi32>
      %lt3A_224 = arith.constant 0 : i32
      %lt3A_225 = vector.broadcast %lt3A_224 : i32 to vector<16xi32>
      %lt3A_226 = arith.cmpi slt, %xor3A_223, %lt3A_225 : vector<16xi32>
      %add3A_227 = arith.constant 16 : i32
      %add3A_228 = vector.broadcast %add3A_227 : i32 to vector<16xi32>
      %add3A_229 = arith.addi %xor3A_223, %add3A_228 : vector<16xi32>
      %select_n3A_230 = arith.select %lt3A_226, %add3A_229, %xor3A_223 : vector<16xi1>, vector<16xi32>
      %broadcast_in_dim3A_231 = vector.shape_cast %select_n3A_230 : vector<16xi32> to vector<16x1xi32>
      %gather3A_232 = vector.shape_cast %broadcast_in_dim3A_231 : vector<16x1xi32> to vector<16xi32>
      %gather3A_233 = tpu.dynamic_gather %get3A_215[%gather3A_232] in [0] : vector<16xf32>, vector<16xi32> -> vector<16xf32>
      %max3A_234 = arith.maximumf %get3A_215, %gather3A_233 : vector<16xf32>
      %iota3A_235 = tpu.iota {dimensions = array<i32: 0>} : vector<16xi32>
      %xor3A_236 = arith.constant 2 : i32
      %xor3A_237 = vector.broadcast %xor3A_236 : i32 to vector<16xi32>
      %xor3A_238 = arith.xori %iota3A_235, %xor3A_237 : vector<16xi32>
      %lt3A_239 = arith.constant 0 : i32
      %lt3A_240 = vector.broadcast %lt3A_239 : i32 to vector<16xi32>
      %lt3A_241 = arith.cmpi slt, %xor3A_238, %lt3A_240 : vector<16xi32>
      %add3A_242 = arith.constant 16 : i32
      %add3A_243 = vector.broadcast %add3A_242 : i32 to vector<16xi32>
      %add3A_244 = arith.addi %xor3A_238, %add3A_243 : vector<16xi32>
      %select_n3A_245 = arith.select %lt3A_241, %add3A_244, %xor3A_238 : vector<16xi1>, vector<16xi32>
      %broadcast_in_dim3A_246 = vector.shape_cast %select_n3A_245 : vector<16xi32> to vector<16x1xi32>
      %gather3A_247 = vector.shape_cast %broadcast_in_dim3A_246 : vector<16x1xi32> to vector<16xi32>
      %gather3A_248 = tpu.dynamic_gather %max3A_234[%gather3A_247] in [0] : vector<16xf32>, vector<16xi32> -> vector<16xf32>
      %max3A_249 = arith.maximumf %max3A_234, %gather3A_248 : vector<16xf32>
      %iota3A_250 = tpu.iota {dimensions = array<i32: 0>} : vector<16xi32>
      %xor3A_251 = arith.constant 4 : i32
      %xor3A_252 = vector.broadcast %xor3A_251 : i32 to vector<16xi32>
      %xor3A_253 = arith.xori %iota3A_250, %xor3A_252 : vector<16xi32>
      %lt3A_254 = arith.constant 0 : i32
      %lt3A_255 = vector.broadcast %lt3A_254 : i32 to vector<16xi32>
      %lt3A_256 = arith.cmpi slt, %xor3A_253, %lt3A_255 : vector<16xi32>
      %add3A_257 = arith.constant 16 : i32
      %add3A_258 = vector.broadcast %add3A_257 : i32 to vector<16xi32>
      %add3A_259 = arith.addi %xor3A_253, %add3A_258 : vector<16xi32>
      %select_n3A_260 = arith.select %lt3A_256, %add3A_259, %xor3A_253 : vector<16xi1>, vector<16xi32>
      %broadcast_in_dim3A_261 = vector.shape_cast %select_n3A_260 : vector<16xi32> to vector<16x1xi32>
      %gather3A_262 = vector.shape_cast %broadcast_in_dim3A_261 : vector<16x1xi32> to vector<16xi32>
      %gather3A_263 = tpu.dynamic_gather %max3A_249[%gather3A_262] in [0] : vector<16xf32>, vector<16xi32> -> vector<16xf32>
      %max3A_264 = arith.maximumf %max3A_249, %gather3A_263 : vector<16xf32>
      %iota3A_265 = tpu.iota {dimensions = array<i32: 0>} : vector<16xi32>
      %xor3A_266 = arith.constant 8 : i32
      %xor3A_267 = vector.broadcast %xor3A_266 : i32 to vector<16xi32>
      %xor3A_268 = arith.xori %iota3A_265, %xor3A_267 : vector<16xi32>
      %lt3A_269 = arith.constant 0 : i32
      %lt3A_270 = vector.broadcast %lt3A_269 : i32 to vector<16xi32>
      %lt3A_271 = arith.cmpi slt, %xor3A_268, %lt3A_270 : vector<16xi32>
      %add3A_272 = arith.constant 16 : i32
      %add3A_273 = vector.broadcast %add3A_272 : i32 to vector<16xi32>
      %add3A_274 = arith.addi %xor3A_268, %add3A_273 : vector<16xi32>
      %select_n3A_275 = arith.select %lt3A_271, %add3A_274, %xor3A_268 : vector<16xi1>, vector<16xi32>
      %broadcast_in_dim3A_276 = vector.shape_cast %select_n3A_275 : vector<16xi32> to vector<16x1xi32>
      %gather3A_277 = vector.shape_cast %broadcast_in_dim3A_276 : vector<16x1xi32> to vector<16xi32>
      %gather3A_278 = tpu.dynamic_gather %max3A_264[%gather3A_277] in [0] : vector<16xf32>, vector<16xi32> -> vector<16xf32>
      %max3A_279 = arith.maximumf %max3A_264, %gather3A_278 : vector<16xf32>
      %slice3A_280 = vector.extract_strided_slice %max3A_279 {offsets = [0], sizes = [1], strides = [1]} : vector<16xf32> to vector<1xf32>
      %squeeze3A_281 = vector.extract %slice3A_280[0] : f32 from vector<1xf32>
      %gt3A_282 = arith.cmpf ogt, %squeeze3A_281, %squeeze3A : f32
      %add3A_283 = arith.constant 16 : i32
      %add3A_284 = arith.addi %select_n3A_212, %add3A_283 : i32
      %select_n3A_285 = arith.select %gt3A_282, %add3A_284, %select_n3A_212 : i32
      %scan3A_286 = arith.constant 0 : i32
      %scan3A_287 = arith.constant 49 : i32
      %scan3A_288 = arith.addi %scan3A_286, %scan3A_287 : i32
      %scan3A_289 = arith.constant 1 : i32
      %scan3A_290:2 = scf.for %scan3A_407 = %scan3A_286 to %scan3A_288 step %scan3A_289 iter_args(%scan3A_408 = %select_n3A_285, %scan3A_409 = %squeeze3A) -> (i32, f32)  : i32 {
        %mul3A_410 = arith.constant 16 : i32
        %mul3A_411 = arith.muli %scan3A_407, %mul3A_410 : i32
        %get3A_412 = arith.index_cast %mul3A_411 : i32 to index
        %get3A_413 = tpu.vector_load %arg6[%get3A_412] {strides = array<i32>} : memref<896xf32, #tpu.memory_space<vmem>>, vector<16xf32>,
        %get3A_414 = vector.shape_cast %get3A_413 : vector<16xf32> to vector<16xf32>
        %iota3A_415 = tpu.iota {dimensions = array<i32: 0>} : vector<16xi32>
        %xor3A_416 = arith.constant 1 : i32
        %xor3A_417 = vector.broadcast %xor3A_416 : i32 to vector<16xi32>
        %xor3A_418 = arith.xori %iota3A_415, %xor3A_417 : vector<16xi32>
        %lt3A_419 = arith.constant 0 : i32
        %lt3A_420 = vector.broadcast %lt3A_419 : i32 to vector<16xi32>
        %lt3A_421 = arith.cmpi slt, %xor3A_418, %lt3A_420 : vector<16xi32>
        %add3A_422 = arith.constant 16 : i32
        %add3A_423 = vector.broadcast %add3A_422 : i32 to vector<16xi32>
        %add3A_424 = arith.addi %xor3A_418, %add3A_423 : vector<16xi32>
        %select_n3A_425 = arith.select %lt3A_421, %add3A_424, %xor3A_418 : vector<16xi1>, vector<16xi32>
        %broadcast_in_dim3A_426 = vector.shape_cast %select_n3A_425 : vector<16xi32> to vector<16x1xi32>
        %gather3A_427 = vector.shape_cast %broadcast_in_dim3A_426 : vector<16x1xi32> to vector<16xi32>
        %gather3A_428 = tpu.dynamic_gather %get3A_414[%gather3A_427] in [0] : vector<16xf32>, vector<16xi32> -> vector<16xf32>
        %max3A_429 = arith.maximumf %get3A_414, %gather3A_428 : vector<16xf32>
        %iota3A_430 = tpu.iota {dimensions = array<i32: 0>} : vector<16xi32>
        %xor3A_431 = arith.constant 2 : i32
        %xor3A_432 = vector.broadcast %xor3A_431 : i32 to vector<16xi32>
        %xor3A_433 = arith.xori %iota3A_430, %xor3A_432 : vector<16xi32>
        %lt3A_434 = arith.constant 0 : i32
        %lt3A_435 = vector.broadcast %lt3A_434 : i32 to vector<16xi32>
        %lt3A_436 = arith.cmpi slt, %xor3A_433, %lt3A_435 : vector<16xi32>
        %add3A_437 = arith.constant 16 : i32
        %add3A_438 = vector.broadcast %add3A_437 : i32 to vector<16xi32>
        %add3A_439 = arith.addi %xor3A_433, %add3A_438 : vector<16xi32>
        %select_n3A_440 = arith.select %lt3A_436, %add3A_439, %xor3A_433 : vector<16xi1>, vector<16xi32>
        %broadcast_in_dim3A_441 = vector.shape_cast %select_n3A_440 : vector<16xi32> to vector<16x1xi32>
        %gather3A_442 = vector.shape_cast %broadcast_in_dim3A_441 : vector<16x1xi32> to vector<16xi32>
        %gather3A_443 = tpu.dynamic_gather %max3A_429[%gather3A_442] in [0] : vector<16xf32>, vector<16xi32> -> vector<16xf32>
        %max3A_444 = arith.maximumf %max3A_429, %gather3A_443 : vector<16xf32>
        %iota3A_445 = tpu.iota {dimensions = array<i32: 0>} : vector<16xi32>
        %xor3A_446 = arith.constant 4 : i32
        %xor3A_447 = vector.broadcast %xor3A_446 : i32 to vector<16xi32>
        %xor3A_448 = arith.xori %iota3A_445, %xor3A_447 : vector<16xi32>
        %lt3A_449 = arith.constant 0 : i32
        %lt3A_450 = vector.broadcast %lt3A_449 : i32 to vector<16xi32>
        %lt3A_451 = arith.cmpi slt, %xor3A_448, %lt3A_450 : vector<16xi32>
        %add3A_452 = arith.constant 16 : i32
        %add3A_453 = vector.broadcast %add3A_452 : i32 to vector<16xi32>
        %add3A_454 = arith.addi %xor3A_448, %add3A_453 : vector<16xi32>
        %select_n3A_455 = arith.select %lt3A_451, %add3A_454, %xor3A_448 : vector<16xi1>, vector<16xi32>
        %broadcast_in_dim3A_456 = vector.shape_cast %select_n3A_455 : vector<16xi32> to vector<16x1xi32>
        %gather3A_457 = vector.shape_cast %broadcast_in_dim3A_456 : vector<16x1xi32> to vector<16xi32>
        %gather3A_458 = tpu.dynamic_gather %max3A_444[%gather3A_457] in [0] : vector<16xf32>, vector<16xi32> -> vector<16xf32>
        %max3A_459 = arith.maximumf %max3A_444, %gather3A_458 : vector<16xf32>
        %iota3A_460 = tpu.iota {dimensions = array<i32: 0>} : vector<16xi32>
        %xor3A_461 = arith.constant 8 : i32
        %xor3A_462 = vector.broadcast %xor3A_461 : i32 to vector<16xi32>
        %xor3A_463 = arith.xori %iota3A_460, %xor3A_462 : vector<16xi32>
        %lt3A_464 = arith.constant 0 : i32
        %lt3A_465 = vector.broadcast %lt3A_464 : i32 to vector<16xi32>
        %lt3A_466 = arith.cmpi slt, %xor3A_463, %lt3A_465 : vector<16xi32>
        %add3A_467 = arith.constant 16 : i32
        %add3A_468 = vector.broadcast %add3A_467 : i32 to vector<16xi32>
        %add3A_469 = arith.addi %xor3A_463, %add3A_468 : vector<16xi32>
        %select_n3A_470 = arith.select %lt3A_466, %add3A_469, %xor3A_463 : vector<16xi1>, vector<16xi32>
        %broadcast_in_dim3A_471 = vector.shape_cast %select_n3A_470 : vector<16xi32> to vector<16x1xi32>
        %gather3A_472 = vector.shape_cast %broadcast_in_dim3A_471 : vector<16x1xi32> to vector<16xi32>
        %gather3A_473 = tpu.dynamic_gather %max3A_459[%gather3A_472] in [0] : vector<16xf32>, vector<16xi32> -> vector<16xf32>
        %max3A_474 = arith.maximumf %max3A_459, %gather3A_473 : vector<16xf32>
        %slice3A_475 = vector.extract_strided_slice %max3A_474 {offsets = [0], sizes = [1], strides = [1]} : vector<16xf32> to vector<1xf32>
        %squeeze3A_476 = vector.extract %slice3A_475[0] : f32 from vector<1xf32>
        %gt3A_477 = arith.cmpf ogt, %squeeze3A_476, %scan3A_409 : f32
        %convert_element_type3A = arith.extui %gt3A_477 : i1 to i32
        %cond3A = arith.constant 0 : i32
        %cond3A_478 = arith.cmpi ne, %convert_element_type3A, %cond3A : i32
        %cond3A_479:2 = scf.if %cond3A_478 -> (i32, f32) {
          %mul3A_480 = arith.constant 16 : i32
          %mul3A_481 = arith.muli %scan3A_407, %mul3A_480 : i32
          %get3A_482 = arith.index_cast %mul3A_481 : i32 to index
          %get3A_483 = tpu.vector_load %arg6[%get3A_482] {strides = array<i32>} : memref<896xf32, #tpu.memory_space<vmem>>, vector<16xf32>,
          %get3A_484 = vector.shape_cast %get3A_483 : vector<16xf32> to vector<16xf32>
          %iota3A_485 = tpu.iota {dimensions = array<i32: 0>} : vector<16xi32>
          %xor3A_486 = arith.constant 1 : i32
          %xor3A_487 = vector.broadcast %xor3A_486 : i32 to vector<16xi32>
          %xor3A_488 = arith.xori %iota3A_485, %xor3A_487 : vector<16xi32>
          %lt3A_489 = arith.constant 0 : i32
          %lt3A_490 = vector.broadcast %lt3A_489 : i32 to vector<16xi32>
          %lt3A_491 = arith.cmpi slt, %xor3A_488, %lt3A_490 : vector<16xi32>
          %add3A_492 = arith.constant 16 : i32
          %add3A_493 = vector.broadcast %add3A_492 : i32 to vector<16xi32>
          %add3A_494 = arith.addi %xor3A_488, %add3A_493 : vector<16xi32>
          %select_n3A_495 = arith.select %lt3A_491, %add3A_494, %xor3A_488 : vector<16xi1>, vector<16xi32>
          %broadcast_in_dim3A_496 = vector.shape_cast %select_n3A_495 : vector<16xi32> to vector<16x1xi32>
          %gather3A_497 = vector.shape_cast %broadcast_in_dim3A_496 : vector<16x1xi32> to vector<16xi32>
          %gather3A_498 = tpu.dynamic_gather %get3A_484[%gather3A_497] in [0] : vector<16xf32>, vector<16xi32> -> vector<16xf32>
          %max3A_499 = arith.maximumf %get3A_484, %gather3A_498 : vector<16xf32>
          %iota3A_500 = tpu.iota {dimensions = array<i32: 0>} : vector<16xi32>
          %xor3A_501 = arith.constant 2 : i32
          %xor3A_502 = vector.broadcast %xor3A_501 : i32 to vector<16xi32>
          %xor3A_503 = arith.xori %iota3A_500, %xor3A_502 : vector<16xi32>
          %lt3A_504 = arith.constant 0 : i32
          %lt3A_505 = vector.broadcast %lt3A_504 : i32 to vector<16xi32>
          %lt3A_506 = arith.cmpi slt, %xor3A_503, %lt3A_505 : vector<16xi32>
          %add3A_507 = arith.constant 16 : i32
          %add3A_508 = vector.broadcast %add3A_507 : i32 to vector<16xi32>
          %add3A_509 = arith.addi %xor3A_503, %add3A_508 : vector<16xi32>
          %select_n3A_510 = arith.select %lt3A_506, %add3A_509, %xor3A_503 : vector<16xi1>, vector<16xi32>
          %broadcast_in_dim3A_511 = vector.shape_cast %select_n3A_510 : vector<16xi32> to vector<16x1xi32>
          %gather3A_512 = vector.shape_cast %broadcast_in_dim3A_511 : vector<16x1xi32> to vector<16xi32>
          %gather3A_513 = tpu.dynamic_gather %max3A_499[%gather3A_512] in [0] : vector<16xf32>, vector<16xi32> -> vector<16xf32>
          %max3A_514 = arith.maximumf %max3A_499, %gather3A_513 : vector<16xf32>
          %iota3A_515 = tpu.iota {dimensions = array<i32: 0>} : vector<16xi32>
          %xor3A_516 = arith.constant 4 : i32
          %xor3A_517 = vector.broadcast %xor3A_516 : i32 to vector<16xi32>
          %xor3A_518 = arith.xori %iota3A_515, %xor3A_517 : vector<16xi32>
          %lt3A_519 = arith.constant 0 : i32
          %lt3A_520 = vector.broadcast %lt3A_519 : i32 to vector<16xi32>
          %lt3A_521 = arith.cmpi slt, %xor3A_518, %lt3A_520 : vector<16xi32>
          %add3A_522 = arith.constant 16 : i32
          %add3A_523 = vector.broadcast %add3A_522 : i32 to vector<16xi32>
          %add3A_524 = arith.addi %xor3A_518, %add3A_523 : vector<16xi32>
          %select_n3A_525 = arith.select %lt3A_521, %add3A_524, %xor3A_518 : vector<16xi1>, vector<16xi32>
          %broadcast_in_dim3A_526 = vector.shape_cast %select_n3A_525 : vector<16xi32> to vector<16x1xi32>
          %gather3A_527 = vector.shape_cast %broadcast_in_dim3A_526 : vector<16x1xi32> to vector<16xi32>
          %gather3A_528 = tpu.dynamic_gather %max3A_514[%gather3A_527] in [0] : vector<16xf32>, vector<16xi32> -> vector<16xf32>
          %max3A_529 = arith.maximumf %max3A_514, %gather3A_528 : vector<16xf32>
          %iota3A_530 = tpu.iota {dimensions = array<i32: 0>} : vector<16xi32>
          %xor3A_531 = arith.constant 8 : i32
          %xor3A_532 = vector.broadcast %xor3A_531 : i32 to vector<16xi32>
          %xor3A_533 = arith.xori %iota3A_530, %xor3A_532 : vector<16xi32>
          %lt3A_534 = arith.constant 0 : i32
          %lt3A_535 = vector.broadcast %lt3A_534 : i32 to vector<16xi32>
          %lt3A_536 = arith.cmpi slt, %xor3A_533, %lt3A_535 : vector<16xi32>
          %add3A_537 = arith.constant 16 : i32
          %add3A_538 = vector.broadcast %add3A_537 : i32 to vector<16xi32>
          %add3A_539 = arith.addi %xor3A_533, %add3A_538 : vector<16xi32>
          %select_n3A_540 = arith.select %lt3A_536, %add3A_539, %xor3A_533 : vector<16xi1>, vector<16xi32>
          %broadcast_in_dim3A_541 = vector.shape_cast %select_n3A_540 : vector<16xi32> to vector<16x1xi32>
          %gather3A_542 = vector.shape_cast %broadcast_in_dim3A_541 : vector<16x1xi32> to vector<16xi32>
          %gather3A_543 = tpu.dynamic_gather %max3A_529[%gather3A_542] in [0] : vector<16xf32>, vector<16xi32> -> vector<16xf32>
          %max3A_544 = arith.maximumf %max3A_529, %gather3A_543 : vector<16xf32>
          %slice3A_545 = vector.extract_strided_slice %max3A_544 {offsets = [0], sizes = [1], strides = [1]} : vector<16xf32> to vector<1xf32>
          %squeeze3A_546 = vector.extract %slice3A_545[0] : f32 from vector<1xf32>
          %broadcast_in_dim3A_547 = vector.broadcast %squeeze3A_546 : f32 to vector<16xf32>
          %eq3A_548 = arith.cmpf oeq, %get3A_484, %broadcast_in_dim3A_547 : vector<16xf32>
          %jit3A_549 = arith.constant 16 : i32
          %broadcast_in_dim3A_550 = vector.broadcast %jit3A_549 : i32 to vector<16xi32>
          %select_n3A_551 = arith.select %eq3A_548, %iota3A, %broadcast_in_dim3A_550 : vector<16xi1>, vector<16xi32>
          %iota3A_552 = tpu.iota {dimensions = array<i32: 0>} : vector<16xi32>
          %xor3A_553 = arith.constant 1 : i32
          %xor3A_554 = vector.broadcast %xor3A_553 : i32 to vector<16xi32>
          %xor3A_555 = arith.xori %iota3A_552, %xor3A_554 : vector<16xi32>
          %lt3A_556 = arith.constant 0 : i32
          %lt3A_557 = vector.broadcast %lt3A_556 : i32 to vector<16xi32>
          %lt3A_558 = arith.cmpi slt, %xor3A_555, %lt3A_557 : vector<16xi32>
          %add3A_559 = arith.constant 16 : i32
          %add3A_560 = vector.broadcast %add3A_559 : i32 to vector<16xi32>
          %add3A_561 = arith.addi %xor3A_555, %add3A_560 : vector<16xi32>
          %select_n3A_562 = arith.select %lt3A_558, %add3A_561, %xor3A_555 : vector<16xi1>, vector<16xi32>
          %broadcast_in_dim3A_563 = vector.shape_cast %select_n3A_562 : vector<16xi32> to vector<16x1xi32>
          %gather3A_564 = vector.shape_cast %broadcast_in_dim3A_563 : vector<16x1xi32> to vector<16xi32>
          %gather3A_565 = tpu.dynamic_gather %select_n3A_551[%gather3A_564] in [0] : vector<16xi32>, vector<16xi32> -> vector<16xi32>
          %min3A = arith.minsi %select_n3A_551, %gather3A_565 : vector<16xi32>
          %iota3A_566 = tpu.iota {dimensions = array<i32: 0>} : vector<16xi32>
          %xor3A_567 = arith.constant 2 : i32
          %xor3A_568 = vector.broadcast %xor3A_567 : i32 to vector<16xi32>
          %xor3A_569 = arith.xori %iota3A_566, %xor3A_568 : vector<16xi32>
          %lt3A_570 = arith.constant 0 : i32
          %lt3A_571 = vector.broadcast %lt3A_570 : i32 to vector<16xi32>
          %lt3A_572 = arith.cmpi slt, %xor3A_569, %lt3A_571 : vector<16xi32>
          %add3A_573 = arith.constant 16 : i32
          %add3A_574 = vector.broadcast %add3A_573 : i32 to vector<16xi32>
          %add3A_575 = arith.addi %xor3A_569, %add3A_574 : vector<16xi32>
          %select_n3A_576 = arith.select %lt3A_572, %add3A_575, %xor3A_569 : vector<16xi1>, vector<16xi32>
          %broadcast_in_dim3A_577 = vector.shape_cast %select_n3A_576 : vector<16xi32> to vector<16x1xi32>
          %gather3A_578 = vector.shape_cast %broadcast_in_dim3A_577 : vector<16x1xi32> to vector<16xi32>
          %gather3A_579 = tpu.dynamic_gather %min3A[%gather3A_578] in [0] : vector<16xi32>, vector<16xi32> -> vector<16xi32>
          %min3A_580 = arith.minsi %min3A, %gather3A_579 : vector<16xi32>
          %iota3A_581 = tpu.iota {dimensions = array<i32: 0>} : vector<16xi32>
          %xor3A_582 = arith.constant 4 : i32
          %xor3A_583 = vector.broadcast %xor3A_582 : i32 to vector<16xi32>
          %xor3A_584 = arith.xori %iota3A_581, %xor3A_583 : vector<16xi32>
          %lt3A_585 = arith.constant 0 : i32
          %lt3A_586 = vector.broadcast %lt3A_585 : i32 to vector<16xi32>
          %lt3A_587 = arith.cmpi slt, %xor3A_584, %lt3A_586 : vector<16xi32>
          %add3A_588 = arith.constant 16 : i32
          %add3A_589 = vector.broadcast %add3A_588 : i32 to vector<16xi32>
          %add3A_590 = arith.addi %xor3A_584, %add3A_589 : vector<16xi32>
          %select_n3A_591 = arith.select %lt3A_587, %add3A_590, %xor3A_584 : vector<16xi1>, vector<16xi32>
          %broadcast_in_dim3A_592 = vector.shape_cast %select_n3A_591 : vector<16xi32> to vector<16x1xi32>
          %gather3A_593 = vector.shape_cast %broadcast_in_dim3A_592 : vector<16x1xi32> to vector<16xi32>
          %gather3A_594 = tpu.dynamic_gather %min3A_580[%gather3A_593] in [0] : vector<16xi32>, vector<16xi32> -> vector<16xi32>
          %min3A_595 = arith.minsi %min3A_580, %gather3A_594 : vector<16xi32>
          %iota3A_596 = tpu.iota {dimensions = array<i32: 0>} : vector<16xi32>
          %xor3A_597 = arith.constant 8 : i32
          %xor3A_598 = vector.broadcast %xor3A_597 : i32 to vector<16xi32>
          %xor3A_599 = arith.xori %iota3A_596, %xor3A_598 : vector<16xi32>
          %lt3A_600 = arith.constant 0 : i32
          %lt3A_601 = vector.broadcast %lt3A_600 : i32 to vector<16xi32>
          %lt3A_602 = arith.cmpi slt, %xor3A_599, %lt3A_601 : vector<16xi32>
          %add3A_603 = arith.constant 16 : i32
          %add3A_604 = vector.broadcast %add3A_603 : i32 to vector<16xi32>
          %add3A_605 = arith.addi %xor3A_599, %add3A_604 : vector<16xi32>
          %select_n3A_606 = arith.select %lt3A_602, %add3A_605, %xor3A_599 : vector<16xi1>, vector<16xi32>
          %broadcast_in_dim3A_607 = vector.shape_cast %select_n3A_606 : vector<16xi32> to vector<16x1xi32>
          %gather3A_608 = vector.shape_cast %broadcast_in_dim3A_607 : vector<16x1xi32> to vector<16xi32>
          %gather3A_609 = tpu.dynamic_gather %min3A_595[%gather3A_608] in [0] : vector<16xi32>, vector<16xi32> -> vector<16xi32>
          %min3A_610 = arith.minsi %min3A_595, %gather3A_609 : vector<16xi32>
          %slice3A_611 = vector.extract_strided_slice %min3A_610 {offsets = [0], sizes = [1], strides = [1]} : vector<16xi32> to vector<1xi32>
          %squeeze3A_612 = vector.extract %slice3A_611[0] : i32 from vector<1xi32>
          %mul3A_613 = arith.constant 16 : i32
          %mul3A_614 = arith.muli %scan3A_407, %mul3A_613 : i32
          %add3A_615 = arith.addi %mul3A_614, %squeeze3A_612 : i32
          %mul3A_616 = arith.constant 128 : i32
          %mul3A_617 = arith.muli %add3A_615, %mul3A_616 : i32
          "tpu.region"() ({
            %run_scoped3A = tpu.sem_alloc : memref<!tpu.dma_semaphore, #tpu.memory_space<semaphore_mem>>
            %dma_start3A = tpu.memref_slice %arg2[%mul3A_30, %mul3A_617] : memref<128x100000xf32, #tpu.memory_space<hbm>> -> memref<8x128xf32, #tpu.memory_space<hbm>>
            %dma_start3A_1296 = tpu.memref_slice %arg2[%mul3A_30, %mul3A_617] : memref<128x100000xf32, #tpu.memory_space<hbm>> -> memref<8x128xf32, #tpu.memory_space<hbm>>
            tpu.enqueue_dma source(%dma_start3A_1296 : memref<8x128xf32, #tpu.memory_space<hbm>>) target(%arg10 : memref<8x128xf32, #tpu.memory_space<vmem>>) target_semaphore(%run_scoped3A : memref<!tpu.dma_semaphore, #tpu.memory_space<semaphore_mem>>)
            %dma_wait3A = tpu.memref_slice %arg2[%mul3A_30, %mul3A_617] : memref<128x100000xf32, #tpu.memory_space<hbm>> -> memref<8x128xf32, #tpu.memory_space<hbm>>
            %dma_wait3A_1297 = tpu.memref_slice %arg2[%mul3A_30, %mul3A_617] : memref<128x100000xf32, #tpu.memory_space<hbm>> -> memref<8x128xf32, #tpu.memory_space<hbm>>
            tpu.wait_dma2 semaphore(%run_scoped3A : memref<!tpu.dma_semaphore, #tpu.memory_space<semaphore_mem>>) src(%dma_wait3A_1297 : memref<8x128xf32, #tpu.memory_space<hbm>>) dst(%arg10 : memref<8x128xf32, #tpu.memory_space<vmem>>)
            tpu.yield
          }) : () -> ()
          %get3A_618 = arith.index_cast %select_n3A_44 : i32 to index
          %get3A_619 = arith.constant 0 : index
          %get3A_620 = tpu.vector_load %arg10[%get3A_618, %get3A_619] {strides = array<i32>} : memref<8x128xf32, #tpu.memory_space<vmem>>, vector<1x16xf32>,
          %get3A_621 = vector.shape_cast %get3A_620 : vector<1x16xf32> to vector<16xf32>
          %swap3A_622 = arith.index_cast %scan3A_408 : i32 to index
          %swap3A_623 = tpu.vector_load %arg7[%swap3A_622] {strides = array<i32>} : memref<320xf32, #tpu.memory_space<vmem>>, vector<16xf32>,
          %swap3A_624 = vector.shape_cast %swap3A_623 : vector<16xf32> to vector<16xf32>
          %swap3A_625 = vector.shape_cast %get3A_621 : vector<16xf32> to vector<16xf32>
          tpu.vector_store %arg7[%swap3A_622], %swap3A_625 {strides = array<i32>} : memref<320xf32, #tpu.memory_space<vmem>>, vector<16xf32>,
          %iota3A_626 = tpu.iota {dimensions = array<i32: 0>} : vector<16xi32>
          %xor3A_627 = arith.constant 1 : i32
          %xor3A_628 = vector.broadcast %xor3A_627 : i32 to vector<16xi32>
          %xor3A_629 = arith.xori %iota3A_626, %xor3A_628 : vector<16xi32>
          %lt3A_630 = arith.constant 0 : i32
          %lt3A_631 = vector.broadcast %lt3A_630 : i32 to vector<16xi32>
          %lt3A_632 = arith.cmpi slt, %xor3A_629, %lt3A_631 : vector<16xi32>
          %add3A_633 = arith.constant 16 : i32
          %add3A_634 = vector.broadcast %add3A_633 : i32 to vector<16xi32>
          %add3A_635 = arith.addi %xor3A_629, %add3A_634 : vector<16xi32>
          %select_n3A_636 = arith.select %lt3A_632, %add3A_635, %xor3A_629 : vector<16xi1>, vector<16xi32>
          %broadcast_in_dim3A_637 = vector.shape_cast %select_n3A_636 : vector<16xi32> to vector<16x1xi32>
          %gather3A_638 = vector.shape_cast %broadcast_in_dim3A_637 : vector<16x1xi32> to vector<16xi32>
          %gather3A_639 = tpu.dynamic_gather %get3A_621[%gather3A_638] in [0] : vector<16xf32>, vector<16xi32> -> vector<16xf32>
          %max3A_640 = arith.maximumf %get3A_621, %gather3A_639 : vector<16xf32>
          %iota3A_641 = tpu.iota {dimensions = array<i32: 0>} : vector<16xi32>
          %xor3A_642 = arith.constant 2 : i32
          %xor3A_643 = vector.broadcast %xor3A_642 : i32 to vector<16xi32>
          %xor3A_644 = arith.xori %iota3A_641, %xor3A_643 : vector<16xi32>
          %lt3A_645 = arith.constant 0 : i32
          %lt3A_646 = vector.broadcast %lt3A_645 : i32 to vector<16xi32>
          %lt3A_647 = arith.cmpi slt, %xor3A_644, %lt3A_646 : vector<16xi32>
          %add3A_648 = arith.constant 16 : i32
          %add3A_649 = vector.broadcast %add3A_648 : i32 to vector<16xi32>
          %add3A_650 = arith.addi %xor3A_644, %add3A_649 : vector<16xi32>
          %select_n3A_651 = arith.select %lt3A_647, %add3A_650, %xor3A_644 : vector<16xi1>, vector<16xi32>
          %broadcast_in_dim3A_652 = vector.shape_cast %select_n3A_651 : vector<16xi32> to vector<16x1xi32>
          %gather3A_653 = vector.shape_cast %broadcast_in_dim3A_652 : vector<16x1xi32> to vector<16xi32>
          %gather3A_654 = tpu.dynamic_gather %max3A_640[%gather3A_653] in [0] : vector<16xf32>, vector<16xi32> -> vector<16xf32>
          %max3A_655 = arith.maximumf %max3A_640, %gather3A_654 : vector<16xf32>
          %iota3A_656 = tpu.iota {dimensions = array<i32: 0>} : vector<16xi32>
          %xor3A_657 = arith.constant 4 : i32
          %xor3A_658 = vector.broadcast %xor3A_657 : i32 to vector<16xi32>
          %xor3A_659 = arith.xori %iota3A_656, %xor3A_658 : vector<16xi32>
          %lt3A_660 = arith.constant 0 : i32
          %lt3A_661 = vector.broadcast %lt3A_660 : i32 to vector<16xi32>
          %lt3A_662 = arith.cmpi slt, %xor3A_659, %lt3A_661 : vector<16xi32>
          %add3A_663 = arith.constant 16 : i32
          %add3A_664 = vector.broadcast %add3A_663 : i32 to vector<16xi32>
          %add3A_665 = arith.addi %xor3A_659, %add3A_664 : vector<16xi32>
          %select_n3A_666 = arith.select %lt3A_662, %add3A_665, %xor3A_659 : vector<16xi1>, vector<16xi32>
          %broadcast_in_dim3A_667 = vector.shape_cast %select_n3A_666 : vector<16xi32> to vector<16x1xi32>
          %gather3A_668 = vector.shape_cast %broadcast_in_dim3A_667 : vector<16x1xi32> to vector<16xi32>
          %gather3A_669 = tpu.dynamic_gather %max3A_655[%gather3A_668] in [0] : vector<16xf32>, vector<16xi32> -> vector<16xf32>
          %max3A_670 = arith.maximumf %max3A_655, %gather3A_669 : vector<16xf32>
          %iota3A_671 = tpu.iota {dimensions = array<i32: 0>} : vector<16xi32>
          %xor3A_672 = arith.constant 8 : i32
          %xor3A_673 = vector.broadcast %xor3A_672 : i32 to vector<16xi32>
          %xor3A_674 = arith.xori %iota3A_671, %xor3A_673 : vector<16xi32>
          %lt3A_675 = arith.constant 0 : i32
          %lt3A_676 = vector.broadcast %lt3A_675 : i32 to vector<16xi32>
          %lt3A_677 = arith.cmpi slt, %xor3A_674, %lt3A_676 : vector<16xi32>
          %add3A_678 = arith.constant 16 : i32
          %add3A_679 = vector.broadcast %add3A_678 : i32 to vector<16xi32>
          %add3A_680 = arith.addi %xor3A_674, %add3A_679 : vector<16xi32>
          %select_n3A_681 = arith.select %lt3A_677, %add3A_680, %xor3A_674 : vector<16xi1>, vector<16xi32>
          %broadcast_in_dim3A_682 = vector.shape_cast %select_n3A_681 : vector<16xi32> to vector<16x1xi32>
          %gather3A_683 = vector.shape_cast %broadcast_in_dim3A_682 : vector<16x1xi32> to vector<16xi32>
          %gather3A_684 = tpu.dynamic_gather %max3A_670[%gather3A_683] in [0] : vector<16xf32>, vector<16xi32> -> vector<16xf32>
          %max3A_685 = arith.maximumf %max3A_670, %gather3A_684 : vector<16xf32>
          %slice3A_686 = vector.extract_strided_slice %max3A_685 {offsets = [0], sizes = [1], strides = [1]} : vector<16xf32> to vector<1xf32>
          %squeeze3A_687 = vector.extract %slice3A_686[0] : f32 from vector<1xf32>
          %gt3A_688 = arith.cmpf ogt, %squeeze3A_687, %scan3A_409 : f32
          %add3A_689 = arith.constant 16 : i32
          %add3A_690 = arith.addi %scan3A_408, %add3A_689 : i32
          %select_n3A_691 = arith.select %gt3A_688, %add3A_690, %scan3A_408 : i32
          %get3A_692 = arith.index_cast %select_n3A_44 : i32 to index
          %get3A_693 = arith.constant 16 : index
          %get3A_694 = tpu.vector_load %arg10[%get3A_692, %get3A_693] {strides = array<i32>} : memref<8x128xf32, #tpu.memory_space<vmem>>, vector<1x16xf32>,
          %get3A_695 = vector.shape_cast %get3A_694 : vector<1x16xf32> to vector<16xf32>
          %swap3A_696 = arith.index_cast %select_n3A_691 : i32 to index
          %swap3A_697 = tpu.vector_load %arg7[%swap3A_696] {strides = array<i32>} : memref<320xf32, #tpu.memory_space<vmem>>, vector<16xf32>,
          %swap3A_698 = vector.shape_cast %swap3A_697 : vector<16xf32> to vector<16xf32>
          %swap3A_699 = vector.shape_cast %get3A_695 : vector<16xf32> to vector<16xf32>
          tpu.vector_store %arg7[%swap3A_696], %swap3A_699 {strides = array<i32>} : memref<320xf32, #tpu.memory_space<vmem>>, vector<16xf32>,
          %iota3A_700 = tpu.iota {dimensions = array<i32: 0>} : vector<16xi32>
          %xor3A_701 = arith.constant 1 : i32
          %xor3A_702 = vector.broadcast %xor3A_701 : i32 to vector<16xi32>
          %xor3A_703 = arith.xori %iota3A_700, %xor3A_702 : vector<16xi32>
          %lt3A_704 = arith.constant 0 : i32
          %lt3A_705 = vector.broadcast %lt3A_704 : i32 to vector<16xi32>
          %lt3A_706 = arith.cmpi slt, %xor3A_703, %lt3A_705 : vector<16xi32>
          %add3A_707 = arith.constant 16 : i32
          %add3A_708 = vector.broadcast %add3A_707 : i32 to vector<16xi32>
          %add3A_709 = arith.addi %xor3A_703, %add3A_708 : vector<16xi32>
          %select_n3A_710 = arith.select %lt3A_706, %add3A_709, %xor3A_703 : vector<16xi1>, vector<16xi32>
          %broadcast_in_dim3A_711 = vector.shape_cast %select_n3A_710 : vector<16xi32> to vector<16x1xi32>
          %gather3A_712 = vector.shape_cast %broadcast_in_dim3A_711 : vector<16x1xi32> to vector<16xi32>
          %gather3A_713 = tpu.dynamic_gather %get3A_695[%gather3A_712] in [0] : vector<16xf32>, vector<16xi32> -> vector<16xf32>
          %max3A_714 = arith.maximumf %get3A_695, %gather3A_713 : vector<16xf32>
          %iota3A_715 = tpu.iota {dimensions = array<i32: 0>} : vector<16xi32>
          %xor3A_716 = arith.constant 2 : i32
          %xor3A_717 = vector.broadcast %xor3A_716 : i32 to vector<16xi32>
          %xor3A_718 = arith.xori %iota3A_715, %xor3A_717 : vector<16xi32>
          %lt3A_719 = arith.constant 0 : i32
          %lt3A_720 = vector.broadcast %lt3A_719 : i32 to vector<16xi32>
          %lt3A_721 = arith.cmpi slt, %xor3A_718, %lt3A_720 : vector<16xi32>
          %add3A_722 = arith.constant 16 : i32
          %add3A_723 = vector.broadcast %add3A_722 : i32 to vector<16xi32>
          %add3A_724 = arith.addi %xor3A_718, %add3A_723 : vector<16xi32>
          %select_n3A_725 = arith.select %lt3A_721, %add3A_724, %xor3A_718 : vector<16xi1>, vector<16xi32>
          %broadcast_in_dim3A_726 = vector.shape_cast %select_n3A_725 : vector<16xi32> to vector<16x1xi32>
          %gather3A_727 = vector.shape_cast %broadcast_in_dim3A_726 : vector<16x1xi32> to vector<16xi32>
          %gather3A_728 = tpu.dynamic_gather %max3A_714[%gather3A_727] in [0] : vector<16xf32>, vector<16xi32> -> vector<16xf32>
          %max3A_729 = arith.maximumf %max3A_714, %gather3A_728 : vector<16xf32>
          %iota3A_730 = tpu.iota {dimensions = array<i32: 0>} : vector<16xi32>
          %xor3A_731 = arith.constant 4 : i32
          %xor3A_732 = vector.broadcast %xor3A_731 : i32 to vector<16xi32>
          %xor3A_733 = arith.xori %iota3A_730, %xor3A_732 : vector<16xi32>
          %lt3A_734 = arith.constant 0 : i32
          %lt3A_735 = vector.broadcast %lt3A_734 : i32 to vector<16xi32>
          %lt3A_736 = arith.cmpi slt, %xor3A_733, %lt3A_735 : vector<16xi32>
          %add3A_737 = arith.constant 16 : i32
          %add3A_738 = vector.broadcast %add3A_737 : i32 to vector<16xi32>
          %add3A_739 = arith.addi %xor3A_733, %add3A_738 : vector<16xi32>
          %select_n3A_740 = arith.select %lt3A_736, %add3A_739, %xor3A_733 : vector<16xi1>, vector<16xi32>
          %broadcast_in_dim3A_741 = vector.shape_cast %select_n3A_740 : vector<16xi32> to vector<16x1xi32>
          %gather3A_742 = vector.shape_cast %broadcast_in_dim3A_741 : vector<16x1xi32> to vector<16xi32>
          %gather3A_743 = tpu.dynamic_gather %max3A_729[%gather3A_742] in [0] : vector<16xf32>, vector<16xi32> -> vector<16xf32>
          %max3A_744 = arith.maximumf %max3A_729, %gather3A_743 : vector<16xf32>
          %iota3A_745 = tpu.iota {dimensions = array<i32: 0>} : vector<16xi32>
          %xor3A_746 = arith.constant 8 : i32
          %xor3A_747 = vector.broadcast %xor3A_746 : i32 to vector<16xi32>
          %xor3A_748 = arith.xori %iota3A_745, %xor3A_747 : vector<16xi32>
          %lt3A_749 = arith.constant 0 : i32
          %lt3A_750 = vector.broadcast %lt3A_749 : i32 to vector<16xi32>
          %lt3A_751 = arith.cmpi slt, %xor3A_748, %lt3A_750 : vector<16xi32>
          %add3A_752 = arith.constant 16 : i32
          %add3A_753 = vector.broadcast %add3A_752 : i32 to vector<16xi32>
          %add3A_754 = arith.addi %xor3A_748, %add3A_753 : vector<16xi32>
          %select_n3A_755 = arith.select %lt3A_751, %add3A_754, %xor3A_748 : vector<16xi1>, vector<16xi32>
          %broadcast_in_dim3A_756 = vector.shape_cast %select_n3A_755 : vector<16xi32> to vector<16x1xi32>
          %gather3A_757 = vector.shape_cast %broadcast_in_dim3A_756 : vector<16x1xi32> to vector<16xi32>
          %gather3A_758 = tpu.dynamic_gather %max3A_744[%gather3A_757] in [0] : vector<16xf32>, vector<16xi32> -> vector<16xf32>
          %max3A_759 = arith.maximumf %max3A_744, %gather3A_758 : vector<16xf32>
          %slice3A_760 = vector.extract_strided_slice %max3A_759 {offsets = [0], sizes = [1], strides = [1]} : vector<16xf32> to vector<1xf32>
          %squeeze3A_761 = vector.extract %slice3A_760[0] : f32 from vector<1xf32>
          %gt3A_762 = arith.cmpf ogt, %squeeze3A_761, %scan3A_409 : f32
          %add3A_763 = arith.constant 16 : i32
          %add3A_764 = arith.addi %select_n3A_691, %add3A_763 : i32
          %select_n3A_765 = arith.select %gt3A_762, %add3A_764, %select_n3A_691 : i32
          %get3A_766 = arith.index_cast %select_n3A_44 : i32 to index
          %get3A_767 = arith.constant 32 : index
          %get3A_768 = tpu.vector_load %arg10[%get3A_766, %get3A_767] {strides = array<i32>} : memref<8x128xf32, #tpu.memory_space<vmem>>, vector<1x16xf32>,
          %get3A_769 = vector.shape_cast %get3A_768 : vector<1x16xf32> to vector<16xf32>
          %swap3A_770 = arith.index_cast %select_n3A_765 : i32 to index
          %swap3A_771 = tpu.vector_load %arg7[%swap3A_770] {strides = array<i32>} : memref<320xf32, #tpu.memory_space<vmem>>, vector<16xf32>,
          %swap3A_772 = vector.shape_cast %swap3A_771 : vector<16xf32> to vector<16xf32>
          %swap3A_773 = vector.shape_cast %get3A_769 : vector<16xf32> to vector<16xf32>
          tpu.vector_store %arg7[%swap3A_770], %swap3A_773 {strides = array<i32>} : memref<320xf32, #tpu.memory_space<vmem>>, vector<16xf32>,
          %iota3A_774 = tpu.iota {dimensions = array<i32: 0>} : vector<16xi32>
          %xor3A_775 = arith.constant 1 : i32
          %xor3A_776 = vector.broadcast %xor3A_775 : i32 to vector<16xi32>
          %xor3A_777 = arith.xori %iota3A_774, %xor3A_776 : vector<16xi32>
          %lt3A_778 = arith.constant 0 : i32
          %lt3A_779 = vector.broadcast %lt3A_778 : i32 to vector<16xi32>
          %lt3A_780 = arith.cmpi slt, %xor3A_777, %lt3A_779 : vector<16xi32>
          %add3A_781 = arith.constant 16 : i32
          %add3A_782 = vector.broadcast %add3A_781 : i32 to vector<16xi32>
          %add3A_783 = arith.addi %xor3A_777, %add3A_782 : vector<16xi32>
          %select_n3A_784 = arith.select %lt3A_780, %add3A_783, %xor3A_777 : vector<16xi1>, vector<16xi32>
          %broadcast_in_dim3A_785 = vector.shape_cast %select_n3A_784 : vector<16xi32> to vector<16x1xi32>
          %gather3A_786 = vector.shape_cast %broadcast_in_dim3A_785 : vector<16x1xi32> to vector<16xi32>
          %gather3A_787 = tpu.dynamic_gather %get3A_769[%gather3A_786] in [0] : vector<16xf32>, vector<16xi32> -> vector<16xf32>
          %max3A_788 = arith.maximumf %get3A_769, %gather3A_787 : vector<16xf32>
          %iota3A_789 = tpu.iota {dimensions = array<i32: 0>} : vector<16xi32>
          %xor3A_790 = arith.constant 2 : i32
          %xor3A_791 = vector.broadcast %xor3A_790 : i32 to vector<16xi32>
          %xor3A_792 = arith.xori %iota3A_789, %xor3A_791 : vector<16xi32>
          %lt3A_793 = arith.constant 0 : i32
          %lt3A_794 = vector.broadcast %lt3A_793 : i32 to vector<16xi32>
          %lt3A_795 = arith.cmpi slt, %xor3A_792, %lt3A_794 : vector<16xi32>
          %add3A_796 = arith.constant 16 : i32
          %add3A_797 = vector.broadcast %add3A_796 : i32 to vector<16xi32>
          %add3A_798 = arith.addi %xor3A_792, %add3A_797 : vector<16xi32>
          %select_n3A_799 = arith.select %lt3A_795, %add3A_798, %xor3A_792 : vector<16xi1>, vector<16xi32>
          %broadcast_in_dim3A_800 = vector.shape_cast %select_n3A_799 : vector<16xi32> to vector<16x1xi32>
          %gather3A_801 = vector.shape_cast %broadcast_in_dim3A_800 : vector<16x1xi32> to vector<16xi32>
          %gather3A_802 = tpu.dynamic_gather %max3A_788[%gather3A_801] in [0] : vector<16xf32>, vector<16xi32> -> vector<16xf32>
          %max3A_803 = arith.maximumf %max3A_788, %gather3A_802 : vector<16xf32>
          %iota3A_804 = tpu.iota {dimensions = array<i32: 0>} : vector<16xi32>
          %xor3A_805 = arith.constant 4 : i32
          %xor3A_806 = vector.broadcast %xor3A_805 : i32 to vector<16xi32>
          %xor3A_807 = arith.xori %iota3A_804, %xor3A_806 : vector<16xi32>
          %lt3A_808 = arith.constant 0 : i32
          %lt3A_809 = vector.broadcast %lt3A_808 : i32 to vector<16xi32>
          %lt3A_810 = arith.cmpi slt, %xor3A_807, %lt3A_809 : vector<16xi32>
          %add3A_811 = arith.constant 16 : i32
          %add3A_812 = vector.broadcast %add3A_811 : i32 to vector<16xi32>
          %add3A_813 = arith.addi %xor3A_807, %add3A_812 : vector<16xi32>
          %select_n3A_814 = arith.select %lt3A_810, %add3A_813, %xor3A_807 : vector<16xi1>, vector<16xi32>
          %broadcast_in_dim3A_815 = vector.shape_cast %select_n3A_814 : vector<16xi32> to vector<16x1xi32>
          %gather3A_816 = vector.shape_cast %broadcast_in_dim3A_815 : vector<16x1xi32> to vector<16xi32>
          %gather3A_817 = tpu.dynamic_gather %max3A_803[%gather3A_816] in [0] : vector<16xf32>, vector<16xi32> -> vector<16xf32>
          %max3A_818 = arith.maximumf %max3A_803, %gather3A_817 : vector<16xf32>
          %iota3A_819 = tpu.iota {dimensions = array<i32: 0>} : vector<16xi32>
          %xor3A_820 = arith.constant 8 : i32
          %xor3A_821 = vector.broadcast %xor3A_820 : i32 to vector<16xi32>
          %xor3A_822 = arith.xori %iota3A_819, %xor3A_821 : vector<16xi32>
          %lt3A_823 = arith.constant 0 : i32
          %lt3A_824 = vector.broadcast %lt3A_823 : i32 to vector<16xi32>
          %lt3A_825 = arith.cmpi slt, %xor3A_822, %lt3A_824 : vector<16xi32>
          %add3A_826 = arith.constant 16 : i32
          %add3A_827 = vector.broadcast %add3A_826 : i32 to vector<16xi32>
          %add3A_828 = arith.addi %xor3A_822, %add3A_827 : vector<16xi32>
          %select_n3A_829 = arith.select %lt3A_825, %add3A_828, %xor3A_822 : vector<16xi1>, vector<16xi32>
          %broadcast_in_dim3A_830 = vector.shape_cast %select_n3A_829 : vector<16xi32> to vector<16x1xi32>
          %gather3A_831 = vector.shape_cast %broadcast_in_dim3A_830 : vector<16x1xi32> to vector<16xi32>
          %gather3A_832 = tpu.dynamic_gather %max3A_818[%gather3A_831] in [0] : vector<16xf32>, vector<16xi32> -> vector<16xf32>
          %max3A_833 = arith.maximumf %max3A_818, %gather3A_832 : vector<16xf32>
          %slice3A_834 = vector.extract_strided_slice %max3A_833 {offsets = [0], sizes = [1], strides = [1]} : vector<16xf32> to vector<1xf32>
          %squeeze3A_835 = vector.extract %slice3A_834[0] : f32 from vector<1xf32>
          %gt3A_836 = arith.cmpf ogt, %squeeze3A_835, %scan3A_409 : f32
          %add3A_837 = arith.constant 16 : i32
          %add3A_838 = arith.addi %select_n3A_765, %add3A_837 : i32
          %select_n3A_839 = arith.select %gt3A_836, %add3A_838, %select_n3A_765 : i32
          %get3A_840 = arith.index_cast %select_n3A_44 : i32 to index
          %get3A_841 = arith.constant 48 : index
          %get3A_842 = tpu.vector_load %arg10[%get3A_840, %get3A_841] {strides = array<i32>} : memref<8x128xf32, #tpu.memory_space<vmem>>, vector<1x16xf32>,
          %get3A_843 = vector.shape_cast %get3A_842 : vector<1x16xf32> to vector<16xf32>
          %swap3A_844 = arith.index_cast %select_n3A_839 : i32 to index
          %swap3A_845 = tpu.vector_load %arg7[%swap3A_844] {strides = array<i32>} : memref<320xf32, #tpu.memory_space<vmem>>, vector<16xf32>,
          %swap3A_846 = vector.shape_cast %swap3A_845 : vector<16xf32> to vector<16xf32>
          %swap3A_847 = vector.shape_cast %get3A_843 : vector<16xf32> to vector<16xf32>
          tpu.vector_store %arg7[%swap3A_844], %swap3A_847 {strides = array<i32>} : memref<320xf32, #tpu.memory_space<vmem>>, vector<16xf32>,
          %iota3A_848 = tpu.iota {dimensions = array<i32: 0>} : vector<16xi32>
          %xor3A_849 = arith.constant 1 : i32
          %xor3A_850 = vector.broadcast %xor3A_849 : i32 to vector<16xi32>
          %xor3A_851 = arith.xori %iota3A_848, %xor3A_850 : vector<16xi32>
          %lt3A_852 = arith.constant 0 : i32
          %lt3A_853 = vector.broadcast %lt3A_852 : i32 to vector<16xi32>
          %lt3A_854 = arith.cmpi slt, %xor3A_851, %lt3A_853 : vector<16xi32>
          %add3A_855 = arith.constant 16 : i32
          %add3A_856 = vector.broadcast %add3A_855 : i32 to vector<16xi32>
          %add3A_857 = arith.addi %xor3A_851, %add3A_856 : vector<16xi32>
          %select_n3A_858 = arith.select %lt3A_854, %add3A_857, %xor3A_851 : vector<16xi1>, vector<16xi32>
          %broadcast_in_dim3A_859 = vector.shape_cast %select_n3A_858 : vector<16xi32> to vector<16x1xi32>
          %gather3A_860 = vector.shape_cast %broadcast_in_dim3A_859 : vector<16x1xi32> to vector<16xi32>
          %gather3A_861 = tpu.dynamic_gather %get3A_843[%gather3A_860] in [0] : vector<16xf32>, vector<16xi32> -> vector<16xf32>
          %max3A_862 = arith.maximumf %get3A_843, %gather3A_861 : vector<16xf32>
          %iota3A_863 = tpu.iota {dimensions = array<i32: 0>} : vector<16xi32>
          %xor3A_864 = arith.constant 2 : i32
          %xor3A_865 = vector.broadcast %xor3A_864 : i32 to vector<16xi32>
          %xor3A_866 = arith.xori %iota3A_863, %xor3A_865 : vector<16xi32>
          %lt3A_867 = arith.constant 0 : i32
          %lt3A_868 = vector.broadcast %lt3A_867 : i32 to vector<16xi32>
          %lt3A_869 = arith.cmpi slt, %xor3A_866, %lt3A_868 : vector<16xi32>
          %add3A_870 = arith.constant 16 : i32
          %add3A_871 = vector.broadcast %add3A_870 : i32 to vector<16xi32>
          %add3A_872 = arith.addi %xor3A_866, %add3A_871 : vector<16xi32>
          %select_n3A_873 = arith.select %lt3A_869, %add3A_872, %xor3A_866 : vector<16xi1>, vector<16xi32>
          %broadcast_in_dim3A_874 = vector.shape_cast %select_n3A_873 : vector<16xi32> to vector<16x1xi32>
          %gather3A_875 = vector.shape_cast %broadcast_in_dim3A_874 : vector<16x1xi32> to vector<16xi32>
          %gather3A_876 = tpu.dynamic_gather %max3A_862[%gather3A_875] in [0] : vector<16xf32>, vector<16xi32> -> vector<16xf32>
          %max3A_877 = arith.maximumf %max3A_862, %gather3A_876 : vector<16xf32>
          %iota3A_878 = tpu.iota {dimensions = array<i32: 0>} : vector<16xi32>
          %xor3A_879 = arith.constant 4 : i32
          %xor3A_880 = vector.broadcast %xor3A_879 : i32 to vector<16xi32>
          %xor3A_881 = arith.xori %iota3A_878, %xor3A_880 : vector<16xi32>
          %lt3A_882 = arith.constant 0 : i32
          %lt3A_883 = vector.broadcast %lt3A_882 : i32 to vector<16xi32>
          %lt3A_884 = arith.cmpi slt, %xor3A_881, %lt3A_883 : vector<16xi32>
          %add3A_885 = arith.constant 16 : i32
          %add3A_886 = vector.broadcast %add3A_885 : i32 to vector<16xi32>
          %add3A_887 = arith.addi %xor3A_881, %add3A_886 : vector<16xi32>
          %select_n3A_888 = arith.select %lt3A_884, %add3A_887, %xor3A_881 : vector<16xi1>, vector<16xi32>
          %broadcast_in_dim3A_889 = vector.shape_cast %select_n3A_888 : vector<16xi32> to vector<16x1xi32>
          %gather3A_890 = vector.shape_cast %broadcast_in_dim3A_889 : vector<16x1xi32> to vector<16xi32>
          %gather3A_891 = tpu.dynamic_gather %max3A_877[%gather3A_890] in [0] : vector<16xf32>, vector<16xi32> -> vector<16xf32>
          %max3A_892 = arith.maximumf %max3A_877, %gather3A_891 : vector<16xf32>
          %iota3A_893 = tpu.iota {dimensions = array<i32: 0>} : vector<16xi32>
          %xor3A_894 = arith.constant 8 : i32
          %xor3A_895 = vector.broadcast %xor3A_894 : i32 to vector<16xi32>
          %xor3A_896 = arith.xori %iota3A_893, %xor3A_895 : vector<16xi32>
          %lt3A_897 = arith.constant 0 : i32
          %lt3A_898 = vector.broadcast %lt3A_897 : i32 to vector<16xi32>
          %lt3A_899 = arith.cmpi slt, %xor3A_896, %lt3A_898 : vector<16xi32>
          %add3A_900 = arith.constant 16 : i32
          %add3A_901 = vector.broadcast %add3A_900 : i32 to vector<16xi32>
          %add3A_902 = arith.addi %xor3A_896, %add3A_901 : vector<16xi32>
          %select_n3A_903 = arith.select %lt3A_899, %add3A_902, %xor3A_896 : vector<16xi1>, vector<16xi32>
          %broadcast_in_dim3A_904 = vector.shape_cast %select_n3A_903 : vector<16xi32> to vector<16x1xi32>
          %gather3A_905 = vector.shape_cast %broadcast_in_dim3A_904 : vector<16x1xi32> to vector<16xi32>
          %gather3A_906 = tpu.dynamic_gather %max3A_892[%gather3A_905] in [0] : vector<16xf32>, vector<16xi32> -> vector<16xf32>
          %max3A_907 = arith.maximumf %max3A_892, %gather3A_906 : vector<16xf32>
          %slice3A_908 = vector.extract_strided_slice %max3A_907 {offsets = [0], sizes = [1], strides = [1]} : vector<16xf32> to vector<1xf32>
          %squeeze3A_909 = vector.extract %slice3A_908[0] : f32 from vector<1xf32>
          %gt3A_910 = arith.cmpf ogt, %squeeze3A_909, %scan3A_409 : f32
          %add3A_911 = arith.constant 16 : i32
          %add3A_912 = arith.addi %select_n3A_839, %add3A_911 : i32
          %select_n3A_913 = arith.select %gt3A_910, %add3A_912, %select_n3A_839 : i32
          %get3A_914 = arith.index_cast %select_n3A_44 : i32 to index
          %get3A_915 = arith.constant 64 : index
          %get3A_916 = tpu.vector_load %arg10[%get3A_914, %get3A_915] {strides = array<i32>} : memref<8x128xf32, #tpu.memory_space<vmem>>, vector<1x16xf32>,
          %get3A_917 = vector.shape_cast %get3A_916 : vector<1x16xf32> to vector<16xf32>
          %swap3A_918 = arith.index_cast %select_n3A_913 : i32 to index
          %swap3A_919 = tpu.vector_load %arg7[%swap3A_918] {strides = array<i32>} : memref<320xf32, #tpu.memory_space<vmem>>, vector<16xf32>,
          %swap3A_920 = vector.shape_cast %swap3A_919 : vector<16xf32> to vector<16xf32>
          %swap3A_921 = vector.shape_cast %get3A_917 : vector<16xf32> to vector<16xf32>
          tpu.vector_store %arg7[%swap3A_918], %swap3A_921 {strides = array<i32>} : memref<320xf32, #tpu.memory_space<vmem>>, vector<16xf32>,
          %iota3A_922 = tpu.iota {dimensions = array<i32: 0>} : vector<16xi32>
          %xor3A_923 = arith.constant 1 : i32
          %xor3A_924 = vector.broadcast %xor3A_923 : i32 to vector<16xi32>
          %xor3A_925 = arith.xori %iota3A_922, %xor3A_924 : vector<16xi32>
          %lt3A_926 = arith.constant 0 : i32
          %lt3A_927 = vector.broadcast %lt3A_926 : i32 to vector<16xi32>
          %lt3A_928 = arith.cmpi slt, %xor3A_925, %lt3A_927 : vector<16xi32>
          %add3A_929 = arith.constant 16 : i32
          %add3A_930 = vector.broadcast %add3A_929 : i32 to vector<16xi32>
          %add3A_931 = arith.addi %xor3A_925, %add3A_930 : vector<16xi32>
          %select_n3A_932 = arith.select %lt3A_928, %add3A_931, %xor3A_925 : vector<16xi1>, vector<16xi32>
          %broadcast_in_dim3A_933 = vector.shape_cast %select_n3A_932 : vector<16xi32> to vector<16x1xi32>
          %gather3A_934 = vector.shape_cast %broadcast_in_dim3A_933 : vector<16x1xi32> to vector<16xi32>
          %gather3A_935 = tpu.dynamic_gather %get3A_917[%gather3A_934] in [0] : vector<16xf32>, vector<16xi32> -> vector<16xf32>
          %max3A_936 = arith.maximumf %get3A_917, %gather3A_935 : vector<16xf32>
          %iota3A_937 = tpu.iota {dimensions = array<i32: 0>} : vector<16xi32>
          %xor3A_938 = arith.constant 2 : i32
          %xor3A_939 = vector.broadcast %xor3A_938 : i32 to vector<16xi32>
          %xor3A_940 = arith.xori %iota3A_937, %xor3A_939 : vector<16xi32>
          %lt3A_941 = arith.constant 0 : i32
          %lt3A_942 = vector.broadcast %lt3A_941 : i32 to vector<16xi32>
          %lt3A_943 = arith.cmpi slt, %xor3A_940, %lt3A_942 : vector<16xi32>
          %add3A_944 = arith.constant 16 : i32
          %add3A_945 = vector.broadcast %add3A_944 : i32 to vector<16xi32>
          %add3A_946 = arith.addi %xor3A_940, %add3A_945 : vector<16xi32>
          %select_n3A_947 = arith.select %lt3A_943, %add3A_946, %xor3A_940 : vector<16xi1>, vector<16xi32>
          %broadcast_in_dim3A_948 = vector.shape_cast %select_n3A_947 : vector<16xi32> to vector<16x1xi32>
          %gather3A_949 = vector.shape_cast %broadcast_in_dim3A_948 : vector<16x1xi32> to vector<16xi32>
          %gather3A_950 = tpu.dynamic_gather %max3A_936[%gather3A_949] in [0] : vector<16xf32>, vector<16xi32> -> vector<16xf32>
          %max3A_951 = arith.maximumf %max3A_936, %gather3A_950 : vector<16xf32>
          %iota3A_952 = tpu.iota {dimensions = array<i32: 0>} : vector<16xi32>
          %xor3A_953 = arith.constant 4 : i32
          %xor3A_954 = vector.broadcast %xor3A_953 : i32 to vector<16xi32>
          %xor3A_955 = arith.xori %iota3A_952, %xor3A_954 : vector<16xi32>
          %lt3A_956 = arith.constant 0 : i32
          %lt3A_957 = vector.broadcast %lt3A_956 : i32 to vector<16xi32>
          %lt3A_958 = arith.cmpi slt, %xor3A_955, %lt3A_957 : vector<16xi32>
          %add3A_959 = arith.constant 16 : i32
          %add3A_960 = vector.broadcast %add3A_959 : i32 to vector<16xi32>
          %add3A_961 = arith.addi %xor3A_955, %add3A_960 : vector<16xi32>
          %select_n3A_962 = arith.select %lt3A_958, %add3A_961, %xor3A_955 : vector<16xi1>, vector<16xi32>
          %broadcast_in_dim3A_963 = vector.shape_cast %select_n3A_962 : vector<16xi32> to vector<16x1xi32>
          %gather3A_964 = vector.shape_cast %broadcast_in_dim3A_963 : vector<16x1xi32> to vector<16xi32>
          %gather3A_965 = tpu.dynamic_gather %max3A_951[%gather3A_964] in [0] : vector<16xf32>, vector<16xi32> -> vector<16xf32>
          %max3A_966 = arith.maximumf %max3A_951, %gather3A_965 : vector<16xf32>
          %iota3A_967 = tpu.iota {dimensions = array<i32: 0>} : vector<16xi32>
          %xor3A_968 = arith.constant 8 : i32
          %xor3A_969 = vector.broadcast %xor3A_968 : i32 to vector<16xi32>
          %xor3A_970 = arith.xori %iota3A_967, %xor3A_969 : vector<16xi32>
          %lt3A_971 = arith.constant 0 : i32
          %lt3A_972 = vector.broadcast %lt3A_971 : i32 to vector<16xi32>
          %lt3A_973 = arith.cmpi slt, %xor3A_970, %lt3A_972 : vector<16xi32>
          %add3A_974 = arith.constant 16 : i32
          %add3A_975 = vector.broadcast %add3A_974 : i32 to vector<16xi32>
          %add3A_976 = arith.addi %xor3A_970, %add3A_975 : vector<16xi32>
          %select_n3A_977 = arith.select %lt3A_973, %add3A_976, %xor3A_970 : vector<16xi1>, vector<16xi32>
          %broadcast_in_dim3A_978 = vector.shape_cast %select_n3A_977 : vector<16xi32> to vector<16x1xi32>
          %gather3A_979 = vector.shape_cast %broadcast_in_dim3A_978 : vector<16x1xi32> to vector<16xi32>
          %gather3A_980 = tpu.dynamic_gather %max3A_966[%gather3A_979] in [0] : vector<16xf32>, vector<16xi32> -> vector<16xf32>
          %max3A_981 = arith.maximumf %max3A_966, %gather3A_980 : vector<16xf32>
          %slice3A_982 = vector.extract_strided_slice %max3A_981 {offsets = [0], sizes = [1], strides = [1]} : vector<16xf32> to vector<1xf32>
          %squeeze3A_983 = vector.extract %slice3A_982[0] : f32 from vector<1xf32>
          %gt3A_984 = arith.cmpf ogt, %squeeze3A_983, %scan3A_409 : f32
          %add3A_985 = arith.constant 16 : i32
          %add3A_986 = arith.addi %select_n3A_913, %add3A_985 : i32
          %select_n3A_987 = arith.select %gt3A_984, %add3A_986, %select_n3A_913 : i32
          %get3A_988 = arith.index_cast %select_n3A_44 : i32 to index
          %get3A_989 = arith.constant 80 : index
          %get3A_990 = tpu.vector_load %arg10[%get3A_988, %get3A_989] {strides = array<i32>} : memref<8x128xf32, #tpu.memory_space<vmem>>, vector<1x16xf32>,
          %get3A_991 = vector.shape_cast %get3A_990 : vector<1x16xf32> to vector<16xf32>
          %swap3A_992 = arith.index_cast %select_n3A_987 : i32 to index
          %swap3A_993 = tpu.vector_load %arg7[%swap3A_992] {strides = array<i32>} : memref<320xf32, #tpu.memory_space<vmem>>, vector<16xf32>,
          %swap3A_994 = vector.shape_cast %swap3A_993 : vector<16xf32> to vector<16xf32>
          %swap3A_995 = vector.shape_cast %get3A_991 : vector<16xf32> to vector<16xf32>
          tpu.vector_store %arg7[%swap3A_992], %swap3A_995 {strides = array<i32>} : memref<320xf32, #tpu.memory_space<vmem>>, vector<16xf32>,
          %iota3A_996 = tpu.iota {dimensions = array<i32: 0>} : vector<16xi32>
          %xor3A_997 = arith.constant 1 : i32
          %xor3A_998 = vector.broadcast %xor3A_997 : i32 to vector<16xi32>
          %xor3A_999 = arith.xori %iota3A_996, %xor3A_998 : vector<16xi32>
          %lt3A_1000 = arith.constant 0 : i32
          %lt3A_1001 = vector.broadcast %lt3A_1000 : i32 to vector<16xi32>
          %lt3A_1002 = arith.cmpi slt, %xor3A_999, %lt3A_1001 : vector<16xi32>
          %add3A_1003 = arith.constant 16 : i32
          %add3A_1004 = vector.broadcast %add3A_1003 : i32 to vector<16xi32>
          %add3A_1005 = arith.addi %xor3A_999, %add3A_1004 : vector<16xi32>
          %select_n3A_1006 = arith.select %lt3A_1002, %add3A_1005, %xor3A_999 : vector<16xi1>, vector<16xi32>
          %broadcast_in_dim3A_1007 = vector.shape_cast %select_n3A_1006 : vector<16xi32> to vector<16x1xi32>
          %gather3A_1008 = vector.shape_cast %broadcast_in_dim3A_1007 : vector<16x1xi32> to vector<16xi32>
          %gather3A_1009 = tpu.dynamic_gather %get3A_991[%gather3A_1008] in [0] : vector<16xf32>, vector<16xi32> -> vector<16xf32>
          %max3A_1010 = arith.maximumf %get3A_991, %gather3A_1009 : vector<16xf32>
          %iota3A_1011 = tpu.iota {dimensions = array<i32: 0>} : vector<16xi32>
          %xor3A_1012 = arith.constant 2 : i32
          %xor3A_1013 = vector.broadcast %xor3A_1012 : i32 to vector<16xi32>
          %xor3A_1014 = arith.xori %iota3A_1011, %xor3A_1013 : vector<16xi32>
          %lt3A_1015 = arith.constant 0 : i32
          %lt3A_1016 = vector.broadcast %lt3A_1015 : i32 to vector<16xi32>
          %lt3A_1017 = arith.cmpi slt, %xor3A_1014, %lt3A_1016 : vector<16xi32>
          %add3A_1018 = arith.constant 16 : i32
          %add3A_1019 = vector.broadcast %add3A_1018 : i32 to vector<16xi32>
          %add3A_1020 = arith.addi %xor3A_1014, %add3A_1019 : vector<16xi32>
          %select_n3A_1021 = arith.select %lt3A_1017, %add3A_1020, %xor3A_1014 : vector<16xi1>, vector<16xi32>
          %broadcast_in_dim3A_1022 = vector.shape_cast %select_n3A_1021 : vector<16xi32> to vector<16x1xi32>
          %gather3A_1023 = vector.shape_cast %broadcast_in_dim3A_1022 : vector<16x1xi32> to vector<16xi32>
          %gather3A_1024 = tpu.dynamic_gather %max3A_1010[%gather3A_1023] in [0] : vector<16xf32>, vector<16xi32> -> vector<16xf32>
          %max3A_1025 = arith.maximumf %max3A_1010, %gather3A_1024 : vector<16xf32>
          %iota3A_1026 = tpu.iota {dimensions = array<i32: 0>} : vector<16xi32>
          %xor3A_1027 = arith.constant 4 : i32
          %xor3A_1028 = vector.broadcast %xor3A_1027 : i32 to vector<16xi32>
          %xor3A_1029 = arith.xori %iota3A_1026, %xor3A_1028 : vector<16xi32>
          %lt3A_1030 = arith.constant 0 : i32
          %lt3A_1031 = vector.broadcast %lt3A_1030 : i32 to vector<16xi32>
          %lt3A_1032 = arith.cmpi slt, %xor3A_1029, %lt3A_1031 : vector<16xi32>
          %add3A_1033 = arith.constant 16 : i32
          %add3A_1034 = vector.broadcast %add3A_1033 : i32 to vector<16xi32>
          %add3A_1035 = arith.addi %xor3A_1029, %add3A_1034 : vector<16xi32>
          %select_n3A_1036 = arith.select %lt3A_1032, %add3A_1035, %xor3A_1029 : vector<16xi1>, vector<16xi32>
          %broadcast_in_dim3A_1037 = vector.shape_cast %select_n3A_1036 : vector<16xi32> to vector<16x1xi32>
          %gather3A_1038 = vector.shape_cast %broadcast_in_dim3A_1037 : vector<16x1xi32> to vector<16xi32>
          %gather3A_1039 = tpu.dynamic_gather %max3A_1025[%gather3A_1038] in [0] : vector<16xf32>, vector<16xi32> -> vector<16xf32>
          %max3A_1040 = arith.maximumf %max3A_1025, %gather3A_1039 : vector<16xf32>
          %iota3A_1041 = tpu.iota {dimensions = array<i32: 0>} : vector<16xi32>
          %xor3A_1042 = arith.constant 8 : i32
          %xor3A_1043 = vector.broadcast %xor3A_1042 : i32 to vector<16xi32>
          %xor3A_1044 = arith.xori %iota3A_1041, %xor3A_1043 : vector<16xi32>
          %lt3A_1045 = arith.constant 0 : i32
          %lt3A_1046 = vector.broadcast %lt3A_1045 : i32 to vector<16xi32>
          %lt3A_1047 = arith.cmpi slt, %xor3A_1044, %lt3A_1046 : vector<16xi32>
          %add3A_1048 = arith.constant 16 : i32
          %add3A_1049 = vector.broadcast %add3A_1048 : i32 to vector<16xi32>
          %add3A_1050 = arith.addi %xor3A_1044, %add3A_1049 : vector<16xi32>
          %select_n3A_1051 = arith.select %lt3A_1047, %add3A_1050, %xor3A_1044 : vector<16xi1>, vector<16xi32>
          %broadcast_in_dim3A_1052 = vector.shape_cast %select_n3A_1051 : vector<16xi32> to vector<16x1xi32>
          %gather3A_1053 = vector.shape_cast %broadcast_in_dim3A_1052 : vector<16x1xi32> to vector<16xi32>
          %gather3A_1054 = tpu.dynamic_gather %max3A_1040[%gather3A_1053] in [0] : vector<16xf32>, vector<16xi32> -> vector<16xf32>
          %max3A_1055 = arith.maximumf %max3A_1040, %gather3A_1054 : vector<16xf32>
          %slice3A_1056 = vector.extract_strided_slice %max3A_1055 {offsets = [0], sizes = [1], strides = [1]} : vector<16xf32> to vector<1xf32>
          %squeeze3A_1057 = vector.extract %slice3A_1056[0] : f32 from vector<1xf32>
          %gt3A_1058 = arith.cmpf ogt, %squeeze3A_1057, %scan3A_409 : f32
          %add3A_1059 = arith.constant 16 : i32
          %add3A_1060 = arith.addi %select_n3A_987, %add3A_1059 : i32
          %select_n3A_1061 = arith.select %gt3A_1058, %add3A_1060, %select_n3A_987 : i32
          %get3A_1062 = arith.index_cast %select_n3A_44 : i32 to index
          %get3A_1063 = arith.constant 96 : index
          %get3A_1064 = tpu.vector_load %arg10[%get3A_1062, %get3A_1063] {strides = array<i32>} : memref<8x128xf32, #tpu.memory_space<vmem>>, vector<1x16xf32>,
          %get3A_1065 = vector.shape_cast %get3A_1064 : vector<1x16xf32> to vector<16xf32>
          %swap3A_1066 = arith.index_cast %select_n3A_1061 : i32 to index
          %swap3A_1067 = tpu.vector_load %arg7[%swap3A_1066] {strides = array<i32>} : memref<320xf32, #tpu.memory_space<vmem>>, vector<16xf32>,
          %swap3A_1068 = vector.shape_cast %swap3A_1067 : vector<16xf32> to vector<16xf32>
          %swap3A_1069 = vector.shape_cast %get3A_1065 : vector<16xf32> to vector<16xf32>
          tpu.vector_store %arg7[%swap3A_1066], %swap3A_1069 {strides = array<i32>} : memref<320xf32, #tpu.memory_space<vmem>>, vector<16xf32>,
          %iota3A_1070 = tpu.iota {dimensions = array<i32: 0>} : vector<16xi32>
          %xor3A_1071 = arith.constant 1 : i32
          %xor3A_1072 = vector.broadcast %xor3A_1071 : i32 to vector<16xi32>
          %xor3A_1073 = arith.xori %iota3A_1070, %xor3A_1072 : vector<16xi32>
          %lt3A_1074 = arith.constant 0 : i32
          %lt3A_1075 = vector.broadcast %lt3A_1074 : i32 to vector<16xi32>
          %lt3A_1076 = arith.cmpi slt, %xor3A_1073, %lt3A_1075 : vector<16xi32>
          %add3A_1077 = arith.constant 16 : i32
          %add3A_1078 = vector.broadcast %add3A_1077 : i32 to vector<16xi32>
          %add3A_1079 = arith.addi %xor3A_1073, %add3A_1078 : vector<16xi32>
          %select_n3A_1080 = arith.select %lt3A_1076, %add3A_1079, %xor3A_1073 : vector<16xi1>, vector<16xi32>
          %broadcast_in_dim3A_1081 = vector.shape_cast %select_n3A_1080 : vector<16xi32> to vector<16x1xi32>
          %gather3A_1082 = vector.shape_cast %broadcast_in_dim3A_1081 : vector<16x1xi32> to vector<16xi32>
          %gather3A_1083 = tpu.dynamic_gather %get3A_1065[%gather3A_1082] in [0] : vector<16xf32>, vector<16xi32> -> vector<16xf32>
          %max3A_1084 = arith.maximumf %get3A_1065, %gather3A_1083 : vector<16xf32>
          %iota3A_1085 = tpu.iota {dimensions = array<i32: 0>} : vector<16xi32>
          %xor3A_1086 = arith.constant 2 : i32
          %xor3A_1087 = vector.broadcast %xor3A_1086 : i32 to vector<16xi32>
          %xor3A_1088 = arith.xori %iota3A_1085, %xor3A_1087 : vector<16xi32>
          %lt3A_1089 = arith.constant 0 : i32
          %lt3A_1090 = vector.broadcast %lt3A_1089 : i32 to vector<16xi32>
          %lt3A_1091 = arith.cmpi slt, %xor3A_1088, %lt3A_1090 : vector<16xi32>
          %add3A_1092 = arith.constant 16 : i32
          %add3A_1093 = vector.broadcast %add3A_1092 : i32 to vector<16xi32>
          %add3A_1094 = arith.addi %xor3A_1088, %add3A_1093 : vector<16xi32>
          %select_n3A_1095 = arith.select %lt3A_1091, %add3A_1094, %xor3A_1088 : vector<16xi1>, vector<16xi32>
          %broadcast_in_dim3A_1096 = vector.shape_cast %select_n3A_1095 : vector<16xi32> to vector<16x1xi32>
          %gather3A_1097 = vector.shape_cast %broadcast_in_dim3A_1096 : vector<16x1xi32> to vector<16xi32>
          %gather3A_1098 = tpu.dynamic_gather %max3A_1084[%gather3A_1097] in [0] : vector<16xf32>, vector<16xi32> -> vector<16xf32>
          %max3A_1099 = arith.maximumf %max3A_1084, %gather3A_1098 : vector<16xf32>
          %iota3A_1100 = tpu.iota {dimensions = array<i32: 0>} : vector<16xi32>
          %xor3A_1101 = arith.constant 4 : i32
          %xor3A_1102 = vector.broadcast %xor3A_1101 : i32 to vector<16xi32>
          %xor3A_1103 = arith.xori %iota3A_1100, %xor3A_1102 : vector<16xi32>
          %lt3A_1104 = arith.constant 0 : i32
          %lt3A_1105 = vector.broadcast %lt3A_1104 : i32 to vector<16xi32>
          %lt3A_1106 = arith.cmpi slt, %xor3A_1103, %lt3A_1105 : vector<16xi32>
          %add3A_1107 = arith.constant 16 : i32
          %add3A_1108 = vector.broadcast %add3A_1107 : i32 to vector<16xi32>
          %add3A_1109 = arith.addi %xor3A_1103, %add3A_1108 : vector<16xi32>
          %select_n3A_1110 = arith.select %lt3A_1106, %add3A_1109, %xor3A_1103 : vector<16xi1>, vector<16xi32>
          %broadcast_in_dim3A_1111 = vector.shape_cast %select_n3A_1110 : vector<16xi32> to vector<16x1xi32>
          %gather3A_1112 = vector.shape_cast %broadcast_in_dim3A_1111 : vector<16x1xi32> to vector<16xi32>
          %gather3A_1113 = tpu.dynamic_gather %max3A_1099[%gather3A_1112] in [0] : vector<16xf32>, vector<16xi32> -> vector<16xf32>
          %max3A_1114 = arith.maximumf %max3A_1099, %gather3A_1113 : vector<16xf32>
          %iota3A_1115 = tpu.iota {dimensions = array<i32: 0>} : vector<16xi32>
          %xor3A_1116 = arith.constant 8 : i32
          %xor3A_1117 = vector.broadcast %xor3A_1116 : i32 to vector<16xi32>
          %xor3A_1118 = arith.xori %iota3A_1115, %xor3A_1117 : vector<16xi32>
          %lt3A_1119 = arith.constant 0 : i32
          %lt3A_1120 = vector.broadcast %lt3A_1119 : i32 to vector<16xi32>
          %lt3A_1121 = arith.cmpi slt, %xor3A_1118, %lt3A_1120 : vector<16xi32>
          %add3A_1122 = arith.constant 16 : i32
          %add3A_1123 = vector.broadcast %add3A_1122 : i32 to vector<16xi32>
          %add3A_1124 = arith.addi %xor3A_1118, %add3A_1123 : vector<16xi32>
          %select_n3A_1125 = arith.select %lt3A_1121, %add3A_1124, %xor3A_1118 : vector<16xi1>, vector<16xi32>
          %broadcast_in_dim3A_1126 = vector.shape_cast %select_n3A_1125 : vector<16xi32> to vector<16x1xi32>
          %gather3A_1127 = vector.shape_cast %broadcast_in_dim3A_1126 : vector<16x1xi32> to vector<16xi32>
          %gather3A_1128 = tpu.dynamic_gather %max3A_1114[%gather3A_1127] in [0] : vector<16xf32>, vector<16xi32> -> vector<16xf32>
          %max3A_1129 = arith.maximumf %max3A_1114, %gather3A_1128 : vector<16xf32>
          %slice3A_1130 = vector.extract_strided_slice %max3A_1129 {offsets = [0], sizes = [1], strides = [1]} : vector<16xf32> to vector<1xf32>
          %squeeze3A_1131 = vector.extract %slice3A_1130[0] : f32 from vector<1xf32>
          %gt3A_1132 = arith.cmpf ogt, %squeeze3A_1131, %scan3A_409 : f32
          %add3A_1133 = arith.constant 16 : i32
          %add3A_1134 = arith.addi %select_n3A_1061, %add3A_1133 : i32
          %select_n3A_1135 = arith.select %gt3A_1132, %add3A_1134, %select_n3A_1061 : i32
          %get3A_1136 = arith.index_cast %select_n3A_44 : i32 to index
          %get3A_1137 = arith.constant 112 : index
          %get3A_1138 = tpu.vector_load %arg10[%get3A_1136, %get3A_1137] {strides = array<i32>} : memref<8x128xf32, #tpu.memory_space<vmem>>, vector<1x16xf32>,
          %get3A_1139 = vector.shape_cast %get3A_1138 : vector<1x16xf32> to vector<16xf32>
          %swap3A_1140 = arith.index_cast %select_n3A_1135 : i32 to index
          %swap3A_1141 = tpu.vector_load %arg7[%swap3A_1140] {strides = array<i32>} : memref<320xf32, #tpu.memory_space<vmem>>, vector<16xf32>,
          %swap3A_1142 = vector.shape_cast %swap3A_1141 : vector<16xf32> to vector<16xf32>
          %swap3A_1143 = vector.shape_cast %get3A_1139 : vector<16xf32> to vector<16xf32>
          tpu.vector_store %arg7[%swap3A_1140], %swap3A_1143 {strides = array<i32>} : memref<320xf32, #tpu.memory_space<vmem>>, vector<16xf32>,
          %iota3A_1144 = tpu.iota {dimensions = array<i32: 0>} : vector<16xi32>
          %xor3A_1145 = arith.constant 1 : i32
          %xor3A_1146 = vector.broadcast %xor3A_1145 : i32 to vector<16xi32>
          %xor3A_1147 = arith.xori %iota3A_1144, %xor3A_1146 : vector<16xi32>
          %lt3A_1148 = arith.constant 0 : i32
          %lt3A_1149 = vector.broadcast %lt3A_1148 : i32 to vector<16xi32>
          %lt3A_1150 = arith.cmpi slt, %xor3A_1147, %lt3A_1149 : vector<16xi32>
          %add3A_1151 = arith.constant 16 : i32
          %add3A_1152 = vector.broadcast %add3A_1151 : i32 to vector<16xi32>
          %add3A_1153 = arith.addi %xor3A_1147, %add3A_1152 : vector<16xi32>
          %select_n3A_1154 = arith.select %lt3A_1150, %add3A_1153, %xor3A_1147 : vector<16xi1>, vector<16xi32>
          %broadcast_in_dim3A_1155 = vector.shape_cast %select_n3A_1154 : vector<16xi32> to vector<16x1xi32>
          %gather3A_1156 = vector.shape_cast %broadcast_in_dim3A_1155 : vector<16x1xi32> to vector<16xi32>
          %gather3A_1157 = tpu.dynamic_gather %get3A_1139[%gather3A_1156] in [0] : vector<16xf32>, vector<16xi32> -> vector<16xf32>
          %max3A_1158 = arith.maximumf %get3A_1139, %gather3A_1157 : vector<16xf32>
          %iota3A_1159 = tpu.iota {dimensions = array<i32: 0>} : vector<16xi32>
          %xor3A_1160 = arith.constant 2 : i32
          %xor3A_1161 = vector.broadcast %xor3A_1160 : i32 to vector<16xi32>
          %xor3A_1162 = arith.xori %iota3A_1159, %xor3A_1161 : vector<16xi32>
          %lt3A_1163 = arith.constant 0 : i32
          %lt3A_1164 = vector.broadcast %lt3A_1163 : i32 to vector<16xi32>
          %lt3A_1165 = arith.cmpi slt, %xor3A_1162, %lt3A_1164 : vector<16xi32>
          %add3A_1166 = arith.constant 16 : i32
          %add3A_1167 = vector.broadcast %add3A_1166 : i32 to vector<16xi32>
          %add3A_1168 = arith.addi %xor3A_1162, %add3A_1167 : vector<16xi32>
          %select_n3A_1169 = arith.select %lt3A_1165, %add3A_1168, %xor3A_1162 : vector<16xi1>, vector<16xi32>
          %broadcast_in_dim3A_1170 = vector.shape_cast %select_n3A_1169 : vector<16xi32> to vector<16x1xi32>
          %gather3A_1171 = vector.shape_cast %broadcast_in_dim3A_1170 : vector<16x1xi32> to vector<16xi32>
          %gather3A_1172 = tpu.dynamic_gather %max3A_1158[%gather3A_1171] in [0] : vector<16xf32>, vector<16xi32> -> vector<16xf32>
          %max3A_1173 = arith.maximumf %max3A_1158, %gather3A_1172 : vector<16xf32>
          %iota3A_1174 = tpu.iota {dimensions = array<i32: 0>} : vector<16xi32>
          %xor3A_1175 = arith.constant 4 : i32
          %xor3A_1176 = vector.broadcast %xor3A_1175 : i32 to vector<16xi32>
          %xor3A_1177 = arith.xori %iota3A_1174, %xor3A_1176 : vector<16xi32>
          %lt3A_1178 = arith.constant 0 : i32
          %lt3A_1179 = vector.broadcast %lt3A_1178 : i32 to vector<16xi32>
          %lt3A_1180 = arith.cmpi slt, %xor3A_1177, %lt3A_1179 : vector<16xi32>
          %add3A_1181 = arith.constant 16 : i32
          %add3A_1182 = vector.broadcast %add3A_1181 : i32 to vector<16xi32>
          %add3A_1183 = arith.addi %xor3A_1177, %add3A_1182 : vector<16xi32>
          %select_n3A_1184 = arith.select %lt3A_1180, %add3A_1183, %xor3A_1177 : vector<16xi1>, vector<16xi32>
          %broadcast_in_dim3A_1185 = vector.shape_cast %select_n3A_1184 : vector<16xi32> to vector<16x1xi32>
          %gather3A_1186 = vector.shape_cast %broadcast_in_dim3A_1185 : vector<16x1xi32> to vector<16xi32>
          %gather3A_1187 = tpu.dynamic_gather %max3A_1173[%gather3A_1186] in [0] : vector<16xf32>, vector<16xi32> -> vector<16xf32>
          %max3A_1188 = arith.maximumf %max3A_1173, %gather3A_1187 : vector<16xf32>
          %iota3A_1189 = tpu.iota {dimensions = array<i32: 0>} : vector<16xi32>
          %xor3A_1190 = arith.constant 8 : i32
          %xor3A_1191 = vector.broadcast %xor3A_1190 : i32 to vector<16xi32>
          %xor3A_1192 = arith.xori %iota3A_1189, %xor3A_1191 : vector<16xi32>
          %lt3A_1193 = arith.constant 0 : i32
          %lt3A_1194 = vector.broadcast %lt3A_1193 : i32 to vector<16xi32>
          %lt3A_1195 = arith.cmpi slt, %xor3A_1192, %lt3A_1194 : vector<16xi32>
          %add3A_1196 = arith.constant 16 : i32
          %add3A_1197 = vector.broadcast %add3A_1196 : i32 to vector<16xi32>
          %add3A_1198 = arith.addi %xor3A_1192, %add3A_1197 : vector<16xi32>
          %select_n3A_1199 = arith.select %lt3A_1195, %add3A_1198, %xor3A_1192 : vector<16xi1>, vector<16xi32>
          %broadcast_in_dim3A_1200 = vector.shape_cast %select_n3A_1199 : vector<16xi32> to vector<16x1xi32>
          %gather3A_1201 = vector.shape_cast %broadcast_in_dim3A_1200 : vector<16x1xi32> to vector<16xi32>
          %gather3A_1202 = tpu.dynamic_gather %max3A_1188[%gather3A_1201] in [0] : vector<16xf32>, vector<16xi32> -> vector<16xf32>
          %max3A_1203 = arith.maximumf %max3A_1188, %gather3A_1202 : vector<16xf32>
          %slice3A_1204 = vector.extract_strided_slice %max3A_1203 {offsets = [0], sizes = [1], strides = [1]} : vector<16xf32> to vector<1xf32>
          %squeeze3A_1205 = vector.extract %slice3A_1204[0] : f32 from vector<1xf32>
          %gt3A_1206 = arith.cmpf ogt, %squeeze3A_1205, %scan3A_409 : f32
          %add3A_1207 = arith.constant 16 : i32
          %add3A_1208 = arith.addi %select_n3A_1135, %add3A_1207 : i32
          %select_n3A_1209 = arith.select %gt3A_1206, %add3A_1208, %select_n3A_1135 : i32
          %ge3A = arith.constant 160 : i32
          %ge3A_1210 = arith.cmpi sge, %select_n3A_1209, %ge3A : i32
          %convert_element_type3A_1211 = arith.extui %ge3A_1210 : i1 to i32
          %cond3A_1212 = arith.constant 0 : i32
          %cond3A_1213 = arith.cmpi ne, %convert_element_type3A_1211, %cond3A_1212 : i32
          %cond3A_1214:2 = scf.if %cond3A_1213 -> (i32, f32) {
            %get3A_1296 = arith.constant 0 : index
            %get3A_1297 = tpu.vector_load %arg8[%get3A_1296] {strides = array<i32>} : memref<48xf32, #tpu.memory_space<vmem>>, vector<16xf32>,
            %get3A_1298 = vector.shape_cast %get3A_1297 : vector<16xf32> to vector<16xf32>
            %add3A_1299 = arith.constant 0 : i32
            %add3A_1300 = arith.addi %select_n3A_1209, %add3A_1299 : i32
            %swap3A_1301 = arith.index_cast %add3A_1300 : i32 to index
            %swap3A_1302 = tpu.vector_load %arg7[%swap3A_1301] {strides = array<i32>} : memref<320xf32, #tpu.memory_space<vmem>>, vector<16xf32>,
            %swap3A_1303 = vector.shape_cast %swap3A_1302 : vector<16xf32> to vector<16xf32>
            %swap3A_1304 = vector.shape_cast %get3A_1298 : vector<16xf32> to vector<16xf32>
            tpu.vector_store %arg7[%swap3A_1301], %swap3A_1304 {strides = array<i32>} : memref<320xf32, #tpu.memory_space<vmem>>, vector<16xf32>,
            %get3A_1305 = arith.constant 16 : index
            %get3A_1306 = tpu.vector_load %arg8[%get3A_1305] {strides = array<i32>} : memref<48xf32, #tpu.memory_space<vmem>>, vector<16xf32>,
            %get3A_1307 = vector.shape_cast %get3A_1306 : vector<16xf32> to vector<16xf32>
            %add3A_1308 = arith.constant 16 : i32
            %add3A_1309 = arith.addi %select_n3A_1209, %add3A_1308 : i32
            %swap3A_1310 = arith.index_cast %add3A_1309 : i32 to index
            %swap3A_1311 = tpu.vector_load %arg7[%swap3A_1310] {strides = array<i32>} : memref<320xf32, #tpu.memory_space<vmem>>, vector<16xf32>,
            %swap3A_1312 = vector.shape_cast %swap3A_1311 : vector<16xf32> to vector<16xf32>
            %swap3A_1313 = vector.shape_cast %get3A_1307 : vector<16xf32> to vector<16xf32>
            tpu.vector_store %arg7[%swap3A_1310], %swap3A_1313 {strides = array<i32>} : memref<320xf32, #tpu.memory_space<vmem>>, vector<16xf32>,
            %scan3A_1314 = arith.constant 25 : i32
            %scan3A_1315 = arith.constant 0 : i32
            %scan3A_1316 = arith.constant 0 : i32
            %scan3A_1317 = arith.constant 25 : i32
            %scan3A_1318 = arith.addi %scan3A_1316, %scan3A_1317 : i32
            %scan3A_1319 = arith.constant 1 : i32
            %scan3A_1320:3 = scf.for %scan3A_1407 = %scan3A_1316 to %scan3A_1318 step %scan3A_1319 iter_args(%scan3A_1408 = %scan3A_1314, %scan3A_1409 = %scan3A_1315, %scan3A_1410 = %scan3A_409) -> (i32, i32, f32)  : i32 {
              %get3A_1411 = arith.constant 0 : index
              %get3A_1412 = tpu.vector_load %arg7[%get3A_1411] {strides = array<i32>} : memref<320xf32, #tpu.memory_space<vmem>>, vector<16xf32>,
              %get3A_1413 = vector.shape_cast %get3A_1412 : vector<16xf32> to vector<16xf32>
              %get3A_1414 = arith.constant 16 : index
              %get3A_1415 = tpu.vector_load %arg7[%get3A_1414] {strides = array<i32>} : memref<320xf32, #tpu.memory_space<vmem>>, vector<16xf32>,
              %get3A_1416 = vector.shape_cast %get3A_1415 : vector<16xf32> to vector<16xf32>
              %get3A_1417 = arith.constant 32 : index
              %get3A_1418 = tpu.vector_load %arg7[%get3A_1417] {strides = array<i32>} : memref<320xf32, #tpu.memory_space<vmem>>, vector<16xf32>,
              %get3A_1419 = vector.shape_cast %get3A_1418 : vector<16xf32> to vector<16xf32>
              %get3A_1420 = arith.constant 48 : index
              %get3A_1421 = tpu.vector_load %arg7[%get3A_1420] {strides = array<i32>} : memref<320xf32, #tpu.memory_space<vmem>>, vector<16xf32>,
              %get3A_1422 = vector.shape_cast %get3A_1421 : vector<16xf32> to vector<16xf32>
              %get3A_1423 = arith.constant 64 : index
              %get3A_1424 = tpu.vector_load %arg7[%get3A_1423] {strides = array<i32>} : memref<320xf32, #tpu.memory_space<vmem>>, vector<16xf32>,
              %get3A_1425 = vector.shape_cast %get3A_1424 : vector<16xf32> to vector<16xf32>
              %get3A_1426 = arith.constant 80 : index
              %get3A_1427 = tpu.vector_load %arg7[%get3A_1426] {strides = array<i32>} : memref<320xf32, #tpu.memory_space<vmem>>, vector<16xf32>,
              %get3A_1428 = vector.shape_cast %get3A_1427 : vector<16xf32> to vector<16xf32>
              %get3A_1429 = arith.constant 96 : index
              %get3A_1430 = tpu.vector_load %arg7[%get3A_1429] {strides = array<i32>} : memref<320xf32, #tpu.memory_space<vmem>>, vector<16xf32>,
              %get3A_1431 = vector.shape_cast %get3A_1430 : vector<16xf32> to vector<16xf32>
              %get3A_1432 = arith.constant 112 : index
              %get3A_1433 = tpu.vector_load %arg7[%get3A_1432] {strides = array<i32>} : memref<320xf32, #tpu.memory_space<vmem>>, vector<16xf32>,
              %get3A_1434 = vector.shape_cast %get3A_1433 : vector<16xf32> to vector<16xf32>
              %get3A_1435 = arith.constant 128 : index
              %get3A_1436 = tpu.vector_load %arg7[%get3A_1435] {strides = array<i32>} : memref<320xf32, #tpu.memory_space<vmem>>, vector<16xf32>,
              %get3A_1437 = vector.shape_cast %get3A_1436 : vector<16xf32> to vector<16xf32>
              %get3A_1438 = arith.constant 144 : index
              %get3A_1439 = tpu.vector_load %arg7[%get3A_1438] {strides = array<i32>} : memref<320xf32, #tpu.memory_space<vmem>>, vector<16xf32>,
              %get3A_1440 = vector.shape_cast %get3A_1439 : vector<16xf32> to vector<16xf32>
              %get3A_1441 = arith.constant 160 : index
              %get3A_1442 = tpu.vector_load %arg7[%get3A_1441] {strides = array<i32>} : memref<320xf32, #tpu.memory_space<vmem>>, vector<16xf32>,
              %get3A_1443 = vector.shape_cast %get3A_1442 : vector<16xf32> to vector<16xf32>
              %get3A_1444 = arith.constant 176 : index
              %get3A_1445 = tpu.vector_load %arg7[%get3A_1444] {strides = array<i32>} : memref<320xf32, #tpu.memory_space<vmem>>, vector<16xf32>,
              %get3A_1446 = vector.shape_cast %get3A_1445 : vector<16xf32> to vector<16xf32>
              %get3A_1447 = arith.constant 192 : index
              %get3A_1448 = tpu.vector_load %arg7[%get3A_1447] {strides = array<i32>} : memref<320xf32, #tpu.memory_space<vmem>>, vector<16xf32>,
              %get3A_1449 = vector.shape_cast %get3A_1448 : vector<16xf32> to vector<16xf32>
              %get3A_1450 = arith.constant 208 : index
              %get3A_1451 = tpu.vector_load %arg7[%get3A_1450] {strides = array<i32>} : memref<320xf32, #tpu.memory_space<vmem>>, vector<16xf32>,
              %get3A_1452 = vector.shape_cast %get3A_1451 : vector<16xf32> to vector<16xf32>
              %get3A_1453 = arith.constant 224 : index
              %get3A_1454 = tpu.vector_load %arg7[%get3A_1453] {strides = array<i32>} : memref<320xf32, #tpu.memory_space<vmem>>, vector<16xf32>,
              %get3A_1455 = vector.shape_cast %get3A_1454 : vector<16xf32> to vector<16xf32>
              %get3A_1456 = arith.constant 240 : index
              %get3A_1457 = tpu.vector_load %arg7[%get3A_1456] {strides = array<i32>} : memref<320xf32, #tpu.memory_space<vmem>>, vector<16xf32>,
              %get3A_1458 = vector.shape_cast %get3A_1457 : vector<16xf32> to vector<16xf32>
              %get3A_1459 = arith.constant 256 : index
              %get3A_1460 = tpu.vector_load %arg7[%get3A_1459] {strides = array<i32>} : memref<320xf32, #tpu.memory_space<vmem>>, vector<16xf32>,
              %get3A_1461 = vector.shape_cast %get3A_1460 : vector<16xf32> to vector<16xf32>
              %get3A_1462 = arith.constant 272 : index
              %get3A_1463 = tpu.vector_load %arg7[%get3A_1462] {strides = array<i32>} : memref<320xf32, #tpu.memory_space<vmem>>, vector<16xf32>,
              %get3A_1464 = vector.shape_cast %get3A_1463 : vector<16xf32> to vector<16xf32>
              %get3A_1465 = arith.constant 288 : index
              %get3A_1466 = tpu.vector_load %arg7[%get3A_1465] {strides = array<i32>} : memref<320xf32, #tpu.memory_space<vmem>>, vector<16xf32>,
              %get3A_1467 = vector.shape_cast %get3A_1466 : vector<16xf32> to vector<16xf32>
              %get3A_1468 = arith.constant 304 : index
              %get3A_1469 = tpu.vector_load %arg7[%get3A_1468] {strides = array<i32>} : memref<320xf32, #tpu.memory_space<vmem>>, vector<16xf32>,
              %get3A_1470 = vector.shape_cast %get3A_1469 : vector<16xf32> to vector<16xf32>
              %max3A_1471 = arith.maximumf %get3A_1413, %get3A_1416 : vector<16xf32>
              %max3A_1472 = arith.maximumf %max3A_1471, %get3A_1419 : vector<16xf32>
              %max3A_1473 = arith.maximumf %max3A_1472, %get3A_1422 : vector<16xf32>
              %max3A_1474 = arith.maximumf %max3A_1473, %get3A_1425 : vector<16xf32>
              %max3A_1475 = arith.maximumf %max3A_1474, %get3A_1428 : vector<16xf32>
              %max3A_1476 = arith.maximumf %max3A_1475, %get3A_1431 : vector<16xf32>
              %max3A_1477 = arith.maximumf %max3A_1476, %get3A_1434 : vector<16xf32>
              %max3A_1478 = arith.maximumf %max3A_1477, %get3A_1437 : vector<16xf32>
              %max3A_1479 = arith.maximumf %max3A_1478, %get3A_1440 : vector<16xf32>
              %max3A_1480 = arith.maximumf %max3A_1479, %get3A_1443 : vector<16xf32>
              %max3A_1481 = arith.maximumf %max3A_1480, %get3A_1446 : vector<16xf32>
              %max3A_1482 = arith.maximumf %max3A_1481, %get3A_1449 : vector<16xf32>
              %max3A_1483 = arith.maximumf %max3A_1482, %get3A_1452 : vector<16xf32>
              %max3A_1484 = arith.maximumf %max3A_1483, %get3A_1455 : vector<16xf32>
              %max3A_1485 = arith.maximumf %max3A_1484, %get3A_1458 : vector<16xf32>
              %max3A_1486 = arith.maximumf %max3A_1485, %get3A_1461 : vector<16xf32>
              %max3A_1487 = arith.maximumf %max3A_1486, %get3A_1464 : vector<16xf32>
              %max3A_1488 = arith.maximumf %max3A_1487, %get3A_1467 : vector<16xf32>
              %max3A_1489 = arith.maximumf %max3A_1488, %get3A_1470 : vector<16xf32>
              %iota3A_1490 = tpu.iota {dimensions = array<i32: 0>} : vector<16xi32>
              %xor3A_1491 = arith.constant 1 : i32
              %xor3A_1492 = vector.broadcast %xor3A_1491 : i32 to vector<16xi32>
              %xor3A_1493 = arith.xori %iota3A_1490, %xor3A_1492 : vector<16xi32>
              %lt3A_1494 = arith.constant 0 : i32
              %lt3A_1495 = vector.broadcast %lt3A_1494 : i32 to vector<16xi32>
              %lt3A_1496 = arith.cmpi slt, %xor3A_1493, %lt3A_1495 : vector<16xi32>
              %add3A_1497 = arith.constant 16 : i32
              %add3A_1498 = vector.broadcast %add3A_1497 : i32 to vector<16xi32>
              %add3A_1499 = arith.addi %xor3A_1493, %add3A_1498 : vector<16xi32>
              %select_n3A_1500 = arith.select %lt3A_1496, %add3A_1499, %xor3A_1493 : vector<16xi1>, vector<16xi32>
              %broadcast_in_dim3A_1501 = vector.shape_cast %select_n3A_1500 : vector<16xi32> to vector<16x1xi32>
              %gather3A_1502 = vector.shape_cast %broadcast_in_dim3A_1501 : vector<16x1xi32> to vector<16xi32>
              %gather3A_1503 = tpu.dynamic_gather %max3A_1489[%gather3A_1502] in [0] : vector<16xf32>, vector<16xi32> -> vector<16xf32>
              %max3A_1504 = arith.maximumf %max3A_1489, %gather3A_1503 : vector<16xf32>
              %iota3A_1505 = tpu.iota {dimensions = array<i32: 0>} : vector<16xi32>
              %xor3A_1506 = arith.constant 2 : i32
              %xor3A_1507 = vector.broadcast %xor3A_1506 : i32 to vector<16xi32>
              %xor3A_1508 = arith.xori %iota3A_1505, %xor3A_1507 : vector<16xi32>
              %lt3A_1509 = arith.constant 0 : i32
              %lt3A_1510 = vector.broadcast %lt3A_1509 : i32 to vector<16xi32>
              %lt3A_1511 = arith.cmpi slt, %xor3A_1508, %lt3A_1510 : vector<16xi32>
              %add3A_1512 = arith.constant 16 : i32
              %add3A_1513 = vector.broadcast %add3A_1512 : i32 to vector<16xi32>
              %add3A_1514 = arith.addi %xor3A_1508, %add3A_1513 : vector<16xi32>
              %select_n3A_1515 = arith.select %lt3A_1511, %add3A_1514, %xor3A_1508 : vector<16xi1>, vector<16xi32>
              %broadcast_in_dim3A_1516 = vector.shape_cast %select_n3A_1515 : vector<16xi32> to vector<16x1xi32>
              %gather3A_1517 = vector.shape_cast %broadcast_in_dim3A_1516 : vector<16x1xi32> to vector<16xi32>
              %gather3A_1518 = tpu.dynamic_gather %max3A_1504[%gather3A_1517] in [0] : vector<16xf32>, vector<16xi32> -> vector<16xf32>
              %max3A_1519 = arith.maximumf %max3A_1504, %gather3A_1518 : vector<16xf32>
              %iota3A_1520 = tpu.iota {dimensions = array<i32: 0>} : vector<16xi32>
              %xor3A_1521 = arith.constant 4 : i32
              %xor3A_1522 = vector.broadcast %xor3A_1521 : i32 to vector<16xi32>
              %xor3A_1523 = arith.xori %iota3A_1520, %xor3A_1522 : vector<16xi32>
              %lt3A_1524 = arith.constant 0 : i32
              %lt3A_1525 = vector.broadcast %lt3A_1524 : i32 to vector<16xi32>
              %lt3A_1526 = arith.cmpi slt, %xor3A_1523, %lt3A_1525 : vector<16xi32>
              %add3A_1527 = arith.constant 16 : i32
              %add3A_1528 = vector.broadcast %add3A_1527 : i32 to vector<16xi32>
              %add3A_1529 = arith.addi %xor3A_1523, %add3A_1528 : vector<16xi32>
              %select_n3A_1530 = arith.select %lt3A_1526, %add3A_1529, %xor3A_1523 : vector<16xi1>, vector<16xi32>
              %broadcast_in_dim3A_1531 = vector.shape_cast %select_n3A_1530 : vector<16xi32> to vector<16x1xi32>
              %gather3A_1532 = vector.shape_cast %broadcast_in_dim3A_1531 : vector<16x1xi32> to vector<16xi32>
              %gather3A_1533 = tpu.dynamic_gather %max3A_1519[%gather3A_1532] in [0] : vector<16xf32>, vector<16xi32> -> vector<16xf32>
              %max3A_1534 = arith.maximumf %max3A_1519, %gather3A_1533 : vector<16xf32>
              %iota3A_1535 = tpu.iota {dimensions = array<i32: 0>} : vector<16xi32>
              %xor3A_1536 = arith.constant 8 : i32
              %xor3A_1537 = vector.broadcast %xor3A_1536 : i32 to vector<16xi32>
              %xor3A_1538 = arith.xori %iota3A_1535, %xor3A_1537 : vector<16xi32>
              %lt3A_1539 = arith.constant 0 : i32
              %lt3A_1540 = vector.broadcast %lt3A_1539 : i32 to vector<16xi32>
              %lt3A_1541 = arith.cmpi slt, %xor3A_1538, %lt3A_1540 : vector<16xi32>
              %add3A_1542 = arith.constant 16 : i32
              %add3A_1543 = vector.broadcast %add3A_1542 : i32 to vector<16xi32>
              %add3A_1544 = arith.addi %xor3A_1538, %add3A_1543 : vector<16xi32>
              %select_n3A_1545 = arith.select %lt3A_1541, %add3A_1544, %xor3A_1538 : vector<16xi1>, vector<16xi32>
              %broadcast_in_dim3A_1546 = vector.shape_cast %select_n3A_1545 : vector<16xi32> to vector<16x1xi32>
              %gather3A_1547 = vector.shape_cast %broadcast_in_dim3A_1546 : vector<16x1xi32> to vector<16xi32>
              %gather3A_1548 = tpu.dynamic_gather %max3A_1534[%gather3A_1547] in [0] : vector<16xf32>, vector<16xi32> -> vector<16xf32>
              %max3A_1549 = arith.maximumf %max3A_1534, %gather3A_1548 : vector<16xf32>
              %slice3A_1550 = vector.extract_strided_slice %max3A_1549 {offsets = [0], sizes = [1], strides = [1]} : vector<16xf32> to vector<1xf32>
              %squeeze3A_1551 = vector.extract %slice3A_1550[0] : f32 from vector<1xf32>
              %broadcast_in_dim3A_1552 = vector.broadcast %squeeze3A_1551 : f32 to vector<16xf32>
              %eq3A_1553 = arith.cmpf oeq, %get3A_1413, %broadcast_in_dim3A_1552 : vector<16xf32>
              %jit3A_1554 = arith.constant 1 : i32
              %jit3A_1555 = arith.constant 0 : i32
              %broadcast_in_dim3A_1556 = vector.broadcast %jit3A_1554 : i32 to vector<16xi32>
              %broadcast_in_dim3A_1557 = vector.broadcast %jit3A_1555 : i32 to vector<16xi32>
              %select_n3A_1558 = arith.select %eq3A_1553, %broadcast_in_dim3A_1556, %broadcast_in_dim3A_1557 : vector<16xi1>, vector<16xi32>
              %eq3A_1559 = arith.cmpf oeq, %get3A_1416, %broadcast_in_dim3A_1552 : vector<16xf32>
              %jit3A_1560 = arith.constant 1 : i32
              %jit3A_1561 = arith.constant 0 : i32
              %broadcast_in_dim3A_1562 = vector.broadcast %jit3A_1560 : i32 to vector<16xi32>
              %broadcast_in_dim3A_1563 = vector.broadcast %jit3A_1561 : i32 to vector<16xi32>
              %select_n3A_1564 = arith.select %eq3A_1559, %broadcast_in_dim3A_1562, %broadcast_in_dim3A_1563 : vector<16xi1>, vector<16xi32>
              %add3A_1565 = arith.addi %select_n3A_1558, %select_n3A_1564 : vector<16xi32>
              %eq3A_1566 = arith.cmpf oeq, %get3A_1419, %broadcast_in_dim3A_1552 : vector<16xf32>
              %jit3A_1567 = arith.constant 1 : i32
              %jit3A_1568 = arith.constant 0 : i32
              %broadcast_in_dim3A_1569 = vector.broadcast %jit3A_1567 : i32 to vector<16xi32>
              %broadcast_in_dim3A_1570 = vector.broadcast %jit3A_1568 : i32 to vector<16xi32>
              %select_n3A_1571 = arith.select %eq3A_1566, %broadcast_in_dim3A_1569, %broadcast_in_dim3A_1570 : vector<16xi1>, vector<16xi32>
              %add3A_1572 = arith.addi %add3A_1565, %select_n3A_1571 : vector<16xi32>
              %eq3A_1573 = arith.cmpf oeq, %get3A_1422, %broadcast_in_dim3A_1552 : vector<16xf32>
              %jit3A_1574 = arith.constant 1 : i32
              %jit3A_1575 = arith.constant 0 : i32
              %broadcast_in_dim3A_1576 = vector.broadcast %jit3A_1574 : i32 to vector<16xi32>
              %broadcast_in_dim3A_1577 = vector.broadcast %jit3A_1575 : i32 to vector<16xi32>
              %select_n3A_1578 = arith.select %eq3A_1573, %broadcast_in_dim3A_1576, %broadcast_in_dim3A_1577 : vector<16xi1>, vector<16xi32>
              %add3A_1579 = arith.addi %add3A_1572, %select_n3A_1578 : vector<16xi32>
              %eq3A_1580 = arith.cmpf oeq, %get3A_1425, %broadcast_in_dim3A_1552 : vector<16xf32>
              %jit3A_1581 = arith.constant 1 : i32
              %jit3A_1582 = arith.constant 0 : i32
              %broadcast_in_dim3A_1583 = vector.broadcast %jit3A_1581 : i32 to vector<16xi32>
              %broadcast_in_dim3A_1584 = vector.broadcast %jit3A_1582 : i32 to vector<16xi32>
              %select_n3A_1585 = arith.select %eq3A_1580, %broadcast_in_dim3A_1583, %broadcast_in_dim3A_1584 : vector<16xi1>, vector<16xi32>
              %add3A_1586 = arith.addi %add3A_1579, %select_n3A_1585 : vector<16xi32>
              %eq3A_1587 = arith.cmpf oeq, %get3A_1428, %broadcast_in_dim3A_1552 : vector<16xf32>
              %jit3A_1588 = arith.constant 1 : i32
              %jit3A_1589 = arith.constant 0 : i32
              %broadcast_in_dim3A_1590 = vector.broadcast %jit3A_1588 : i32 to vector<16xi32>
              %broadcast_in_dim3A_1591 = vector.broadcast %jit3A_1589 : i32 to vector<16xi32>
              %select_n3A_1592 = arith.select %eq3A_1587, %broadcast_in_dim3A_1590, %broadcast_in_dim3A_1591 : vector<16xi1>, vector<16xi32>
              %add3A_1593 = arith.addi %add3A_1586, %select_n3A_1592 : vector<16xi32>
              %eq3A_1594 = arith.cmpf oeq, %get3A_1431, %broadcast_in_dim3A_1552 : vector<16xf32>
              %jit3A_1595 = arith.constant 1 : i32
              %jit3A_1596 = arith.constant 0 : i32
              %broadcast_in_dim3A_1597 = vector.broadcast %jit3A_1595 : i32 to vector<16xi32>
              %broadcast_in_dim3A_1598 = vector.broadcast %jit3A_1596 : i32 to vector<16xi32>
              %select_n3A_1599 = arith.select %eq3A_1594, %broadcast_in_dim3A_1597, %broadcast_in_dim3A_1598 : vector<16xi1>, vector<16xi32>
              %add3A_1600 = arith.addi %add3A_1593, %select_n3A_1599 : vector<16xi32>
              %eq3A_1601 = arith.cmpf oeq, %get3A_1434, %broadcast_in_dim3A_1552 : vector<16xf32>
              %jit3A_1602 = arith.constant 1 : i32
              %jit3A_1603 = arith.constant 0 : i32
              %broadcast_in_dim3A_1604 = vector.broadcast %jit3A_1602 : i32 to vector<16xi32>
              %broadcast_in_dim3A_1605 = vector.broadcast %jit3A_1603 : i32 to vector<16xi32>
              %select_n3A_1606 = arith.select %eq3A_1601, %broadcast_in_dim3A_1604, %broadcast_in_dim3A_1605 : vector<16xi1>, vector<16xi32>
              %add3A_1607 = arith.addi %add3A_1600, %select_n3A_1606 : vector<16xi32>
              %eq3A_1608 = arith.cmpf oeq, %get3A_1437, %broadcast_in_dim3A_1552 : vector<16xf32>
              %jit3A_1609 = arith.constant 1 : i32
              %jit3A_1610 = arith.constant 0 : i32
              %broadcast_in_dim3A_1611 = vector.broadcast %jit3A_1609 : i32 to vector<16xi32>
              %broadcast_in_dim3A_1612 = vector.broadcast %jit3A_1610 : i32 to vector<16xi32>
              %select_n3A_1613 = arith.select %eq3A_1608, %broadcast_in_dim3A_1611, %broadcast_in_dim3A_1612 : vector<16xi1>, vector<16xi32>
              %add3A_1614 = arith.addi %add3A_1607, %select_n3A_1613 : vector<16xi32>
              %eq3A_1615 = arith.cmpf oeq, %get3A_1440, %broadcast_in_dim3A_1552 : vector<16xf32>
              %jit3A_1616 = arith.constant 1 : i32
              %jit3A_1617 = arith.constant 0 : i32
              %broadcast_in_dim3A_1618 = vector.broadcast %jit3A_1616 : i32 to vector<16xi32>
              %broadcast_in_dim3A_1619 = vector.broadcast %jit3A_1617 : i32 to vector<16xi32>
              %select_n3A_1620 = arith.select %eq3A_1615, %broadcast_in_dim3A_1618, %broadcast_in_dim3A_1619 : vector<16xi1>, vector<16xi32>
              %add3A_1621 = arith.addi %add3A_1614, %select_n3A_1620 : vector<16xi32>
              %eq3A_1622 = arith.cmpf oeq, %get3A_1443, %broadcast_in_dim3A_1552 : vector<16xf32>
              %jit3A_1623 = arith.constant 1 : i32
              %jit3A_1624 = arith.constant 0 : i32
              %broadcast_in_dim3A_1625 = vector.broadcast %jit3A_1623 : i32 to vector<16xi32>
              %broadcast_in_dim3A_1626 = vector.broadcast %jit3A_1624 : i32 to vector<16xi32>
              %select_n3A_1627 = arith.select %eq3A_1622, %broadcast_in_dim3A_1625, %broadcast_in_dim3A_1626 : vector<16xi1>, vector<16xi32>
              %add3A_1628 = arith.addi %add3A_1621, %select_n3A_1627 : vector<16xi32>
              %eq3A_1629 = arith.cmpf oeq, %get3A_1446, %broadcast_in_dim3A_1552 : vector<16xf32>
              %jit3A_1630 = arith.constant 1 : i32
              %jit3A_1631 = arith.constant 0 : i32
              %broadcast_in_dim3A_1632 = vector.broadcast %jit3A_1630 : i32 to vector<16xi32>
              %broadcast_in_dim3A_1633 = vector.broadcast %jit3A_1631 : i32 to vector<16xi32>
              %select_n3A_1634 = arith.select %eq3A_1629, %broadcast_in_dim3A_1632, %broadcast_in_dim3A_1633 : vector<16xi1>, vector<16xi32>
              %add3A_1635 = arith.addi %add3A_1628, %select_n3A_1634 : vector<16xi32>
              %eq3A_1636 = arith.cmpf oeq, %get3A_1449, %broadcast_in_dim3A_1552 : vector<16xf32>
              %jit3A_1637 = arith.constant 1 : i32
              %jit3A_1638 = arith.constant 0 : i32
              %broadcast_in_dim3A_1639 = vector.broadcast %jit3A_1637 : i32 to vector<16xi32>
              %broadcast_in_dim3A_1640 = vector.broadcast %jit3A_1638 : i32 to vector<16xi32>
              %select_n3A_1641 = arith.select %eq3A_1636, %broadcast_in_dim3A_1639, %broadcast_in_dim3A_1640 : vector<16xi1>, vector<16xi32>
              %add3A_1642 = arith.addi %add3A_1635, %select_n3A_1641 : vector<16xi32>
              %eq3A_1643 = arith.cmpf oeq, %get3A_1452, %broadcast_in_dim3A_1552 : vector<16xf32>
              %jit3A_1644 = arith.constant 1 : i32
              %jit3A_1645 = arith.constant 0 : i32
              %broadcast_in_dim3A_1646 = vector.broadcast %jit3A_1644 : i32 to vector<16xi32>
              %broadcast_in_dim3A_1647 = vector.broadcast %jit3A_1645 : i32 to vector<16xi32>
              %select_n3A_1648 = arith.select %eq3A_1643, %broadcast_in_dim3A_1646, %broadcast_in_dim3A_1647 : vector<16xi1>, vector<16xi32>
              %add3A_1649 = arith.addi %add3A_1642, %select_n3A_1648 : vector<16xi32>
              %eq3A_1650 = arith.cmpf oeq, %get3A_1455, %broadcast_in_dim3A_1552 : vector<16xf32>
              %jit3A_1651 = arith.constant 1 : i32
              %jit3A_1652 = arith.constant 0 : i32
              %broadcast_in_dim3A_1653 = vector.broadcast %jit3A_1651 : i32 to vector<16xi32>
              %broadcast_in_dim3A_1654 = vector.broadcast %jit3A_1652 : i32 to vector<16xi32>
              %select_n3A_1655 = arith.select %eq3A_1650, %broadcast_in_dim3A_1653, %broadcast_in_dim3A_1654 : vector<16xi1>, vector<16xi32>
              %add3A_1656 = arith.addi %add3A_1649, %select_n3A_1655 : vector<16xi32>
              %eq3A_1657 = arith.cmpf oeq, %get3A_1458, %broadcast_in_dim3A_1552 : vector<16xf32>
              %jit3A_1658 = arith.constant 1 : i32
              %jit3A_1659 = arith.constant 0 : i32
              %broadcast_in_dim3A_1660 = vector.broadcast %jit3A_1658 : i32 to vector<16xi32>
              %broadcast_in_dim3A_1661 = vector.broadcast %jit3A_1659 : i32 to vector<16xi32>
              %select_n3A_1662 = arith.select %eq3A_1657, %broadcast_in_dim3A_1660, %broadcast_in_dim3A_1661 : vector<16xi1>, vector<16xi32>
              %add3A_1663 = arith.addi %add3A_1656, %select_n3A_1662 : vector<16xi32>
              %eq3A_1664 = arith.cmpf oeq, %get3A_1461, %broadcast_in_dim3A_1552 : vector<16xf32>
              %jit3A_1665 = arith.constant 1 : i32
              %jit3A_1666 = arith.constant 0 : i32
              %broadcast_in_dim3A_1667 = vector.broadcast %jit3A_1665 : i32 to vector<16xi32>
              %broadcast_in_dim3A_1668 = vector.broadcast %jit3A_1666 : i32 to vector<16xi32>
              %select_n3A_1669 = arith.select %eq3A_1664, %broadcast_in_dim3A_1667, %broadcast_in_dim3A_1668 : vector<16xi1>, vector<16xi32>
              %add3A_1670 = arith.addi %add3A_1663, %select_n3A_1669 : vector<16xi32>
              %eq3A_1671 = arith.cmpf oeq, %get3A_1464, %broadcast_in_dim3A_1552 : vector<16xf32>
              %jit3A_1672 = arith.constant 1 : i32
              %jit3A_1673 = arith.constant 0 : i32
              %broadcast_in_dim3A_1674 = vector.broadcast %jit3A_1672 : i32 to vector<16xi32>
              %broadcast_in_dim3A_1675 = vector.broadcast %jit3A_1673 : i32 to vector<16xi32>
              %select_n3A_1676 = arith.select %eq3A_1671, %broadcast_in_dim3A_1674, %broadcast_in_dim3A_1675 : vector<16xi1>, vector<16xi32>
              %add3A_1677 = arith.addi %add3A_1670, %select_n3A_1676 : vector<16xi32>
              %eq3A_1678 = arith.cmpf oeq, %get3A_1467, %broadcast_in_dim3A_1552 : vector<16xf32>
              %jit3A_1679 = arith.constant 1 : i32
              %jit3A_1680 = arith.constant 0 : i32
              %broadcast_in_dim3A_1681 = vector.broadcast %jit3A_1679 : i32 to vector<16xi32>
              %broadcast_in_dim3A_1682 = vector.broadcast %jit3A_1680 : i32 to vector<16xi32>
              %select_n3A_1683 = arith.select %eq3A_1678, %broadcast_in_dim3A_1681, %broadcast_in_dim3A_1682 : vector<16xi1>, vector<16xi32>
              %add3A_1684 = arith.addi %add3A_1677, %select_n3A_1683 : vector<16xi32>
              %eq3A_1685 = arith.cmpf oeq, %get3A_1470, %broadcast_in_dim3A_1552 : vector<16xf32>
              %jit3A_1686 = arith.constant 1 : i32
              %jit3A_1687 = arith.constant 0 : i32
              %broadcast_in_dim3A_1688 = vector.broadcast %jit3A_1686 : i32 to vector<16xi32>
              %broadcast_in_dim3A_1689 = vector.broadcast %jit3A_1687 : i32 to vector<16xi32>
              %select_n3A_1690 = arith.select %eq3A_1685, %broadcast_in_dim3A_1688, %broadcast_in_dim3A_1689 : vector<16xi1>, vector<16xi32>
              %add3A_1691 = arith.addi %add3A_1684, %select_n3A_1690 : vector<16xi32>
              %iota3A_1692 = tpu.iota {dimensions = array<i32: 0>} : vector<16xi32>
              %xor3A_1693 = arith.constant 1 : i32
              %xor3A_1694 = vector.broadcast %xor3A_1693 : i32 to vector<16xi32>
              %xor3A_1695 = arith.xori %iota3A_1692, %xor3A_1694 : vector<16xi32>
              %lt3A_1696 = arith.constant 0 : i32
              %lt3A_1697 = vector.broadcast %lt3A_1696 : i32 to vector<16xi32>
              %lt3A_1698 = arith.cmpi slt, %xor3A_1695, %lt3A_1697 : vector<16xi32>
              %add3A_1699 = arith.constant 16 : i32
              %add3A_1700 = vector.broadcast %add3A_1699 : i32 to vector<16xi32>
              %add3A_1701 = arith.addi %xor3A_1695, %add3A_1700 : vector<16xi32>
              %select_n3A_1702 = arith.select %lt3A_1698, %add3A_1701, %xor3A_1695 : vector<16xi1>, vector<16xi32>
              %broadcast_in_dim3A_1703 = vector.shape_cast %select_n3A_1702 : vector<16xi32> to vector<16x1xi32>
              %gather3A_1704 = vector.shape_cast %broadcast_in_dim3A_1703 : vector<16x1xi32> to vector<16xi32>
              %gather3A_1705 = tpu.dynamic_gather %add3A_1691[%gather3A_1704] in [0] : vector<16xi32>, vector<16xi32> -> vector<16xi32>
              %add3A_1706 = arith.addi %add3A_1691, %gather3A_1705 : vector<16xi32>
              %iota3A_1707 = tpu.iota {dimensions = array<i32: 0>} : vector<16xi32>
              %xor3A_1708 = arith.constant 2 : i32
              %xor3A_1709 = vector.broadcast %xor3A_1708 : i32 to vector<16xi32>
              %xor3A_1710 = arith.xori %iota3A_1707, %xor3A_1709 : vector<16xi32>
              %lt3A_1711 = arith.constant 0 : i32
              %lt3A_1712 = vector.broadcast %lt3A_1711 : i32 to vector<16xi32>
              %lt3A_1713 = arith.cmpi slt, %xor3A_1710, %lt3A_1712 : vector<16xi32>
              %add3A_1714 = arith.constant 16 : i32
              %add3A_1715 = vector.broadcast %add3A_1714 : i32 to vector<16xi32>
              %add3A_1716 = arith.addi %xor3A_1710, %add3A_1715 : vector<16xi32>
              %select_n3A_1717 = arith.select %lt3A_1713, %add3A_1716, %xor3A_1710 : vector<16xi1>, vector<16xi32>
              %broadcast_in_dim3A_1718 = vector.shape_cast %select_n3A_1717 : vector<16xi32> to vector<16x1xi32>
              %gather3A_1719 = vector.shape_cast %broadcast_in_dim3A_1718 : vector<16x1xi32> to vector<16xi32>
              %gather3A_1720 = tpu.dynamic_gather %add3A_1706[%gather3A_1719] in [0] : vector<16xi32>, vector<16xi32> -> vector<16xi32>
              %add3A_1721 = arith.addi %add3A_1706, %gather3A_1720 : vector<16xi32>
              %iota3A_1722 = tpu.iota {dimensions = array<i32: 0>} : vector<16xi32>
              %xor3A_1723 = arith.constant 4 : i32
              %xor3A_1724 = vector.broadcast %xor3A_1723 : i32 to vector<16xi32>
              %xor3A_1725 = arith.xori %iota3A_1722, %xor3A_1724 : vector<16xi32>
              %lt3A_1726 = arith.constant 0 : i32
              %lt3A_1727 = vector.broadcast %lt3A_1726 : i32 to vector<16xi32>
              %lt3A_1728 = arith.cmpi slt, %xor3A_1725, %lt3A_1727 : vector<16xi32>
              %add3A_1729 = arith.constant 16 : i32
              %add3A_1730 = vector.broadcast %add3A_1729 : i32 to vector<16xi32>
              %add3A_1731 = arith.addi %xor3A_1725, %add3A_1730 : vector<16xi32>
              %select_n3A_1732 = arith.select %lt3A_1728, %add3A_1731, %xor3A_1725 : vector<16xi1>, vector<16xi32>
              %broadcast_in_dim3A_1733 = vector.shape_cast %select_n3A_1732 : vector<16xi32> to vector<16x1xi32>
              %gather3A_1734 = vector.shape_cast %broadcast_in_dim3A_1733 : vector<16x1xi32> to vector<16xi32>
              %gather3A_1735 = tpu.dynamic_gather %add3A_1721[%gather3A_1734] in [0] : vector<16xi32>, vector<16xi32> -> vector<16xi32>
              %add3A_1736 = arith.addi %add3A_1721, %gather3A_1735 : vector<16xi32>
              %iota3A_1737 = tpu.iota {dimensions = array<i32: 0>} : vector<16xi32>
              %xor3A_1738 = arith.constant 8 : i32
              %xor3A_1739 = vector.broadcast %xor3A_1738 : i32 to vector<16xi32>
              %xor3A_1740 = arith.xori %iota3A_1737, %xor3A_1739 : vector<16xi32>
              %lt3A_1741 = arith.constant 0 : i32
              %lt3A_1742 = vector.broadcast %lt3A_1741 : i32 to vector<16xi32>
              %lt3A_1743 = arith.cmpi slt, %xor3A_1740, %lt3A_1742 : vector<16xi32>
              %add3A_1744 = arith.constant 16 : i32
              %add3A_1745 = vector.broadcast %add3A_1744 : i32 to vector<16xi32>
              %add3A_1746 = arith.addi %xor3A_1740, %add3A_1745 : vector<16xi32>
              %select_n3A_1747 = arith.select %lt3A_1743, %add3A_1746, %xor3A_1740 : vector<16xi1>, vector<16xi32>
              %broadcast_in_dim3A_1748 = vector.shape_cast %select_n3A_1747 : vector<16xi32> to vector<16x1xi32>
              %gather3A_1749 = vector.shape_cast %broadcast_in_dim3A_1748 : vector<16x1xi32> to vector<16xi32>
              %gather3A_1750 = tpu.dynamic_gather %add3A_1736[%gather3A_1749] in [0] : vector<16xi32>, vector<16xi32> -> vector<16xi32>
              %add3A_1751 = arith.addi %add3A_1736, %gather3A_1750 : vector<16xi32>
              %slice3A_1752 = vector.extract_strided_slice %add3A_1751 {offsets = [0], sizes = [1], strides = [1]} : vector<16xi32> to vector<1xi32>
              %squeeze3A_1753 = vector.extract %slice3A_1752[0] : i32 from vector<1xi32>
              %gt3A_1754 = arith.constant 0 : i32
              %gt3A_1755 = arith.cmpi sgt, %scan3A_1408, %gt3A_1754 : i32
              %convert_element_type3A_1756 = arith.extui %gt3A_1755 : i1 to i32
              %cond3A_1757 = arith.constant 0 : i32
              %cond3A_1758 = arith.cmpi ne, %convert_element_type3A_1756, %cond3A_1757 : i32
              scf.if %cond3A_1758 {
                %swap3A_1890 = arith.index_cast %scan3A_1409 : i32 to index
                %swap3A_1891 = tpu.vector_load %arg8[%swap3A_1890] {strides = array<i32>} : memref<48xf32, #tpu.memory_space<vmem>>, vector<16xf32>,
                %swap3A_1892 = vector.shape_cast %swap3A_1891 : vector<16xf32> to vector<16xf32>
                %swap3A_1893 = vector.shape_cast %broadcast_in_dim3A_1552 : vector<16xf32> to vector<16xf32>
                tpu.vector_store %arg8[%swap3A_1890], %swap3A_1893 {strides = array<i32>} : memref<48xf32, #tpu.memory_space<vmem>>, vector<16xf32>,
              } else {
              }
              %jit3A_1759 = arith.constant 0xFF800000 : f32
              %select_n3A_1760 = arith.select %gt3A_1755, %jit3A_1759, %squeeze3A_1551 : f32
              %broadcast_in_dim3A_1761 = vector.broadcast %select_n3A_1760 : f32 to vector<16xf32>
              %eq3A_1762 = arith.cmpf oeq, %get3A_1413, %broadcast_in_dim3A_1552 : vector<16xf32>
              %select_n3A_1763 = arith.select %eq3A_1762, %broadcast_in_dim3A_1761, %get3A_1413 : vector<16xi1>, vector<16xf32>
              %swap3A_1764 = arith.constant 0 : index
              %swap3A_1765 = tpu.vector_load %arg7[%swap3A_1764] {strides = array<i32>} : memref<320xf32, #tpu.memory_space<vmem>>, vector<16xf32>,
              %swap3A_1766 = vector.shape_cast %swap3A_1765 : vector<16xf32> to vector<16xf32>
              %swap3A_1767 = vector.shape_cast %select_n3A_1763 : vector<16xf32> to vector<16xf32>
              tpu.vector_store %arg7[%swap3A_1764], %swap3A_1767 {strides = array<i32>} : memref<320xf32, #tpu.memory_space<vmem>>, vector<16xf32>,
              %eq3A_1768 = arith.cmpf oeq, %get3A_1416, %broadcast_in_dim3A_1552 : vector<16xf32>
              %select_n3A_1769 = arith.select %eq3A_1768, %broadcast_in_dim3A_1761, %get3A_1416 : vector<16xi1>, vector<16xf32>
              %swap3A_1770 = arith.constant 16 : index
              %swap3A_1771 = tpu.vector_load %arg7[%swap3A_1770] {strides = array<i32>} : memref<320xf32, #tpu.memory_space<vmem>>, vector<16xf32>,
              %swap3A_1772 = vector.shape_cast %swap3A_1771 : vector<16xf32> to vector<16xf32>
              %swap3A_1773 = vector.shape_cast %select_n3A_1769 : vector<16xf32> to vector<16xf32>
              tpu.vector_store %arg7[%swap3A_1770], %swap3A_1773 {strides = array<i32>} : memref<320xf32, #tpu.memory_space<vmem>>, vector<16xf32>,
              %eq3A_1774 = arith.cmpf oeq, %get3A_1419, %broadcast_in_dim3A_1552 : vector<16xf32>
              %select_n3A_1775 = arith.select %eq3A_1774, %broadcast_in_dim3A_1761, %get3A_1419 : vector<16xi1>, vector<16xf32>
              %swap3A_1776 = arith.constant 32 : index
              %swap3A_1777 = tpu.vector_load %arg7[%swap3A_1776] {strides = array<i32>} : memref<320xf32, #tpu.memory_space<vmem>>, vector<16xf32>,
              %swap3A_1778 = vector.shape_cast %swap3A_1777 : vector<16xf32> to vector<16xf32>
              %swap3A_1779 = vector.shape_cast %select_n3A_1775 : vector<16xf32> to vector<16xf32>
              tpu.vector_store %arg7[%swap3A_1776], %swap3A_1779 {strides = array<i32>} : memref<320xf32, #tpu.memory_space<vmem>>, vector<16xf32>,
              %eq3A_1780 = arith.cmpf oeq, %get3A_1422, %broadcast_in_dim3A_1552 : vector<16xf32>
              %select_n3A_1781 = arith.select %eq3A_1780, %broadcast_in_dim3A_1761, %get3A_1422 : vector<16xi1>, vector<16xf32>
              %swap3A_1782 = arith.constant 48 : index
              %swap3A_1783 = tpu.vector_load %arg7[%swap3A_1782] {strides = array<i32>} : memref<320xf32, #tpu.memory_space<vmem>>, vector<16xf32>,
              %swap3A_1784 = vector.shape_cast %swap3A_1783 : vector<16xf32> to vector<16xf32>
              %swap3A_1785 = vector.shape_cast %select_n3A_1781 : vector<16xf32> to vector<16xf32>
              tpu.vector_store %arg7[%swap3A_1782], %swap3A_1785 {strides = array<i32>} : memref<320xf32, #tpu.memory_space<vmem>>, vector<16xf32>,
              %eq3A_1786 = arith.cmpf oeq, %get3A_1425, %broadcast_in_dim3A_1552 : vector<16xf32>
              %select_n3A_1787 = arith.select %eq3A_1786, %broadcast_in_dim3A_1761, %get3A_1425 : vector<16xi1>, vector<16xf32>
              %swap3A_1788 = arith.constant 64 : index
              %swap3A_1789 = tpu.vector_load %arg7[%swap3A_1788] {strides = array<i32>} : memref<320xf32, #tpu.memory_space<vmem>>, vector<16xf32>,
              %swap3A_1790 = vector.shape_cast %swap3A_1789 : vector<16xf32> to vector<16xf32>
              %swap3A_1791 = vector.shape_cast %select_n3A_1787 : vector<16xf32> to vector<16xf32>
              tpu.vector_store %arg7[%swap3A_1788], %swap3A_1791 {strides = array<i32>} : memref<320xf32, #tpu.memory_space<vmem>>, vector<16xf32>,
              %eq3A_1792 = arith.cmpf oeq, %get3A_1428, %broadcast_in_dim3A_1552 : vector<16xf32>
              %select_n3A_1793 = arith.select %eq3A_1792, %broadcast_in_dim3A_1761, %get3A_1428 : vector<16xi1>, vector<16xf32>
              %swap3A_1794 = arith.constant 80 : index
              %swap3A_1795 = tpu.vector_load %arg7[%swap3A_1794] {strides = array<i32>} : memref<320xf32, #tpu.memory_space<vmem>>, vector<16xf32>,
              %swap3A_1796 = vector.shape_cast %swap3A_1795 : vector<16xf32> to vector<16xf32>
              %swap3A_1797 = vector.shape_cast %select_n3A_1793 : vector<16xf32> to vector<16xf32>
              tpu.vector_store %arg7[%swap3A_1794], %swap3A_1797 {strides = array<i32>} : memref<320xf32, #tpu.memory_space<vmem>>, vector<16xf32>,
              %eq3A_1798 = arith.cmpf oeq, %get3A_1431, %broadcast_in_dim3A_1552 : vector<16xf32>
              %select_n3A_1799 = arith.select %eq3A_1798, %broadcast_in_dim3A_1761, %get3A_1431 : vector<16xi1>, vector<16xf32>
              %swap3A_1800 = arith.constant 96 : index
              %swap3A_1801 = tpu.vector_load %arg7[%swap3A_1800] {strides = array<i32>} : memref<320xf32, #tpu.memory_space<vmem>>, vector<16xf32>,
              %swap3A_1802 = vector.shape_cast %swap3A_1801 : vector<16xf32> to vector<16xf32>
              %swap3A_1803 = vector.shape_cast %select_n3A_1799 : vector<16xf32> to vector<16xf32>
              tpu.vector_store %arg7[%swap3A_1800], %swap3A_1803 {strides = array<i32>} : memref<320xf32, #tpu.memory_space<vmem>>, vector<16xf32>,
              %eq3A_1804 = arith.cmpf oeq, %get3A_1434, %broadcast_in_dim3A_1552 : vector<16xf32>
              %select_n3A_1805 = arith.select %eq3A_1804, %broadcast_in_dim3A_1761, %get3A_1434 : vector<16xi1>, vector<16xf32>
              %swap3A_1806 = arith.constant 112 : index
              %swap3A_1807 = tpu.vector_load %arg7[%swap3A_1806] {strides = array<i32>} : memref<320xf32, #tpu.memory_space<vmem>>, vector<16xf32>,
              %swap3A_1808 = vector.shape_cast %swap3A_1807 : vector<16xf32> to vector<16xf32>
              %swap3A_1809 = vector.shape_cast %select_n3A_1805 : vector<16xf32> to vector<16xf32>
              tpu.vector_store %arg7[%swap3A_1806], %swap3A_1809 {strides = array<i32>} : memref<320xf32, #tpu.memory_space<vmem>>, vector<16xf32>,
              %eq3A_1810 = arith.cmpf oeq, %get3A_1437, %broadcast_in_dim3A_1552 : vector<16xf32>
              %select_n3A_1811 = arith.select %eq3A_1810, %broadcast_in_dim3A_1761, %get3A_1437 : vector<16xi1>, vector<16xf32>
              %swap3A_1812 = arith.constant 128 : index
              %swap3A_1813 = tpu.vector_load %arg7[%swap3A_1812] {strides = array<i32>} : memref<320xf32, #tpu.memory_space<vmem>>, vector<16xf32>,
              %swap3A_1814 = vector.shape_cast %swap3A_1813 : vector<16xf32> to vector<16xf32>
              %swap3A_1815 = vector.shape_cast %select_n3A_1811 : vector<16xf32> to vector<16xf32>
              tpu.vector_store %arg7[%swap3A_1812], %swap3A_1815 {strides = array<i32>} : memref<320xf32, #tpu.memory_space<vmem>>, vector<16xf32>,
              %eq3A_1816 = arith.cmpf oeq, %get3A_1440, %broadcast_in_dim3A_1552 : vector<16xf32>
              %select_n3A_1817 = arith.select %eq3A_1816, %broadcast_in_dim3A_1761, %get3A_1440 : vector<16xi1>, vector<16xf32>
              %swap3A_1818 = arith.constant 144 : index
              %swap3A_1819 = tpu.vector_load %arg7[%swap3A_1818] {strides = array<i32>} : memref<320xf32, #tpu.memory_space<vmem>>, vector<16xf32>,
              %swap3A_1820 = vector.shape_cast %swap3A_1819 : vector<16xf32> to vector<16xf32>
              %swap3A_1821 = vector.shape_cast %select_n3A_1817 : vector<16xf32> to vector<16xf32>
              tpu.vector_store %arg7[%swap3A_1818], %swap3A_1821 {strides = array<i32>} : memref<320xf32, #tpu.memory_space<vmem>>, vector<16xf32>,
              %eq3A_1822 = arith.cmpf oeq, %get3A_1443, %broadcast_in_dim3A_1552 : vector<16xf32>
              %select_n3A_1823 = arith.select %eq3A_1822, %broadcast_in_dim3A_1761, %get3A_1443 : vector<16xi1>, vector<16xf32>
              %swap3A_1824 = arith.constant 160 : index
              %swap3A_1825 = tpu.vector_load %arg7[%swap3A_1824] {strides = array<i32>} : memref<320xf32, #tpu.memory_space<vmem>>, vector<16xf32>,
              %swap3A_1826 = vector.shape_cast %swap3A_1825 : vector<16xf32> to vector<16xf32>
              %swap3A_1827 = vector.shape_cast %select_n3A_1823 : vector<16xf32> to vector<16xf32>
              tpu.vector_store %arg7[%swap3A_1824], %swap3A_1827 {strides = array<i32>} : memref<320xf32, #tpu.memory_space<vmem>>, vector<16xf32>,
              %eq3A_1828 = arith.cmpf oeq, %get3A_1446, %broadcast_in_dim3A_1552 : vector<16xf32>
              %select_n3A_1829 = arith.select %eq3A_1828, %broadcast_in_dim3A_1761, %get3A_1446 : vector<16xi1>, vector<16xf32>
              %swap3A_1830 = arith.constant 176 : index
              %swap3A_1831 = tpu.vector_load %arg7[%swap3A_1830] {strides = array<i32>} : memref<320xf32, #tpu.memory_space<vmem>>, vector<16xf32>,
              %swap3A_1832 = vector.shape_cast %swap3A_1831 : vector<16xf32> to vector<16xf32>
              %swap3A_1833 = vector.shape_cast %select_n3A_1829 : vector<16xf32> to vector<16xf32>
              tpu.vector_store %arg7[%swap3A_1830], %swap3A_1833 {strides = array<i32>} : memref<320xf32, #tpu.memory_space<vmem>>, vector<16xf32>,
              %eq3A_1834 = arith.cmpf oeq, %get3A_1449, %broadcast_in_dim3A_1552 : vector<16xf32>
              %select_n3A_1835 = arith.select %eq3A_1834, %broadcast_in_dim3A_1761, %get3A_1449 : vector<16xi1>, vector<16xf32>
              %swap3A_1836 = arith.constant 192 : index
              %swap3A_1837 = tpu.vector_load %arg7[%swap3A_1836] {strides = array<i32>} : memref<320xf32, #tpu.memory_space<vmem>>, vector<16xf32>,
              %swap3A_1838 = vector.shape_cast %swap3A_1837 : vector<16xf32> to vector<16xf32>
              %swap3A_1839 = vector.shape_cast %select_n3A_1835 : vector<16xf32> to vector<16xf32>
              tpu.vector_store %arg7[%swap3A_1836], %swap3A_1839 {strides = array<i32>} : memref<320xf32, #tpu.memory_space<vmem>>, vector<16xf32>,
              %eq3A_1840 = arith.cmpf oeq, %get3A_1452, %broadcast_in_dim3A_1552 : vector<16xf32>
              %select_n3A_1841 = arith.select %eq3A_1840, %broadcast_in_dim3A_1761, %get3A_1452 : vector<16xi1>, vector<16xf32>
              %swap3A_1842 = arith.constant 208 : index
              %swap3A_1843 = tpu.vector_load %arg7[%swap3A_1842] {strides = array<i32>} : memref<320xf32, #tpu.memory_space<vmem>>, vector<16xf32>,
              %swap3A_1844 = vector.shape_cast %swap3A_1843 : vector<16xf32> to vector<16xf32>
              %swap3A_1845 = vector.shape_cast %select_n3A_1841 : vector<16xf32> to vector<16xf32>
              tpu.vector_store %arg7[%swap3A_1842], %swap3A_1845 {strides = array<i32>} : memref<320xf32, #tpu.memory_space<vmem>>, vector<16xf32>,
              %eq3A_1846 = arith.cmpf oeq, %get3A_1455, %broadcast_in_dim3A_1552 : vector<16xf32>
              %select_n3A_1847 = arith.select %eq3A_1846, %broadcast_in_dim3A_1761, %get3A_1455 : vector<16xi1>, vector<16xf32>
              %swap3A_1848 = arith.constant 224 : index
              %swap3A_1849 = tpu.vector_load %arg7[%swap3A_1848] {strides = array<i32>} : memref<320xf32, #tpu.memory_space<vmem>>, vector<16xf32>,
              %swap3A_1850 = vector.shape_cast %swap3A_1849 : vector<16xf32> to vector<16xf32>
              %swap3A_1851 = vector.shape_cast %select_n3A_1847 : vector<16xf32> to vector<16xf32>
              tpu.vector_store %arg7[%swap3A_1848], %swap3A_1851 {strides = array<i32>} : memref<320xf32, #tpu.memory_space<vmem>>, vector<16xf32>,
              %eq3A_1852 = arith.cmpf oeq, %get3A_1458, %broadcast_in_dim3A_1552 : vector<16xf32>
              %select_n3A_1853 = arith.select %eq3A_1852, %broadcast_in_dim3A_1761, %get3A_1458 : vector<16xi1>, vector<16xf32>
              %swap3A_1854 = arith.constant 240 : index
              %swap3A_1855 = tpu.vector_load %arg7[%swap3A_1854] {strides = array<i32>} : memref<320xf32, #tpu.memory_space<vmem>>, vector<16xf32>,
              %swap3A_1856 = vector.shape_cast %swap3A_1855 : vector<16xf32> to vector<16xf32>
              %swap3A_1857 = vector.shape_cast %select_n3A_1853 : vector<16xf32> to vector<16xf32>
              tpu.vector_store %arg7[%swap3A_1854], %swap3A_1857 {strides = array<i32>} : memref<320xf32, #tpu.memory_space<vmem>>, vector<16xf32>,
              %eq3A_1858 = arith.cmpf oeq, %get3A_1461, %broadcast_in_dim3A_1552 : vector<16xf32>
              %select_n3A_1859 = arith.select %eq3A_1858, %broadcast_in_dim3A_1761, %get3A_1461 : vector<16xi1>, vector<16xf32>
              %swap3A_1860 = arith.constant 256 : index
              %swap3A_1861 = tpu.vector_load %arg7[%swap3A_1860] {strides = array<i32>} : memref<320xf32, #tpu.memory_space<vmem>>, vector<16xf32>,
              %swap3A_1862 = vector.shape_cast %swap3A_1861 : vector<16xf32> to vector<16xf32>
              %swap3A_1863 = vector.shape_cast %select_n3A_1859 : vector<16xf32> to vector<16xf32>
              tpu.vector_store %arg7[%swap3A_1860], %swap3A_1863 {strides = array<i32>} : memref<320xf32, #tpu.memory_space<vmem>>, vector<16xf32>,
              %eq3A_1864 = arith.cmpf oeq, %get3A_1464, %broadcast_in_dim3A_1552 : vector<16xf32>
              %select_n3A_1865 = arith.select %eq3A_1864, %broadcast_in_dim3A_1761, %get3A_1464 : vector<16xi1>, vector<16xf32>
              %swap3A_1866 = arith.constant 272 : index
              %swap3A_1867 = tpu.vector_load %arg7[%swap3A_1866] {strides = array<i32>} : memref<320xf32, #tpu.memory_space<vmem>>, vector<16xf32>,
              %swap3A_1868 = vector.shape_cast %swap3A_1867 : vector<16xf32> to vector<16xf32>
              %swap3A_1869 = vector.shape_cast %select_n3A_1865 : vector<16xf32> to vector<16xf32>
              tpu.vector_store %arg7[%swap3A_1866], %swap3A_1869 {strides = array<i32>} : memref<320xf32, #tpu.memory_space<vmem>>, vector<16xf32>,
              %eq3A_1870 = arith.cmpf oeq, %get3A_1467, %broadcast_in_dim3A_1552 : vector<16xf32>
              %select_n3A_1871 = arith.select %eq3A_1870, %broadcast_in_dim3A_1761, %get3A_1467 : vector<16xi1>, vector<16xf32>
              %swap3A_1872 = arith.constant 288 : index
              %swap3A_1873 = tpu.vector_load %arg7[%swap3A_1872] {strides = array<i32>} : memref<320xf32, #tpu.memory_space<vmem>>, vector<16xf32>,
              %swap3A_1874 = vector.shape_cast %swap3A_1873 : vector<16xf32> to vector<16xf32>
              %swap3A_1875 = vector.shape_cast %select_n3A_1871 : vector<16xf32> to vector<16xf32>
              tpu.vector_store %arg7[%swap3A_1872], %swap3A_1875 {strides = array<i32>} : memref<320xf32, #tpu.memory_space<vmem>>, vector<16xf32>,
              %eq3A_1876 = arith.cmpf oeq, %get3A_1470, %broadcast_in_dim3A_1552 : vector<16xf32>
              %select_n3A_1877 = arith.select %eq3A_1876, %broadcast_in_dim3A_1761, %get3A_1470 : vector<16xi1>, vector<16xf32>
              %swap3A_1878 = arith.constant 304 : index
              %swap3A_1879 = tpu.vector_load %arg7[%swap3A_1878] {strides = array<i32>} : memref<320xf32, #tpu.memory_space<vmem>>, vector<16xf32>,
              %swap3A_1880 = vector.shape_cast %swap3A_1879 : vector<16xf32> to vector<16xf32>
              %swap3A_1881 = vector.shape_cast %select_n3A_1877 : vector<16xf32> to vector<16xf32>
              tpu.vector_store %arg7[%swap3A_1878], %swap3A_1881 {strides = array<i32>} : memref<320xf32, #tpu.memory_space<vmem>>, vector<16xf32>,
              %add3A_1882 = arith.addi %scan3A_1409, %squeeze3A_1753 : i32
              %min3A_1883 = arith.constant 25 : i32
              %min3A_1884 = arith.minsi %add3A_1882, %min3A_1883 : i32
              %select_n3A_1885 = arith.select %gt3A_1755, %min3A_1884, %scan3A_1409 : i32
              %jit3A_1886 = arith.constant 0 : i32
              %select_n3A_1887 = arith.select %gt3A_1755, %squeeze3A_1753, %jit3A_1886 : i32
              %sub3A_1888 = arith.subi %scan3A_1408, %select_n3A_1887 : i32
              %select_n3A_1889 = arith.select %gt3A_1755, %squeeze3A_1551, %scan3A_1410 : f32
              scf.yield %sub3A_1888, %select_n3A_1885, %select_n3A_1889 : i32, i32, f32
            }
            %scan3A_1321 = arith.constant 25 : i32
            %swap3A_1322 = arith.constant 25 : index
            %swap3A_1323 = tpu.vector_load %arg8[%swap3A_1322] {strides = array<i32>} : memref<48xf32, #tpu.memory_space<vmem>>, vector<16xf32>,
            %swap3A_1324 = vector.shape_cast %swap3A_1323 : vector<16xf32> to vector<16xf32>
            %swap3A_1325 = vector.shape_cast %broadcast_in_dim3A_0 : vector<16xf32> to vector<16xf32>
            tpu.vector_store %arg8[%swap3A_1322], %swap3A_1325 {strides = array<i32>} : memref<48xf32, #tpu.memory_space<vmem>>, vector<16xf32>,
            %swap3A_1326 = arith.constant 0 : index
            %swap3A_1327 = tpu.vector_load %arg7[%swap3A_1326] {strides = array<i32>} : memref<320xf32, #tpu.memory_space<vmem>>, vector<16xf32>,
            %swap3A_1328 = vector.shape_cast %swap3A_1327 : vector<16xf32> to vector<16xf32>
            %swap3A_1329 = vector.shape_cast %broadcast_in_dim3A_0 : vector<16xf32> to vector<16xf32>
            tpu.vector_store %arg7[%swap3A_1326], %swap3A_1329 {strides = array<i32>} : memref<320xf32, #tpu.memory_space<vmem>>, vector<16xf32>,
            %swap3A_1330 = arith.constant 16 : index
            %swap3A_1331 = tpu.vector_load %arg7[%swap3A_1330] {strides = array<i32>} : memref<320xf32, #tpu.memory_space<vmem>>, vector<16xf32>,
            %swap3A_1332 = vector.shape_cast %swap3A_1331 : vector<16xf32> to vector<16xf32>
            %swap3A_1333 = vector.shape_cast %broadcast_in_dim3A_0 : vector<16xf32> to vector<16xf32>
            tpu.vector_store %arg7[%swap3A_1330], %swap3A_1333 {strides = array<i32>} : memref<320xf32, #tpu.memory_space<vmem>>, vector<16xf32>,
            %swap3A_1334 = arith.constant 32 : index
            %swap3A_1335 = tpu.vector_load %arg7[%swap3A_1334] {strides = array<i32>} : memref<320xf32, #tpu.memory_space<vmem>>, vector<16xf32>,
            %swap3A_1336 = vector.shape_cast %swap3A_1335 : vector<16xf32> to vector<16xf32>
            %swap3A_1337 = vector.shape_cast %broadcast_in_dim3A_0 : vector<16xf32> to vector<16xf32>
            tpu.vector_store %arg7[%swap3A_1334], %swap3A_1337 {strides = array<i32>} : memref<320xf32, #tpu.memory_space<vmem>>, vector<16xf32>,
            %swap3A_1338 = arith.constant 48 : index
            %swap3A_1339 = tpu.vector_load %arg7[%swap3A_1338] {strides = array<i32>} : memref<320xf32, #tpu.memory_space<vmem>>, vector<16xf32>,
            %swap3A_1340 = vector.shape_cast %swap3A_1339 : vector<16xf32> to vector<16xf32>
            %swap3A_1341 = vector.shape_cast %broadcast_in_dim3A_0 : vector<16xf32> to vector<16xf32>
            tpu.vector_store %arg7[%swap3A_1338], %swap3A_1341 {strides = array<i32>} : memref<320xf32, #tpu.memory_space<vmem>>, vector<16xf32>,
            %swap3A_1342 = arith.constant 64 : index
            %swap3A_1343 = tpu.vector_load %arg7[%swap3A_1342] {strides = array<i32>} : memref<320xf32, #tpu.memory_space<vmem>>, vector<16xf32>,
            %swap3A_1344 = vector.shape_cast %swap3A_1343 : vector<16xf32> to vector<16xf32>
            %swap3A_1345 = vector.shape_cast %broadcast_in_dim3A_0 : vector<16xf32> to vector<16xf32>
            tpu.vector_store %arg7[%swap3A_1342], %swap3A_1345 {strides = array<i32>} : memref<320xf32, #tpu.memory_space<vmem>>, vector<16xf32>,
            %swap3A_1346 = arith.constant 80 : index
            %swap3A_1347 = tpu.vector_load %arg7[%swap3A_1346] {strides = array<i32>} : memref<320xf32, #tpu.memory_space<vmem>>, vector<16xf32>,
            %swap3A_1348 = vector.shape_cast %swap3A_1347 : vector<16xf32> to vector<16xf32>
            %swap3A_1349 = vector.shape_cast %broadcast_in_dim3A_0 : vector<16xf32> to vector<16xf32>
            tpu.vector_store %arg7[%swap3A_1346], %swap3A_1349 {strides = array<i32>} : memref<320xf32, #tpu.memory_space<vmem>>, vector<16xf32>,
            %swap3A_1350 = arith.constant 96 : index
            %swap3A_1351 = tpu.vector_load %arg7[%swap3A_1350] {strides = array<i32>} : memref<320xf32, #tpu.memory_space<vmem>>, vector<16xf32>,
            %swap3A_1352 = vector.shape_cast %swap3A_1351 : vector<16xf32> to vector<16xf32>
            %swap3A_1353 = vector.shape_cast %broadcast_in_dim3A_0 : vector<16xf32> to vector<16xf32>
            tpu.vector_store %arg7[%swap3A_1350], %swap3A_1353 {strides = array<i32>} : memref<320xf32, #tpu.memory_space<vmem>>, vector<16xf32>,
            %swap3A_1354 = arith.constant 112 : index
            %swap3A_1355 = tpu.vector_load %arg7[%swap3A_1354] {strides = array<i32>} : memref<320xf32, #tpu.memory_space<vmem>>, vector<16xf32>,
            %swap3A_1356 = vector.shape_cast %swap3A_1355 : vector<16xf32> to vector<16xf32>
            %swap3A_1357 = vector.shape_cast %broadcast_in_dim3A_0 : vector<16xf32> to vector<16xf32>
            tpu.vector_store %arg7[%swap3A_1354], %swap3A_1357 {strides = array<i32>} : memref<320xf32, #tpu.memory_space<vmem>>, vector<16xf32>,
            %swap3A_1358 = arith.constant 128 : index
            %swap3A_1359 = tpu.vector_load %arg7[%swap3A_1358] {strides = array<i32>} : memref<320xf32, #tpu.memory_space<vmem>>, vector<16xf32>,
            %swap3A_1360 = vector.shape_cast %swap3A_1359 : vector<16xf32> to vector<16xf32>
            %swap3A_1361 = vector.shape_cast %broadcast_in_dim3A_0 : vector<16xf32> to vector<16xf32>
            tpu.vector_store %arg7[%swap3A_1358], %swap3A_1361 {strides = array<i32>} : memref<320xf32, #tpu.memory_space<vmem>>, vector<16xf32>,
            %swap3A_1362 = arith.constant 144 : index
            %swap3A_1363 = tpu.vector_load %arg7[%swap3A_1362] {strides = array<i32>} : memref<320xf32, #tpu.memory_space<vmem>>, vector<16xf32>,
            %swap3A_1364 = vector.shape_cast %swap3A_1363 : vector<16xf32> to vector<16xf32>
            %swap3A_1365 = vector.shape_cast %broadcast_in_dim3A_0 : vector<16xf32> to vector<16xf32>
            tpu.vector_store %arg7[%swap3A_1362], %swap3A_1365 {strides = array<i32>} : memref<320xf32, #tpu.memory_space<vmem>>, vector<16xf32>,
            %swap3A_1366 = arith.constant 160 : index
            %swap3A_1367 = tpu.vector_load %arg7[%swap3A_1366] {strides = array<i32>} : memref<320xf32, #tpu.memory_space<vmem>>, vector<16xf32>,
            %swap3A_1368 = vector.shape_cast %swap3A_1367 : vector<16xf32> to vector<16xf32>
            %swap3A_1369 = vector.shape_cast %broadcast_in_dim3A_0 : vector<16xf32> to vector<16xf32>
            tpu.vector_store %arg7[%swap3A_1366], %swap3A_1369 {strides = array<i32>} : memref<320xf32, #tpu.memory_space<vmem>>, vector<16xf32>,
            %swap3A_1370 = arith.constant 176 : index
            %swap3A_1371 = tpu.vector_load %arg7[%swap3A_1370] {strides = array<i32>} : memref<320xf32, #tpu.memory_space<vmem>>, vector<16xf32>,
            %swap3A_1372 = vector.shape_cast %swap3A_1371 : vector<16xf32> to vector<16xf32>
            %swap3A_1373 = vector.shape_cast %broadcast_in_dim3A_0 : vector<16xf32> to vector<16xf32>
            tpu.vector_store %arg7[%swap3A_1370], %swap3A_1373 {strides = array<i32>} : memref<320xf32, #tpu.memory_space<vmem>>, vector<16xf32>,
            %swap3A_1374 = arith.constant 192 : index
            %swap3A_1375 = tpu.vector_load %arg7[%swap3A_1374] {strides = array<i32>} : memref<320xf32, #tpu.memory_space<vmem>>, vector<16xf32>,
            %swap3A_1376 = vector.shape_cast %swap3A_1375 : vector<16xf32> to vector<16xf32>
            %swap3A_1377 = vector.shape_cast %broadcast_in_dim3A_0 : vector<16xf32> to vector<16xf32>
            tpu.vector_store %arg7[%swap3A_1374], %swap3A_1377 {strides = array<i32>} : memref<320xf32, #tpu.memory_space<vmem>>, vector<16xf32>,
            %swap3A_1378 = arith.constant 208 : index
            %swap3A_1379 = tpu.vector_load %arg7[%swap3A_1378] {strides = array<i32>} : memref<320xf32, #tpu.memory_space<vmem>>, vector<16xf32>,
            %swap3A_1380 = vector.shape_cast %swap3A_1379 : vector<16xf32> to vector<16xf32>
            %swap3A_1381 = vector.shape_cast %broadcast_in_dim3A_0 : vector<16xf32> to vector<16xf32>
            tpu.vector_store %arg7[%swap3A_1378], %swap3A_1381 {strides = array<i32>} : memref<320xf32, #tpu.memory_space<vmem>>, vector<16xf32>,
            %swap3A_1382 = arith.constant 224 : index
            %swap3A_1383 = tpu.vector_load %arg7[%swap3A_1382] {strides = array<i32>} : memref<320xf32, #tpu.memory_space<vmem>>, vector<16xf32>,
            %swap3A_1384 = vector.shape_cast %swap3A_1383 : vector<16xf32> to vector<16xf32>
            %swap3A_1385 = vector.shape_cast %broadcast_in_dim3A_0 : vector<16xf32> to vector<16xf32>
            tpu.vector_store %arg7[%swap3A_1382], %swap3A_1385 {strides = array<i32>} : memref<320xf32, #tpu.memory_space<vmem>>, vector<16xf32>,
            %swap3A_1386 = arith.constant 240 : index
            %swap3A_1387 = tpu.vector_load %arg7[%swap3A_1386] {strides = array<i32>} : memref<320xf32, #tpu.memory_space<vmem>>, vector<16xf32>,
            %swap3A_1388 = vector.shape_cast %swap3A_1387 : vector<16xf32> to vector<16xf32>
            %swap3A_1389 = vector.shape_cast %broadcast_in_dim3A_0 : vector<16xf32> to vector<16xf32>
            tpu.vector_store %arg7[%swap3A_1386], %swap3A_1389 {strides = array<i32>} : memref<320xf32, #tpu.memory_space<vmem>>, vector<16xf32>,
            %swap3A_1390 = arith.constant 256 : index
            %swap3A_1391 = tpu.vector_load %arg7[%swap3A_1390] {strides = array<i32>} : memref<320xf32, #tpu.memory_space<vmem>>, vector<16xf32>,
            %swap3A_1392 = vector.shape_cast %swap3A_1391 : vector<16xf32> to vector<16xf32>
            %swap3A_1393 = vector.shape_cast %broadcast_in_dim3A_0 : vector<16xf32> to vector<16xf32>
            tpu.vector_store %arg7[%swap3A_1390], %swap3A_1393 {strides = array<i32>} : memref<320xf32, #tpu.memory_space<vmem>>, vector<16xf32>,
            %swap3A_1394 = arith.constant 272 : index
            %swap3A_1395 = tpu.vector_load %arg7[%swap3A_1394] {strides = array<i32>} : memref<320xf32, #tpu.memory_space<vmem>>, vector<16xf32>,
            %swap3A_1396 = vector.shape_cast %swap3A_1395 : vector<16xf32> to vector<16xf32>
            %swap3A_1397 = vector.shape_cast %broadcast_in_dim3A_0 : vector<16xf32> to vector<16xf32>
            tpu.vector_store %arg7[%swap3A_1394], %swap3A_1397 {strides = array<i32>} : memref<320xf32, #tpu.memory_space<vmem>>, vector<16xf32>,
            %swap3A_1398 = arith.constant 288 : index
            %swap3A_1399 = tpu.vector_load %arg7[%swap3A_1398] {strides = array<i32>} : memref<320xf32, #tpu.memory_space<vmem>>, vector<16xf32>,
            %swap3A_1400 = vector.shape_cast %swap3A_1399 : vector<16xf32> to vector<16xf32>
            %swap3A_1401 = vector.shape_cast %broadcast_in_dim3A_0 : vector<16xf32> to vector<16xf32>
            tpu.vector_store %arg7[%swap3A_1398], %swap3A_1401 {strides = array<i32>} : memref<320xf32, #tpu.memory_space<vmem>>, vector<16xf32>,
            %swap3A_1402 = arith.constant 304 : index
            %swap3A_1403 = tpu.vector_load %arg7[%swap3A_1402] {strides = array<i32>} : memref<320xf32, #tpu.memory_space<vmem>>, vector<16xf32>,
            %swap3A_1404 = vector.shape_cast %swap3A_1403 : vector<16xf32> to vector<16xf32>
            %swap3A_1405 = vector.shape_cast %broadcast_in_dim3A_0 : vector<16xf32> to vector<16xf32>
            tpu.vector_store %arg7[%swap3A_1402], %swap3A_1405 {strides = array<i32>} : memref<320xf32, #tpu.memory_space<vmem>>, vector<16xf32>,
            %cond3A_1406 = arith.constant 0 : i32
            scf.yield %cond3A_1406, %scan3A_1320#2 : i32, f32
          } else {
            scf.yield %select_n3A_1209, %scan3A_409 : i32, f32
          }
          %eq3A_1215 = vector.broadcast %squeeze3A_612 : i32 to vector<16xi32>
          %eq3A_1216 = arith.cmpi eq, %iota3A, %eq3A_1215 : vector<16xi32>
          %select_n3A_1217 = arith.select %eq3A_1216, %broadcast_in_dim3A_0, %get3A_484 : vector<16xi1>, vector<16xf32>
          %mul3A_1218 = arith.constant 16 : i32
          %mul3A_1219 = arith.muli %scan3A_407, %mul3A_1218 : i32
          %swap3A_1220 = arith.index_cast %mul3A_1219 : i32 to index
          %swap3A_1221 = tpu.vector_load %arg6[%swap3A_1220] {strides = array<i32>} : memref<896xf32, #tpu.memory_space<vmem>>, vector<16xf32>,
          %swap3A_1222 = vector.shape_cast %swap3A_1221 : vector<16xf32> to vector<16xf32>
          %swap3A_1223 = vector.shape_cast %select_n3A_1217 : vector<16xf32> to vector<16xf32>
          tpu.vector_store %arg6[%swap3A_1220], %swap3A_1223 {strides = array<i32>} : memref<896xf32, #tpu.memory_space<vmem>>, vector<16xf32>,
          %mul3A_1224 = arith.constant 16 : i32
          %mul3A_1225 = arith.muli %scan3A_407, %mul3A_1224 : i32
          %get3A_1226 = arith.index_cast %mul3A_1225 : i32 to index
          %get3A_1227 = tpu.vector_load %arg6[%get3A_1226] {strides = array<i32>} : memref<896xf32, #tpu.memory_space<vmem>>, vector<16xf32>,
          %get3A_1228 = vector.shape_cast %get3A_1227 : vector<16xf32> to vector<16xf32>
          %iota3A_1229 = tpu.iota {dimensions = array<i32: 0>} : vector<16xi32>
          %xor3A_1230 = arith.constant 1 : i32
          %xor3A_1231 = vector.broadcast %xor3A_1230 : i32 to vector<16xi32>
          %xor3A_1232 = arith.xori %iota3A_1229, %xor3A_1231 : vector<16xi32>
          %lt3A_1233 = arith.constant 0 : i32
          %lt3A_1234 = vector.broadcast %lt3A_1233 : i32 to vector<16xi32>
          %lt3A_1235 = arith.cmpi slt, %xor3A_1232, %lt3A_1234 : vector<16xi32>
          %add3A_1236 = arith.constant 16 : i32
          %add3A_1237 = vector.broadcast %add3A_1236 : i32 to vector<16xi32>
          %add3A_1238 = arith.addi %xor3A_1232, %add3A_1237 : vector<16xi32>
          %select_n3A_1239 = arith.select %lt3A_1235, %add3A_1238, %xor3A_1232 : vector<16xi1>, vector<16xi32>
          %broadcast_in_dim3A_1240 = vector.shape_cast %select_n3A_1239 : vector<16xi32> to vector<16x1xi32>
          %gather3A_1241 = vector.shape_cast %broadcast_in_dim3A_1240 : vector<16x1xi32> to vector<16xi32>
          %gather3A_1242 = tpu.dynamic_gather %get3A_1228[%gather3A_1241] in [0] : vector<16xf32>, vector<16xi32> -> vector<16xf32>
          %max3A_1243 = arith.maximumf %get3A_1228, %gather3A_1242 : vector<16xf32>
          %iota3A_1244 = tpu.iota {dimensions = array<i32: 0>} : vector<16xi32>
          %xor3A_1245 = arith.constant 2 : i32
          %xor3A_1246 = vector.broadcast %xor3A_1245 : i32 to vector<16xi32>
          %xor3A_1247 = arith.xori %iota3A_1244, %xor3A_1246 : vector<16xi32>
          %lt3A_1248 = arith.constant 0 : i32
          %lt3A_1249 = vector.broadcast %lt3A_1248 : i32 to vector<16xi32>
          %lt3A_1250 = arith.cmpi slt, %xor3A_1247, %lt3A_1249 : vector<16xi32>
          %add3A_1251 = arith.constant 16 : i32
          %add3A_1252 = vector.broadcast %add3A_1251 : i32 to vector<16xi32>
          %add3A_1253 = arith.addi %xor3A_1247, %add3A_1252 : vector<16xi32>
          %select_n3A_1254 = arith.select %lt3A_1250, %add3A_1253, %xor3A_1247 : vector<16xi1>, vector<16xi32>
          %broadcast_in_dim3A_1255 = vector.shape_cast %select_n3A_1254 : vector<16xi32> to vector<16x1xi32>
          %gather3A_1256 = vector.shape_cast %broadcast_in_dim3A_1255 : vector<16x1xi32> to vector<16xi32>
          %gather3A_1257 = tpu.dynamic_gather %max3A_1243[%gather3A_1256] in [0] : vector<16xf32>, vector<16xi32> -> vector<16xf32>
          %max3A_1258 = arith.maximumf %max3A_1243, %gather3A_1257 : vector<16xf32>
          %iota3A_1259 = tpu.iota {dimensions = array<i32: 0>} : vector<16xi32>
          %xor3A_1260 = arith.constant 4 : i32
          %xor3A_1261 = vector.broadcast %xor3A_1260 : i32 to vector<16xi32>
          %xor3A_1262 = arith.xori %iota3A_1259, %xor3A_1261 : vector<16xi32>
          %lt3A_1263 = arith.constant 0 : i32
          %lt3A_1264 = vector.broadcast %lt3A_1263 : i32 to vector<16xi32>
          %lt3A_1265 = arith.cmpi slt, %xor3A_1262, %lt3A_1264 : vector<16xi32>
          %add3A_1266 = arith.constant 16 : i32
          %add3A_1267 = vector.broadcast %add3A_1266 : i32 to vector<16xi32>
          %add3A_1268 = arith.addi %xor3A_1262, %add3A_1267 : vector<16xi32>
          %select_n3A_1269 = arith.select %lt3A_1265, %add3A_1268, %xor3A_1262 : vector<16xi1>, vector<16xi32>
          %broadcast_in_dim3A_1270 = vector.shape_cast %select_n3A_1269 : vector<16xi32> to vector<16x1xi32>
          %gather3A_1271 = vector.shape_cast %broadcast_in_dim3A_1270 : vector<16x1xi32> to vector<16xi32>
          %gather3A_1272 = tpu.dynamic_gather %max3A_1258[%gather3A_1271] in [0] : vector<16xf32>, vector<16xi32> -> vector<16xf32>
          %max3A_1273 = arith.maximumf %max3A_1258, %gather3A_1272 : vector<16xf32>
          %iota3A_1274 = tpu.iota {dimensions = array<i32: 0>} : vector<16xi32>
          %xor3A_1275 = arith.constant 8 : i32
          %xor3A_1276 = vector.broadcast %xor3A_1275 : i32 to vector<16xi32>
          %xor3A_1277 = arith.xori %iota3A_1274, %xor3A_1276 : vector<16xi32>
          %lt3A_1278 = arith.constant 0 : i32
          %lt3A_1279 = vector.broadcast %lt3A_1278 : i32 to vector<16xi32>
          %lt3A_1280 = arith.cmpi slt, %xor3A_1277, %lt3A_1279 : vector<16xi32>
          %add3A_1281 = arith.constant 16 : i32
          %add3A_1282 = vector.broadcast %add3A_1281 : i32 to vector<16xi32>
          %add3A_1283 = arith.addi %xor3A_1277, %add3A_1282 : vector<16xi32>
          %select_n3A_1284 = arith.select %lt3A_1280, %add3A_1283, %xor3A_1277 : vector<16xi1>, vector<16xi32>
          %broadcast_in_dim3A_1285 = vector.shape_cast %select_n3A_1284 : vector<16xi32> to vector<16x1xi32>
          %gather3A_1286 = vector.shape_cast %broadcast_in_dim3A_1285 : vector<16x1xi32> to vector<16xi32>
          %gather3A_1287 = tpu.dynamic_gather %max3A_1273[%gather3A_1286] in [0] : vector<16xf32>, vector<16xi32> -> vector<16xf32>
          %max3A_1288 = arith.maximumf %max3A_1273, %gather3A_1287 : vector<16xf32>
          %slice3A_1289 = vector.extract_strided_slice %max3A_1288 {offsets = [0], sizes = [1], strides = [1]} : vector<16xf32> to vector<1xf32>
          %squeeze3A_1290 = vector.extract %slice3A_1289[0] : f32 from vector<1xf32>
          %gt3A_1291 = arith.cmpf ogt, %squeeze3A_1290, %cond3A_1214#1 : f32
          %convert_element_type3A_1292 = arith.extui %gt3A_1291 : i1 to i32
          %cond3A_1293 = arith.constant 0 : i32
          %cond3A_1294 = arith.cmpi ne, %convert_element_type3A_1292, %cond3A_1293 : i32
          %cond3A_1295:2 = scf.if %cond3A_1294 -> (i32, f32) {
            %scan3A_1296 = arith.constant 0 : i32
            %scan3A_1297 = arith.constant 16 : i32
            %scan3A_1298 = arith.addi %scan3A_1296, %scan3A_1297 : i32
            %scan3A_1299 = arith.constant 1 : i32
            %scan3A_1300:2 = scf.for %scan3A_1302 = %scan3A_1296 to %scan3A_1298 step %scan3A_1299 iter_args(%scan3A_1303 = %cond3A_1214#0, %scan3A_1304 = %cond3A_1214#1) -> (i32, f32)  : i32 {
              %mul3A_1305 = arith.constant 16 : i32
              %mul3A_1306 = arith.muli %scan3A_407, %mul3A_1305 : i32
              %get3A_1307 = arith.index_cast %mul3A_1306 : i32 to index
              %get3A_1308 = tpu.vector_load %arg6[%get3A_1307] {strides = array<i32>} : memref<896xf32, #tpu.memory_space<vmem>>, vector<16xf32>,
              %get3A_1309 = vector.shape_cast %get3A_1308 : vector<16xf32> to vector<16xf32>
              %iota3A_1310 = tpu.iota {dimensions = array<i32: 0>} : vector<16xi32>
              %xor3A_1311 = arith.constant 1 : i32
              %xor3A_1312 = vector.broadcast %xor3A_1311 : i32 to vector<16xi32>
              %xor3A_1313 = arith.xori %iota3A_1310, %xor3A_1312 : vector<16xi32>
              %lt3A_1314 = arith.constant 0 : i32
              %lt3A_1315 = vector.broadcast %lt3A_1314 : i32 to vector<16xi32>
              %lt3A_1316 = arith.cmpi slt, %xor3A_1313, %lt3A_1315 : vector<16xi32>
              %add3A_1317 = arith.constant 16 : i32
              %add3A_1318 = vector.broadcast %add3A_1317 : i32 to vector<16xi32>
              %add3A_1319 = arith.addi %xor3A_1313, %add3A_1318 : vector<16xi32>
              %select_n3A_1320 = arith.select %lt3A_1316, %add3A_1319, %xor3A_1313 : vector<16xi1>, vector<16xi32>
              %broadcast_in_dim3A_1321 = vector.shape_cast %select_n3A_1320 : vector<16xi32> to vector<16x1xi32>
              %gather3A_1322 = vector.shape_cast %broadcast_in_dim3A_1321 : vector<16x1xi32> to vector<16xi32>
              %gather3A_1323 = tpu.dynamic_gather %get3A_1309[%gather3A_1322] in [0] : vector<16xf32>, vector<16xi32> -> vector<16xf32>
              %max3A_1324 = arith.maximumf %get3A_1309, %gather3A_1323 : vector<16xf32>
              %iota3A_1325 = tpu.iota {dimensions = array<i32: 0>} : vector<16xi32>
              %xor3A_1326 = arith.constant 2 : i32
              %xor3A_1327 = vector.broadcast %xor3A_1326 : i32 to vector<16xi32>
              %xor3A_1328 = arith.xori %iota3A_1325, %xor3A_1327 : vector<16xi32>
              %lt3A_1329 = arith.constant 0 : i32
              %lt3A_1330 = vector.broadcast %lt3A_1329 : i32 to vector<16xi32>
              %lt3A_1331 = arith.cmpi slt, %xor3A_1328, %lt3A_1330 : vector<16xi32>
              %add3A_1332 = arith.constant 16 : i32
              %add3A_1333 = vector.broadcast %add3A_1332 : i32 to vector<16xi32>
              %add3A_1334 = arith.addi %xor3A_1328, %add3A_1333 : vector<16xi32>
              %select_n3A_1335 = arith.select %lt3A_1331, %add3A_1334, %xor3A_1328 : vector<16xi1>, vector<16xi32>
              %broadcast_in_dim3A_1336 = vector.shape_cast %select_n3A_1335 : vector<16xi32> to vector<16x1xi32>
              %gather3A_1337 = vector.shape_cast %broadcast_in_dim3A_1336 : vector<16x1xi32> to vector<16xi32>
              %gather3A_1338 = tpu.dynamic_gather %max3A_1324[%gather3A_1337] in [0] : vector<16xf32>, vector<16xi32> -> vector<16xf32>
              %max3A_1339 = arith.maximumf %max3A_1324, %gather3A_1338 : vector<16xf32>
              %iota3A_1340 = tpu.iota {dimensions = array<i32: 0>} : vector<16xi32>
              %xor3A_1341 = arith.constant 4 : i32
              %xor3A_1342 = vector.broadcast %xor3A_1341 : i32 to vector<16xi32>
              %xor3A_1343 = arith.xori %iota3A_1340, %xor3A_1342 : vector<16xi32>
              %lt3A_1344 = arith.constant 0 : i32
              %lt3A_1345 = vector.broadcast %lt3A_1344 : i32 to vector<16xi32>
              %lt3A_1346 = arith.cmpi slt, %xor3A_1343, %lt3A_1345 : vector<16xi32>
              %add3A_1347 = arith.constant 16 : i32
              %add3A_1348 = vector.broadcast %add3A_1347 : i32 to vector<16xi32>
              %add3A_1349 = arith.addi %xor3A_1343, %add3A_1348 : vector<16xi32>
              %select_n3A_1350 = arith.select %lt3A_1346, %add3A_1349, %xor3A_1343 : vector<16xi1>, vector<16xi32>
              %broadcast_in_dim3A_1351 = vector.shape_cast %select_n3A_1350 : vector<16xi32> to vector<16x1xi32>
              %gather3A_1352 = vector.shape_cast %broadcast_in_dim3A_1351 : vector<16x1xi32> to vector<16xi32>
              %gather3A_1353 = tpu.dynamic_gather %max3A_1339[%gather3A_1352] in [0] : vector<16xf32>, vector<16xi32> -> vector<16xf32>
              %max3A_1354 = arith.maximumf %max3A_1339, %gather3A_1353 : vector<16xf32>
              %iota3A_1355 = tpu.iota {dimensions = array<i32: 0>} : vector<16xi32>
              %xor3A_1356 = arith.constant 8 : i32
              %xor3A_1357 = vector.broadcast %xor3A_1356 : i32 to vector<16xi32>
              %xor3A_1358 = arith.xori %iota3A_1355, %xor3A_1357 : vector<16xi32>
              %lt3A_1359 = arith.constant 0 : i32
              %lt3A_1360 = vector.broadcast %lt3A_1359 : i32 to vector<16xi32>
              %lt3A_1361 = arith.cmpi slt, %xor3A_1358, %lt3A_1360 : vector<16xi32>
              %add3A_1362 = arith.constant 16 : i32
              %add3A_1363 = vector.broadcast %add3A_1362 : i32 to vector<16xi32>
              %add3A_1364 = arith.addi %xor3A_1358, %add3A_1363 : vector<16xi32>
              %select_n3A_1365 = arith.select %lt3A_1361, %add3A_1364, %xor3A_1358 : vector<16xi1>, vector<16xi32>
              %broadcast_in_dim3A_1366 = vector.shape_cast %select_n3A_1365 : vector<16xi32> to vector<16x1xi32>
              %gather3A_1367 = vector.shape_cast %broadcast_in_dim3A_1366 : vector<16x1xi32> to vector<16xi32>
              %gather3A_1368 = tpu.dynamic_gather %max3A_1354[%gather3A_1367] in [0] : vector<16xf32>, vector<16xi32> -> vector<16xf32>
              %max3A_1369 = arith.maximumf %max3A_1354, %gather3A_1368 : vector<16xf32>
              %slice3A_1370 = vector.extract_strided_slice %max3A_1369 {offsets = [0], sizes = [1], strides = [1]} : vector<16xf32> to vector<1xf32>
              %squeeze3A_1371 = vector.extract %slice3A_1370[0] : f32 from vector<1xf32>
              %gt3A_1372 = arith.cmpf ogt, %squeeze3A_1371, %scan3A_1304 : f32
              %convert_element_type3A_1373 = arith.extui %gt3A_1372 : i1 to i32
              %cond3A_1374 = arith.constant 0 : i32
              %cond3A_1375 = arith.cmpi ne, %convert_element_type3A_1373, %cond3A_1374 : i32
              %cond3A_1376:2 = scf.if %cond3A_1375 -> (i32, f32) {
                %mul3A_1377 = arith.constant 16 : i32
                %mul3A_1378 = arith.muli %scan3A_407, %mul3A_1377 : i32
                %get3A_1379 = arith.index_cast %mul3A_1378 : i32 to index
                %get3A_1380 = tpu.vector_load %arg6[%get3A_1379] {strides = array<i32>} : memref<896xf32, #tpu.memory_space<vmem>>, vector<16xf32>,
                %get3A_1381 = vector.shape_cast %get3A_1380 : vector<16xf32> to vector<16xf32>
                %iota3A_1382 = tpu.iota {dimensions = array<i32: 0>} : vector<16xi32>
                %xor3A_1383 = arith.constant 1 : i32
                %xor3A_1384 = vector.broadcast %xor3A_1383 : i32 to vector<16xi32>
                %xor3A_1385 = arith.xori %iota3A_1382, %xor3A_1384 : vector<16xi32>
                %lt3A_1386 = arith.constant 0 : i32
                %lt3A_1387 = vector.broadcast %lt3A_1386 : i32 to vector<16xi32>
                %lt3A_1388 = arith.cmpi slt, %xor3A_1385, %lt3A_1387 : vector<16xi32>
                %add3A_1389 = arith.constant 16 : i32
                %add3A_1390 = vector.broadcast %add3A_1389 : i32 to vector<16xi32>
                %add3A_1391 = arith.addi %xor3A_1385, %add3A_1390 : vector<16xi32>
                %select_n3A_1392 = arith.select %lt3A_1388, %add3A_1391, %xor3A_1385 : vector<16xi1>, vector<16xi32>
                %broadcast_in_dim3A_1393 = vector.shape_cast %select_n3A_1392 : vector<16xi32> to vector<16x1xi32>
                %gather3A_1394 = vector.shape_cast %broadcast_in_dim3A_1393 : vector<16x1xi32> to vector<16xi32>
                %gather3A_1395 = tpu.dynamic_gather %get3A_1381[%gather3A_1394] in [0] : vector<16xf32>, vector<16xi32> -> vector<16xf32>
                %max3A_1396 = arith.maximumf %get3A_1381, %gather3A_1395 : vector<16xf32>
                %iota3A_1397 = tpu.iota {dimensions = array<i32: 0>} : vector<16xi32>
                %xor3A_1398 = arith.constant 2 : i32
                %xor3A_1399 = vector.broadcast %xor3A_1398 : i32 to vector<16xi32>
                %xor3A_1400 = arith.xori %iota3A_1397, %xor3A_1399 : vector<16xi32>
                %lt3A_1401 = arith.constant 0 : i32
                %lt3A_1402 = vector.broadcast %lt3A_1401 : i32 to vector<16xi32>
                %lt3A_1403 = arith.cmpi slt, %xor3A_1400, %lt3A_1402 : vector<16xi32>
                %add3A_1404 = arith.constant 16 : i32
                %add3A_1405 = vector.broadcast %add3A_1404 : i32 to vector<16xi32>
                %add3A_1406 = arith.addi %xor3A_1400, %add3A_1405 : vector<16xi32>
                %select_n3A_1407 = arith.select %lt3A_1403, %add3A_1406, %xor3A_1400 : vector<16xi1>, vector<16xi32>
                %broadcast_in_dim3A_1408 = vector.shape_cast %select_n3A_1407 : vector<16xi32> to vector<16x1xi32>
                %gather3A_1409 = vector.shape_cast %broadcast_in_dim3A_1408 : vector<16x1xi32> to vector<16xi32>
                %gather3A_1410 = tpu.dynamic_gather %max3A_1396[%gather3A_1409] in [0] : vector<16xf32>, vector<16xi32> -> vector<16xf32>
                %max3A_1411 = arith.maximumf %max3A_1396, %gather3A_1410 : vector<16xf32>
                %iota3A_1412 = tpu.iota {dimensions = array<i32: 0>} : vector<16xi32>
                %xor3A_1413 = arith.constant 4 : i32
                %xor3A_1414 = vector.broadcast %xor3A_1413 : i32 to vector<16xi32>
                %xor3A_1415 = arith.xori %iota3A_1412, %xor3A_1414 : vector<16xi32>
                %lt3A_1416 = arith.constant 0 : i32
                %lt3A_1417 = vector.broadcast %lt3A_1416 : i32 to vector<16xi32>
                %lt3A_1418 = arith.cmpi slt, %xor3A_1415, %lt3A_1417 : vector<16xi32>
                %add3A_1419 = arith.constant 16 : i32
                %add3A_1420 = vector.broadcast %add3A_1419 : i32 to vector<16xi32>
                %add3A_1421 = arith.addi %xor3A_1415, %add3A_1420 : vector<16xi32>
                %select_n3A_1422 = arith.select %lt3A_1418, %add3A_1421, %xor3A_1415 : vector<16xi1>, vector<16xi32>
                %broadcast_in_dim3A_1423 = vector.shape_cast %select_n3A_1422 : vector<16xi32> to vector<16x1xi32>
                %gather3A_1424 = vector.shape_cast %broadcast_in_dim3A_1423 : vector<16x1xi32> to vector<16xi32>
                %gather3A_1425 = tpu.dynamic_gather %max3A_1411[%gather3A_1424] in [0] : vector<16xf32>, vector<16xi32> -> vector<16xf32>
                %max3A_1426 = arith.maximumf %max3A_1411, %gather3A_1425 : vector<16xf32>
                %iota3A_1427 = tpu.iota {dimensions = array<i32: 0>} : vector<16xi32>
                %xor3A_1428 = arith.constant 8 : i32
                %xor3A_1429 = vector.broadcast %xor3A_1428 : i32 to vector<16xi32>
                %xor3A_1430 = arith.xori %iota3A_1427, %xor3A_1429 : vector<16xi32>
                %lt3A_1431 = arith.constant 0 : i32
                %lt3A_1432 = vector.broadcast %lt3A_1431 : i32 to vector<16xi32>
                %lt3A_1433 = arith.cmpi slt, %xor3A_1430, %lt3A_1432 : vector<16xi32>
                %add3A_1434 = arith.constant 16 : i32
                %add3A_1435 = vector.broadcast %add3A_1434 : i32 to vector<16xi32>
                %add3A_1436 = arith.addi %xor3A_1430, %add3A_1435 : vector<16xi32>
                %select_n3A_1437 = arith.select %lt3A_1433, %add3A_1436, %xor3A_1430 : vector<16xi1>, vector<16xi32>
                %broadcast_in_dim3A_1438 = vector.shape_cast %select_n3A_1437 : vector<16xi32> to vector<16x1xi32>
                %gather3A_1439 = vector.shape_cast %broadcast_in_dim3A_1438 : vector<16x1xi32> to vector<16xi32>
                %gather3A_1440 = tpu.dynamic_gather %max3A_1426[%gather3A_1439] in [0] : vector<16xf32>, vector<16xi32> -> vector<16xf32>
                %max3A_1441 = arith.maximumf %max3A_1426, %gather3A_1440 : vector<16xf32>
                %slice3A_1442 = vector.extract_strided_slice %max3A_1441 {offsets = [0], sizes = [1], strides = [1]} : vector<16xf32> to vector<1xf32>
                %squeeze3A_1443 = vector.extract %slice3A_1442[0] : f32 from vector<1xf32>
                %broadcast_in_dim3A_1444 = vector.broadcast %squeeze3A_1443 : f32 to vector<16xf32>
                %eq3A_1445 = arith.cmpf oeq, %get3A_1381, %broadcast_in_dim3A_1444 : vector<16xf32>
                %jit3A_1446 = arith.constant 16 : i32
                %broadcast_in_dim3A_1447 = vector.broadcast %jit3A_1446 : i32 to vector<16xi32>
                %select_n3A_1448 = arith.select %eq3A_1445, %iota3A, %broadcast_in_dim3A_1447 : vector<16xi1>, vector<16xi32>
                %iota3A_1449 = tpu.iota {dimensions = array<i32: 0>} : vector<16xi32>
                %xor3A_1450 = arith.constant 1 : i32
                %xor3A_1451 = vector.broadcast %xor3A_1450 : i32 to vector<16xi32>
                %xor3A_1452 = arith.xori %iota3A_1449, %xor3A_1451 : vector<16xi32>
                %lt3A_1453 = arith.constant 0 : i32
                %lt3A_1454 = vector.broadcast %lt3A_1453 : i32 to vector<16xi32>
                %lt3A_1455 = arith.cmpi slt, %xor3A_1452, %lt3A_1454 : vector<16xi32>
                %add3A_1456 = arith.constant 16 : i32
                %add3A_1457 = vector.broadcast %add3A_1456 : i32 to vector<16xi32>
                %add3A_1458 = arith.addi %xor3A_1452, %add3A_1457 : vector<16xi32>
                %select_n3A_1459 = arith.select %lt3A_1455, %add3A_1458, %xor3A_1452 : vector<16xi1>, vector<16xi32>
                %broadcast_in_dim3A_1460 = vector.shape_cast %select_n3A_1459 : vector<16xi32> to vector<16x1xi32>
                %gather3A_1461 = vector.shape_cast %broadcast_in_dim3A_1460 : vector<16x1xi32> to vector<16xi32>
                %gather3A_1462 = tpu.dynamic_gather %select_n3A_1448[%gather3A_1461] in [0] : vector<16xi32>, vector<16xi32> -> vector<16xi32>
                %min3A_1463 = arith.minsi %select_n3A_1448, %gather3A_1462 : vector<16xi32>
                %iota3A_1464 = tpu.iota {dimensions = array<i32: 0>} : vector<16xi32>
                %xor3A_1465 = arith.constant 2 : i32
                %xor3A_1466 = vector.broadcast %xor3A_1465 : i32 to vector<16xi32>
                %xor3A_1467 = arith.xori %iota3A_1464, %xor3A_1466 : vector<16xi32>
                %lt3A_1468 = arith.constant 0 : i32
                %lt3A_1469 = vector.broadcast %lt3A_1468 : i32 to vector<16xi32>
                %lt3A_1470 = arith.cmpi slt, %xor3A_1467, %lt3A_1469 : vector<16xi32>
                %add3A_1471 = arith.constant 16 : i32
                %add3A_1472 = vector.broadcast %add3A_1471 : i32 to vector<16xi32>
                %add3A_1473 = arith.addi %xor3A_1467, %add3A_1472 : vector<16xi32>
                %select_n3A_1474 = arith.select %lt3A_1470, %add3A_1473, %xor3A_1467 : vector<16xi1>, vector<16xi32>
                %broadcast_in_dim3A_1475 = vector.shape_cast %select_n3A_1474 : vector<16xi32> to vector<16x1xi32>
                %gather3A_1476 = vector.shape_cast %broadcast_in_dim3A_1475 : vector<16x1xi32> to vector<16xi32>
                %gather3A_1477 = tpu.dynamic_gather %min3A_1463[%gather3A_1476] in [0] : vector<16xi32>, vector<16xi32> -> vector<16xi32>
                %min3A_1478 = arith.minsi %min3A_1463, %gather3A_1477 : vector<16xi32>
                %iota3A_1479 = tpu.iota {dimensions = array<i32: 0>} : vector<16xi32>
                %xor3A_1480 = arith.constant 4 : i32
                %xor3A_1481 = vector.broadcast %xor3A_1480 : i32 to vector<16xi32>
                %xor3A_1482 = arith.xori %iota3A_1479, %xor3A_1481 : vector<16xi32>
                %lt3A_1483 = arith.constant 0 : i32
                %lt3A_1484 = vector.broadcast %lt3A_1483 : i32 to vector<16xi32>
                %lt3A_1485 = arith.cmpi slt, %xor3A_1482, %lt3A_1484 : vector<16xi32>
                %add3A_1486 = arith.constant 16 : i32
                %add3A_1487 = vector.broadcast %add3A_1486 : i32 to vector<16xi32>
                %add3A_1488 = arith.addi %xor3A_1482, %add3A_1487 : vector<16xi32>
                %select_n3A_1489 = arith.select %lt3A_1485, %add3A_1488, %xor3A_1482 : vector<16xi1>, vector<16xi32>
                %broadcast_in_dim3A_1490 = vector.shape_cast %select_n3A_1489 : vector<16xi32> to vector<16x1xi32>
                %gather3A_1491 = vector.shape_cast %broadcast_in_dim3A_1490 : vector<16x1xi32> to vector<16xi32>
                %gather3A_1492 = tpu.dynamic_gather %min3A_1478[%gather3A_1491] in [0] : vector<16xi32>, vector<16xi32> -> vector<16xi32>
                %min3A_1493 = arith.minsi %min3A_1478, %gather3A_1492 : vector<16xi32>
                %iota3A_1494 = tpu.iota {dimensions = array<i32: 0>} : vector<16xi32>
                %xor3A_1495 = arith.constant 8 : i32
                %xor3A_1496 = vector.broadcast %xor3A_1495 : i32 to vector<16xi32>
                %xor3A_1497 = arith.xori %iota3A_1494, %xor3A_1496 : vector<16xi32>
                %lt3A_1498 = arith.constant 0 : i32
                %lt3A_1499 = vector.broadcast %lt3A_1498 : i32 to vector<16xi32>
                %lt3A_1500 = arith.cmpi slt, %xor3A_1497, %lt3A_1499 : vector<16xi32>
                %add3A_1501 = arith.constant 16 : i32
                %add3A_1502 = vector.broadcast %add3A_1501 : i32 to vector<16xi32>
                %add3A_1503 = arith.addi %xor3A_1497, %add3A_1502 : vector<16xi32>
                %select_n3A_1504 = arith.select %lt3A_1500, %add3A_1503, %xor3A_1497 : vector<16xi1>, vector<16xi32>
                %broadcast_in_dim3A_1505 = vector.shape_cast %select_n3A_1504 : vector<16xi32> to vector<16x1xi32>
                %gather3A_1506 = vector.shape_cast %broadcast_in_dim3A_1505 : vector<16x1xi32> to vector<16xi32>
                %gather3A_1507 = tpu.dynamic_gather %min3A_1493[%gather3A_1506] in [0] : vector<16xi32>, vector<16xi32> -> vector<16xi32>
                %min3A_1508 = arith.minsi %min3A_1493, %gather3A_1507 : vector<16xi32>
                %slice3A_1509 = vector.extract_strided_slice %min3A_1508 {offsets = [0], sizes = [1], strides = [1]} : vector<16xi32> to vector<1xi32>
                %squeeze3A_1510 = vector.extract %slice3A_1509[0] : i32 from vector<1xi32>
                %mul3A_1511 = arith.constant 16 : i32
                %mul3A_1512 = arith.muli %scan3A_407, %mul3A_1511 : i32
                %add3A_1513 = arith.addi %mul3A_1512, %squeeze3A_1510 : i32
                %mul3A_1514 = arith.constant 128 : i32
                %mul3A_1515 = arith.muli %add3A_1513, %mul3A_1514 : i32
                "tpu.region"() ({
                  %run_scoped3A = tpu.sem_alloc : memref<!tpu.dma_semaphore, #tpu.memory_space<semaphore_mem>>
                  %dma_start3A = tpu.memref_slice %arg2[%mul3A_30, %mul3A_1515] : memref<128x100000xf32, #tpu.memory_space<hbm>> -> memref<8x128xf32, #tpu.memory_space<hbm>>
                  %dma_start3A_2123 = tpu.memref_slice %arg2[%mul3A_30, %mul3A_1515] : memref<128x100000xf32, #tpu.memory_space<hbm>> -> memref<8x128xf32, #tpu.memory_space<hbm>>
                  tpu.enqueue_dma source(%dma_start3A_2123 : memref<8x128xf32, #tpu.memory_space<hbm>>) target(%arg10 : memref<8x128xf32, #tpu.memory_space<vmem>>) target_semaphore(%run_scoped3A : memref<!tpu.dma_semaphore, #tpu.memory_space<semaphore_mem>>)
                  %dma_wait3A = tpu.memref_slice %arg2[%mul3A_30, %mul3A_1515] : memref<128x100000xf32, #tpu.memory_space<hbm>> -> memref<8x128xf32, #tpu.memory_space<hbm>>
                  %dma_wait3A_2124 = tpu.memref_slice %arg2[%mul3A_30, %mul3A_1515] : memref<128x100000xf32, #tpu.memory_space<hbm>> -> memref<8x128xf32, #tpu.memory_space<hbm>>
                  tpu.wait_dma2 semaphore(%run_scoped3A : memref<!tpu.dma_semaphore, #tpu.memory_space<semaphore_mem>>) src(%dma_wait3A_2124 : memref<8x128xf32, #tpu.memory_space<hbm>>) dst(%arg10 : memref<8x128xf32, #tpu.memory_space<vmem>>)
                  tpu.yield
                }) : () -> ()
                %get3A_1516 = arith.index_cast %select_n3A_44 : i32 to index
                %get3A_1517 = arith.constant 0 : index
                %get3A_1518 = tpu.vector_load %arg10[%get3A_1516, %get3A_1517] {strides = array<i32>} : memref<8x128xf32, #tpu.memory_space<vmem>>, vector<1x16xf32>,
                %get3A_1519 = vector.shape_cast %get3A_1518 : vector<1x16xf32> to vector<16xf32>
                %swap3A_1520 = arith.index_cast %scan3A_1303 : i32 to index
                %swap3A_1521 = tpu.vector_load %arg7[%swap3A_1520] {strides = array<i32>} : memref<320xf32, #tpu.memory_space<vmem>>, vector<16xf32>,
                %swap3A_1522 = vector.shape_cast %swap3A_1521 : vector<16xf32> to vector<16xf32>
                %swap3A_1523 = vector.shape_cast %get3A_1519 : vector<16xf32> to vector<16xf32>
                tpu.vector_store %arg7[%swap3A_1520], %swap3A_1523 {strides = array<i32>} : memref<320xf32, #tpu.memory_space<vmem>>, vector<16xf32>,
                %iota3A_1524 = tpu.iota {dimensions = array<i32: 0>} : vector<16xi32>
                %xor3A_1525 = arith.constant 1 : i32
                %xor3A_1526 = vector.broadcast %xor3A_1525 : i32 to vector<16xi32>
                %xor3A_1527 = arith.xori %iota3A_1524, %xor3A_1526 : vector<16xi32>
                %lt3A_1528 = arith.constant 0 : i32
                %lt3A_1529 = vector.broadcast %lt3A_1528 : i32 to vector<16xi32>
                %lt3A_1530 = arith.cmpi slt, %xor3A_1527, %lt3A_1529 : vector<16xi32>
                %add3A_1531 = arith.constant 16 : i32
                %add3A_1532 = vector.broadcast %add3A_1531 : i32 to vector<16xi32>
                %add3A_1533 = arith.addi %xor3A_1527, %add3A_1532 : vector<16xi32>
                %select_n3A_1534 = arith.select %lt3A_1530, %add3A_1533, %xor3A_1527 : vector<16xi1>, vector<16xi32>
                %broadcast_in_dim3A_1535 = vector.shape_cast %select_n3A_1534 : vector<16xi32> to vector<16x1xi32>
                %gather3A_1536 = vector.shape_cast %broadcast_in_dim3A_1535 : vector<16x1xi32> to vector<16xi32>
                %gather3A_1537 = tpu.dynamic_gather %get3A_1519[%gather3A_1536] in [0] : vector<16xf32>, vector<16xi32> -> vector<16xf32>
                %max3A_1538 = arith.maximumf %get3A_1519, %gather3A_1537 : vector<16xf32>
                %iota3A_1539 = tpu.iota {dimensions = array<i32: 0>} : vector<16xi32>
                %xor3A_1540 = arith.constant 2 : i32
                %xor3A_1541 = vector.broadcast %xor3A_1540 : i32 to vector<16xi32>
                %xor3A_1542 = arith.xori %iota3A_1539, %xor3A_1541 : vector<16xi32>
                %lt3A_1543 = arith.constant 0 : i32
                %lt3A_1544 = vector.broadcast %lt3A_1543 : i32 to vector<16xi32>
                %lt3A_1545 = arith.cmpi slt, %xor3A_1542, %lt3A_1544 : vector<16xi32>
                %add3A_1546 = arith.constant 16 : i32
                %add3A_1547 = vector.broadcast %add3A_1546 : i32 to vector<16xi32>
                %add3A_1548 = arith.addi %xor3A_1542, %add3A_1547 : vector<16xi32>
                %select_n3A_1549 = arith.select %lt3A_1545, %add3A_1548, %xor3A_1542 : vector<16xi1>, vector<16xi32>
                %broadcast_in_dim3A_1550 = vector.shape_cast %select_n3A_1549 : vector<16xi32> to vector<16x1xi32>
                %gather3A_1551 = vector.shape_cast %broadcast_in_dim3A_1550 : vector<16x1xi32> to vector<16xi32>
                %gather3A_1552 = tpu.dynamic_gather %max3A_1538[%gather3A_1551] in [0] : vector<16xf32>, vector<16xi32> -> vector<16xf32>
                %max3A_1553 = arith.maximumf %max3A_1538, %gather3A_1552 : vector<16xf32>
                %iota3A_1554 = tpu.iota {dimensions = array<i32: 0>} : vector<16xi32>
                %xor3A_1555 = arith.constant 4 : i32
                %xor3A_1556 = vector.broadcast %xor3A_1555 : i32 to vector<16xi32>
                %xor3A_1557 = arith.xori %iota3A_1554, %xor3A_1556 : vector<16xi32>
                %lt3A_1558 = arith.constant 0 : i32
                %lt3A_1559 = vector.broadcast %lt3A_1558 : i32 to vector<16xi32>
                %lt3A_1560 = arith.cmpi slt, %xor3A_1557, %lt3A_1559 : vector<16xi32>
                %add3A_1561 = arith.constant 16 : i32
                %add3A_1562 = vector.broadcast %add3A_1561 : i32 to vector<16xi32>
                %add3A_1563 = arith.addi %xor3A_1557, %add3A_1562 : vector<16xi32>
                %select_n3A_1564 = arith.select %lt3A_1560, %add3A_1563, %xor3A_1557 : vector<16xi1>, vector<16xi32>
                %broadcast_in_dim3A_1565 = vector.shape_cast %select_n3A_1564 : vector<16xi32> to vector<16x1xi32>
                %gather3A_1566 = vector.shape_cast %broadcast_in_dim3A_1565 : vector<16x1xi32> to vector<16xi32>
                %gather3A_1567 = tpu.dynamic_gather %max3A_1553[%gather3A_1566] in [0] : vector<16xf32>, vector<16xi32> -> vector<16xf32>
                %max3A_1568 = arith.maximumf %max3A_1553, %gather3A_1567 : vector<16xf32>
                %iota3A_1569 = tpu.iota {dimensions = array<i32: 0>} : vector<16xi32>
                %xor3A_1570 = arith.constant 8 : i32
                %xor3A_1571 = vector.broadcast %xor3A_1570 : i32 to vector<16xi32>
                %xor3A_1572 = arith.xori %iota3A_1569, %xor3A_1571 : vector<16xi32>
                %lt3A_1573 = arith.constant 0 : i32
                %lt3A_1574 = vector.broadcast %lt3A_1573 : i32 to vector<16xi32>
                %lt3A_1575 = arith.cmpi slt, %xor3A_1572, %lt3A_1574 : vector<16xi32>
                %add3A_1576 = arith.constant 16 : i32
                %add3A_1577 = vector.broadcast %add3A_1576 : i32 to vector<16xi32>
                %add3A_1578 = arith.addi %xor3A_1572, %add3A_1577 : vector<16xi32>
                %select_n3A_1579 = arith.select %lt3A_1575, %add3A_1578, %xor3A_1572 : vector<16xi1>, vector<16xi32>
                %broadcast_in_dim3A_1580 = vector.shape_cast %select_n3A_1579 : vector<16xi32> to vector<16x1xi32>
                %gather3A_1581 = vector.shape_cast %broadcast_in_dim3A_1580 : vector<16x1xi32> to vector<16xi32>
                %gather3A_1582 = tpu.dynamic_gather %max3A_1568[%gather3A_1581] in [0] : vector<16xf32>, vector<16xi32> -> vector<16xf32>
                %max3A_1583 = arith.maximumf %max3A_1568, %gather3A_1582 : vector<16xf32>
                %slice3A_1584 = vector.extract_strided_slice %max3A_1583 {offsets = [0], sizes = [1], strides = [1]} : vector<16xf32> to vector<1xf32>
                %squeeze3A_1585 = vector.extract %slice3A_1584[0] : f32 from vector<1xf32>
                %gt3A_1586 = arith.cmpf ogt, %squeeze3A_1585, %scan3A_1304 : f32
                %add3A_1587 = arith.constant 16 : i32
                %add3A_1588 = arith.addi %scan3A_1303, %add3A_1587 : i32
                %select_n3A_1589 = arith.select %gt3A_1586, %add3A_1588, %scan3A_1303 : i32
                %get3A_1590 = arith.index_cast %select_n3A_44 : i32 to index
                %get3A_1591 = arith.constant 16 : index
                %get3A_1592 = tpu.vector_load %arg10[%get3A_1590, %get3A_1591] {strides = array<i32>} : memref<8x128xf32, #tpu.memory_space<vmem>>, vector<1x16xf32>,
                %get3A_1593 = vector.shape_cast %get3A_1592 : vector<1x16xf32> to vector<16xf32>
                %swap3A_1594 = arith.index_cast %select_n3A_1589 : i32 to index
                %swap3A_1595 = tpu.vector_load %arg7[%swap3A_1594] {strides = array<i32>} : memref<320xf32, #tpu.memory_space<vmem>>, vector<16xf32>,
                %swap3A_1596 = vector.shape_cast %swap3A_1595 : vector<16xf32> to vector<16xf32>
                %swap3A_1597 = vector.shape_cast %get3A_1593 : vector<16xf32> to vector<16xf32>
                tpu.vector_store %arg7[%swap3A_1594], %swap3A_1597 {strides = array<i32>} : memref<320xf32, #tpu.memory_space<vmem>>, vector<16xf32>,
                %iota3A_1598 = tpu.iota {dimensions = array<i32: 0>} : vector<16xi32>
                %xor3A_1599 = arith.constant 1 : i32
                %xor3A_1600 = vector.broadcast %xor3A_1599 : i32 to vector<16xi32>
                %xor3A_1601 = arith.xori %iota3A_1598, %xor3A_1600 : vector<16xi32>
                %lt3A_1602 = arith.constant 0 : i32
                %lt3A_1603 = vector.broadcast %lt3A_1602 : i32 to vector<16xi32>
                %lt3A_1604 = arith.cmpi slt, %xor3A_1601, %lt3A_1603 : vector<16xi32>
                %add3A_1605 = arith.constant 16 : i32
                %add3A_1606 = vector.broadcast %add3A_1605 : i32 to vector<16xi32>
                %add3A_1607 = arith.addi %xor3A_1601, %add3A_1606 : vector<16xi32>
                %select_n3A_1608 = arith.select %lt3A_1604, %add3A_1607, %xor3A_1601 : vector<16xi1>, vector<16xi32>
                %broadcast_in_dim3A_1609 = vector.shape_cast %select_n3A_1608 : vector<16xi32> to vector<16x1xi32>
                %gather3A_1610 = vector.shape_cast %broadcast_in_dim3A_1609 : vector<16x1xi32> to vector<16xi32>
                %gather3A_1611 = tpu.dynamic_gather %get3A_1593[%gather3A_1610] in [0] : vector<16xf32>, vector<16xi32> -> vector<16xf32>
                %max3A_1612 = arith.maximumf %get3A_1593, %gather3A_1611 : vector<16xf32>
                %iota3A_1613 = tpu.iota {dimensions = array<i32: 0>} : vector<16xi32>
                %xor3A_1614 = arith.constant 2 : i32
                %xor3A_1615 = vector.broadcast %xor3A_1614 : i32 to vector<16xi32>
                %xor3A_1616 = arith.xori %iota3A_1613, %xor3A_1615 : vector<16xi32>
                %lt3A_1617 = arith.constant 0 : i32
                %lt3A_1618 = vector.broadcast %lt3A_1617 : i32 to vector<16xi32>
                %lt3A_1619 = arith.cmpi slt, %xor3A_1616, %lt3A_1618 : vector<16xi32>
                %add3A_1620 = arith.constant 16 : i32
                %add3A_1621 = vector.broadcast %add3A_1620 : i32 to vector<16xi32>
                %add3A_1622 = arith.addi %xor3A_1616, %add3A_1621 : vector<16xi32>
                %select_n3A_1623 = arith.select %lt3A_1619, %add3A_1622, %xor3A_1616 : vector<16xi1>, vector<16xi32>
                %broadcast_in_dim3A_1624 = vector.shape_cast %select_n3A_1623 : vector<16xi32> to vector<16x1xi32>
                %gather3A_1625 = vector.shape_cast %broadcast_in_dim3A_1624 : vector<16x1xi32> to vector<16xi32>
                %gather3A_1626 = tpu.dynamic_gather %max3A_1612[%gather3A_1625] in [0] : vector<16xf32>, vector<16xi32> -> vector<16xf32>
                %max3A_1627 = arith.maximumf %max3A_1612, %gather3A_1626 : vector<16xf32>
                %iota3A_1628 = tpu.iota {dimensions = array<i32: 0>} : vector<16xi32>
                %xor3A_1629 = arith.constant 4 : i32
                %xor3A_1630 = vector.broadcast %xor3A_1629 : i32 to vector<16xi32>
                %xor3A_1631 = arith.xori %iota3A_1628, %xor3A_1630 : vector<16xi32>
                %lt3A_1632 = arith.constant 0 : i32
                %lt3A_1633 = vector.broadcast %lt3A_1632 : i32 to vector<16xi32>
                %lt3A_1634 = arith.cmpi slt, %xor3A_1631, %lt3A_1633 : vector<16xi32>
                %add3A_1635 = arith.constant 16 : i32
                %add3A_1636 = vector.broadcast %add3A_1635 : i32 to vector<16xi32>
                %add3A_1637 = arith.addi %xor3A_1631, %add3A_1636 : vector<16xi32>
                %select_n3A_1638 = arith.select %lt3A_1634, %add3A_1637, %xor3A_1631 : vector<16xi1>, vector<16xi32>
                %broadcast_in_dim3A_1639 = vector.shape_cast %select_n3A_1638 : vector<16xi32> to vector<16x1xi32>
                %gather3A_1640 = vector.shape_cast %broadcast_in_dim3A_1639 : vector<16x1xi32> to vector<16xi32>
                %gather3A_1641 = tpu.dynamic_gather %max3A_1627[%gather3A_1640] in [0] : vector<16xf32>, vector<16xi32> -> vector<16xf32>
                %max3A_1642 = arith.maximumf %max3A_1627, %gather3A_1641 : vector<16xf32>
                %iota3A_1643 = tpu.iota {dimensions = array<i32: 0>} : vector<16xi32>
                %xor3A_1644 = arith.constant 8 : i32
                %xor3A_1645 = vector.broadcast %xor3A_1644 : i32 to vector<16xi32>
                %xor3A_1646 = arith.xori %iota3A_1643, %xor3A_1645 : vector<16xi32>
                %lt3A_1647 = arith.constant 0 : i32
                %lt3A_1648 = vector.broadcast %lt3A_1647 : i32 to vector<16xi32>
                %lt3A_1649 = arith.cmpi slt, %xor3A_1646, %lt3A_1648 : vector<16xi32>
                %add3A_1650 = arith.constant 16 : i32
                %add3A_1651 = vector.broadcast %add3A_1650 : i32 to vector<16xi32>
                %add3A_1652 = arith.addi %xor3A_1646, %add3A_1651 : vector<16xi32>
                %select_n3A_1653 = arith.select %lt3A_1649, %add3A_1652, %xor3A_1646 : vector<16xi1>, vector<16xi32>
                %broadcast_in_dim3A_1654 = vector.shape_cast %select_n3A_1653 : vector<16xi32> to vector<16x1xi32>
                %gather3A_1655 = vector.shape_cast %broadcast_in_dim3A_1654 : vector<16x1xi32> to vector<16xi32>
                %gather3A_1656 = tpu.dynamic_gather %max3A_1642[%gather3A_1655] in [0] : vector<16xf32>, vector<16xi32> -> vector<16xf32>
                %max3A_1657 = arith.maximumf %max3A_1642, %gather3A_1656 : vector<16xf32>
                %slice3A_1658 = vector.extract_strided_slice %max3A_1657 {offsets = [0], sizes = [1], strides = [1]} : vector<16xf32> to vector<1xf32>
                %squeeze3A_1659 = vector.extract %slice3A_1658[0] : f32 from vector<1xf32>
                %gt3A_1660 = arith.cmpf ogt, %squeeze3A_1659, %scan3A_1304 : f32
                %add3A_1661 = arith.constant 16 : i32
                %add3A_1662 = arith.addi %select_n3A_1589, %add3A_1661 : i32
                %select_n3A_1663 = arith.select %gt3A_1660, %add3A_1662, %select_n3A_1589 : i32
                %get3A_1664 = arith.index_cast %select_n3A_44 : i32 to index
                %get3A_1665 = arith.constant 32 : index
                %get3A_1666 = tpu.vector_load %arg10[%get3A_1664, %get3A_1665] {strides = array<i32>} : memref<8x128xf32, #tpu.memory_space<vmem>>, vector<1x16xf32>,
                %get3A_1667 = vector.shape_cast %get3A_1666 : vector<1x16xf32> to vector<16xf32>
                %swap3A_1668 = arith.index_cast %select_n3A_1663 : i32 to index
                %swap3A_1669 = tpu.vector_load %arg7[%swap3A_1668] {strides = array<i32>} : memref<320xf32, #tpu.memory_space<vmem>>, vector<16xf32>,
                %swap3A_1670 = vector.shape_cast %swap3A_1669 : vector<16xf32> to vector<16xf32>
                %swap3A_1671 = vector.shape_cast %get3A_1667 : vector<16xf32> to vector<16xf32>
                tpu.vector_store %arg7[%swap3A_1668], %swap3A_1671 {strides = array<i32>} : memref<320xf32, #tpu.memory_space<vmem>>, vector<16xf32>,
                %iota3A_1672 = tpu.iota {dimensions = array<i32: 0>} : vector<16xi32>
                %xor3A_1673 = arith.constant 1 : i32
                %xor3A_1674 = vector.broadcast %xor3A_1673 : i32 to vector<16xi32>
                %xor3A_1675 = arith.xori %iota3A_1672, %xor3A_1674 : vector<16xi32>
                %lt3A_1676 = arith.constant 0 : i32
                %lt3A_1677 = vector.broadcast %lt3A_1676 : i32 to vector<16xi32>
                %lt3A_1678 = arith.cmpi slt, %xor3A_1675, %lt3A_1677 : vector<16xi32>
                %add3A_1679 = arith.constant 16 : i32
                %add3A_1680 = vector.broadcast %add3A_1679 : i32 to vector<16xi32>
                %add3A_1681 = arith.addi %xor3A_1675, %add3A_1680 : vector<16xi32>
                %select_n3A_1682 = arith.select %lt3A_1678, %add3A_1681, %xor3A_1675 : vector<16xi1>, vector<16xi32>
                %broadcast_in_dim3A_1683 = vector.shape_cast %select_n3A_1682 : vector<16xi32> to vector<16x1xi32>
                %gather3A_1684 = vector.shape_cast %broadcast_in_dim3A_1683 : vector<16x1xi32> to vector<16xi32>
                %gather3A_1685 = tpu.dynamic_gather %get3A_1667[%gather3A_1684] in [0] : vector<16xf32>, vector<16xi32> -> vector<16xf32>
                %max3A_1686 = arith.maximumf %get3A_1667, %gather3A_1685 : vector<16xf32>
                %iota3A_1687 = tpu.iota {dimensions = array<i32: 0>} : vector<16xi32>
                %xor3A_1688 = arith.constant 2 : i32
                %xor3A_1689 = vector.broadcast %xor3A_1688 : i32 to vector<16xi32>
                %xor3A_1690 = arith.xori %iota3A_1687, %xor3A_1689 : vector<16xi32>
                %lt3A_1691 = arith.constant 0 : i32
                %lt3A_1692 = vector.broadcast %lt3A_1691 : i32 to vector<16xi32>
                %lt3A_1693 = arith.cmpi slt, %xor3A_1690, %lt3A_1692 : vector<16xi32>
                %add3A_1694 = arith.constant 16 : i32
                %add3A_1695 = vector.broadcast %add3A_1694 : i32 to vector<16xi32>
                %add3A_1696 = arith.addi %xor3A_1690, %add3A_1695 : vector<16xi32>
                %select_n3A_1697 = arith.select %lt3A_1693, %add3A_1696, %xor3A_1690 : vector<16xi1>, vector<16xi32>
                %broadcast_in_dim3A_1698 = vector.shape_cast %select_n3A_1697 : vector<16xi32> to vector<16x1xi32>
                %gather3A_1699 = vector.shape_cast %broadcast_in_dim3A_1698 : vector<16x1xi32> to vector<16xi32>
                %gather3A_1700 = tpu.dynamic_gather %max3A_1686[%gather3A_1699] in [0] : vector<16xf32>, vector<16xi32> -> vector<16xf32>
                %max3A_1701 = arith.maximumf %max3A_1686, %gather3A_1700 : vector<16xf32>
                %iota3A_1702 = tpu.iota {dimensions = array<i32: 0>} : vector<16xi32>
                %xor3A_1703 = arith.constant 4 : i32
                %xor3A_1704 = vector.broadcast %xor3A_1703 : i32 to vector<16xi32>
                %xor3A_1705 = arith.xori %iota3A_1702, %xor3A_1704 : vector<16xi32>
                %lt3A_1706 = arith.constant 0 : i32
                %lt3A_1707 = vector.broadcast %lt3A_1706 : i32 to vector<16xi32>
                %lt3A_1708 = arith.cmpi slt, %xor3A_1705, %lt3A_1707 : vector<16xi32>
                %add3A_1709 = arith.constant 16 : i32
                %add3A_1710 = vector.broadcast %add3A_1709 : i32 to vector<16xi32>
                %add3A_1711 = arith.addi %xor3A_1705, %add3A_1710 : vector<16xi32>
                %select_n3A_1712 = arith.select %lt3A_1708, %add3A_1711, %xor3A_1705 : vector<16xi1>, vector<16xi32>
                %broadcast_in_dim3A_1713 = vector.shape_cast %select_n3A_1712 : vector<16xi32> to vector<16x1xi32>
                %gather3A_1714 = vector.shape_cast %broadcast_in_dim3A_1713 : vector<16x1xi32> to vector<16xi32>
                %gather3A_1715 = tpu.dynamic_gather %max3A_1701[%gather3A_1714] in [0] : vector<16xf32>, vector<16xi32> -> vector<16xf32>
                %max3A_1716 = arith.maximumf %max3A_1701, %gather3A_1715 : vector<16xf32>
                %iota3A_1717 = tpu.iota {dimensions = array<i32: 0>} : vector<16xi32>
                %xor3A_1718 = arith.constant 8 : i32
                %xor3A_1719 = vector.broadcast %xor3A_1718 : i32 to vector<16xi32>
                %xor3A_1720 = arith.xori %iota3A_1717, %xor3A_1719 : vector<16xi32>
                %lt3A_1721 = arith.constant 0 : i32
                %lt3A_1722 = vector.broadcast %lt3A_1721 : i32 to vector<16xi32>
                %lt3A_1723 = arith.cmpi slt, %xor3A_1720, %lt3A_1722 : vector<16xi32>
                %add3A_1724 = arith.constant 16 : i32
                %add3A_1725 = vector.broadcast %add3A_1724 : i32 to vector<16xi32>
                %add3A_1726 = arith.addi %xor3A_1720, %add3A_1725 : vector<16xi32>
                %select_n3A_1727 = arith.select %lt3A_1723, %add3A_1726, %xor3A_1720 : vector<16xi1>, vector<16xi32>
                %broadcast_in_dim3A_1728 = vector.shape_cast %select_n3A_1727 : vector<16xi32> to vector<16x1xi32>
                %gather3A_1729 = vector.shape_cast %broadcast_in_dim3A_1728 : vector<16x1xi32> to vector<16xi32>
                %gather3A_1730 = tpu.dynamic_gather %max3A_1716[%gather3A_1729] in [0] : vector<16xf32>, vector<16xi32> -> vector<16xf32>
                %max3A_1731 = arith.maximumf %max3A_1716, %gather3A_1730 : vector<16xf32>
                %slice3A_1732 = vector.extract_strided_slice %max3A_1731 {offsets = [0], sizes = [1], strides = [1]} : vector<16xf32> to vector<1xf32>
                %squeeze3A_1733 = vector.extract %slice3A_1732[0] : f32 from vector<1xf32>
                %gt3A_1734 = arith.cmpf ogt, %squeeze3A_1733, %scan3A_1304 : f32
                %add3A_1735 = arith.constant 16 : i32
                %add3A_1736 = arith.addi %select_n3A_1663, %add3A_1735 : i32
                %select_n3A_1737 = arith.select %gt3A_1734, %add3A_1736, %select_n3A_1663 : i32
                %get3A_1738 = arith.index_cast %select_n3A_44 : i32 to index
                %get3A_1739 = arith.constant 48 : index
                %get3A_1740 = tpu.vector_load %arg10[%get3A_1738, %get3A_1739] {strides = array<i32>} : memref<8x128xf32, #tpu.memory_space<vmem>>, vector<1x16xf32>,
                %get3A_1741 = vector.shape_cast %get3A_1740 : vector<1x16xf32> to vector<16xf32>
                %swap3A_1742 = arith.index_cast %select_n3A_1737 : i32 to index
                %swap3A_1743 = tpu.vector_load %arg7[%swap3A_1742] {strides = array<i32>} : memref<320xf32, #tpu.memory_space<vmem>>, vector<16xf32>,
                %swap3A_1744 = vector.shape_cast %swap3A_1743 : vector<16xf32> to vector<16xf32>
                %swap3A_1745 = vector.shape_cast %get3A_1741 : vector<16xf32> to vector<16xf32>
                tpu.vector_store %arg7[%swap3A_1742], %swap3A_1745 {strides = array<i32>} : memref<320xf32, #tpu.memory_space<vmem>>, vector<16xf32>,
                %iota3A_1746 = tpu.iota {dimensions = array<i32: 0>} : vector<16xi32>
                %xor3A_1747 = arith.constant 1 : i32
                %xor3A_1748 = vector.broadcast %xor3A_1747 : i32 to vector<16xi32>
                %xor3A_1749 = arith.xori %iota3A_1746, %xor3A_1748 : vector<16xi32>
                %lt3A_1750 = arith.constant 0 : i32
                %lt3A_1751 = vector.broadcast %lt3A_1750 : i32 to vector<16xi32>
                %lt3A_1752 = arith.cmpi slt, %xor3A_1749, %lt3A_1751 : vector<16xi32>
                %add3A_1753 = arith.constant 16 : i32
                %add3A_1754 = vector.broadcast %add3A_1753 : i32 to vector<16xi32>
                %add3A_1755 = arith.addi %xor3A_1749, %add3A_1754 : vector<16xi32>
                %select_n3A_1756 = arith.select %lt3A_1752, %add3A_1755, %xor3A_1749 : vector<16xi1>, vector<16xi32>
                %broadcast_in_dim3A_1757 = vector.shape_cast %select_n3A_1756 : vector<16xi32> to vector<16x1xi32>
                %gather3A_1758 = vector.shape_cast %broadcast_in_dim3A_1757 : vector<16x1xi32> to vector<16xi32>
                %gather3A_1759 = tpu.dynamic_gather %get3A_1741[%gather3A_1758] in [0] : vector<16xf32>, vector<16xi32> -> vector<16xf32>
                %max3A_1760 = arith.maximumf %get3A_1741, %gather3A_1759 : vector<16xf32>
                %iota3A_1761 = tpu.iota {dimensions = array<i32: 0>} : vector<16xi32>
                %xor3A_1762 = arith.constant 2 : i32
                %xor3A_1763 = vector.broadcast %xor3A_1762 : i32 to vector<16xi32>
                %xor3A_1764 = arith.xori %iota3A_1761, %xor3A_1763 : vector<16xi32>
                %lt3A_1765 = arith.constant 0 : i32
                %lt3A_1766 = vector.broadcast %lt3A_1765 : i32 to vector<16xi32>
                %lt3A_1767 = arith.cmpi slt, %xor3A_1764, %lt3A_1766 : vector<16xi32>
                %add3A_1768 = arith.constant 16 : i32
                %add3A_1769 = vector.broadcast %add3A_1768 : i32 to vector<16xi32>
                %add3A_1770 = arith.addi %xor3A_1764, %add3A_1769 : vector<16xi32>
                %select_n3A_1771 = arith.select %lt3A_1767, %add3A_1770, %xor3A_1764 : vector<16xi1>, vector<16xi32>
                %broadcast_in_dim3A_1772 = vector.shape_cast %select_n3A_1771 : vector<16xi32> to vector<16x1xi32>
                %gather3A_1773 = vector.shape_cast %broadcast_in_dim3A_1772 : vector<16x1xi32> to vector<16xi32>
                %gather3A_1774 = tpu.dynamic_gather %max3A_1760[%gather3A_1773] in [0] : vector<16xf32>, vector<16xi32> -> vector<16xf32>
                %max3A_1775 = arith.maximumf %max3A_1760, %gather3A_1774 : vector<16xf32>
                %iota3A_1776 = tpu.iota {dimensions = array<i32: 0>} : vector<16xi32>
                %xor3A_1777 = arith.constant 4 : i32
                %xor3A_1778 = vector.broadcast %xor3A_1777 : i32 to vector<16xi32>
                %xor3A_1779 = arith.xori %iota3A_1776, %xor3A_1778 : vector<16xi32>
                %lt3A_1780 = arith.constant 0 : i32
                %lt3A_1781 = vector.broadcast %lt3A_1780 : i32 to vector<16xi32>
                %lt3A_1782 = arith.cmpi slt, %xor3A_1779, %lt3A_1781 : vector<16xi32>
                %add3A_1783 = arith.constant 16 : i32
                %add3A_1784 = vector.broadcast %add3A_1783 : i32 to vector<16xi32>
                %add3A_1785 = arith.addi %xor3A_1779, %add3A_1784 : vector<16xi32>
                %select_n3A_1786 = arith.select %lt3A_1782, %add3A_1785, %xor3A_1779 : vector<16xi1>, vector<16xi32>
                %broadcast_in_dim3A_1787 = vector.shape_cast %select_n3A_1786 : vector<16xi32> to vector<16x1xi32>
                %gather3A_1788 = vector.shape_cast %broadcast_in_dim3A_1787 : vector<16x1xi32> to vector<16xi32>
                %gather3A_1789 = tpu.dynamic_gather %max3A_1775[%gather3A_1788] in [0] : vector<16xf32>, vector<16xi32> -> vector<16xf32>
                %max3A_1790 = arith.maximumf %max3A_1775, %gather3A_1789 : vector<16xf32>
                %iota3A_1791 = tpu.iota {dimensions = array<i32: 0>} : vector<16xi32>
                %xor3A_1792 = arith.constant 8 : i32
                %xor3A_1793 = vector.broadcast %xor3A_1792 : i32 to vector<16xi32>
                %xor3A_1794 = arith.xori %iota3A_1791, %xor3A_1793 : vector<16xi32>
                %lt3A_1795 = arith.constant 0 : i32
                %lt3A_1796 = vector.broadcast %lt3A_1795 : i32 to vector<16xi32>
                %lt3A_1797 = arith.cmpi slt, %xor3A_1794, %lt3A_1796 : vector<16xi32>
                %add3A_1798 = arith.constant 16 : i32
                %add3A_1799 = vector.broadcast %add3A_1798 : i32 to vector<16xi32>
                %add3A_1800 = arith.addi %xor3A_1794, %add3A_1799 : vector<16xi32>
                %select_n3A_1801 = arith.select %lt3A_1797, %add3A_1800, %xor3A_1794 : vector<16xi1>, vector<16xi32>
                %broadcast_in_dim3A_1802 = vector.shape_cast %select_n3A_1801 : vector<16xi32> to vector<16x1xi32>
                %gather3A_1803 = vector.shape_cast %broadcast_in_dim3A_1802 : vector<16x1xi32> to vector<16xi32>
                %gather3A_1804 = tpu.dynamic_gather %max3A_1790[%gather3A_1803] in [0] : vector<16xf32>, vector<16xi32> -> vector<16xf32>
                %max3A_1805 = arith.maximumf %max3A_1790, %gather3A_1804 : vector<16xf32>
                %slice3A_1806 = vector.extract_strided_slice %max3A_1805 {offsets = [0], sizes = [1], strides = [1]} : vector<16xf32> to vector<1xf32>
                %squeeze3A_1807 = vector.extract %slice3A_1806[0] : f32 from vector<1xf32>
                %gt3A_1808 = arith.cmpf ogt, %squeeze3A_1807, %scan3A_1304 : f32
                %add3A_1809 = arith.constant 16 : i32
                %add3A_1810 = arith.addi %select_n3A_1737, %add3A_1809 : i32
                %select_n3A_1811 = arith.select %gt3A_1808, %add3A_1810, %select_n3A_1737 : i32
                %get3A_1812 = arith.index_cast %select_n3A_44 : i32 to index
                %get3A_1813 = arith.constant 64 : index
                %get3A_1814 = tpu.vector_load %arg10[%get3A_1812, %get3A_1813] {strides = array<i32>} : memref<8x128xf32, #tpu.memory_space<vmem>>, vector<1x16xf32>,
                %get3A_1815 = vector.shape_cast %get3A_1814 : vector<1x16xf32> to vector<16xf32>
                %swap3A_1816 = arith.index_cast %select_n3A_1811 : i32 to index
                %swap3A_1817 = tpu.vector_load %arg7[%swap3A_1816] {strides = array<i32>} : memref<320xf32, #tpu.memory_space<vmem>>, vector<16xf32>,
                %swap3A_1818 = vector.shape_cast %swap3A_1817 : vector<16xf32> to vector<16xf32>
                %swap3A_1819 = vector.shape_cast %get3A_1815 : vector<16xf32> to vector<16xf32>
                tpu.vector_store %arg7[%swap3A_1816], %swap3A_1819 {strides = array<i32>} : memref<320xf32, #tpu.memory_space<vmem>>, vector<16xf32>,
                %iota3A_1820 = tpu.iota {dimensions = array<i32: 0>} : vector<16xi32>
                %xor3A_1821 = arith.constant 1 : i32
                %xor3A_1822 = vector.broadcast %xor3A_1821 : i32 to vector<16xi32>
                %xor3A_1823 = arith.xori %iota3A_1820, %xor3A_1822 : vector<16xi32>
                %lt3A_1824 = arith.constant 0 : i32
                %lt3A_1825 = vector.broadcast %lt3A_1824 : i32 to vector<16xi32>
                %lt3A_1826 = arith.cmpi slt, %xor3A_1823, %lt3A_1825 : vector<16xi32>
                %add3A_1827 = arith.constant 16 : i32
                %add3A_1828 = vector.broadcast %add3A_1827 : i32 to vector<16xi32>
                %add3A_1829 = arith.addi %xor3A_1823, %add3A_1828 : vector<16xi32>
                %select_n3A_1830 = arith.select %lt3A_1826, %add3A_1829, %xor3A_1823 : vector<16xi1>, vector<16xi32>
                %broadcast_in_dim3A_1831 = vector.shape_cast %select_n3A_1830 : vector<16xi32> to vector<16x1xi32>
                %gather3A_1832 = vector.shape_cast %broadcast_in_dim3A_1831 : vector<16x1xi32> to vector<16xi32>
                %gather3A_1833 = tpu.dynamic_gather %get3A_1815[%gather3A_1832] in [0] : vector<16xf32>, vector<16xi32> -> vector<16xf32>
                %max3A_1834 = arith.maximumf %get3A_1815, %gather3A_1833 : vector<16xf32>
                %iota3A_1835 = tpu.iota {dimensions = array<i32: 0>} : vector<16xi32>
                %xor3A_1836 = arith.constant 2 : i32
                %xor3A_1837 = vector.broadcast %xor3A_1836 : i32 to vector<16xi32>
                %xor3A_1838 = arith.xori %iota3A_1835, %xor3A_1837 : vector<16xi32>
                %lt3A_1839 = arith.constant 0 : i32
                %lt3A_1840 = vector.broadcast %lt3A_1839 : i32 to vector<16xi32>
                %lt3A_1841 = arith.cmpi slt, %xor3A_1838, %lt3A_1840 : vector<16xi32>
                %add3A_1842 = arith.constant 16 : i32
                %add3A_1843 = vector.broadcast %add3A_1842 : i32 to vector<16xi32>
                %add3A_1844 = arith.addi %xor3A_1838, %add3A_1843 : vector<16xi32>
                %select_n3A_1845 = arith.select %lt3A_1841, %add3A_1844, %xor3A_1838 : vector<16xi1>, vector<16xi32>
                %broadcast_in_dim3A_1846 = vector.shape_cast %select_n3A_1845 : vector<16xi32> to vector<16x1xi32>
                %gather3A_1847 = vector.shape_cast %broadcast_in_dim3A_1846 : vector<16x1xi32> to vector<16xi32>
                %gather3A_1848 = tpu.dynamic_gather %max3A_1834[%gather3A_1847] in [0] : vector<16xf32>, vector<16xi32> -> vector<16xf32>
                %max3A_1849 = arith.maximumf %max3A_1834, %gather3A_1848 : vector<16xf32>
                %iota3A_1850 = tpu.iota {dimensions = array<i32: 0>} : vector<16xi32>
                %xor3A_1851 = arith.constant 4 : i32
                %xor3A_1852 = vector.broadcast %xor3A_1851 : i32 to vector<16xi32>
                %xor3A_1853 = arith.xori %iota3A_1850, %xor3A_1852 : vector<16xi32>
                %lt3A_1854 = arith.constant 0 : i32
                %lt3A_1855 = vector.broadcast %lt3A_1854 : i32 to vector<16xi32>
                %lt3A_1856 = arith.cmpi slt, %xor3A_1853, %lt3A_1855 : vector<16xi32>
                %add3A_1857 = arith.constant 16 : i32
                %add3A_1858 = vector.broadcast %add3A_1857 : i32 to vector<16xi32>
                %add3A_1859 = arith.addi %xor3A_1853, %add3A_1858 : vector<16xi32>
                %select_n3A_1860 = arith.select %lt3A_1856, %add3A_1859, %xor3A_1853 : vector<16xi1>, vector<16xi32>
                %broadcast_in_dim3A_1861 = vector.shape_cast %select_n3A_1860 : vector<16xi32> to vector<16x1xi32>
                %gather3A_1862 = vector.shape_cast %broadcast_in_dim3A_1861 : vector<16x1xi32> to vector<16xi32>
                %gather3A_1863 = tpu.dynamic_gather %max3A_1849[%gather3A_1862] in [0] : vector<16xf32>, vector<16xi32> -> vector<16xf32>
                %max3A_1864 = arith.maximumf %max3A_1849, %gather3A_1863 : vector<16xf32>
                %iota3A_1865 = tpu.iota {dimensions = array<i32: 0>} : vector<16xi32>
                %xor3A_1866 = arith.constant 8 : i32
                %xor3A_1867 = vector.broadcast %xor3A_1866 : i32 to vector<16xi32>
                %xor3A_1868 = arith.xori %iota3A_1865, %xor3A_1867 : vector<16xi32>
                %lt3A_1869 = arith.constant 0 : i32
                %lt3A_1870 = vector.broadcast %lt3A_1869 : i32 to vector<16xi32>
                %lt3A_1871 = arith.cmpi slt, %xor3A_1868, %lt3A_1870 : vector<16xi32>
                %add3A_1872 = arith.constant 16 : i32
                %add3A_1873 = vector.broadcast %add3A_1872 : i32 to vector<16xi32>
                %add3A_1874 = arith.addi %xor3A_1868, %add3A_1873 : vector<16xi32>
                %select_n3A_1875 = arith.select %lt3A_1871, %add3A_1874, %xor3A_1868 : vector<16xi1>, vector<16xi32>
                %broadcast_in_dim3A_1876 = vector.shape_cast %select_n3A_1875 : vector<16xi32> to vector<16x1xi32>
                %gather3A_1877 = vector.shape_cast %broadcast_in_dim3A_1876 : vector<16x1xi32> to vector<16xi32>
                %gather3A_1878 = tpu.dynamic_gather %max3A_1864[%gather3A_1877] in [0] : vector<16xf32>, vector<16xi32> -> vector<16xf32>
                %max3A_1879 = arith.maximumf %max3A_1864, %gather3A_1878 : vector<16xf32>
                %slice3A_1880 = vector.extract_strided_slice %max3A_1879 {offsets = [0], sizes = [1], strides = [1]} : vector<16xf32> to vector<1xf32>
                %squeeze3A_1881 = vector.extract %slice3A_1880[0] : f32 from vector<1xf32>
                %gt3A_1882 = arith.cmpf ogt, %squeeze3A_1881, %scan3A_1304 : f32
                %add3A_1883 = arith.constant 16 : i32
                %add3A_1884 = arith.addi %select_n3A_1811, %add3A_1883 : i32
                %select_n3A_1885 = arith.select %gt3A_1882, %add3A_1884, %select_n3A_1811 : i32
                %get3A_1886 = arith.index_cast %select_n3A_44 : i32 to index
                %get3A_1887 = arith.constant 80 : index
                %get3A_1888 = tpu.vector_load %arg10[%get3A_1886, %get3A_1887] {strides = array<i32>} : memref<8x128xf32, #tpu.memory_space<vmem>>, vector<1x16xf32>,
                %get3A_1889 = vector.shape_cast %get3A_1888 : vector<1x16xf32> to vector<16xf32>
                %swap3A_1890 = arith.index_cast %select_n3A_1885 : i32 to index
                %swap3A_1891 = tpu.vector_load %arg7[%swap3A_1890] {strides = array<i32>} : memref<320xf32, #tpu.memory_space<vmem>>, vector<16xf32>,
                %swap3A_1892 = vector.shape_cast %swap3A_1891 : vector<16xf32> to vector<16xf32>
                %swap3A_1893 = vector.shape_cast %get3A_1889 : vector<16xf32> to vector<16xf32>
                tpu.vector_store %arg7[%swap3A_1890], %swap3A_1893 {strides = array<i32>} : memref<320xf32, #tpu.memory_space<vmem>>, vector<16xf32>,
                %iota3A_1894 = tpu.iota {dimensions = array<i32: 0>} : vector<16xi32>
                %xor3A_1895 = arith.constant 1 : i32
                %xor3A_1896 = vector.broadcast %xor3A_1895 : i32 to vector<16xi32>
                %xor3A_1897 = arith.xori %iota3A_1894, %xor3A_1896 : vector<16xi32>
                %lt3A_1898 = arith.constant 0 : i32
                %lt3A_1899 = vector.broadcast %lt3A_1898 : i32 to vector<16xi32>
                %lt3A_1900 = arith.cmpi slt, %xor3A_1897, %lt3A_1899 : vector<16xi32>
                %add3A_1901 = arith.constant 16 : i32
                %add3A_1902 = vector.broadcast %add3A_1901 : i32 to vector<16xi32>
                %add3A_1903 = arith.addi %xor3A_1897, %add3A_1902 : vector<16xi32>
                %select_n3A_1904 = arith.select %lt3A_1900, %add3A_1903, %xor3A_1897 : vector<16xi1>, vector<16xi32>
                %broadcast_in_dim3A_1905 = vector.shape_cast %select_n3A_1904 : vector<16xi32> to vector<16x1xi32>
                %gather3A_1906 = vector.shape_cast %broadcast_in_dim3A_1905 : vector<16x1xi32> to vector<16xi32>
                %gather3A_1907 = tpu.dynamic_gather %get3A_1889[%gather3A_1906] in [0] : vector<16xf32>, vector<16xi32> -> vector<16xf32>
                %max3A_1908 = arith.maximumf %get3A_1889, %gather3A_1907 : vector<16xf32>
                %iota3A_1909 = tpu.iota {dimensions = array<i32: 0>} : vector<16xi32>
                %xor3A_1910 = arith.constant 2 : i32
                %xor3A_1911 = vector.broadcast %xor3A_1910 : i32 to vector<16xi32>
                %xor3A_1912 = arith.xori %iota3A_1909, %xor3A_1911 : vector<16xi32>
                %lt3A_1913 = arith.constant 0 : i32
                %lt3A_1914 = vector.broadcast %lt3A_1913 : i32 to vector<16xi32>
                %lt3A_1915 = arith.cmpi slt, %xor3A_1912, %lt3A_1914 : vector<16xi32>
                %add3A_1916 = arith.constant 16 : i32
                %add3A_1917 = vector.broadcast %add3A_1916 : i32 to vector<16xi32>
                %add3A_1918 = arith.addi %xor3A_1912, %add3A_1917 : vector<16xi32>
                %select_n3A_1919 = arith.select %lt3A_1915, %add3A_1918, %xor3A_1912 : vector<16xi1>, vector<16xi32>
                %broadcast_in_dim3A_1920 = vector.shape_cast %select_n3A_1919 : vector<16xi32> to vector<16x1xi32>
                %gather3A_1921 = vector.shape_cast %broadcast_in_dim3A_1920 : vector<16x1xi32> to vector<16xi32>
                %gather3A_1922 = tpu.dynamic_gather %max3A_1908[%gather3A_1921] in [0] : vector<16xf32>, vector<16xi32> -> vector<16xf32>
                %max3A_1923 = arith.maximumf %max3A_1908, %gather3A_1922 : vector<16xf32>
                %iota3A_1924 = tpu.iota {dimensions = array<i32: 0>} : vector<16xi32>
                %xor3A_1925 = arith.constant 4 : i32
                %xor3A_1926 = vector.broadcast %xor3A_1925 : i32 to vector<16xi32>
                %xor3A_1927 = arith.xori %iota3A_1924, %xor3A_1926 : vector<16xi32>
                %lt3A_1928 = arith.constant 0 : i32
                %lt3A_1929 = vector.broadcast %lt3A_1928 : i32 to vector<16xi32>
                %lt3A_1930 = arith.cmpi slt, %xor3A_1927, %lt3A_1929 : vector<16xi32>
                %add3A_1931 = arith.constant 16 : i32
                %add3A_1932 = vector.broadcast %add3A_1931 : i32 to vector<16xi32>
                %add3A_1933 = arith.addi %xor3A_1927, %add3A_1932 : vector<16xi32>
                %select_n3A_1934 = arith.select %lt3A_1930, %add3A_1933, %xor3A_1927 : vector<16xi1>, vector<16xi32>
                %broadcast_in_dim3A_1935 = vector.shape_cast %select_n3A_1934 : vector<16xi32> to vector<16x1xi32>
                %gather3A_1936 = vector.shape_cast %broadcast_in_dim3A_1935 : vector<16x1xi32> to vector<16xi32>
                %gather3A_1937 = tpu.dynamic_gather %max3A_1923[%gather3A_1936] in [0] : vector<16xf32>, vector<16xi32> -> vector<16xf32>
                %max3A_1938 = arith.maximumf %max3A_1923, %gather3A_1937 : vector<16xf32>
                %iota3A_1939 = tpu.iota {dimensions = array<i32: 0>} : vector<16xi32>
                %xor3A_1940 = arith.constant 8 : i32
                %xor3A_1941 = vector.broadcast %xor3A_1940 : i32 to vector<16xi32>
                %xor3A_1942 = arith.xori %iota3A_1939, %xor3A_1941 : vector<16xi32>
                %lt3A_1943 = arith.constant 0 : i32
                %lt3A_1944 = vector.broadcast %lt3A_1943 : i32 to vector<16xi32>
                %lt3A_1945 = arith.cmpi slt, %xor3A_1942, %lt3A_1944 : vector<16xi32>
                %add3A_1946 = arith.constant 16 : i32
                %add3A_1947 = vector.broadcast %add3A_1946 : i32 to vector<16xi32>
                %add3A_1948 = arith.addi %xor3A_1942, %add3A_1947 : vector<16xi32>
                %select_n3A_1949 = arith.select %lt3A_1945, %add3A_1948, %xor3A_1942 : vector<16xi1>, vector<16xi32>
                %broadcast_in_dim3A_1950 = vector.shape_cast %select_n3A_1949 : vector<16xi32> to vector<16x1xi32>
                %gather3A_1951 = vector.shape_cast %broadcast_in_dim3A_1950 : vector<16x1xi32> to vector<16xi32>
                %gather3A_1952 = tpu.dynamic_gather %max3A_1938[%gather3A_1951] in [0] : vector<16xf32>, vector<16xi32> -> vector<16xf32>
                %max3A_1953 = arith.maximumf %max3A_1938, %gather3A_1952 : vector<16xf32>
                %slice3A_1954 = vector.extract_strided_slice %max3A_1953 {offsets = [0], sizes = [1], strides = [1]} : vector<16xf32> to vector<1xf32>
                %squeeze3A_1955 = vector.extract %slice3A_1954[0] : f32 from vector<1xf32>
                %gt3A_1956 = arith.cmpf ogt, %squeeze3A_1955, %scan3A_1304 : f32
                %add3A_1957 = arith.constant 16 : i32
                %add3A_1958 = arith.addi %select_n3A_1885, %add3A_1957 : i32
                %select_n3A_1959 = arith.select %gt3A_1956, %add3A_1958, %select_n3A_1885 : i32
                %get3A_1960 = arith.index_cast %select_n3A_44 : i32 to index
                %get3A_1961 = arith.constant 96 : index
                %get3A_1962 = tpu.vector_load %arg10[%get3A_1960, %get3A_1961] {strides = array<i32>} : memref<8x128xf32, #tpu.memory_space<vmem>>, vector<1x16xf32>,
                %get3A_1963 = vector.shape_cast %get3A_1962 : vector<1x16xf32> to vector<16xf32>
                %swap3A_1964 = arith.index_cast %select_n3A_1959 : i32 to index
                %swap3A_1965 = tpu.vector_load %arg7[%swap3A_1964] {strides = array<i32>} : memref<320xf32, #tpu.memory_space<vmem>>, vector<16xf32>,
                %swap3A_1966 = vector.shape_cast %swap3A_1965 : vector<16xf32> to vector<16xf32>
                %swap3A_1967 = vector.shape_cast %get3A_1963 : vector<16xf32> to vector<16xf32>
                tpu.vector_store %arg7[%swap3A_1964], %swap3A_1967 {strides = array<i32>} : memref<320xf32, #tpu.memory_space<vmem>>, vector<16xf32>,
                %iota3A_1968 = tpu.iota {dimensions = array<i32: 0>} : vector<16xi32>
                %xor3A_1969 = arith.constant 1 : i32
                %xor3A_1970 = vector.broadcast %xor3A_1969 : i32 to vector<16xi32>
                %xor3A_1971 = arith.xori %iota3A_1968, %xor3A_1970 : vector<16xi32>
                %lt3A_1972 = arith.constant 0 : i32
                %lt3A_1973 = vector.broadcast %lt3A_1972 : i32 to vector<16xi32>
                %lt3A_1974 = arith.cmpi slt, %xor3A_1971, %lt3A_1973 : vector<16xi32>
                %add3A_1975 = arith.constant 16 : i32
                %add3A_1976 = vector.broadcast %add3A_1975 : i32 to vector<16xi32>
                %add3A_1977 = arith.addi %xor3A_1971, %add3A_1976 : vector<16xi32>
                %select_n3A_1978 = arith.select %lt3A_1974, %add3A_1977, %xor3A_1971 : vector<16xi1>, vector<16xi32>
                %broadcast_in_dim3A_1979 = vector.shape_cast %select_n3A_1978 : vector<16xi32> to vector<16x1xi32>
                %gather3A_1980 = vector.shape_cast %broadcast_in_dim3A_1979 : vector<16x1xi32> to vector<16xi32>
                %gather3A_1981 = tpu.dynamic_gather %get3A_1963[%gather3A_1980] in [0] : vector<16xf32>, vector<16xi32> -> vector<16xf32>
                %max3A_1982 = arith.maximumf %get3A_1963, %gather3A_1981 : vector<16xf32>
                %iota3A_1983 = tpu.iota {dimensions = array<i32: 0>} : vector<16xi32>
                %xor3A_1984 = arith.constant 2 : i32
                %xor3A_1985 = vector.broadcast %xor3A_1984 : i32 to vector<16xi32>
                %xor3A_1986 = arith.xori %iota3A_1983, %xor3A_1985 : vector<16xi32>
                %lt3A_1987 = arith.constant 0 : i32
                %lt3A_1988 = vector.broadcast %lt3A_1987 : i32 to vector<16xi32>
                %lt3A_1989 = arith.cmpi slt, %xor3A_1986, %lt3A_1988 : vector<16xi32>
                %add3A_1990 = arith.constant 16 : i32
                %add3A_1991 = vector.broadcast %add3A_1990 : i32 to vector<16xi32>
                %add3A_1992 = arith.addi %xor3A_1986, %add3A_1991 : vector<16xi32>
                %select_n3A_1993 = arith.select %lt3A_1989, %add3A_1992, %xor3A_1986 : vector<16xi1>, vector<16xi32>
                %broadcast_in_dim3A_1994 = vector.shape_cast %select_n3A_1993 : vector<16xi32> to vector<16x1xi32>
                %gather3A_1995 = vector.shape_cast %broadcast_in_dim3A_1994 : vector<16x1xi32> to vector<16xi32>
                %gather3A_1996 = tpu.dynamic_gather %max3A_1982[%gather3A_1995] in [0] : vector<16xf32>, vector<16xi32> -> vector<16xf32>
                %max3A_1997 = arith.maximumf %max3A_1982, %gather3A_1996 : vector<16xf32>
                %iota3A_1998 = tpu.iota {dimensions = array<i32: 0>} : vector<16xi32>
                %xor3A_1999 = arith.constant 4 : i32
                %xor3A_2000 = vector.broadcast %xor3A_1999 : i32 to vector<16xi32>
                %xor3A_2001 = arith.xori %iota3A_1998, %xor3A_2000 : vector<16xi32>
                %lt3A_2002 = arith.constant 0 : i32
                %lt3A_2003 = vector.broadcast %lt3A_2002 : i32 to vector<16xi32>
                %lt3A_2004 = arith.cmpi slt, %xor3A_2001, %lt3A_2003 : vector<16xi32>
                %add3A_2005 = arith.constant 16 : i32
                %add3A_2006 = vector.broadcast %add3A_2005 : i32 to vector<16xi32>
                %add3A_2007 = arith.addi %xor3A_2001, %add3A_2006 : vector<16xi32>
                %select_n3A_2008 = arith.select %lt3A_2004, %add3A_2007, %xor3A_2001 : vector<16xi1>, vector<16xi32>
                %broadcast_in_dim3A_2009 = vector.shape_cast %select_n3A_2008 : vector<16xi32> to vector<16x1xi32>
                %gather3A_2010 = vector.shape_cast %broadcast_in_dim3A_2009 : vector<16x1xi32> to vector<16xi32>
                %gather3A_2011 = tpu.dynamic_gather %max3A_1997[%gather3A_2010] in [0] : vector<16xf32>, vector<16xi32> -> vector<16xf32>
                %max3A_2012 = arith.maximumf %max3A_1997, %gather3A_2011 : vector<16xf32>
                %iota3A_2013 = tpu.iota {dimensions = array<i32: 0>} : vector<16xi32>
                %xor3A_2014 = arith.constant 8 : i32
                %xor3A_2015 = vector.broadcast %xor3A_2014 : i32 to vector<16xi32>
                %xor3A_2016 = arith.xori %iota3A_2013, %xor3A_2015 : vector<16xi32>
                %lt3A_2017 = arith.constant 0 : i32
                %lt3A_2018 = vector.broadcast %lt3A_2017 : i32 to vector<16xi32>
                %lt3A_2019 = arith.cmpi slt, %xor3A_2016, %lt3A_2018 : vector<16xi32>
                %add3A_2020 = arith.constant 16 : i32
                %add3A_2021 = vector.broadcast %add3A_2020 : i32 to vector<16xi32>
                %add3A_2022 = arith.addi %xor3A_2016, %add3A_2021 : vector<16xi32>
                %select_n3A_2023 = arith.select %lt3A_2019, %add3A_2022, %xor3A_2016 : vector<16xi1>, vector<16xi32>
                %broadcast_in_dim3A_2024 = vector.shape_cast %select_n3A_2023 : vector<16xi32> to vector<16x1xi32>
                %gather3A_2025 = vector.shape_cast %broadcast_in_dim3A_2024 : vector<16x1xi32> to vector<16xi32>
                %gather3A_2026 = tpu.dynamic_gather %max3A_2012[%gather3A_2025] in [0] : vector<16xf32>, vector<16xi32> -> vector<16xf32>
                %max3A_2027 = arith.maximumf %max3A_2012, %gather3A_2026 : vector<16xf32>
                %slice3A_2028 = vector.extract_strided_slice %max3A_2027 {offsets = [0], sizes = [1], strides = [1]} : vector<16xf32> to vector<1xf32>
                %squeeze3A_2029 = vector.extract %slice3A_2028[0] : f32 from vector<1xf32>
                %gt3A_2030 = arith.cmpf ogt, %squeeze3A_2029, %scan3A_1304 : f32
                %add3A_2031 = arith.constant 16 : i32
                %add3A_2032 = arith.addi %select_n3A_1959, %add3A_2031 : i32
                %select_n3A_2033 = arith.select %gt3A_2030, %add3A_2032, %select_n3A_1959 : i32
                %get3A_2034 = arith.index_cast %select_n3A_44 : i32 to index
                %get3A_2035 = arith.constant 112 : index
                %get3A_2036 = tpu.vector_load %arg10[%get3A_2034, %get3A_2035] {strides = array<i32>} : memref<8x128xf32, #tpu.memory_space<vmem>>, vector<1x16xf32>,
                %get3A_2037 = vector.shape_cast %get3A_2036 : vector<1x16xf32> to vector<16xf32>
                %swap3A_2038 = arith.index_cast %select_n3A_2033 : i32 to index
                %swap3A_2039 = tpu.vector_load %arg7[%swap3A_2038] {strides = array<i32>} : memref<320xf32, #tpu.memory_space<vmem>>, vector<16xf32>,
                %swap3A_2040 = vector.shape_cast %swap3A_2039 : vector<16xf32> to vector<16xf32>
                %swap3A_2041 = vector.shape_cast %get3A_2037 : vector<16xf32> to vector<16xf32>
                tpu.vector_store %arg7[%swap3A_2038], %swap3A_2041 {strides = array<i32>} : memref<320xf32, #tpu.memory_space<vmem>>, vector<16xf32>,
                %iota3A_2042 = tpu.iota {dimensions = array<i32: 0>} : vector<16xi32>
                %xor3A_2043 = arith.constant 1 : i32
                %xor3A_2044 = vector.broadcast %xor3A_2043 : i32 to vector<16xi32>
                %xor3A_2045 = arith.xori %iota3A_2042, %xor3A_2044 : vector<16xi32>
                %lt3A_2046 = arith.constant 0 : i32
                %lt3A_2047 = vector.broadcast %lt3A_2046 : i32 to vector<16xi32>
                %lt3A_2048 = arith.cmpi slt, %xor3A_2045, %lt3A_2047 : vector<16xi32>
                %add3A_2049 = arith.constant 16 : i32
                %add3A_2050 = vector.broadcast %add3A_2049 : i32 to vector<16xi32>
                %add3A_2051 = arith.addi %xor3A_2045, %add3A_2050 : vector<16xi32>
                %select_n3A_2052 = arith.select %lt3A_2048, %add3A_2051, %xor3A_2045 : vector<16xi1>, vector<16xi32>
                %broadcast_in_dim3A_2053 = vector.shape_cast %select_n3A_2052 : vector<16xi32> to vector<16x1xi32>
                %gather3A_2054 = vector.shape_cast %broadcast_in_dim3A_2053 : vector<16x1xi32> to vector<16xi32>
                %gather3A_2055 = tpu.dynamic_gather %get3A_2037[%gather3A_2054] in [0] : vector<16xf32>, vector<16xi32> -> vector<16xf32>
                %max3A_2056 = arith.maximumf %get3A_2037, %gather3A_2055 : vector<16xf32>
                %iota3A_2057 = tpu.iota {dimensions = array<i32: 0>} : vector<16xi32>
                %xor3A_2058 = arith.constant 2 : i32
                %xor3A_2059 = vector.broadcast %xor3A_2058 : i32 to vector<16xi32>
                %xor3A_2060 = arith.xori %iota3A_2057, %xor3A_2059 : vector<16xi32>
                %lt3A_2061 = arith.constant 0 : i32
                %lt3A_2062 = vector.broadcast %lt3A_2061 : i32 to vector<16xi32>
                %lt3A_2063 = arith.cmpi slt, %xor3A_2060, %lt3A_2062 : vector<16xi32>
                %add3A_2064 = arith.constant 16 : i32
                %add3A_2065 = vector.broadcast %add3A_2064 : i32 to vector<16xi32>
                %add3A_2066 = arith.addi %xor3A_2060, %add3A_2065 : vector<16xi32>
                %select_n3A_2067 = arith.select %lt3A_2063, %add3A_2066, %xor3A_2060 : vector<16xi1>, vector<16xi32>
                %broadcast_in_dim3A_2068 = vector.shape_cast %select_n3A_2067 : vector<16xi32> to vector<16x1xi32>
                %gather3A_2069 = vector.shape_cast %broadcast_in_dim3A_2068 : vector<16x1xi32> to vector<16xi32>
                %gather3A_2070 = tpu.dynamic_gather %max3A_2056[%gather3A_2069] in [0] : vector<16xf32>, vector<16xi32> -> vector<16xf32>
                %max3A_2071 = arith.maximumf %max3A_2056, %gather3A_2070 : vector<16xf32>
                %iota3A_2072 = tpu.iota {dimensions = array<i32: 0>} : vector<16xi32>
                %xor3A_2073 = arith.constant 4 : i32
                %xor3A_2074 = vector.broadcast %xor3A_2073 : i32 to vector<16xi32>
                %xor3A_2075 = arith.xori %iota3A_2072, %xor3A_2074 : vector<16xi32>
                %lt3A_2076 = arith.constant 0 : i32
                %lt3A_2077 = vector.broadcast %lt3A_2076 : i32 to vector<16xi32>
                %lt3A_2078 = arith.cmpi slt, %xor3A_2075, %lt3A_2077 : vector<16xi32>
                %add3A_2079 = arith.constant 16 : i32
                %add3A_2080 = vector.broadcast %add3A_2079 : i32 to vector<16xi32>
                %add3A_2081 = arith.addi %xor3A_2075, %add3A_2080 : vector<16xi32>
                %select_n3A_2082 = arith.select %lt3A_2078, %add3A_2081, %xor3A_2075 : vector<16xi1>, vector<16xi32>
                %broadcast_in_dim3A_2083 = vector.shape_cast %select_n3A_2082 : vector<16xi32> to vector<16x1xi32>
                %gather3A_2084 = vector.shape_cast %broadcast_in_dim3A_2083 : vector<16x1xi32> to vector<16xi32>
                %gather3A_2085 = tpu.dynamic_gather %max3A_2071[%gather3A_2084] in [0] : vector<16xf32>, vector<16xi32> -> vector<16xf32>
                %max3A_2086 = arith.maximumf %max3A_2071, %gather3A_2085 : vector<16xf32>
                %iota3A_2087 = tpu.iota {dimensions = array<i32: 0>} : vector<16xi32>
                %xor3A_2088 = arith.constant 8 : i32
                %xor3A_2089 = vector.broadcast %xor3A_2088 : i32 to vector<16xi32>
                %xor3A_2090 = arith.xori %iota3A_2087, %xor3A_2089 : vector<16xi32>
                %lt3A_2091 = arith.constant 0 : i32
                %lt3A_2092 = vector.broadcast %lt3A_2091 : i32 to vector<16xi32>
                %lt3A_2093 = arith.cmpi slt, %xor3A_2090, %lt3A_2092 : vector<16xi32>
                %add3A_2094 = arith.constant 16 : i32
                %add3A_2095 = vector.broadcast %add3A_2094 : i32 to vector<16xi32>
                %add3A_2096 = arith.addi %xor3A_2090, %add3A_2095 : vector<16xi32>
                %select_n3A_2097 = arith.select %lt3A_2093, %add3A_2096, %xor3A_2090 : vector<16xi1>, vector<16xi32>
                %broadcast_in_dim3A_2098 = vector.shape_cast %select_n3A_2097 : vector<16xi32> to vector<16x1xi32>
                %gather3A_2099 = vector.shape_cast %broadcast_in_dim3A_2098 : vector<16x1xi32> to vector<16xi32>
                %gather3A_2100 = tpu.dynamic_gather %max3A_2086[%gather3A_2099] in [0] : vector<16xf32>, vector<16xi32> -> vector<16xf32>
                %max3A_2101 = arith.maximumf %max3A_2086, %gather3A_2100 : vector<16xf32>
                %slice3A_2102 = vector.extract_strided_slice %max3A_2101 {offsets = [0], sizes = [1], strides = [1]} : vector<16xf32> to vector<1xf32>
                %squeeze3A_2103 = vector.extract %slice3A_2102[0] : f32 from vector<1xf32>
                %gt3A_2104 = arith.cmpf ogt, %squeeze3A_2103, %scan3A_1304 : f32
                %add3A_2105 = arith.constant 16 : i32
                %add3A_2106 = arith.addi %select_n3A_2033, %add3A_2105 : i32
                %select_n3A_2107 = arith.select %gt3A_2104, %add3A_2106, %select_n3A_2033 : i32
                %ge3A_2108 = arith.constant 160 : i32
                %ge3A_2109 = arith.cmpi sge, %select_n3A_2107, %ge3A_2108 : i32
                %convert_element_type3A_2110 = arith.extui %ge3A_2109 : i1 to i32
                %cond3A_2111 = arith.constant 0 : i32
                %cond3A_2112 = arith.cmpi ne, %convert_element_type3A_2110, %cond3A_2111 : i32
                %cond3A_2113:2 = scf.if %cond3A_2112 -> (i32, f32) {
                  %get3A_2123 = arith.constant 0 : index
                  %get3A_2124 = tpu.vector_load %arg8[%get3A_2123] {strides = array<i32>} : memref<48xf32, #tpu.memory_space<vmem>>, vector<16xf32>,
                  %get3A_2125 = vector.shape_cast %get3A_2124 : vector<16xf32> to vector<16xf32>
                  %add3A_2126 = arith.constant 0 : i32
                  %add3A_2127 = arith.addi %select_n3A_2107, %add3A_2126 : i32
                  %swap3A_2128 = arith.index_cast %add3A_2127 : i32 to index
                  %swap3A_2129 = tpu.vector_load %arg7[%swap3A_2128] {strides = array<i32>} : memref<320xf32, #tpu.memory_space<vmem>>, vector<16xf32>,
                  %swap3A_2130 = vector.shape_cast %swap3A_2129 : vector<16xf32> to vector<16xf32>
                  %swap3A_2131 = vector.shape_cast %get3A_2125 : vector<16xf32> to vector<16xf32>
                  tpu.vector_store %arg7[%swap3A_2128], %swap3A_2131 {strides = array<i32>} : memref<320xf32, #tpu.memory_space<vmem>>, vector<16xf32>,
                  %get3A_2132 = arith.constant 16 : index
                  %get3A_2133 = tpu.vector_load %arg8[%get3A_2132] {strides = array<i32>} : memref<48xf32, #tpu.memory_space<vmem>>, vector<16xf32>,
                  %get3A_2134 = vector.shape_cast %get3A_2133 : vector<16xf32> to vector<16xf32>
                  %add3A_2135 = arith.constant 16 : i32
                  %add3A_2136 = arith.addi %select_n3A_2107, %add3A_2135 : i32
                  %swap3A_2137 = arith.index_cast %add3A_2136 : i32 to index
                  %swap3A_2138 = tpu.vector_load %arg7[%swap3A_2137] {strides = array<i32>} : memref<320xf32, #tpu.memory_space<vmem>>, vector<16xf32>,
                  %swap3A_2139 = vector.shape_cast %swap3A_2138 : vector<16xf32> to vector<16xf32>
                  %swap3A_2140 = vector.shape_cast %get3A_2134 : vector<16xf32> to vector<16xf32>
                  tpu.vector_store %arg7[%swap3A_2137], %swap3A_2140 {strides = array<i32>} : memref<320xf32, #tpu.memory_space<vmem>>, vector<16xf32>,
                  %scan3A_2141 = arith.constant 25 : i32
                  %scan3A_2142 = arith.constant 0 : i32
                  %scan3A_2143 = arith.constant 0 : i32
                  %scan3A_2144 = arith.constant 25 : i32
                  %scan3A_2145 = arith.addi %scan3A_2143, %scan3A_2144 : i32
                  %scan3A_2146 = arith.constant 1 : i32
                  %scan3A_2147:3 = scf.for %scan3A_2234 = %scan3A_2143 to %scan3A_2145 step %scan3A_2146 iter_args(%scan3A_2235 = %scan3A_2141, %scan3A_2236 = %scan3A_2142, %scan3A_2237 = %scan3A_1304) -> (i32, i32, f32)  : i32 {
                    %get3A_2238 = arith.constant 0 : index
                    %get3A_2239 = tpu.vector_load %arg7[%get3A_2238] {strides = array<i32>} : memref<320xf32, #tpu.memory_space<vmem>>, vector<16xf32>,
                    %get3A_2240 = vector.shape_cast %get3A_2239 : vector<16xf32> to vector<16xf32>
                    %get3A_2241 = arith.constant 16 : index
                    %get3A_2242 = tpu.vector_load %arg7[%get3A_2241] {strides = array<i32>} : memref<320xf32, #tpu.memory_space<vmem>>, vector<16xf32>,
                    %get3A_2243 = vector.shape_cast %get3A_2242 : vector<16xf32> to vector<16xf32>
                    %get3A_2244 = arith.constant 32 : index
                    %get3A_2245 = tpu.vector_load %arg7[%get3A_2244] {strides = array<i32>} : memref<320xf32, #tpu.memory_space<vmem>>, vector<16xf32>,
                    %get3A_2246 = vector.shape_cast %get3A_2245 : vector<16xf32> to vector<16xf32>
                    %get3A_2247 = arith.constant 48 : index
                    %get3A_2248 = tpu.vector_load %arg7[%get3A_2247] {strides = array<i32>} : memref<320xf32, #tpu.memory_space<vmem>>, vector<16xf32>,
                    %get3A_2249 = vector.shape_cast %get3A_2248 : vector<16xf32> to vector<16xf32>
                    %get3A_2250 = arith.constant 64 : index
                    %get3A_2251 = tpu.vector_load %arg7[%get3A_2250] {strides = array<i32>} : memref<320xf32, #tpu.memory_space<vmem>>, vector<16xf32>,
                    %get3A_2252 = vector.shape_cast %get3A_2251 : vector<16xf32> to vector<16xf32>
                    %get3A_2253 = arith.constant 80 : index
                    %get3A_2254 = tpu.vector_load %arg7[%get3A_2253] {strides = array<i32>} : memref<320xf32, #tpu.memory_space<vmem>>, vector<16xf32>,
                    %get3A_2255 = vector.shape_cast %get3A_2254 : vector<16xf32> to vector<16xf32>
                    %get3A_2256 = arith.constant 96 : index
                    %get3A_2257 = tpu.vector_load %arg7[%get3A_2256] {strides = array<i32>} : memref<320xf32, #tpu.memory_space<vmem>>, vector<16xf32>,
                    %get3A_2258 = vector.shape_cast %get3A_2257 : vector<16xf32> to vector<16xf32>
                    %get3A_2259 = arith.constant 112 : index
                    %get3A_2260 = tpu.vector_load %arg7[%get3A_2259] {strides = array<i32>} : memref<320xf32, #tpu.memory_space<vmem>>, vector<16xf32>,
                    %get3A_2261 = vector.shape_cast %get3A_2260 : vector<16xf32> to vector<16xf32>
                    %get3A_2262 = arith.constant 128 : index
                    %get3A_2263 = tpu.vector_load %arg7[%get3A_2262] {strides = array<i32>} : memref<320xf32, #tpu.memory_space<vmem>>, vector<16xf32>,
                    %get3A_2264 = vector.shape_cast %get3A_2263 : vector<16xf32> to vector<16xf32>
                    %get3A_2265 = arith.constant 144 : index
                    %get3A_2266 = tpu.vector_load %arg7[%get3A_2265] {strides = array<i32>} : memref<320xf32, #tpu.memory_space<vmem>>, vector<16xf32>,
                    %get3A_2267 = vector.shape_cast %get3A_2266 : vector<16xf32> to vector<16xf32>
                    %get3A_2268 = arith.constant 160 : index
                    %get3A_2269 = tpu.vector_load %arg7[%get3A_2268] {strides = array<i32>} : memref<320xf32, #tpu.memory_space<vmem>>, vector<16xf32>,
                    %get3A_2270 = vector.shape_cast %get3A_2269 : vector<16xf32> to vector<16xf32>
                    %get3A_2271 = arith.constant 176 : index
                    %get3A_2272 = tpu.vector_load %arg7[%get3A_2271] {strides = array<i32>} : memref<320xf32, #tpu.memory_space<vmem>>, vector<16xf32>,
                    %get3A_2273 = vector.shape_cast %get3A_2272 : vector<16xf32> to vector<16xf32>
                    %get3A_2274 = arith.constant 192 : index
                    %get3A_2275 = tpu.vector_load %arg7[%get3A_2274] {strides = array<i32>} : memref<320xf32, #tpu.memory_space<vmem>>, vector<16xf32>,
                    %get3A_2276 = vector.shape_cast %get3A_2275 : vector<16xf32> to vector<16xf32>
                    %get3A_2277 = arith.constant 208 : index
                    %get3A_2278 = tpu.vector_load %arg7[%get3A_2277] {strides = array<i32>} : memref<320xf32, #tpu.memory_space<vmem>>, vector<16xf32>,
                    %get3A_2279 = vector.shape_cast %get3A_2278 : vector<16xf32> to vector<16xf32>
                    %get3A_2280 = arith.constant 224 : index
                    %get3A_2281 = tpu.vector_load %arg7[%get3A_2280] {strides = array<i32>} : memref<320xf32, #tpu.memory_space<vmem>>, vector<16xf32>,
                    %get3A_2282 = vector.shape_cast %get3A_2281 : vector<16xf32> to vector<16xf32>
                    %get3A_2283 = arith.constant 240 : index
                    %get3A_2284 = tpu.vector_load %arg7[%get3A_2283] {strides = array<i32>} : memref<320xf32, #tpu.memory_space<vmem>>, vector<16xf32>,
                    %get3A_2285 = vector.shape_cast %get3A_2284 : vector<16xf32> to vector<16xf32>
                    %get3A_2286 = arith.constant 256 : index
                    %get3A_2287 = tpu.vector_load %arg7[%get3A_2286] {strides = array<i32>} : memref<320xf32, #tpu.memory_space<vmem>>, vector<16xf32>,
                    %get3A_2288 = vector.shape_cast %get3A_2287 : vector<16xf32> to vector<16xf32>
                    %get3A_2289 = arith.constant 272 : index
                    %get3A_2290 = tpu.vector_load %arg7[%get3A_2289] {strides = array<i32>} : memref<320xf32, #tpu.memory_space<vmem>>, vector<16xf32>,
                    %get3A_2291 = vector.shape_cast %get3A_2290 : vector<16xf32> to vector<16xf32>
                    %get3A_2292 = arith.constant 288 : index
                    %get3A_2293 = tpu.vector_load %arg7[%get3A_2292] {strides = array<i32>} : memref<320xf32, #tpu.memory_space<vmem>>, vector<16xf32>,
                    %get3A_2294 = vector.shape_cast %get3A_2293 : vector<16xf32> to vector<16xf32>
                    %get3A_2295 = arith.constant 304 : index
                    %get3A_2296 = tpu.vector_load %arg7[%get3A_2295] {strides = array<i32>} : memref<320xf32, #tpu.memory_space<vmem>>, vector<16xf32>,
                    %get3A_2297 = vector.shape_cast %get3A_2296 : vector<16xf32> to vector<16xf32>
                    %max3A_2298 = arith.maximumf %get3A_2240, %get3A_2243 : vector<16xf32>
                    %max3A_2299 = arith.maximumf %max3A_2298, %get3A_2246 : vector<16xf32>
                    %max3A_2300 = arith.maximumf %max3A_2299, %get3A_2249 : vector<16xf32>
                    %max3A_2301 = arith.maximumf %max3A_2300, %get3A_2252 : vector<16xf32>
                    %max3A_2302 = arith.maximumf %max3A_2301, %get3A_2255 : vector<16xf32>
                    %max3A_2303 = arith.maximumf %max3A_2302, %get3A_2258 : vector<16xf32>
                    %max3A_2304 = arith.maximumf %max3A_2303, %get3A_2261 : vector<16xf32>
                    %max3A_2305 = arith.maximumf %max3A_2304, %get3A_2264 : vector<16xf32>
                    %max3A_2306 = arith.maximumf %max3A_2305, %get3A_2267 : vector<16xf32>
                    %max3A_2307 = arith.maximumf %max3A_2306, %get3A_2270 : vector<16xf32>
                    %max3A_2308 = arith.maximumf %max3A_2307, %get3A_2273 : vector<16xf32>
                    %max3A_2309 = arith.maximumf %max3A_2308, %get3A_2276 : vector<16xf32>
                    %max3A_2310 = arith.maximumf %max3A_2309, %get3A_2279 : vector<16xf32>
                    %max3A_2311 = arith.maximumf %max3A_2310, %get3A_2282 : vector<16xf32>
                    %max3A_2312 = arith.maximumf %max3A_2311, %get3A_2285 : vector<16xf32>
                    %max3A_2313 = arith.maximumf %max3A_2312, %get3A_2288 : vector<16xf32>
                    %max3A_2314 = arith.maximumf %max3A_2313, %get3A_2291 : vector<16xf32>
                    %max3A_2315 = arith.maximumf %max3A_2314, %get3A_2294 : vector<16xf32>
                    %max3A_2316 = arith.maximumf %max3A_2315, %get3A_2297 : vector<16xf32>
                    %iota3A_2317 = tpu.iota {dimensions = array<i32: 0>} : vector<16xi32>
                    %xor3A_2318 = arith.constant 1 : i32
                    %xor3A_2319 = vector.broadcast %xor3A_2318 : i32 to vector<16xi32>
                    %xor3A_2320 = arith.xori %iota3A_2317, %xor3A_2319 : vector<16xi32>
                    %lt3A_2321 = arith.constant 0 : i32
                    %lt3A_2322 = vector.broadcast %lt3A_2321 : i32 to vector<16xi32>
                    %lt3A_2323 = arith.cmpi slt, %xor3A_2320, %lt3A_2322 : vector<16xi32>
                    %add3A_2324 = arith.constant 16 : i32
                    %add3A_2325 = vector.broadcast %add3A_2324 : i32 to vector<16xi32>
                    %add3A_2326 = arith.addi %xor3A_2320, %add3A_2325 : vector<16xi32>
                    %select_n3A_2327 = arith.select %lt3A_2323, %add3A_2326, %xor3A_2320 : vector<16xi1>, vector<16xi32>
                    %broadcast_in_dim3A_2328 = vector.shape_cast %select_n3A_2327 : vector<16xi32> to vector<16x1xi32>
                    %gather3A_2329 = vector.shape_cast %broadcast_in_dim3A_2328 : vector<16x1xi32> to vector<16xi32>
                    %gather3A_2330 = tpu.dynamic_gather %max3A_2316[%gather3A_2329] in [0] : vector<16xf32>, vector<16xi32> -> vector<16xf32>
                    %max3A_2331 = arith.maximumf %max3A_2316, %gather3A_2330 : vector<16xf32>
                    %iota3A_2332 = tpu.iota {dimensions = array<i32: 0>} : vector<16xi32>
                    %xor3A_2333 = arith.constant 2 : i32
                    %xor3A_2334 = vector.broadcast %xor3A_2333 : i32 to vector<16xi32>
                    %xor3A_2335 = arith.xori %iota3A_2332, %xor3A_2334 : vector<16xi32>
                    %lt3A_2336 = arith.constant 0 : i32
                    %lt3A_2337 = vector.broadcast %lt3A_2336 : i32 to vector<16xi32>
                    %lt3A_2338 = arith.cmpi slt, %xor3A_2335, %lt3A_2337 : vector<16xi32>
                    %add3A_2339 = arith.constant 16 : i32
                    %add3A_2340 = vector.broadcast %add3A_2339 : i32 to vector<16xi32>
                    %add3A_2341 = arith.addi %xor3A_2335, %add3A_2340 : vector<16xi32>
                    %select_n3A_2342 = arith.select %lt3A_2338, %add3A_2341, %xor3A_2335 : vector<16xi1>, vector<16xi32>
                    %broadcast_in_dim3A_2343 = vector.shape_cast %select_n3A_2342 : vector<16xi32> to vector<16x1xi32>
                    %gather3A_2344 = vector.shape_cast %broadcast_in_dim3A_2343 : vector<16x1xi32> to vector<16xi32>
                    %gather3A_2345 = tpu.dynamic_gather %max3A_2331[%gather3A_2344] in [0] : vector<16xf32>, vector<16xi32> -> vector<16xf32>
                    %max3A_2346 = arith.maximumf %max3A_2331, %gather3A_2345 : vector<16xf32>
                    %iota3A_2347 = tpu.iota {dimensions = array<i32: 0>} : vector<16xi32>
                    %xor3A_2348 = arith.constant 4 : i32
                    %xor3A_2349 = vector.broadcast %xor3A_2348 : i32 to vector<16xi32>
                    %xor3A_2350 = arith.xori %iota3A_2347, %xor3A_2349 : vector<16xi32>
                    %lt3A_2351 = arith.constant 0 : i32
                    %lt3A_2352 = vector.broadcast %lt3A_2351 : i32 to vector<16xi32>
                    %lt3A_2353 = arith.cmpi slt, %xor3A_2350, %lt3A_2352 : vector<16xi32>
                    %add3A_2354 = arith.constant 16 : i32
                    %add3A_2355 = vector.broadcast %add3A_2354 : i32 to vector<16xi32>
                    %add3A_2356 = arith.addi %xor3A_2350, %add3A_2355 : vector<16xi32>
                    %select_n3A_2357 = arith.select %lt3A_2353, %add3A_2356, %xor3A_2350 : vector<16xi1>, vector<16xi32>
                    %broadcast_in_dim3A_2358 = vector.shape_cast %select_n3A_2357 : vector<16xi32> to vector<16x1xi32>
                    %gather3A_2359 = vector.shape_cast %broadcast_in_dim3A_2358 : vector<16x1xi32> to vector<16xi32>
                    %gather3A_2360 = tpu.dynamic_gather %max3A_2346[%gather3A_2359] in [0] : vector<16xf32>, vector<16xi32> -> vector<16xf32>
                    %max3A_2361 = arith.maximumf %max3A_2346, %gather3A_2360 : vector<16xf32>
                    %iota3A_2362 = tpu.iota {dimensions = array<i32: 0>} : vector<16xi32>
                    %xor3A_2363 = arith.constant 8 : i32
                    %xor3A_2364 = vector.broadcast %xor3A_2363 : i32 to vector<16xi32>
                    %xor3A_2365 = arith.xori %iota3A_2362, %xor3A_2364 : vector<16xi32>
                    %lt3A_2366 = arith.constant 0 : i32
                    %lt3A_2367 = vector.broadcast %lt3A_2366 : i32 to vector<16xi32>
                    %lt3A_2368 = arith.cmpi slt, %xor3A_2365, %lt3A_2367 : vector<16xi32>
                    %add3A_2369 = arith.constant 16 : i32
                    %add3A_2370 = vector.broadcast %add3A_2369 : i32 to vector<16xi32>
                    %add3A_2371 = arith.addi %xor3A_2365, %add3A_2370 : vector<16xi32>
                    %select_n3A_2372 = arith.select %lt3A_2368, %add3A_2371, %xor3A_2365 : vector<16xi1>, vector<16xi32>
                    %broadcast_in_dim3A_2373 = vector.shape_cast %select_n3A_2372 : vector<16xi32> to vector<16x1xi32>
                    %gather3A_2374 = vector.shape_cast %broadcast_in_dim3A_2373 : vector<16x1xi32> to vector<16xi32>
                    %gather3A_2375 = tpu.dynamic_gather %max3A_2361[%gather3A_2374] in [0] : vector<16xf32>, vector<16xi32> -> vector<16xf32>
                    %max3A_2376 = arith.maximumf %max3A_2361, %gather3A_2375 : vector<16xf32>
                    %slice3A_2377 = vector.extract_strided_slice %max3A_2376 {offsets = [0], sizes = [1], strides = [1]} : vector<16xf32> to vector<1xf32>
                    %squeeze3A_2378 = vector.extract %slice3A_2377[0] : f32 from vector<1xf32>
                    %broadcast_in_dim3A_2379 = vector.broadcast %squeeze3A_2378 : f32 to vector<16xf32>
                    %eq3A_2380 = arith.cmpf oeq, %get3A_2240, %broadcast_in_dim3A_2379 : vector<16xf32>
                    %jit3A_2381 = arith.constant 1 : i32
                    %jit3A_2382 = arith.constant 0 : i32
                    %broadcast_in_dim3A_2383 = vector.broadcast %jit3A_2381 : i32 to vector<16xi32>
                    %broadcast_in_dim3A_2384 = vector.broadcast %jit3A_2382 : i32 to vector<16xi32>
                    %select_n3A_2385 = arith.select %eq3A_2380, %broadcast_in_dim3A_2383, %broadcast_in_dim3A_2384 : vector<16xi1>, vector<16xi32>
                    %eq3A_2386 = arith.cmpf oeq, %get3A_2243, %broadcast_in_dim3A_2379 : vector<16xf32>
                    %jit3A_2387 = arith.constant 1 : i32
                    %jit3A_2388 = arith.constant 0 : i32
                    %broadcast_in_dim3A_2389 = vector.broadcast %jit3A_2387 : i32 to vector<16xi32>
                    %broadcast_in_dim3A_2390 = vector.broadcast %jit3A_2388 : i32 to vector<16xi32>
                    %select_n3A_2391 = arith.select %eq3A_2386, %broadcast_in_dim3A_2389, %broadcast_in_dim3A_2390 : vector<16xi1>, vector<16xi32>
                    %add3A_2392 = arith.addi %select_n3A_2385, %select_n3A_2391 : vector<16xi32>
                    %eq3A_2393 = arith.cmpf oeq, %get3A_2246, %broadcast_in_dim3A_2379 : vector<16xf32>
                    %jit3A_2394 = arith.constant 1 : i32
                    %jit3A_2395 = arith.constant 0 : i32
                    %broadcast_in_dim3A_2396 = vector.broadcast %jit3A_2394 : i32 to vector<16xi32>
                    %broadcast_in_dim3A_2397 = vector.broadcast %jit3A_2395 : i32 to vector<16xi32>
                    %select_n3A_2398 = arith.select %eq3A_2393, %broadcast_in_dim3A_2396, %broadcast_in_dim3A_2397 : vector<16xi1>, vector<16xi32>
                    %add3A_2399 = arith.addi %add3A_2392, %select_n3A_2398 : vector<16xi32>
                    %eq3A_2400 = arith.cmpf oeq, %get3A_2249, %broadcast_in_dim3A_2379 : vector<16xf32>
                    %jit3A_2401 = arith.constant 1 : i32
                    %jit3A_2402 = arith.constant 0 : i32
                    %broadcast_in_dim3A_2403 = vector.broadcast %jit3A_2401 : i32 to vector<16xi32>
                    %broadcast_in_dim3A_2404 = vector.broadcast %jit3A_2402 : i32 to vector<16xi32>
                    %select_n3A_2405 = arith.select %eq3A_2400, %broadcast_in_dim3A_2403, %broadcast_in_dim3A_2404 : vector<16xi1>, vector<16xi32>
                    %add3A_2406 = arith.addi %add3A_2399, %select_n3A_2405 : vector<16xi32>
                    %eq3A_2407 = arith.cmpf oeq, %get3A_2252, %broadcast_in_dim3A_2379 : vector<16xf32>
                    %jit3A_2408 = arith.constant 1 : i32
                    %jit3A_2409 = arith.constant 0 : i32
                    %broadcast_in_dim3A_2410 = vector.broadcast %jit3A_2408 : i32 to vector<16xi32>
                    %broadcast_in_dim3A_2411 = vector.broadcast %jit3A_2409 : i32 to vector<16xi32>
                    %select_n3A_2412 = arith.select %eq3A_2407, %broadcast_in_dim3A_2410, %broadcast_in_dim3A_2411 : vector<16xi1>, vector<16xi32>
                    %add3A_2413 = arith.addi %add3A_2406, %select_n3A_2412 : vector<16xi32>
                    %eq3A_2414 = arith.cmpf oeq, %get3A_2255, %broadcast_in_dim3A_2379 : vector<16xf32>
                    %jit3A_2415 = arith.constant 1 : i32
                    %jit3A_2416 = arith.constant 0 : i32
                    %broadcast_in_dim3A_2417 = vector.broadcast %jit3A_2415 : i32 to vector<16xi32>
                    %broadcast_in_dim3A_2418 = vector.broadcast %jit3A_2416 : i32 to vector<16xi32>
                    %select_n3A_2419 = arith.select %eq3A_2414, %broadcast_in_dim3A_2417, %broadcast_in_dim3A_2418 : vector<16xi1>, vector<16xi32>
                    %add3A_2420 = arith.addi %add3A_2413, %select_n3A_2419 : vector<16xi32>
                    %eq3A_2421 = arith.cmpf oeq, %get3A_2258, %broadcast_in_dim3A_2379 : vector<16xf32>
                    %jit3A_2422 = arith.constant 1 : i32
                    %jit3A_2423 = arith.constant 0 : i32
                    %broadcast_in_dim3A_2424 = vector.broadcast %jit3A_2422 : i32 to vector<16xi32>
                    %broadcast_in_dim3A_2425 = vector.broadcast %jit3A_2423 : i32 to vector<16xi32>
                    %select_n3A_2426 = arith.select %eq3A_2421, %broadcast_in_dim3A_2424, %broadcast_in_dim3A_2425 : vector<16xi1>, vector<16xi32>
                    %add3A_2427 = arith.addi %add3A_2420, %select_n3A_2426 : vector<16xi32>
                    %eq3A_2428 = arith.cmpf oeq, %get3A_2261, %broadcast_in_dim3A_2379 : vector<16xf32>
                    %jit3A_2429 = arith.constant 1 : i32
                    %jit3A_2430 = arith.constant 0 : i32
                    %broadcast_in_dim3A_2431 = vector.broadcast %jit3A_2429 : i32 to vector<16xi32>
                    %broadcast_in_dim3A_2432 = vector.broadcast %jit3A_2430 : i32 to vector<16xi32>
                    %select_n3A_2433 = arith.select %eq3A_2428, %broadcast_in_dim3A_2431, %broadcast_in_dim3A_2432 : vector<16xi1>, vector<16xi32>
                    %add3A_2434 = arith.addi %add3A_2427, %select_n3A_2433 : vector<16xi32>
                    %eq3A_2435 = arith.cmpf oeq, %get3A_2264, %broadcast_in_dim3A_2379 : vector<16xf32>
                    %jit3A_2436 = arith.constant 1 : i32
                    %jit3A_2437 = arith.constant 0 : i32
                    %broadcast_in_dim3A_2438 = vector.broadcast %jit3A_2436 : i32 to vector<16xi32>
                    %broadcast_in_dim3A_2439 = vector.broadcast %jit3A_2437 : i32 to vector<16xi32>
                    %select_n3A_2440 = arith.select %eq3A_2435, %broadcast_in_dim3A_2438, %broadcast_in_dim3A_2439 : vector<16xi1>, vector<16xi32>
                    %add3A_2441 = arith.addi %add3A_2434, %select_n3A_2440 : vector<16xi32>
                    %eq3A_2442 = arith.cmpf oeq, %get3A_2267, %broadcast_in_dim3A_2379 : vector<16xf32>
                    %jit3A_2443 = arith.constant 1 : i32
                    %jit3A_2444 = arith.constant 0 : i32
                    %broadcast_in_dim3A_2445 = vector.broadcast %jit3A_2443 : i32 to vector<16xi32>
                    %broadcast_in_dim3A_2446 = vector.broadcast %jit3A_2444 : i32 to vector<16xi32>
                    %select_n3A_2447 = arith.select %eq3A_2442, %broadcast_in_dim3A_2445, %broadcast_in_dim3A_2446 : vector<16xi1>, vector<16xi32>
                    %add3A_2448 = arith.addi %add3A_2441, %select_n3A_2447 : vector<16xi32>
                    %eq3A_2449 = arith.cmpf oeq, %get3A_2270, %broadcast_in_dim3A_2379 : vector<16xf32>
                    %jit3A_2450 = arith.constant 1 : i32
                    %jit3A_2451 = arith.constant 0 : i32
                    %broadcast_in_dim3A_2452 = vector.broadcast %jit3A_2450 : i32 to vector<16xi32>
                    %broadcast_in_dim3A_2453 = vector.broadcast %jit3A_2451 : i32 to vector<16xi32>
                    %select_n3A_2454 = arith.select %eq3A_2449, %broadcast_in_dim3A_2452, %broadcast_in_dim3A_2453 : vector<16xi1>, vector<16xi32>
                    %add3A_2455 = arith.addi %add3A_2448, %select_n3A_2454 : vector<16xi32>
                    %eq3A_2456 = arith.cmpf oeq, %get3A_2273, %broadcast_in_dim3A_2379 : vector<16xf32>
                    %jit3A_2457 = arith.constant 1 : i32
                    %jit3A_2458 = arith.constant 0 : i32
                    %broadcast_in_dim3A_2459 = vector.broadcast %jit3A_2457 : i32 to vector<16xi32>
                    %broadcast_in_dim3A_2460 = vector.broadcast %jit3A_2458 : i32 to vector<16xi32>
                    %select_n3A_2461 = arith.select %eq3A_2456, %broadcast_in_dim3A_2459, %broadcast_in_dim3A_2460 : vector<16xi1>, vector<16xi32>
                    %add3A_2462 = arith.addi %add3A_2455, %select_n3A_2461 : vector<16xi32>
                    %eq3A_2463 = arith.cmpf oeq, %get3A_2276, %broadcast_in_dim3A_2379 : vector<16xf32>
                    %jit3A_2464 = arith.constant 1 : i32
                    %jit3A_2465 = arith.constant 0 : i32
                    %broadcast_in_dim3A_2466 = vector.broadcast %jit3A_2464 : i32 to vector<16xi32>
                    %broadcast_in_dim3A_2467 = vector.broadcast %jit3A_2465 : i32 to vector<16xi32>
                    %select_n3A_2468 = arith.select %eq3A_2463, %broadcast_in_dim3A_2466, %broadcast_in_dim3A_2467 : vector<16xi1>, vector<16xi32>
                    %add3A_2469 = arith.addi %add3A_2462, %select_n3A_2468 : vector<16xi32>
                    %eq3A_2470 = arith.cmpf oeq, %get3A_2279, %broadcast_in_dim3A_2379 : vector<16xf32>
                    %jit3A_2471 = arith.constant 1 : i32
                    %jit3A_2472 = arith.constant 0 : i32
                    %broadcast_in_dim3A_2473 = vector.broadcast %jit3A_2471 : i32 to vector<16xi32>
                    %broadcast_in_dim3A_2474 = vector.broadcast %jit3A_2472 : i32 to vector<16xi32>
                    %select_n3A_2475 = arith.select %eq3A_2470, %broadcast_in_dim3A_2473, %broadcast_in_dim3A_2474 : vector<16xi1>, vector<16xi32>
                    %add3A_2476 = arith.addi %add3A_2469, %select_n3A_2475 : vector<16xi32>
                    %eq3A_2477 = arith.cmpf oeq, %get3A_2282, %broadcast_in_dim3A_2379 : vector<16xf32>
                    %jit3A_2478 = arith.constant 1 : i32
                    %jit3A_2479 = arith.constant 0 : i32
                    %broadcast_in_dim3A_2480 = vector.broadcast %jit3A_2478 : i32 to vector<16xi32>
                    %broadcast_in_dim3A_2481 = vector.broadcast %jit3A_2479 : i32 to vector<16xi32>
                    %select_n3A_2482 = arith.select %eq3A_2477, %broadcast_in_dim3A_2480, %broadcast_in_dim3A_2481 : vector<16xi1>, vector<16xi32>
                    %add3A_2483 = arith.addi %add3A_2476, %select_n3A_2482 : vector<16xi32>
                    %eq3A_2484 = arith.cmpf oeq, %get3A_2285, %broadcast_in_dim3A_2379 : vector<16xf32>
                    %jit3A_2485 = arith.constant 1 : i32
                    %jit3A_2486 = arith.constant 0 : i32
                    %broadcast_in_dim3A_2487 = vector.broadcast %jit3A_2485 : i32 to vector<16xi32>
                    %broadcast_in_dim3A_2488 = vector.broadcast %jit3A_2486 : i32 to vector<16xi32>
                    %select_n3A_2489 = arith.select %eq3A_2484, %broadcast_in_dim3A_2487, %broadcast_in_dim3A_2488 : vector<16xi1>, vector<16xi32>
                    %add3A_2490 = arith.addi %add3A_2483, %select_n3A_2489 : vector<16xi32>
                    %eq3A_2491 = arith.cmpf oeq, %get3A_2288, %broadcast_in_dim3A_2379 : vector<16xf32>
                    %jit3A_2492 = arith.constant 1 : i32
                    %jit3A_2493 = arith.constant 0 : i32
                    %broadcast_in_dim3A_2494 = vector.broadcast %jit3A_2492 : i32 to vector<16xi32>
                    %broadcast_in_dim3A_2495 = vector.broadcast %jit3A_2493 : i32 to vector<16xi32>
                    %select_n3A_2496 = arith.select %eq3A_2491, %broadcast_in_dim3A_2494, %broadcast_in_dim3A_2495 : vector<16xi1>, vector<16xi32>
                    %add3A_2497 = arith.addi %add3A_2490, %select_n3A_2496 : vector<16xi32>
                    %eq3A_2498 = arith.cmpf oeq, %get3A_2291, %broadcast_in_dim3A_2379 : vector<16xf32>
                    %jit3A_2499 = arith.constant 1 : i32
                    %jit3A_2500 = arith.constant 0 : i32
                    %broadcast_in_dim3A_2501 = vector.broadcast %jit3A_2499 : i32 to vector<16xi32>
                    %broadcast_in_dim3A_2502 = vector.broadcast %jit3A_2500 : i32 to vector<16xi32>
                    %select_n3A_2503 = arith.select %eq3A_2498, %broadcast_in_dim3A_2501, %broadcast_in_dim3A_2502 : vector<16xi1>, vector<16xi32>
                    %add3A_2504 = arith.addi %add3A_2497, %select_n3A_2503 : vector<16xi32>
                    %eq3A_2505 = arith.cmpf oeq, %get3A_2294, %broadcast_in_dim3A_2379 : vector<16xf32>
                    %jit3A_2506 = arith.constant 1 : i32
                    %jit3A_2507 = arith.constant 0 : i32
                    %broadcast_in_dim3A_2508 = vector.broadcast %jit3A_2506 : i32 to vector<16xi32>
                    %broadcast_in_dim3A_2509 = vector.broadcast %jit3A_2507 : i32 to vector<16xi32>
                    %select_n3A_2510 = arith.select %eq3A_2505, %broadcast_in_dim3A_2508, %broadcast_in_dim3A_2509 : vector<16xi1>, vector<16xi32>
                    %add3A_2511 = arith.addi %add3A_2504, %select_n3A_2510 : vector<16xi32>
                    %eq3A_2512 = arith.cmpf oeq, %get3A_2297, %broadcast_in_dim3A_2379 : vector<16xf32>
                    %jit3A_2513 = arith.constant 1 : i32
                    %jit3A_2514 = arith.constant 0 : i32
                    %broadcast_in_dim3A_2515 = vector.broadcast %jit3A_2513 : i32 to vector<16xi32>
                    %broadcast_in_dim3A_2516 = vector.broadcast %jit3A_2514 : i32 to vector<16xi32>
                    %select_n3A_2517 = arith.select %eq3A_2512, %broadcast_in_dim3A_2515, %broadcast_in_dim3A_2516 : vector<16xi1>, vector<16xi32>
                    %add3A_2518 = arith.addi %add3A_2511, %select_n3A_2517 : vector<16xi32>
                    %iota3A_2519 = tpu.iota {dimensions = array<i32: 0>} : vector<16xi32>
                    %xor3A_2520 = arith.constant 1 : i32
                    %xor3A_2521 = vector.broadcast %xor3A_2520 : i32 to vector<16xi32>
                    %xor3A_2522 = arith.xori %iota3A_2519, %xor3A_2521 : vector<16xi32>
                    %lt3A_2523 = arith.constant 0 : i32
                    %lt3A_2524 = vector.broadcast %lt3A_2523 : i32 to vector<16xi32>
                    %lt3A_2525 = arith.cmpi slt, %xor3A_2522, %lt3A_2524 : vector<16xi32>
                    %add3A_2526 = arith.constant 16 : i32
                    %add3A_2527 = vector.broadcast %add3A_2526 : i32 to vector<16xi32>
                    %add3A_2528 = arith.addi %xor3A_2522, %add3A_2527 : vector<16xi32>
                    %select_n3A_2529 = arith.select %lt3A_2525, %add3A_2528, %xor3A_2522 : vector<16xi1>, vector<16xi32>
                    %broadcast_in_dim3A_2530 = vector.shape_cast %select_n3A_2529 : vector<16xi32> to vector<16x1xi32>
                    %gather3A_2531 = vector.shape_cast %broadcast_in_dim3A_2530 : vector<16x1xi32> to vector<16xi32>
                    %gather3A_2532 = tpu.dynamic_gather %add3A_2518[%gather3A_2531] in [0] : vector<16xi32>, vector<16xi32> -> vector<16xi32>
                    %add3A_2533 = arith.addi %add3A_2518, %gather3A_2532 : vector<16xi32>
                    %iota3A_2534 = tpu.iota {dimensions = array<i32: 0>} : vector<16xi32>
                    %xor3A_2535 = arith.constant 2 : i32
                    %xor3A_2536 = vector.broadcast %xor3A_2535 : i32 to vector<16xi32>
                    %xor3A_2537 = arith.xori %iota3A_2534, %xor3A_2536 : vector<16xi32>
                    %lt3A_2538 = arith.constant 0 : i32
                    %lt3A_2539 = vector.broadcast %lt3A_2538 : i32 to vector<16xi32>
                    %lt3A_2540 = arith.cmpi slt, %xor3A_2537, %lt3A_2539 : vector<16xi32>
                    %add3A_2541 = arith.constant 16 : i32
                    %add3A_2542 = vector.broadcast %add3A_2541 : i32 to vector<16xi32>
                    %add3A_2543 = arith.addi %xor3A_2537, %add3A_2542 : vector<16xi32>
                    %select_n3A_2544 = arith.select %lt3A_2540, %add3A_2543, %xor3A_2537 : vector<16xi1>, vector<16xi32>
                    %broadcast_in_dim3A_2545 = vector.shape_cast %select_n3A_2544 : vector<16xi32> to vector<16x1xi32>
                    %gather3A_2546 = vector.shape_cast %broadcast_in_dim3A_2545 : vector<16x1xi32> to vector<16xi32>
                    %gather3A_2547 = tpu.dynamic_gather %add3A_2533[%gather3A_2546] in [0] : vector<16xi32>, vector<16xi32> -> vector<16xi32>
                    %add3A_2548 = arith.addi %add3A_2533, %gather3A_2547 : vector<16xi32>
                    %iota3A_2549 = tpu.iota {dimensions = array<i32: 0>} : vector<16xi32>
                    %xor3A_2550 = arith.constant 4 : i32
                    %xor3A_2551 = vector.broadcast %xor3A_2550 : i32 to vector<16xi32>
                    %xor3A_2552 = arith.xori %iota3A_2549, %xor3A_2551 : vector<16xi32>
                    %lt3A_2553 = arith.constant 0 : i32
                    %lt3A_2554 = vector.broadcast %lt3A_2553 : i32 to vector<16xi32>
                    %lt3A_2555 = arith.cmpi slt, %xor3A_2552, %lt3A_2554 : vector<16xi32>
                    %add3A_2556 = arith.constant 16 : i32
                    %add3A_2557 = vector.broadcast %add3A_2556 : i32 to vector<16xi32>
                    %add3A_2558 = arith.addi %xor3A_2552, %add3A_2557 : vector<16xi32>
                    %select_n3A_2559 = arith.select %lt3A_2555, %add3A_2558, %xor3A_2552 : vector<16xi1>, vector<16xi32>
                    %broadcast_in_dim3A_2560 = vector.shape_cast %select_n3A_2559 : vector<16xi32> to vector<16x1xi32>
                    %gather3A_2561 = vector.shape_cast %broadcast_in_dim3A_2560 : vector<16x1xi32> to vector<16xi32>
                    %gather3A_2562 = tpu.dynamic_gather %add3A_2548[%gather3A_2561] in [0] : vector<16xi32>, vector<16xi32> -> vector<16xi32>
                    %add3A_2563 = arith.addi %add3A_2548, %gather3A_2562 : vector<16xi32>
                    %iota3A_2564 = tpu.iota {dimensions = array<i32: 0>} : vector<16xi32>
                    %xor3A_2565 = arith.constant 8 : i32
                    %xor3A_2566 = vector.broadcast %xor3A_2565 : i32 to vector<16xi32>
                    %xor3A_2567 = arith.xori %iota3A_2564, %xor3A_2566 : vector<16xi32>
                    %lt3A_2568 = arith.constant 0 : i32
                    %lt3A_2569 = vector.broadcast %lt3A_2568 : i32 to vector<16xi32>
                    %lt3A_2570 = arith.cmpi slt, %xor3A_2567, %lt3A_2569 : vector<16xi32>
                    %add3A_2571 = arith.constant 16 : i32
                    %add3A_2572 = vector.broadcast %add3A_2571 : i32 to vector<16xi32>
                    %add3A_2573 = arith.addi %xor3A_2567, %add3A_2572 : vector<16xi32>
                    %select_n3A_2574 = arith.select %lt3A_2570, %add3A_2573, %xor3A_2567 : vector<16xi1>, vector<16xi32>
                    %broadcast_in_dim3A_2575 = vector.shape_cast %select_n3A_2574 : vector<16xi32> to vector<16x1xi32>
                    %gather3A_2576 = vector.shape_cast %broadcast_in_dim3A_2575 : vector<16x1xi32> to vector<16xi32>
                    %gather3A_2577 = tpu.dynamic_gather %add3A_2563[%gather3A_2576] in [0] : vector<16xi32>, vector<16xi32> -> vector<16xi32>
                    %add3A_2578 = arith.addi %add3A_2563, %gather3A_2577 : vector<16xi32>
                    %slice3A_2579 = vector.extract_strided_slice %add3A_2578 {offsets = [0], sizes = [1], strides = [1]} : vector<16xi32> to vector<1xi32>
                    %squeeze3A_2580 = vector.extract %slice3A_2579[0] : i32 from vector<1xi32>
                    %gt3A_2581 = arith.constant 0 : i32
                    %gt3A_2582 = arith.cmpi sgt, %scan3A_2235, %gt3A_2581 : i32
                    %convert_element_type3A_2583 = arith.extui %gt3A_2582 : i1 to i32
                    %cond3A_2584 = arith.constant 0 : i32
                    %cond3A_2585 = arith.cmpi ne, %convert_element_type3A_2583, %cond3A_2584 : i32
                    scf.if %cond3A_2585 {
                      %swap3A_2717 = arith.index_cast %scan3A_2236 : i32 to index
                      %swap3A_2718 = tpu.vector_load %arg8[%swap3A_2717] {strides = array<i32>} : memref<48xf32, #tpu.memory_space<vmem>>, vector<16xf32>,
                      %swap3A_2719 = vector.shape_cast %swap3A_2718 : vector<16xf32> to vector<16xf32>
                      %swap3A_2720 = vector.shape_cast %broadcast_in_dim3A_2379 : vector<16xf32> to vector<16xf32>
                      tpu.vector_store %arg8[%swap3A_2717], %swap3A_2720 {strides = array<i32>} : memref<48xf32, #tpu.memory_space<vmem>>, vector<16xf32>,
                    } else {
                    }
                    %jit3A_2586 = arith.constant 0xFF800000 : f32
                    %select_n3A_2587 = arith.select %gt3A_2582, %jit3A_2586, %squeeze3A_2378 : f32
                    %broadcast_in_dim3A_2588 = vector.broadcast %select_n3A_2587 : f32 to vector<16xf32>
                    %eq3A_2589 = arith.cmpf oeq, %get3A_2240, %broadcast_in_dim3A_2379 : vector<16xf32>
                    %select_n3A_2590 = arith.select %eq3A_2589, %broadcast_in_dim3A_2588, %get3A_2240 : vector<16xi1>, vector<16xf32>
                    %swap3A_2591 = arith.constant 0 : index
                    %swap3A_2592 = tpu.vector_load %arg7[%swap3A_2591] {strides = array<i32>} : memref<320xf32, #tpu.memory_space<vmem>>, vector<16xf32>,
                    %swap3A_2593 = vector.shape_cast %swap3A_2592 : vector<16xf32> to vector<16xf32>
                    %swap3A_2594 = vector.shape_cast %select_n3A_2590 : vector<16xf32> to vector<16xf32>
                    tpu.vector_store %arg7[%swap3A_2591], %swap3A_2594 {strides = array<i32>} : memref<320xf32, #tpu.memory_space<vmem>>, vector<16xf32>,
                    %eq3A_2595 = arith.cmpf oeq, %get3A_2243, %broadcast_in_dim3A_2379 : vector<16xf32>
                    %select_n3A_2596 = arith.select %eq3A_2595, %broadcast_in_dim3A_2588, %get3A_2243 : vector<16xi1>, vector<16xf32>
                    %swap3A_2597 = arith.constant 16 : index
                    %swap3A_2598 = tpu.vector_load %arg7[%swap3A_2597] {strides = array<i32>} : memref<320xf32, #tpu.memory_space<vmem>>, vector<16xf32>,
                    %swap3A_2599 = vector.shape_cast %swap3A_2598 : vector<16xf32> to vector<16xf32>
                    %swap3A_2600 = vector.shape_cast %select_n3A_2596 : vector<16xf32> to vector<16xf32>
                    tpu.vector_store %arg7[%swap3A_2597], %swap3A_2600 {strides = array<i32>} : memref<320xf32, #tpu.memory_space<vmem>>, vector<16xf32>,
                    %eq3A_2601 = arith.cmpf oeq, %get3A_2246, %broadcast_in_dim3A_2379 : vector<16xf32>
                    %select_n3A_2602 = arith.select %eq3A_2601, %broadcast_in_dim3A_2588, %get3A_2246 : vector<16xi1>, vector<16xf32>
                    %swap3A_2603 = arith.constant 32 : index
                    %swap3A_2604 = tpu.vector_load %arg7[%swap3A_2603] {strides = array<i32>} : memref<320xf32, #tpu.memory_space<vmem>>, vector<16xf32>,
                    %swap3A_2605 = vector.shape_cast %swap3A_2604 : vector<16xf32> to vector<16xf32>
                    %swap3A_2606 = vector.shape_cast %select_n3A_2602 : vector<16xf32> to vector<16xf32>
                    tpu.vector_store %arg7[%swap3A_2603], %swap3A_2606 {strides = array<i32>} : memref<320xf32, #tpu.memory_space<vmem>>, vector<16xf32>,
                    %eq3A_2607 = arith.cmpf oeq, %get3A_2249, %broadcast_in_dim3A_2379 : vector<16xf32>
                    %select_n3A_2608 = arith.select %eq3A_2607, %broadcast_in_dim3A_2588, %get3A_2249 : vector<16xi1>, vector<16xf32>
                    %swap3A_2609 = arith.constant 48 : index
                    %swap3A_2610 = tpu.vector_load %arg7[%swap3A_2609] {strides = array<i32>} : memref<320xf32, #tpu.memory_space<vmem>>, vector<16xf32>,
                    %swap3A_2611 = vector.shape_cast %swap3A_2610 : vector<16xf32> to vector<16xf32>
                    %swap3A_2612 = vector.shape_cast %select_n3A_2608 : vector<16xf32> to vector<16xf32>
                    tpu.vector_store %arg7[%swap3A_2609], %swap3A_2612 {strides = array<i32>} : memref<320xf32, #tpu.memory_space<vmem>>, vector<16xf32>,
                    %eq3A_2613 = arith.cmpf oeq, %get3A_2252, %broadcast_in_dim3A_2379 : vector<16xf32>
                    %select_n3A_2614 = arith.select %eq3A_2613, %broadcast_in_dim3A_2588, %get3A_2252 : vector<16xi1>, vector<16xf32>
                    %swap3A_2615 = arith.constant 64 : index
                    %swap3A_2616 = tpu.vector_load %arg7[%swap3A_2615] {strides = array<i32>} : memref<320xf32, #tpu.memory_space<vmem>>, vector<16xf32>,
                    %swap3A_2617 = vector.shape_cast %swap3A_2616 : vector<16xf32> to vector<16xf32>
                    %swap3A_2618 = vector.shape_cast %select_n3A_2614 : vector<16xf32> to vector<16xf32>
                    tpu.vector_store %arg7[%swap3A_2615], %swap3A_2618 {strides = array<i32>} : memref<320xf32, #tpu.memory_space<vmem>>, vector<16xf32>,
                    %eq3A_2619 = arith.cmpf oeq, %get3A_2255, %broadcast_in_dim3A_2379 : vector<16xf32>
                    %select_n3A_2620 = arith.select %eq3A_2619, %broadcast_in_dim3A_2588, %get3A_2255 : vector<16xi1>, vector<16xf32>
                    %swap3A_2621 = arith.constant 80 : index
                    %swap3A_2622 = tpu.vector_load %arg7[%swap3A_2621] {strides = array<i32>} : memref<320xf32, #tpu.memory_space<vmem>>, vector<16xf32>,
                    %swap3A_2623 = vector.shape_cast %swap3A_2622 : vector<16xf32> to vector<16xf32>
                    %swap3A_2624 = vector.shape_cast %select_n3A_2620 : vector<16xf32> to vector<16xf32>
                    tpu.vector_store %arg7[%swap3A_2621], %swap3A_2624 {strides = array<i32>} : memref<320xf32, #tpu.memory_space<vmem>>, vector<16xf32>,
                    %eq3A_2625 = arith.cmpf oeq, %get3A_2258, %broadcast_in_dim3A_2379 : vector<16xf32>
                    %select_n3A_2626 = arith.select %eq3A_2625, %broadcast_in_dim3A_2588, %get3A_2258 : vector<16xi1>, vector<16xf32>
                    %swap3A_2627 = arith.constant 96 : index
                    %swap3A_2628 = tpu.vector_load %arg7[%swap3A_2627] {strides = array<i32>} : memref<320xf32, #tpu.memory_space<vmem>>, vector<16xf32>,
                    %swap3A_2629 = vector.shape_cast %swap3A_2628 : vector<16xf32> to vector<16xf32>
                    %swap3A_2630 = vector.shape_cast %select_n3A_2626 : vector<16xf32> to vector<16xf32>
                    tpu.vector_store %arg7[%swap3A_2627], %swap3A_2630 {strides = array<i32>} : memref<320xf32, #tpu.memory_space<vmem>>, vector<16xf32>,
                    %eq3A_2631 = arith.cmpf oeq, %get3A_2261, %broadcast_in_dim3A_2379 : vector<16xf32>
                    %select_n3A_2632 = arith.select %eq3A_2631, %broadcast_in_dim3A_2588, %get3A_2261 : vector<16xi1>, vector<16xf32>
                    %swap3A_2633 = arith.constant 112 : index
                    %swap3A_2634 = tpu.vector_load %arg7[%swap3A_2633] {strides = array<i32>} : memref<320xf32, #tpu.memory_space<vmem>>, vector<16xf32>,
                    %swap3A_2635 = vector.shape_cast %swap3A_2634 : vector<16xf32> to vector<16xf32>
                    %swap3A_2636 = vector.shape_cast %select_n3A_2632 : vector<16xf32> to vector<16xf32>
                    tpu.vector_store %arg7[%swap3A_2633], %swap3A_2636 {strides = array<i32>} : memref<320xf32, #tpu.memory_space<vmem>>, vector<16xf32>,
                    %eq3A_2637 = arith.cmpf oeq, %get3A_2264, %broadcast_in_dim3A_2379 : vector<16xf32>
                    %select_n3A_2638 = arith.select %eq3A_2637, %broadcast_in_dim3A_2588, %get3A_2264 : vector<16xi1>, vector<16xf32>
                    %swap3A_2639 = arith.constant 128 : index
                    %swap3A_2640 = tpu.vector_load %arg7[%swap3A_2639] {strides = array<i32>} : memref<320xf32, #tpu.memory_space<vmem>>, vector<16xf32>,
                    %swap3A_2641 = vector.shape_cast %swap3A_2640 : vector<16xf32> to vector<16xf32>
                    %swap3A_2642 = vector.shape_cast %select_n3A_2638 : vector<16xf32> to vector<16xf32>
                    tpu.vector_store %arg7[%swap3A_2639], %swap3A_2642 {strides = array<i32>} : memref<320xf32, #tpu.memory_space<vmem>>, vector<16xf32>,
                    %eq3A_2643 = arith.cmpf oeq, %get3A_2267, %broadcast_in_dim3A_2379 : vector<16xf32>
                    %select_n3A_2644 = arith.select %eq3A_2643, %broadcast_in_dim3A_2588, %get3A_2267 : vector<16xi1>, vector<16xf32>
                    %swap3A_2645 = arith.constant 144 : index
                    %swap3A_2646 = tpu.vector_load %arg7[%swap3A_2645] {strides = array<i32>} : memref<320xf32, #tpu.memory_space<vmem>>, vector<16xf32>,
                    %swap3A_2647 = vector.shape_cast %swap3A_2646 : vector<16xf32> to vector<16xf32>
                    %swap3A_2648 = vector.shape_cast %select_n3A_2644 : vector<16xf32> to vector<16xf32>
                    tpu.vector_store %arg7[%swap3A_2645], %swap3A_2648 {strides = array<i32>} : memref<320xf32, #tpu.memory_space<vmem>>, vector<16xf32>,
                    %eq3A_2649 = arith.cmpf oeq, %get3A_2270, %broadcast_in_dim3A_2379 : vector<16xf32>
                    %select_n3A_2650 = arith.select %eq3A_2649, %broadcast_in_dim3A_2588, %get3A_2270 : vector<16xi1>, vector<16xf32>
                    %swap3A_2651 = arith.constant 160 : index
                    %swap3A_2652 = tpu.vector_load %arg7[%swap3A_2651] {strides = array<i32>} : memref<320xf32, #tpu.memory_space<vmem>>, vector<16xf32>,
                    %swap3A_2653 = vector.shape_cast %swap3A_2652 : vector<16xf32> to vector<16xf32>
                    %swap3A_2654 = vector.shape_cast %select_n3A_2650 : vector<16xf32> to vector<16xf32>
                    tpu.vector_store %arg7[%swap3A_2651], %swap3A_2654 {strides = array<i32>} : memref<320xf32, #tpu.memory_space<vmem>>, vector<16xf32>,
                    %eq3A_2655 = arith.cmpf oeq, %get3A_2273, %broadcast_in_dim3A_2379 : vector<16xf32>
                    %select_n3A_2656 = arith.select %eq3A_2655, %broadcast_in_dim3A_2588, %get3A_2273 : vector<16xi1>, vector<16xf32>
                    %swap3A_2657 = arith.constant 176 : index
                    %swap3A_2658 = tpu.vector_load %arg7[%swap3A_2657] {strides = array<i32>} : memref<320xf32, #tpu.memory_space<vmem>>, vector<16xf32>,
                    %swap3A_2659 = vector.shape_cast %swap3A_2658 : vector<16xf32> to vector<16xf32>
                    %swap3A_2660 = vector.shape_cast %select_n3A_2656 : vector<16xf32> to vector<16xf32>
                    tpu.vector_store %arg7[%swap3A_2657], %swap3A_2660 {strides = array<i32>} : memref<320xf32, #tpu.memory_space<vmem>>, vector<16xf32>,
                    %eq3A_2661 = arith.cmpf oeq, %get3A_2276, %broadcast_in_dim3A_2379 : vector<16xf32>
                    %select_n3A_2662 = arith.select %eq3A_2661, %broadcast_in_dim3A_2588, %get3A_2276 : vector<16xi1>, vector<16xf32>
                    %swap3A_2663 = arith.constant 192 : index
                    %swap3A_2664 = tpu.vector_load %arg7[%swap3A_2663] {strides = array<i32>} : memref<320xf32, #tpu.memory_space<vmem>>, vector<16xf32>,
                    %swap3A_2665 = vector.shape_cast %swap3A_2664 : vector<16xf32> to vector<16xf32>
                    %swap3A_2666 = vector.shape_cast %select_n3A_2662 : vector<16xf32> to vector<16xf32>
                    tpu.vector_store %arg7[%swap3A_2663], %swap3A_2666 {strides = array<i32>} : memref<320xf32, #tpu.memory_space<vmem>>, vector<16xf32>,
                    %eq3A_2667 = arith.cmpf oeq, %get3A_2279, %broadcast_in_dim3A_2379 : vector<16xf32>
                    %select_n3A_2668 = arith.select %eq3A_2667, %broadcast_in_dim3A_2588, %get3A_2279 : vector<16xi1>, vector<16xf32>
                    %swap3A_2669 = arith.constant 208 : index
                    %swap3A_2670 = tpu.vector_load %arg7[%swap3A_2669] {strides = array<i32>} : memref<320xf32, #tpu.memory_space<vmem>>, vector<16xf32>,
                    %swap3A_2671 = vector.shape_cast %swap3A_2670 : vector<16xf32> to vector<16xf32>
                    %swap3A_2672 = vector.shape_cast %select_n3A_2668 : vector<16xf32> to vector<16xf32>
                    tpu.vector_store %arg7[%swap3A_2669], %swap3A_2672 {strides = array<i32>} : memref<320xf32, #tpu.memory_space<vmem>>, vector<16xf32>,
                    %eq3A_2673 = arith.cmpf oeq, %get3A_2282, %broadcast_in_dim3A_2379 : vector<16xf32>
                    %select_n3A_2674 = arith.select %eq3A_2673, %broadcast_in_dim3A_2588, %get3A_2282 : vector<16xi1>, vector<16xf32>
                    %swap3A_2675 = arith.constant 224 : index
                    %swap3A_2676 = tpu.vector_load %arg7[%swap3A_2675] {strides = array<i32>} : memref<320xf32, #tpu.memory_space<vmem>>, vector<16xf32>,
                    %swap3A_2677 = vector.shape_cast %swap3A_2676 : vector<16xf32> to vector<16xf32>
                    %swap3A_2678 = vector.shape_cast %select_n3A_2674 : vector<16xf32> to vector<16xf32>
                    tpu.vector_store %arg7[%swap3A_2675], %swap3A_2678 {strides = array<i32>} : memref<320xf32, #tpu.memory_space<vmem>>, vector<16xf32>,
                    %eq3A_2679 = arith.cmpf oeq, %get3A_2285, %broadcast_in_dim3A_2379 : vector<16xf32>
                    %select_n3A_2680 = arith.select %eq3A_2679, %broadcast_in_dim3A_2588, %get3A_2285 : vector<16xi1>, vector<16xf32>
                    %swap3A_2681 = arith.constant 240 : index
                    %swap3A_2682 = tpu.vector_load %arg7[%swap3A_2681] {strides = array<i32>} : memref<320xf32, #tpu.memory_space<vmem>>, vector<16xf32>,
                    %swap3A_2683 = vector.shape_cast %swap3A_2682 : vector<16xf32> to vector<16xf32>
                    %swap3A_2684 = vector.shape_cast %select_n3A_2680 : vector<16xf32> to vector<16xf32>
                    tpu.vector_store %arg7[%swap3A_2681], %swap3A_2684 {strides = array<i32>} : memref<320xf32, #tpu.memory_space<vmem>>, vector<16xf32>,
                    %eq3A_2685 = arith.cmpf oeq, %get3A_2288, %broadcast_in_dim3A_2379 : vector<16xf32>
                    %select_n3A_2686 = arith.select %eq3A_2685, %broadcast_in_dim3A_2588, %get3A_2288 : vector<16xi1>, vector<16xf32>
                    %swap3A_2687 = arith.constant 256 : index
                    %swap3A_2688 = tpu.vector_load %arg7[%swap3A_2687] {strides = array<i32>} : memref<320xf32, #tpu.memory_space<vmem>>, vector<16xf32>,
                    %swap3A_2689 = vector.shape_cast %swap3A_2688 : vector<16xf32> to vector<16xf32>
                    %swap3A_2690 = vector.shape_cast %select_n3A_2686 : vector<16xf32> to vector<16xf32>
                    tpu.vector_store %arg7[%swap3A_2687], %swap3A_2690 {strides = array<i32>} : memref<320xf32, #tpu.memory_space<vmem>>, vector<16xf32>,
                    %eq3A_2691 = arith.cmpf oeq, %get3A_2291, %broadcast_in_dim3A_2379 : vector<16xf32>
                    %select_n3A_2692 = arith.select %eq3A_2691, %broadcast_in_dim3A_2588, %get3A_2291 : vector<16xi1>, vector<16xf32>
                    %swap3A_2693 = arith.constant 272 : index
                    %swap3A_2694 = tpu.vector_load %arg7[%swap3A_2693] {strides = array<i32>} : memref<320xf32, #tpu.memory_space<vmem>>, vector<16xf32>,
                    %swap3A_2695 = vector.shape_cast %swap3A_2694 : vector<16xf32> to vector<16xf32>
                    %swap3A_2696 = vector.shape_cast %select_n3A_2692 : vector<16xf32> to vector<16xf32>
                    tpu.vector_store %arg7[%swap3A_2693], %swap3A_2696 {strides = array<i32>} : memref<320xf32, #tpu.memory_space<vmem>>, vector<16xf32>,
                    %eq3A_2697 = arith.cmpf oeq, %get3A_2294, %broadcast_in_dim3A_2379 : vector<16xf32>
                    %select_n3A_2698 = arith.select %eq3A_2697, %broadcast_in_dim3A_2588, %get3A_2294 : vector<16xi1>, vector<16xf32>
                    %swap3A_2699 = arith.constant 288 : index
                    %swap3A_2700 = tpu.vector_load %arg7[%swap3A_2699] {strides = array<i32>} : memref<320xf32, #tpu.memory_space<vmem>>, vector<16xf32>,
                    %swap3A_2701 = vector.shape_cast %swap3A_2700 : vector<16xf32> to vector<16xf32>
                    %swap3A_2702 = vector.shape_cast %select_n3A_2698 : vector<16xf32> to vector<16xf32>
                    tpu.vector_store %arg7[%swap3A_2699], %swap3A_2702 {strides = array<i32>} : memref<320xf32, #tpu.memory_space<vmem>>, vector<16xf32>,
                    %eq3A_2703 = arith.cmpf oeq, %get3A_2297, %broadcast_in_dim3A_2379 : vector<16xf32>
                    %select_n3A_2704 = arith.select %eq3A_2703, %broadcast_in_dim3A_2588, %get3A_2297 : vector<16xi1>, vector<16xf32>
                    %swap3A_2705 = arith.constant 304 : index
                    %swap3A_2706 = tpu.vector_load %arg7[%swap3A_2705] {strides = array<i32>} : memref<320xf32, #tpu.memory_space<vmem>>, vector<16xf32>,
                    %swap3A_2707 = vector.shape_cast %swap3A_2706 : vector<16xf32> to vector<16xf32>
                    %swap3A_2708 = vector.shape_cast %select_n3A_2704 : vector<16xf32> to vector<16xf32>
                    tpu.vector_store %arg7[%swap3A_2705], %swap3A_2708 {strides = array<i32>} : memref<320xf32, #tpu.memory_space<vmem>>, vector<16xf32>,
                    %add3A_2709 = arith.addi %scan3A_2236, %squeeze3A_2580 : i32
                    %min3A_2710 = arith.constant 25 : i32
                    %min3A_2711 = arith.minsi %add3A_2709, %min3A_2710 : i32
                    %select_n3A_2712 = arith.select %gt3A_2582, %min3A_2711, %scan3A_2236 : i32
                    %jit3A_2713 = arith.constant 0 : i32
                    %select_n3A_2714 = arith.select %gt3A_2582, %squeeze3A_2580, %jit3A_2713 : i32
                    %sub3A_2715 = arith.subi %scan3A_2235, %select_n3A_2714 : i32
                    %select_n3A_2716 = arith.select %gt3A_2582, %squeeze3A_2378, %scan3A_2237 : f32
                    scf.yield %sub3A_2715, %select_n3A_2712, %select_n3A_2716 : i32, i32, f32
                  }
                  %scan3A_2148 = arith.constant 25 : i32
                  %swap3A_2149 = arith.constant 25 : index
                  %swap3A_2150 = tpu.vector_load %arg8[%swap3A_2149] {strides = array<i32>} : memref<48xf32, #tpu.memory_space<vmem>>, vector<16xf32>,
                  %swap3A_2151 = vector.shape_cast %swap3A_2150 : vector<16xf32> to vector<16xf32>
                  %swap3A_2152 = vector.shape_cast %broadcast_in_dim3A_0 : vector<16xf32> to vector<16xf32>
                  tpu.vector_store %arg8[%swap3A_2149], %swap3A_2152 {strides = array<i32>} : memref<48xf32, #tpu.memory_space<vmem>>, vector<16xf32>,
                  %swap3A_2153 = arith.constant 0 : index
                  %swap3A_2154 = tpu.vector_load %arg7[%swap3A_2153] {strides = array<i32>} : memref<320xf32, #tpu.memory_space<vmem>>, vector<16xf32>,
                  %swap3A_2155 = vector.shape_cast %swap3A_2154 : vector<16xf32> to vector<16xf32>
                  %swap3A_2156 = vector.shape_cast %broadcast_in_dim3A_0 : vector<16xf32> to vector<16xf32>
                  tpu.vector_store %arg7[%swap3A_2153], %swap3A_2156 {strides = array<i32>} : memref<320xf32, #tpu.memory_space<vmem>>, vector<16xf32>,
                  %swap3A_2157 = arith.constant 16 : index
                  %swap3A_2158 = tpu.vector_load %arg7[%swap3A_2157] {strides = array<i32>} : memref<320xf32, #tpu.memory_space<vmem>>, vector<16xf32>,
                  %swap3A_2159 = vector.shape_cast %swap3A_2158 : vector<16xf32> to vector<16xf32>
                  %swap3A_2160 = vector.shape_cast %broadcast_in_dim3A_0 : vector<16xf32> to vector<16xf32>
                  tpu.vector_store %arg7[%swap3A_2157], %swap3A_2160 {strides = array<i32>} : memref<320xf32, #tpu.memory_space<vmem>>, vector<16xf32>,
                  %swap3A_2161 = arith.constant 32 : index
                  %swap3A_2162 = tpu.vector_load %arg7[%swap3A_2161] {strides = array<i32>} : memref<320xf32, #tpu.memory_space<vmem>>, vector<16xf32>,
                  %swap3A_2163 = vector.shape_cast %swap3A_2162 : vector<16xf32> to vector<16xf32>
                  %swap3A_2164 = vector.shape_cast %broadcast_in_dim3A_0 : vector<16xf32> to vector<16xf32>
                  tpu.vector_store %arg7[%swap3A_2161], %swap3A_2164 {strides = array<i32>} : memref<320xf32, #tpu.memory_space<vmem>>, vector<16xf32>,
                  %swap3A_2165 = arith.constant 48 : index
                  %swap3A_2166 = tpu.vector_load %arg7[%swap3A_2165] {strides = array<i32>} : memref<320xf32, #tpu.memory_space<vmem>>, vector<16xf32>,
                  %swap3A_2167 = vector.shape_cast %swap3A_2166 : vector<16xf32> to vector<16xf32>
                  %swap3A_2168 = vector.shape_cast %broadcast_in_dim3A_0 : vector<16xf32> to vector<16xf32>
                  tpu.vector_store %arg7[%swap3A_2165], %swap3A_2168 {strides = array<i32>} : memref<320xf32, #tpu.memory_space<vmem>>, vector<16xf32>,
                  %swap3A_2169 = arith.constant 64 : index
                  %swap3A_2170 = tpu.vector_load %arg7[%swap3A_2169] {strides = array<i32>} : memref<320xf32, #tpu.memory_space<vmem>>, vector<16xf32>,
                  %swap3A_2171 = vector.shape_cast %swap3A_2170 : vector<16xf32> to vector<16xf32>
                  %swap3A_2172 = vector.shape_cast %broadcast_in_dim3A_0 : vector<16xf32> to vector<16xf32>
                  tpu.vector_store %arg7[%swap3A_2169], %swap3A_2172 {strides = array<i32>} : memref<320xf32, #tpu.memory_space<vmem>>, vector<16xf32>,
                  %swap3A_2173 = arith.constant 80 : index
                  %swap3A_2174 = tpu.vector_load %arg7[%swap3A_2173] {strides = array<i32>} : memref<320xf32, #tpu.memory_space<vmem>>, vector<16xf32>,
                  %swap3A_2175 = vector.shape_cast %swap3A_2174 : vector<16xf32> to vector<16xf32>
                  %swap3A_2176 = vector.shape_cast %broadcast_in_dim3A_0 : vector<16xf32> to vector<16xf32>
                  tpu.vector_store %arg7[%swap3A_2173], %swap3A_2176 {strides = array<i32>} : memref<320xf32, #tpu.memory_space<vmem>>, vector<16xf32>,
                  %swap3A_2177 = arith.constant 96 : index
                  %swap3A_2178 = tpu.vector_load %arg7[%swap3A_2177] {strides = array<i32>} : memref<320xf32, #tpu.memory_space<vmem>>, vector<16xf32>,
                  %swap3A_2179 = vector.shape_cast %swap3A_2178 : vector<16xf32> to vector<16xf32>
                  %swap3A_2180 = vector.shape_cast %broadcast_in_dim3A_0 : vector<16xf32> to vector<16xf32>
                  tpu.vector_store %arg7[%swap3A_2177], %swap3A_2180 {strides = array<i32>} : memref<320xf32, #tpu.memory_space<vmem>>, vector<16xf32>,
                  %swap3A_2181 = arith.constant 112 : index
                  %swap3A_2182 = tpu.vector_load %arg7[%swap3A_2181] {strides = array<i32>} : memref<320xf32, #tpu.memory_space<vmem>>, vector<16xf32>,
                  %swap3A_2183 = vector.shape_cast %swap3A_2182 : vector<16xf32> to vector<16xf32>
                  %swap3A_2184 = vector.shape_cast %broadcast_in_dim3A_0 : vector<16xf32> to vector<16xf32>
                  tpu.vector_store %arg7[%swap3A_2181], %swap3A_2184 {strides = array<i32>} : memref<320xf32, #tpu.memory_space<vmem>>, vector<16xf32>,
                  %swap3A_2185 = arith.constant 128 : index
                  %swap3A_2186 = tpu.vector_load %arg7[%swap3A_2185] {strides = array<i32>} : memref<320xf32, #tpu.memory_space<vmem>>, vector<16xf32>,
                  %swap3A_2187 = vector.shape_cast %swap3A_2186 : vector<16xf32> to vector<16xf32>
                  %swap3A_2188 = vector.shape_cast %broadcast_in_dim3A_0 : vector<16xf32> to vector<16xf32>
                  tpu.vector_store %arg7[%swap3A_2185], %swap3A_2188 {strides = array<i32>} : memref<320xf32, #tpu.memory_space<vmem>>, vector<16xf32>,
                  %swap3A_2189 = arith.constant 144 : index
                  %swap3A_2190 = tpu.vector_load %arg7[%swap3A_2189] {strides = array<i32>} : memref<320xf32, #tpu.memory_space<vmem>>, vector<16xf32>,
                  %swap3A_2191 = vector.shape_cast %swap3A_2190 : vector<16xf32> to vector<16xf32>
                  %swap3A_2192 = vector.shape_cast %broadcast_in_dim3A_0 : vector<16xf32> to vector<16xf32>
                  tpu.vector_store %arg7[%swap3A_2189], %swap3A_2192 {strides = array<i32>} : memref<320xf32, #tpu.memory_space<vmem>>, vector<16xf32>,
                  %swap3A_2193 = arith.constant 160 : index
                  %swap3A_2194 = tpu.vector_load %arg7[%swap3A_2193] {strides = array<i32>} : memref<320xf32, #tpu.memory_space<vmem>>, vector<16xf32>,
                  %swap3A_2195 = vector.shape_cast %swap3A_2194 : vector<16xf32> to vector<16xf32>
                  %swap3A_2196 = vector.shape_cast %broadcast_in_dim3A_0 : vector<16xf32> to vector<16xf32>
                  tpu.vector_store %arg7[%swap3A_2193], %swap3A_2196 {strides = array<i32>} : memref<320xf32, #tpu.memory_space<vmem>>, vector<16xf32>,
                  %swap3A_2197 = arith.constant 176 : index
                  %swap3A_2198 = tpu.vector_load %arg7[%swap3A_2197] {strides = array<i32>} : memref<320xf32, #tpu.memory_space<vmem>>, vector<16xf32>,
                  %swap3A_2199 = vector.shape_cast %swap3A_2198 : vector<16xf32> to vector<16xf32>
                  %swap3A_2200 = vector.shape_cast %broadcast_in_dim3A_0 : vector<16xf32> to vector<16xf32>
                  tpu.vector_store %arg7[%swap3A_2197], %swap3A_2200 {strides = array<i32>} : memref<320xf32, #tpu.memory_space<vmem>>, vector<16xf32>,
                  %swap3A_2201 = arith.constant 192 : index
                  %swap3A_2202 = tpu.vector_load %arg7[%swap3A_2201] {strides = array<i32>} : memref<320xf32, #tpu.memory_space<vmem>>, vector<16xf32>,
                  %swap3A_2203 = vector.shape_cast %swap3A_2202 : vector<16xf32> to vector<16xf32>
                  %swap3A_2204 = vector.shape_cast %broadcast_in_dim3A_0 : vector<16xf32> to vector<16xf32>
                  tpu.vector_store %arg7[%swap3A_2201], %swap3A_2204 {strides = array<i32>} : memref<320xf32, #tpu.memory_space<vmem>>, vector<16xf32>,
                  %swap3A_2205 = arith.constant 208 : index
                  %swap3A_2206 = tpu.vector_load %arg7[%swap3A_2205] {strides = array<i32>} : memref<320xf32, #tpu.memory_space<vmem>>, vector<16xf32>,
                  %swap3A_2207 = vector.shape_cast %swap3A_2206 : vector<16xf32> to vector<16xf32>
                  %swap3A_2208 = vector.shape_cast %broadcast_in_dim3A_0 : vector<16xf32> to vector<16xf32>
                  tpu.vector_store %arg7[%swap3A_2205], %swap3A_2208 {strides = array<i32>} : memref<320xf32, #tpu.memory_space<vmem>>, vector<16xf32>,
                  %swap3A_2209 = arith.constant 224 : index
                  %swap3A_2210 = tpu.vector_load %arg7[%swap3A_2209] {strides = array<i32>} : memref<320xf32, #tpu.memory_space<vmem>>, vector<16xf32>,
                  %swap3A_2211 = vector.shape_cast %swap3A_2210 : vector<16xf32> to vector<16xf32>
                  %swap3A_2212 = vector.shape_cast %broadcast_in_dim3A_0 : vector<16xf32> to vector<16xf32>
                  tpu.vector_store %arg7[%swap3A_2209], %swap3A_2212 {strides = array<i32>} : memref<320xf32, #tpu.memory_space<vmem>>, vector<16xf32>,
                  %swap3A_2213 = arith.constant 240 : index
                  %swap3A_2214 = tpu.vector_load %arg7[%swap3A_2213] {strides = array<i32>} : memref<320xf32, #tpu.memory_space<vmem>>, vector<16xf32>,
                  %swap3A_2215 = vector.shape_cast %swap3A_2214 : vector<16xf32> to vector<16xf32>
                  %swap3A_2216 = vector.shape_cast %broadcast_in_dim3A_0 : vector<16xf32> to vector<16xf32>
                  tpu.vector_store %arg7[%swap3A_2213], %swap3A_2216 {strides = array<i32>} : memref<320xf32, #tpu.memory_space<vmem>>, vector<16xf32>,
                  %swap3A_2217 = arith.constant 256 : index
                  %swap3A_2218 = tpu.vector_load %arg7[%swap3A_2217] {strides = array<i32>} : memref<320xf32, #tpu.memory_space<vmem>>, vector<16xf32>,
                  %swap3A_2219 = vector.shape_cast %swap3A_2218 : vector<16xf32> to vector<16xf32>
                  %swap3A_2220 = vector.shape_cast %broadcast_in_dim3A_0 : vector<16xf32> to vector<16xf32>
                  tpu.vector_store %arg7[%swap3A_2217], %swap3A_2220 {strides = array<i32>} : memref<320xf32, #tpu.memory_space<vmem>>, vector<16xf32>,
                  %swap3A_2221 = arith.constant 272 : index
                  %swap3A_2222 = tpu.vector_load %arg7[%swap3A_2221] {strides = array<i32>} : memref<320xf32, #tpu.memory_space<vmem>>, vector<16xf32>,
                  %swap3A_2223 = vector.shape_cast %swap3A_2222 : vector<16xf32> to vector<16xf32>
                  %swap3A_2224 = vector.shape_cast %broadcast_in_dim3A_0 : vector<16xf32> to vector<16xf32>
                  tpu.vector_store %arg7[%swap3A_2221], %swap3A_2224 {strides = array<i32>} : memref<320xf32, #tpu.memory_space<vmem>>, vector<16xf32>,
                  %swap3A_2225 = arith.constant 288 : index
                  %swap3A_2226 = tpu.vector_load %arg7[%swap3A_2225] {strides = array<i32>} : memref<320xf32, #tpu.memory_space<vmem>>, vector<16xf32>,
                  %swap3A_2227 = vector.shape_cast %swap3A_2226 : vector<16xf32> to vector<16xf32>
                  %swap3A_2228 = vector.shape_cast %broadcast_in_dim3A_0 : vector<16xf32> to vector<16xf32>
                  tpu.vector_store %arg7[%swap3A_2225], %swap3A_2228 {strides = array<i32>} : memref<320xf32, #tpu.memory_space<vmem>>, vector<16xf32>,
                  %swap3A_2229 = arith.constant 304 : index
                  %swap3A_2230 = tpu.vector_load %arg7[%swap3A_2229] {strides = array<i32>} : memref<320xf32, #tpu.memory_space<vmem>>, vector<16xf32>,
                  %swap3A_2231 = vector.shape_cast %swap3A_2230 : vector<16xf32> to vector<16xf32>
                  %swap3A_2232 = vector.shape_cast %broadcast_in_dim3A_0 : vector<16xf32> to vector<16xf32>
                  tpu.vector_store %arg7[%swap3A_2229], %swap3A_2232 {strides = array<i32>} : memref<320xf32, #tpu.memory_space<vmem>>, vector<16xf32>,
                  %cond3A_2233 = arith.constant 0 : i32
                  scf.yield %cond3A_2233, %scan3A_2147#2 : i32, f32
                } else {
                  scf.yield %select_n3A_2107, %scan3A_1304 : i32, f32
                }
                %eq3A_2114 = vector.broadcast %squeeze3A_1510 : i32 to vector<16xi32>
                %eq3A_2115 = arith.cmpi eq, %iota3A, %eq3A_2114 : vector<16xi32>
                %select_n3A_2116 = arith.select %eq3A_2115, %broadcast_in_dim3A_0, %get3A_1381 : vector<16xi1>, vector<16xf32>
                %mul3A_2117 = arith.constant 16 : i32
                %mul3A_2118 = arith.muli %scan3A_407, %mul3A_2117 : i32
                %swap3A_2119 = arith.index_cast %mul3A_2118 : i32 to index
                %swap3A_2120 = tpu.vector_load %arg6[%swap3A_2119] {strides = array<i32>} : memref<896xf32, #tpu.memory_space<vmem>>, vector<16xf32>,
                %swap3A_2121 = vector.shape_cast %swap3A_2120 : vector<16xf32> to vector<16xf32>
                %swap3A_2122 = vector.shape_cast %select_n3A_2116 : vector<16xf32> to vector<16xf32>
                tpu.vector_store %arg6[%swap3A_2119], %swap3A_2122 {strides = array<i32>} : memref<896xf32, #tpu.memory_space<vmem>>, vector<16xf32>,
                scf.yield %cond3A_2113#0, %cond3A_2113#1 : i32, f32
              } else {
                scf.yield %scan3A_1303, %scan3A_1304 : i32, f32
              }
              scf.yield %cond3A_1376#0, %cond3A_1376#1 : i32, f32
            }
            %scan3A_1301 = arith.constant 16 : i32
            scf.yield %scan3A_1300#0, %scan3A_1300#1 : i32, f32
          } else {
            scf.yield %cond3A_1214#0, %cond3A_1214#1 : i32, f32
          }
          scf.yield %cond3A_1295#0, %cond3A_1295#1 : i32, f32
        } else {
          scf.yield %scan3A_408, %scan3A_409 : i32, f32
        }
        scf.yield %cond3A_479#0, %cond3A_479#1 : i32, f32
      }
      %scan3A_291 = arith.constant 49 : i32
      %get3A_292 = arith.constant 0 : index
      %get3A_293 = tpu.vector_load %arg8[%get3A_292] {strides = array<i32>} : memref<48xf32, #tpu.memory_space<vmem>>, vector<16xf32>,
      %get3A_294 = vector.shape_cast %get3A_293 : vector<16xf32> to vector<16xf32>
      %add3A_295 = arith.constant 0 : i32
      %add3A_296 = arith.addi %scan3A_290#0, %add3A_295 : i32
      %swap3A_297 = arith.index_cast %add3A_296 : i32 to index
      %swap3A_298 = tpu.vector_load %arg7[%swap3A_297] {strides = array<i32>} : memref<320xf32, #tpu.memory_space<vmem>>, vector<16xf32>,
      %swap3A_299 = vector.shape_cast %swap3A_298 : vector<16xf32> to vector<16xf32>
      %swap3A_300 = vector.shape_cast %get3A_294 : vector<16xf32> to vector<16xf32>
      tpu.vector_store %arg7[%swap3A_297], %swap3A_300 {strides = array<i32>} : memref<320xf32, #tpu.memory_space<vmem>>, vector<16xf32>,
      %get3A_301 = arith.constant 16 : index
      %get3A_302 = tpu.vector_load %arg8[%get3A_301] {strides = array<i32>} : memref<48xf32, #tpu.memory_space<vmem>>, vector<16xf32>,
      %get3A_303 = vector.shape_cast %get3A_302 : vector<16xf32> to vector<16xf32>
      %add3A_304 = arith.constant 16 : i32
      %add3A_305 = arith.addi %scan3A_290#0, %add3A_304 : i32
      %swap3A_306 = arith.index_cast %add3A_305 : i32 to index
      %swap3A_307 = tpu.vector_load %arg7[%swap3A_306] {strides = array<i32>} : memref<320xf32, #tpu.memory_space<vmem>>, vector<16xf32>,
      %swap3A_308 = vector.shape_cast %swap3A_307 : vector<16xf32> to vector<16xf32>
      %swap3A_309 = vector.shape_cast %get3A_303 : vector<16xf32> to vector<16xf32>
      tpu.vector_store %arg7[%swap3A_306], %swap3A_309 {strides = array<i32>} : memref<320xf32, #tpu.memory_space<vmem>>, vector<16xf32>,
      %scan3A_310 = arith.constant 25 : i32
      %scan3A_311 = arith.constant 0 : i32
      %scan3A_312 = arith.constant 0 : i32
      %scan3A_313 = arith.constant 25 : i32
      %scan3A_314 = arith.addi %scan3A_312, %scan3A_313 : i32
      %scan3A_315 = arith.constant 1 : i32
      %scan3A_316:3 = scf.for %scan3A_407 = %scan3A_312 to %scan3A_314 step %scan3A_315 iter_args(%scan3A_408 = %scan3A_310, %scan3A_409 = %scan3A_311, %scan3A_410 = %scan3A_290#1) -> (i32, i32, f32)  : i32 {
        %get3A_411 = arith.constant 0 : index
        %get3A_412 = tpu.vector_load %arg7[%get3A_411] {strides = array<i32>} : memref<320xf32, #tpu.memory_space<vmem>>, vector<16xf32>,
        %get3A_413 = vector.shape_cast %get3A_412 : vector<16xf32> to vector<16xf32>
        %get3A_414 = arith.constant 16 : index
        %get3A_415 = tpu.vector_load %arg7[%get3A_414] {strides = array<i32>} : memref<320xf32, #tpu.memory_space<vmem>>, vector<16xf32>,
        %get3A_416 = vector.shape_cast %get3A_415 : vector<16xf32> to vector<16xf32>
        %get3A_417 = arith.constant 32 : index
        %get3A_418 = tpu.vector_load %arg7[%get3A_417] {strides = array<i32>} : memref<320xf32, #tpu.memory_space<vmem>>, vector<16xf32>,
        %get3A_419 = vector.shape_cast %get3A_418 : vector<16xf32> to vector<16xf32>
        %get3A_420 = arith.constant 48 : index
        %get3A_421 = tpu.vector_load %arg7[%get3A_420] {strides = array<i32>} : memref<320xf32, #tpu.memory_space<vmem>>, vector<16xf32>,
        %get3A_422 = vector.shape_cast %get3A_421 : vector<16xf32> to vector<16xf32>
        %get3A_423 = arith.constant 64 : index
        %get3A_424 = tpu.vector_load %arg7[%get3A_423] {strides = array<i32>} : memref<320xf32, #tpu.memory_space<vmem>>, vector<16xf32>,
        %get3A_425 = vector.shape_cast %get3A_424 : vector<16xf32> to vector<16xf32>
        %get3A_426 = arith.constant 80 : index
        %get3A_427 = tpu.vector_load %arg7[%get3A_426] {strides = array<i32>} : memref<320xf32, #tpu.memory_space<vmem>>, vector<16xf32>,
        %get3A_428 = vector.shape_cast %get3A_427 : vector<16xf32> to vector<16xf32>
        %get3A_429 = arith.constant 96 : index
        %get3A_430 = tpu.vector_load %arg7[%get3A_429] {strides = array<i32>} : memref<320xf32, #tpu.memory_space<vmem>>, vector<16xf32>,
        %get3A_431 = vector.shape_cast %get3A_430 : vector<16xf32> to vector<16xf32>
        %get3A_432 = arith.constant 112 : index
        %get3A_433 = tpu.vector_load %arg7[%get3A_432] {strides = array<i32>} : memref<320xf32, #tpu.memory_space<vmem>>, vector<16xf32>,
        %get3A_434 = vector.shape_cast %get3A_433 : vector<16xf32> to vector<16xf32>
        %get3A_435 = arith.constant 128 : index
        %get3A_436 = tpu.vector_load %arg7[%get3A_435] {strides = array<i32>} : memref<320xf32, #tpu.memory_space<vmem>>, vector<16xf32>,
        %get3A_437 = vector.shape_cast %get3A_436 : vector<16xf32> to vector<16xf32>
        %get3A_438 = arith.constant 144 : index
        %get3A_439 = tpu.vector_load %arg7[%get3A_438] {strides = array<i32>} : memref<320xf32, #tpu.memory_space<vmem>>, vector<16xf32>,
        %get3A_440 = vector.shape_cast %get3A_439 : vector<16xf32> to vector<16xf32>
        %get3A_441 = arith.constant 160 : index
        %get3A_442 = tpu.vector_load %arg7[%get3A_441] {strides = array<i32>} : memref<320xf32, #tpu.memory_space<vmem>>, vector<16xf32>,
        %get3A_443 = vector.shape_cast %get3A_442 : vector<16xf32> to vector<16xf32>
        %get3A_444 = arith.constant 176 : index
        %get3A_445 = tpu.vector_load %arg7[%get3A_444] {strides = array<i32>} : memref<320xf32, #tpu.memory_space<vmem>>, vector<16xf32>,
        %get3A_446 = vector.shape_cast %get3A_445 : vector<16xf32> to vector<16xf32>
        %get3A_447 = arith.constant 192 : index
        %get3A_448 = tpu.vector_load %arg7[%get3A_447] {strides = array<i32>} : memref<320xf32, #tpu.memory_space<vmem>>, vector<16xf32>,
        %get3A_449 = vector.shape_cast %get3A_448 : vector<16xf32> to vector<16xf32>
        %get3A_450 = arith.constant 208 : index
        %get3A_451 = tpu.vector_load %arg7[%get3A_450] {strides = array<i32>} : memref<320xf32, #tpu.memory_space<vmem>>, vector<16xf32>,
        %get3A_452 = vector.shape_cast %get3A_451 : vector<16xf32> to vector<16xf32>
        %get3A_453 = arith.constant 224 : index
        %get3A_454 = tpu.vector_load %arg7[%get3A_453] {strides = array<i32>} : memref<320xf32, #tpu.memory_space<vmem>>, vector<16xf32>,
        %get3A_455 = vector.shape_cast %get3A_454 : vector<16xf32> to vector<16xf32>
        %get3A_456 = arith.constant 240 : index
        %get3A_457 = tpu.vector_load %arg7[%get3A_456] {strides = array<i32>} : memref<320xf32, #tpu.memory_space<vmem>>, vector<16xf32>,
        %get3A_458 = vector.shape_cast %get3A_457 : vector<16xf32> to vector<16xf32>
        %get3A_459 = arith.constant 256 : index
        %get3A_460 = tpu.vector_load %arg7[%get3A_459] {strides = array<i32>} : memref<320xf32, #tpu.memory_space<vmem>>, vector<16xf32>,
        %get3A_461 = vector.shape_cast %get3A_460 : vector<16xf32> to vector<16xf32>
        %get3A_462 = arith.constant 272 : index
        %get3A_463 = tpu.vector_load %arg7[%get3A_462] {strides = array<i32>} : memref<320xf32, #tpu.memory_space<vmem>>, vector<16xf32>,
        %get3A_464 = vector.shape_cast %get3A_463 : vector<16xf32> to vector<16xf32>
        %get3A_465 = arith.constant 288 : index
        %get3A_466 = tpu.vector_load %arg7[%get3A_465] {strides = array<i32>} : memref<320xf32, #tpu.memory_space<vmem>>, vector<16xf32>,
        %get3A_467 = vector.shape_cast %get3A_466 : vector<16xf32> to vector<16xf32>
        %get3A_468 = arith.constant 304 : index
        %get3A_469 = tpu.vector_load %arg7[%get3A_468] {strides = array<i32>} : memref<320xf32, #tpu.memory_space<vmem>>, vector<16xf32>,
        %get3A_470 = vector.shape_cast %get3A_469 : vector<16xf32> to vector<16xf32>
        %max3A_471 = arith.maximumf %get3A_413, %get3A_416 : vector<16xf32>
        %max3A_472 = arith.maximumf %max3A_471, %get3A_419 : vector<16xf32>
        %max3A_473 = arith.maximumf %max3A_472, %get3A_422 : vector<16xf32>
        %max3A_474 = arith.maximumf %max3A_473, %get3A_425 : vector<16xf32>
        %max3A_475 = arith.maximumf %max3A_474, %get3A_428 : vector<16xf32>
        %max3A_476 = arith.maximumf %max3A_475, %get3A_431 : vector<16xf32>
        %max3A_477 = arith.maximumf %max3A_476, %get3A_434 : vector<16xf32>
        %max3A_478 = arith.maximumf %max3A_477, %get3A_437 : vector<16xf32>
        %max3A_479 = arith.maximumf %max3A_478, %get3A_440 : vector<16xf32>
        %max3A_480 = arith.maximumf %max3A_479, %get3A_443 : vector<16xf32>
        %max3A_481 = arith.maximumf %max3A_480, %get3A_446 : vector<16xf32>
        %max3A_482 = arith.maximumf %max3A_481, %get3A_449 : vector<16xf32>
        %max3A_483 = arith.maximumf %max3A_482, %get3A_452 : vector<16xf32>
        %max3A_484 = arith.maximumf %max3A_483, %get3A_455 : vector<16xf32>
        %max3A_485 = arith.maximumf %max3A_484, %get3A_458 : vector<16xf32>
        %max3A_486 = arith.maximumf %max3A_485, %get3A_461 : vector<16xf32>
        %max3A_487 = arith.maximumf %max3A_486, %get3A_464 : vector<16xf32>
        %max3A_488 = arith.maximumf %max3A_487, %get3A_467 : vector<16xf32>
        %max3A_489 = arith.maximumf %max3A_488, %get3A_470 : vector<16xf32>
        %iota3A_490 = tpu.iota {dimensions = array<i32: 0>} : vector<16xi32>
        %xor3A_491 = arith.constant 1 : i32
        %xor3A_492 = vector.broadcast %xor3A_491 : i32 to vector<16xi32>
        %xor3A_493 = arith.xori %iota3A_490, %xor3A_492 : vector<16xi32>
        %lt3A_494 = arith.constant 0 : i32
        %lt3A_495 = vector.broadcast %lt3A_494 : i32 to vector<16xi32>
        %lt3A_496 = arith.cmpi slt, %xor3A_493, %lt3A_495 : vector<16xi32>
        %add3A_497 = arith.constant 16 : i32
        %add3A_498 = vector.broadcast %add3A_497 : i32 to vector<16xi32>
        %add3A_499 = arith.addi %xor3A_493, %add3A_498 : vector<16xi32>
        %select_n3A_500 = arith.select %lt3A_496, %add3A_499, %xor3A_493 : vector<16xi1>, vector<16xi32>
        %broadcast_in_dim3A_501 = vector.shape_cast %select_n3A_500 : vector<16xi32> to vector<16x1xi32>
        %gather3A_502 = vector.shape_cast %broadcast_in_dim3A_501 : vector<16x1xi32> to vector<16xi32>
        %gather3A_503 = tpu.dynamic_gather %max3A_489[%gather3A_502] in [0] : vector<16xf32>, vector<16xi32> -> vector<16xf32>
        %max3A_504 = arith.maximumf %max3A_489, %gather3A_503 : vector<16xf32>
        %iota3A_505 = tpu.iota {dimensions = array<i32: 0>} : vector<16xi32>
        %xor3A_506 = arith.constant 2 : i32
        %xor3A_507 = vector.broadcast %xor3A_506 : i32 to vector<16xi32>
        %xor3A_508 = arith.xori %iota3A_505, %xor3A_507 : vector<16xi32>
        %lt3A_509 = arith.constant 0 : i32
        %lt3A_510 = vector.broadcast %lt3A_509 : i32 to vector<16xi32>
        %lt3A_511 = arith.cmpi slt, %xor3A_508, %lt3A_510 : vector<16xi32>
        %add3A_512 = arith.constant 16 : i32
        %add3A_513 = vector.broadcast %add3A_512 : i32 to vector<16xi32>
        %add3A_514 = arith.addi %xor3A_508, %add3A_513 : vector<16xi32>
        %select_n3A_515 = arith.select %lt3A_511, %add3A_514, %xor3A_508 : vector<16xi1>, vector<16xi32>
        %broadcast_in_dim3A_516 = vector.shape_cast %select_n3A_515 : vector<16xi32> to vector<16x1xi32>
        %gather3A_517 = vector.shape_cast %broadcast_in_dim3A_516 : vector<16x1xi32> to vector<16xi32>
        %gather3A_518 = tpu.dynamic_gather %max3A_504[%gather3A_517] in [0] : vector<16xf32>, vector<16xi32> -> vector<16xf32>
        %max3A_519 = arith.maximumf %max3A_504, %gather3A_518 : vector<16xf32>
        %iota3A_520 = tpu.iota {dimensions = array<i32: 0>} : vector<16xi32>
        %xor3A_521 = arith.constant 4 : i32
        %xor3A_522 = vector.broadcast %xor3A_521 : i32 to vector<16xi32>
        %xor3A_523 = arith.xori %iota3A_520, %xor3A_522 : vector<16xi32>
        %lt3A_524 = arith.constant 0 : i32
        %lt3A_525 = vector.broadcast %lt3A_524 : i32 to vector<16xi32>
        %lt3A_526 = arith.cmpi slt, %xor3A_523, %lt3A_525 : vector<16xi32>
        %add3A_527 = arith.constant 16 : i32
        %add3A_528 = vector.broadcast %add3A_527 : i32 to vector<16xi32>
        %add3A_529 = arith.addi %xor3A_523, %add3A_528 : vector<16xi32>
        %select_n3A_530 = arith.select %lt3A_526, %add3A_529, %xor3A_523 : vector<16xi1>, vector<16xi32>
        %broadcast_in_dim3A_531 = vector.shape_cast %select_n3A_530 : vector<16xi32> to vector<16x1xi32>
        %gather3A_532 = vector.shape_cast %broadcast_in_dim3A_531 : vector<16x1xi32> to vector<16xi32>
        %gather3A_533 = tpu.dynamic_gather %max3A_519[%gather3A_532] in [0] : vector<16xf32>, vector<16xi32> -> vector<16xf32>
        %max3A_534 = arith.maximumf %max3A_519, %gather3A_533 : vector<16xf32>
        %iota3A_535 = tpu.iota {dimensions = array<i32: 0>} : vector<16xi32>
        %xor3A_536 = arith.constant 8 : i32
        %xor3A_537 = vector.broadcast %xor3A_536 : i32 to vector<16xi32>
        %xor3A_538 = arith.xori %iota3A_535, %xor3A_537 : vector<16xi32>
        %lt3A_539 = arith.constant 0 : i32
        %lt3A_540 = vector.broadcast %lt3A_539 : i32 to vector<16xi32>
        %lt3A_541 = arith.cmpi slt, %xor3A_538, %lt3A_540 : vector<16xi32>
        %add3A_542 = arith.constant 16 : i32
        %add3A_543 = vector.broadcast %add3A_542 : i32 to vector<16xi32>
        %add3A_544 = arith.addi %xor3A_538, %add3A_543 : vector<16xi32>
        %select_n3A_545 = arith.select %lt3A_541, %add3A_544, %xor3A_538 : vector<16xi1>, vector<16xi32>
        %broadcast_in_dim3A_546 = vector.shape_cast %select_n3A_545 : vector<16xi32> to vector<16x1xi32>
        %gather3A_547 = vector.shape_cast %broadcast_in_dim3A_546 : vector<16x1xi32> to vector<16xi32>
        %gather3A_548 = tpu.dynamic_gather %max3A_534[%gather3A_547] in [0] : vector<16xf32>, vector<16xi32> -> vector<16xf32>
        %max3A_549 = arith.maximumf %max3A_534, %gather3A_548 : vector<16xf32>
        %slice3A_550 = vector.extract_strided_slice %max3A_549 {offsets = [0], sizes = [1], strides = [1]} : vector<16xf32> to vector<1xf32>
        %squeeze3A_551 = vector.extract %slice3A_550[0] : f32 from vector<1xf32>
        %broadcast_in_dim3A_552 = vector.broadcast %squeeze3A_551 : f32 to vector<16xf32>
        %eq3A_553 = arith.cmpf oeq, %get3A_413, %broadcast_in_dim3A_552 : vector<16xf32>
        %jit3A_554 = arith.constant 1 : i32
        %jit3A_555 = arith.constant 0 : i32
        %broadcast_in_dim3A_556 = vector.broadcast %jit3A_554 : i32 to vector<16xi32>
        %broadcast_in_dim3A_557 = vector.broadcast %jit3A_555 : i32 to vector<16xi32>
        %select_n3A_558 = arith.select %eq3A_553, %broadcast_in_dim3A_556, %broadcast_in_dim3A_557 : vector<16xi1>, vector<16xi32>
        %eq3A_559 = arith.cmpf oeq, %get3A_416, %broadcast_in_dim3A_552 : vector<16xf32>
        %jit3A_560 = arith.constant 1 : i32
        %jit3A_561 = arith.constant 0 : i32
        %broadcast_in_dim3A_562 = vector.broadcast %jit3A_560 : i32 to vector<16xi32>
        %broadcast_in_dim3A_563 = vector.broadcast %jit3A_561 : i32 to vector<16xi32>
        %select_n3A_564 = arith.select %eq3A_559, %broadcast_in_dim3A_562, %broadcast_in_dim3A_563 : vector<16xi1>, vector<16xi32>
        %add3A_565 = arith.addi %select_n3A_558, %select_n3A_564 : vector<16xi32>
        %eq3A_566 = arith.cmpf oeq, %get3A_419, %broadcast_in_dim3A_552 : vector<16xf32>
        %jit3A_567 = arith.constant 1 : i32
        %jit3A_568 = arith.constant 0 : i32
        %broadcast_in_dim3A_569 = vector.broadcast %jit3A_567 : i32 to vector<16xi32>
        %broadcast_in_dim3A_570 = vector.broadcast %jit3A_568 : i32 to vector<16xi32>
        %select_n3A_571 = arith.select %eq3A_566, %broadcast_in_dim3A_569, %broadcast_in_dim3A_570 : vector<16xi1>, vector<16xi32>
        %add3A_572 = arith.addi %add3A_565, %select_n3A_571 : vector<16xi32>
        %eq3A_573 = arith.cmpf oeq, %get3A_422, %broadcast_in_dim3A_552 : vector<16xf32>
        %jit3A_574 = arith.constant 1 : i32
        %jit3A_575 = arith.constant 0 : i32
        %broadcast_in_dim3A_576 = vector.broadcast %jit3A_574 : i32 to vector<16xi32>
        %broadcast_in_dim3A_577 = vector.broadcast %jit3A_575 : i32 to vector<16xi32>
        %select_n3A_578 = arith.select %eq3A_573, %broadcast_in_dim3A_576, %broadcast_in_dim3A_577 : vector<16xi1>, vector<16xi32>
        %add3A_579 = arith.addi %add3A_572, %select_n3A_578 : vector<16xi32>
        %eq3A_580 = arith.cmpf oeq, %get3A_425, %broadcast_in_dim3A_552 : vector<16xf32>
        %jit3A_581 = arith.constant 1 : i32
        %jit3A_582 = arith.constant 0 : i32
        %broadcast_in_dim3A_583 = vector.broadcast %jit3A_581 : i32 to vector<16xi32>
        %broadcast_in_dim3A_584 = vector.broadcast %jit3A_582 : i32 to vector<16xi32>
        %select_n3A_585 = arith.select %eq3A_580, %broadcast_in_dim3A_583, %broadcast_in_dim3A_584 : vector<16xi1>, vector<16xi32>
        %add3A_586 = arith.addi %add3A_579, %select_n3A_585 : vector<16xi32>
        %eq3A_587 = arith.cmpf oeq, %get3A_428, %broadcast_in_dim3A_552 : vector<16xf32>
        %jit3A_588 = arith.constant 1 : i32
        %jit3A_589 = arith.constant 0 : i32
        %broadcast_in_dim3A_590 = vector.broadcast %jit3A_588 : i32 to vector<16xi32>
        %broadcast_in_dim3A_591 = vector.broadcast %jit3A_589 : i32 to vector<16xi32>
        %select_n3A_592 = arith.select %eq3A_587, %broadcast_in_dim3A_590, %broadcast_in_dim3A_591 : vector<16xi1>, vector<16xi32>
        %add3A_593 = arith.addi %add3A_586, %select_n3A_592 : vector<16xi32>
        %eq3A_594 = arith.cmpf oeq, %get3A_431, %broadcast_in_dim3A_552 : vector<16xf32>
        %jit3A_595 = arith.constant 1 : i32
        %jit3A_596 = arith.constant 0 : i32
        %broadcast_in_dim3A_597 = vector.broadcast %jit3A_595 : i32 to vector<16xi32>
        %broadcast_in_dim3A_598 = vector.broadcast %jit3A_596 : i32 to vector<16xi32>
        %select_n3A_599 = arith.select %eq3A_594, %broadcast_in_dim3A_597, %broadcast_in_dim3A_598 : vector<16xi1>, vector<16xi32>
        %add3A_600 = arith.addi %add3A_593, %select_n3A_599 : vector<16xi32>
        %eq3A_601 = arith.cmpf oeq, %get3A_434, %broadcast_in_dim3A_552 : vector<16xf32>
        %jit3A_602 = arith.constant 1 : i32
        %jit3A_603 = arith.constant 0 : i32
        %broadcast_in_dim3A_604 = vector.broadcast %jit3A_602 : i32 to vector<16xi32>
        %broadcast_in_dim3A_605 = vector.broadcast %jit3A_603 : i32 to vector<16xi32>
        %select_n3A_606 = arith.select %eq3A_601, %broadcast_in_dim3A_604, %broadcast_in_dim3A_605 : vector<16xi1>, vector<16xi32>
        %add3A_607 = arith.addi %add3A_600, %select_n3A_606 : vector<16xi32>
        %eq3A_608 = arith.cmpf oeq, %get3A_437, %broadcast_in_dim3A_552 : vector<16xf32>
        %jit3A_609 = arith.constant 1 : i32
        %jit3A_610 = arith.constant 0 : i32
        %broadcast_in_dim3A_611 = vector.broadcast %jit3A_609 : i32 to vector<16xi32>
        %broadcast_in_dim3A_612 = vector.broadcast %jit3A_610 : i32 to vector<16xi32>
        %select_n3A_613 = arith.select %eq3A_608, %broadcast_in_dim3A_611, %broadcast_in_dim3A_612 : vector<16xi1>, vector<16xi32>
        %add3A_614 = arith.addi %add3A_607, %select_n3A_613 : vector<16xi32>
        %eq3A_615 = arith.cmpf oeq, %get3A_440, %broadcast_in_dim3A_552 : vector<16xf32>
        %jit3A_616 = arith.constant 1 : i32
        %jit3A_617 = arith.constant 0 : i32
        %broadcast_in_dim3A_618 = vector.broadcast %jit3A_616 : i32 to vector<16xi32>
        %broadcast_in_dim3A_619 = vector.broadcast %jit3A_617 : i32 to vector<16xi32>
        %select_n3A_620 = arith.select %eq3A_615, %broadcast_in_dim3A_618, %broadcast_in_dim3A_619 : vector<16xi1>, vector<16xi32>
        %add3A_621 = arith.addi %add3A_614, %select_n3A_620 : vector<16xi32>
        %eq3A_622 = arith.cmpf oeq, %get3A_443, %broadcast_in_dim3A_552 : vector<16xf32>
        %jit3A_623 = arith.constant 1 : i32
        %jit3A_624 = arith.constant 0 : i32
        %broadcast_in_dim3A_625 = vector.broadcast %jit3A_623 : i32 to vector<16xi32>
        %broadcast_in_dim3A_626 = vector.broadcast %jit3A_624 : i32 to vector<16xi32>
        %select_n3A_627 = arith.select %eq3A_622, %broadcast_in_dim3A_625, %broadcast_in_dim3A_626 : vector<16xi1>, vector<16xi32>
        %add3A_628 = arith.addi %add3A_621, %select_n3A_627 : vector<16xi32>
        %eq3A_629 = arith.cmpf oeq, %get3A_446, %broadcast_in_dim3A_552 : vector<16xf32>
        %jit3A_630 = arith.constant 1 : i32
        %jit3A_631 = arith.constant 0 : i32
        %broadcast_in_dim3A_632 = vector.broadcast %jit3A_630 : i32 to vector<16xi32>
        %broadcast_in_dim3A_633 = vector.broadcast %jit3A_631 : i32 to vector<16xi32>
        %select_n3A_634 = arith.select %eq3A_629, %broadcast_in_dim3A_632, %broadcast_in_dim3A_633 : vector<16xi1>, vector<16xi32>
        %add3A_635 = arith.addi %add3A_628, %select_n3A_634 : vector<16xi32>
        %eq3A_636 = arith.cmpf oeq, %get3A_449, %broadcast_in_dim3A_552 : vector<16xf32>
        %jit3A_637 = arith.constant 1 : i32
        %jit3A_638 = arith.constant 0 : i32
        %broadcast_in_dim3A_639 = vector.broadcast %jit3A_637 : i32 to vector<16xi32>
        %broadcast_in_dim3A_640 = vector.broadcast %jit3A_638 : i32 to vector<16xi32>
        %select_n3A_641 = arith.select %eq3A_636, %broadcast_in_dim3A_639, %broadcast_in_dim3A_640 : vector<16xi1>, vector<16xi32>
        %add3A_642 = arith.addi %add3A_635, %select_n3A_641 : vector<16xi32>
        %eq3A_643 = arith.cmpf oeq, %get3A_452, %broadcast_in_dim3A_552 : vector<16xf32>
        %jit3A_644 = arith.constant 1 : i32
        %jit3A_645 = arith.constant 0 : i32
        %broadcast_in_dim3A_646 = vector.broadcast %jit3A_644 : i32 to vector<16xi32>
        %broadcast_in_dim3A_647 = vector.broadcast %jit3A_645 : i32 to vector<16xi32>
        %select_n3A_648 = arith.select %eq3A_643, %broadcast_in_dim3A_646, %broadcast_in_dim3A_647 : vector<16xi1>, vector<16xi32>
        %add3A_649 = arith.addi %add3A_642, %select_n3A_648 : vector<16xi32>
        %eq3A_650 = arith.cmpf oeq, %get3A_455, %broadcast_in_dim3A_552 : vector<16xf32>
        %jit3A_651 = arith.constant 1 : i32
        %jit3A_652 = arith.constant 0 : i32
        %broadcast_in_dim3A_653 = vector.broadcast %jit3A_651 : i32 to vector<16xi32>
        %broadcast_in_dim3A_654 = vector.broadcast %jit3A_652 : i32 to vector<16xi32>
        %select_n3A_655 = arith.select %eq3A_650, %broadcast_in_dim3A_653, %broadcast_in_dim3A_654 : vector<16xi1>, vector<16xi32>
        %add3A_656 = arith.addi %add3A_649, %select_n3A_655 : vector<16xi32>
        %eq3A_657 = arith.cmpf oeq, %get3A_458, %broadcast_in_dim3A_552 : vector<16xf32>
        %jit3A_658 = arith.constant 1 : i32
        %jit3A_659 = arith.constant 0 : i32
        %broadcast_in_dim3A_660 = vector.broadcast %jit3A_658 : i32 to vector<16xi32>
        %broadcast_in_dim3A_661 = vector.broadcast %jit3A_659 : i32 to vector<16xi32>
        %select_n3A_662 = arith.select %eq3A_657, %broadcast_in_dim3A_660, %broadcast_in_dim3A_661 : vector<16xi1>, vector<16xi32>
        %add3A_663 = arith.addi %add3A_656, %select_n3A_662 : vector<16xi32>
        %eq3A_664 = arith.cmpf oeq, %get3A_461, %broadcast_in_dim3A_552 : vector<16xf32>
        %jit3A_665 = arith.constant 1 : i32
        %jit3A_666 = arith.constant 0 : i32
        %broadcast_in_dim3A_667 = vector.broadcast %jit3A_665 : i32 to vector<16xi32>
        %broadcast_in_dim3A_668 = vector.broadcast %jit3A_666 : i32 to vector<16xi32>
        %select_n3A_669 = arith.select %eq3A_664, %broadcast_in_dim3A_667, %broadcast_in_dim3A_668 : vector<16xi1>, vector<16xi32>
        %add3A_670 = arith.addi %add3A_663, %select_n3A_669 : vector<16xi32>
        %eq3A_671 = arith.cmpf oeq, %get3A_464, %broadcast_in_dim3A_552 : vector<16xf32>
        %jit3A_672 = arith.constant 1 : i32
        %jit3A_673 = arith.constant 0 : i32
        %broadcast_in_dim3A_674 = vector.broadcast %jit3A_672 : i32 to vector<16xi32>
        %broadcast_in_dim3A_675 = vector.broadcast %jit3A_673 : i32 to vector<16xi32>
        %select_n3A_676 = arith.select %eq3A_671, %broadcast_in_dim3A_674, %broadcast_in_dim3A_675 : vector<16xi1>, vector<16xi32>
        %add3A_677 = arith.addi %add3A_670, %select_n3A_676 : vector<16xi32>
        %eq3A_678 = arith.cmpf oeq, %get3A_467, %broadcast_in_dim3A_552 : vector<16xf32>
        %jit3A_679 = arith.constant 1 : i32
        %jit3A_680 = arith.constant 0 : i32
        %broadcast_in_dim3A_681 = vector.broadcast %jit3A_679 : i32 to vector<16xi32>
        %broadcast_in_dim3A_682 = vector.broadcast %jit3A_680 : i32 to vector<16xi32>
        %select_n3A_683 = arith.select %eq3A_678, %broadcast_in_dim3A_681, %broadcast_in_dim3A_682 : vector<16xi1>, vector<16xi32>
        %add3A_684 = arith.addi %add3A_677, %select_n3A_683 : vector<16xi32>
        %eq3A_685 = arith.cmpf oeq, %get3A_470, %broadcast_in_dim3A_552 : vector<16xf32>
        %jit3A_686 = arith.constant 1 : i32
        %jit3A_687 = arith.constant 0 : i32
        %broadcast_in_dim3A_688 = vector.broadcast %jit3A_686 : i32 to vector<16xi32>
        %broadcast_in_dim3A_689 = vector.broadcast %jit3A_687 : i32 to vector<16xi32>
        %select_n3A_690 = arith.select %eq3A_685, %broadcast_in_dim3A_688, %broadcast_in_dim3A_689 : vector<16xi1>, vector<16xi32>
        %add3A_691 = arith.addi %add3A_684, %select_n3A_690 : vector<16xi32>
        %iota3A_692 = tpu.iota {dimensions = array<i32: 0>} : vector<16xi32>
        %xor3A_693 = arith.constant 1 : i32
        %xor3A_694 = vector.broadcast %xor3A_693 : i32 to vector<16xi32>
        %xor3A_695 = arith.xori %iota3A_692, %xor3A_694 : vector<16xi32>
        %lt3A_696 = arith.constant 0 : i32
        %lt3A_697 = vector.broadcast %lt3A_696 : i32 to vector<16xi32>
        %lt3A_698 = arith.cmpi slt, %xor3A_695, %lt3A_697 : vector<16xi32>
        %add3A_699 = arith.constant 16 : i32
        %add3A_700 = vector.broadcast %add3A_699 : i32 to vector<16xi32>
        %add3A_701 = arith.addi %xor3A_695, %add3A_700 : vector<16xi32>
        %select_n3A_702 = arith.select %lt3A_698, %add3A_701, %xor3A_695 : vector<16xi1>, vector<16xi32>
        %broadcast_in_dim3A_703 = vector.shape_cast %select_n3A_702 : vector<16xi32> to vector<16x1xi32>
        %gather3A_704 = vector.shape_cast %broadcast_in_dim3A_703 : vector<16x1xi32> to vector<16xi32>
        %gather3A_705 = tpu.dynamic_gather %add3A_691[%gather3A_704] in [0] : vector<16xi32>, vector<16xi32> -> vector<16xi32>
        %add3A_706 = arith.addi %add3A_691, %gather3A_705 : vector<16xi32>
        %iota3A_707 = tpu.iota {dimensions = array<i32: 0>} : vector<16xi32>
        %xor3A_708 = arith.constant 2 : i32
        %xor3A_709 = vector.broadcast %xor3A_708 : i32 to vector<16xi32>
        %xor3A_710 = arith.xori %iota3A_707, %xor3A_709 : vector<16xi32>
        %lt3A_711 = arith.constant 0 : i32
        %lt3A_712 = vector.broadcast %lt3A_711 : i32 to vector<16xi32>
        %lt3A_713 = arith.cmpi slt, %xor3A_710, %lt3A_712 : vector<16xi32>
        %add3A_714 = arith.constant 16 : i32
        %add3A_715 = vector.broadcast %add3A_714 : i32 to vector<16xi32>
        %add3A_716 = arith.addi %xor3A_710, %add3A_715 : vector<16xi32>
        %select_n3A_717 = arith.select %lt3A_713, %add3A_716, %xor3A_710 : vector<16xi1>, vector<16xi32>
        %broadcast_in_dim3A_718 = vector.shape_cast %select_n3A_717 : vector<16xi32> to vector<16x1xi32>
        %gather3A_719 = vector.shape_cast %broadcast_in_dim3A_718 : vector<16x1xi32> to vector<16xi32>
        %gather3A_720 = tpu.dynamic_gather %add3A_706[%gather3A_719] in [0] : vector<16xi32>, vector<16xi32> -> vector<16xi32>
        %add3A_721 = arith.addi %add3A_706, %gather3A_720 : vector<16xi32>
        %iota3A_722 = tpu.iota {dimensions = array<i32: 0>} : vector<16xi32>
        %xor3A_723 = arith.constant 4 : i32
        %xor3A_724 = vector.broadcast %xor3A_723 : i32 to vector<16xi32>
        %xor3A_725 = arith.xori %iota3A_722, %xor3A_724 : vector<16xi32>
        %lt3A_726 = arith.constant 0 : i32
        %lt3A_727 = vector.broadcast %lt3A_726 : i32 to vector<16xi32>
        %lt3A_728 = arith.cmpi slt, %xor3A_725, %lt3A_727 : vector<16xi32>
        %add3A_729 = arith.constant 16 : i32
        %add3A_730 = vector.broadcast %add3A_729 : i32 to vector<16xi32>
        %add3A_731 = arith.addi %xor3A_725, %add3A_730 : vector<16xi32>
        %select_n3A_732 = arith.select %lt3A_728, %add3A_731, %xor3A_725 : vector<16xi1>, vector<16xi32>
        %broadcast_in_dim3A_733 = vector.shape_cast %select_n3A_732 : vector<16xi32> to vector<16x1xi32>
        %gather3A_734 = vector.shape_cast %broadcast_in_dim3A_733 : vector<16x1xi32> to vector<16xi32>
        %gather3A_735 = tpu.dynamic_gather %add3A_721[%gather3A_734] in [0] : vector<16xi32>, vector<16xi32> -> vector<16xi32>
        %add3A_736 = arith.addi %add3A_721, %gather3A_735 : vector<16xi32>
        %iota3A_737 = tpu.iota {dimensions = array<i32: 0>} : vector<16xi32>
        %xor3A_738 = arith.constant 8 : i32
        %xor3A_739 = vector.broadcast %xor3A_738 : i32 to vector<16xi32>
        %xor3A_740 = arith.xori %iota3A_737, %xor3A_739 : vector<16xi32>
        %lt3A_741 = arith.constant 0 : i32
        %lt3A_742 = vector.broadcast %lt3A_741 : i32 to vector<16xi32>
        %lt3A_743 = arith.cmpi slt, %xor3A_740, %lt3A_742 : vector<16xi32>
        %add3A_744 = arith.constant 16 : i32
        %add3A_745 = vector.broadcast %add3A_744 : i32 to vector<16xi32>
        %add3A_746 = arith.addi %xor3A_740, %add3A_745 : vector<16xi32>
        %select_n3A_747 = arith.select %lt3A_743, %add3A_746, %xor3A_740 : vector<16xi1>, vector<16xi32>
        %broadcast_in_dim3A_748 = vector.shape_cast %select_n3A_747 : vector<16xi32> to vector<16x1xi32>
        %gather3A_749 = vector.shape_cast %broadcast_in_dim3A_748 : vector<16x1xi32> to vector<16xi32>
        %gather3A_750 = tpu.dynamic_gather %add3A_736[%gather3A_749] in [0] : vector<16xi32>, vector<16xi32> -> vector<16xi32>
        %add3A_751 = arith.addi %add3A_736, %gather3A_750 : vector<16xi32>
        %slice3A_752 = vector.extract_strided_slice %add3A_751 {offsets = [0], sizes = [1], strides = [1]} : vector<16xi32> to vector<1xi32>
        %squeeze3A_753 = vector.extract %slice3A_752[0] : i32 from vector<1xi32>
        %gt3A_754 = arith.constant 0 : i32
        %gt3A_755 = arith.cmpi sgt, %scan3A_408, %gt3A_754 : i32
        %convert_element_type3A = arith.extui %gt3A_755 : i1 to i32
        %cond3A = arith.constant 0 : i32
        %cond3A_756 = arith.cmpi ne, %convert_element_type3A, %cond3A : i32
        scf.if %cond3A_756 {
          %swap3A_887 = arith.index_cast %scan3A_409 : i32 to index
          %swap3A_888 = tpu.vector_load %arg8[%swap3A_887] {strides = array<i32>} : memref<48xf32, #tpu.memory_space<vmem>>, vector<16xf32>,
          %swap3A_889 = vector.shape_cast %swap3A_888 : vector<16xf32> to vector<16xf32>
          %swap3A_890 = vector.shape_cast %broadcast_in_dim3A_552 : vector<16xf32> to vector<16xf32>
          tpu.vector_store %arg8[%swap3A_887], %swap3A_890 {strides = array<i32>} : memref<48xf32, #tpu.memory_space<vmem>>, vector<16xf32>,
        } else {
        }
        %jit3A_757 = arith.constant 0xFF800000 : f32
        %select_n3A_758 = arith.select %gt3A_755, %jit3A_757, %squeeze3A_551 : f32
        %broadcast_in_dim3A_759 = vector.broadcast %select_n3A_758 : f32 to vector<16xf32>
        %eq3A_760 = arith.cmpf oeq, %get3A_413, %broadcast_in_dim3A_552 : vector<16xf32>
        %select_n3A_761 = arith.select %eq3A_760, %broadcast_in_dim3A_759, %get3A_413 : vector<16xi1>, vector<16xf32>
        %swap3A_762 = arith.constant 0 : index
        %swap3A_763 = tpu.vector_load %arg7[%swap3A_762] {strides = array<i32>} : memref<320xf32, #tpu.memory_space<vmem>>, vector<16xf32>,
        %swap3A_764 = vector.shape_cast %swap3A_763 : vector<16xf32> to vector<16xf32>
        %swap3A_765 = vector.shape_cast %select_n3A_761 : vector<16xf32> to vector<16xf32>
        tpu.vector_store %arg7[%swap3A_762], %swap3A_765 {strides = array<i32>} : memref<320xf32, #tpu.memory_space<vmem>>, vector<16xf32>,
        %eq3A_766 = arith.cmpf oeq, %get3A_416, %broadcast_in_dim3A_552 : vector<16xf32>
        %select_n3A_767 = arith.select %eq3A_766, %broadcast_in_dim3A_759, %get3A_416 : vector<16xi1>, vector<16xf32>
        %swap3A_768 = arith.constant 16 : index
        %swap3A_769 = tpu.vector_load %arg7[%swap3A_768] {strides = array<i32>} : memref<320xf32, #tpu.memory_space<vmem>>, vector<16xf32>,
        %swap3A_770 = vector.shape_cast %swap3A_769 : vector<16xf32> to vector<16xf32>
        %swap3A_771 = vector.shape_cast %select_n3A_767 : vector<16xf32> to vector<16xf32>
        tpu.vector_store %arg7[%swap3A_768], %swap3A_771 {strides = array<i32>} : memref<320xf32, #tpu.memory_space<vmem>>, vector<16xf32>,
        %eq3A_772 = arith.cmpf oeq, %get3A_419, %broadcast_in_dim3A_552 : vector<16xf32>
        %select_n3A_773 = arith.select %eq3A_772, %broadcast_in_dim3A_759, %get3A_419 : vector<16xi1>, vector<16xf32>
        %swap3A_774 = arith.constant 32 : index
        %swap3A_775 = tpu.vector_load %arg7[%swap3A_774] {strides = array<i32>} : memref<320xf32, #tpu.memory_space<vmem>>, vector<16xf32>,
        %swap3A_776 = vector.shape_cast %swap3A_775 : vector<16xf32> to vector<16xf32>
        %swap3A_777 = vector.shape_cast %select_n3A_773 : vector<16xf32> to vector<16xf32>
        tpu.vector_store %arg7[%swap3A_774], %swap3A_777 {strides = array<i32>} : memref<320xf32, #tpu.memory_space<vmem>>, vector<16xf32>,
        %eq3A_778 = arith.cmpf oeq, %get3A_422, %broadcast_in_dim3A_552 : vector<16xf32>
        %select_n3A_779 = arith.select %eq3A_778, %broadcast_in_dim3A_759, %get3A_422 : vector<16xi1>, vector<16xf32>
        %swap3A_780 = arith.constant 48 : index
        %swap3A_781 = tpu.vector_load %arg7[%swap3A_780] {strides = array<i32>} : memref<320xf32, #tpu.memory_space<vmem>>, vector<16xf32>,
        %swap3A_782 = vector.shape_cast %swap3A_781 : vector<16xf32> to vector<16xf32>
        %swap3A_783 = vector.shape_cast %select_n3A_779 : vector<16xf32> to vector<16xf32>
        tpu.vector_store %arg7[%swap3A_780], %swap3A_783 {strides = array<i32>} : memref<320xf32, #tpu.memory_space<vmem>>, vector<16xf32>,
        %eq3A_784 = arith.cmpf oeq, %get3A_425, %broadcast_in_dim3A_552 : vector<16xf32>
        %select_n3A_785 = arith.select %eq3A_784, %broadcast_in_dim3A_759, %get3A_425 : vector<16xi1>, vector<16xf32>
        %swap3A_786 = arith.constant 64 : index
        %swap3A_787 = tpu.vector_load %arg7[%swap3A_786] {strides = array<i32>} : memref<320xf32, #tpu.memory_space<vmem>>, vector<16xf32>,
        %swap3A_788 = vector.shape_cast %swap3A_787 : vector<16xf32> to vector<16xf32>
        %swap3A_789 = vector.shape_cast %select_n3A_785 : vector<16xf32> to vector<16xf32>
        tpu.vector_store %arg7[%swap3A_786], %swap3A_789 {strides = array<i32>} : memref<320xf32, #tpu.memory_space<vmem>>, vector<16xf32>,
        %eq3A_790 = arith.cmpf oeq, %get3A_428, %broadcast_in_dim3A_552 : vector<16xf32>
        %select_n3A_791 = arith.select %eq3A_790, %broadcast_in_dim3A_759, %get3A_428 : vector<16xi1>, vector<16xf32>
        %swap3A_792 = arith.constant 80 : index
        %swap3A_793 = tpu.vector_load %arg7[%swap3A_792] {strides = array<i32>} : memref<320xf32, #tpu.memory_space<vmem>>, vector<16xf32>,
        %swap3A_794 = vector.shape_cast %swap3A_793 : vector<16xf32> to vector<16xf32>
        %swap3A_795 = vector.shape_cast %select_n3A_791 : vector<16xf32> to vector<16xf32>
        tpu.vector_store %arg7[%swap3A_792], %swap3A_795 {strides = array<i32>} : memref<320xf32, #tpu.memory_space<vmem>>, vector<16xf32>,
        %eq3A_796 = arith.cmpf oeq, %get3A_431, %broadcast_in_dim3A_552 : vector<16xf32>
        %select_n3A_797 = arith.select %eq3A_796, %broadcast_in_dim3A_759, %get3A_431 : vector<16xi1>, vector<16xf32>
        %swap3A_798 = arith.constant 96 : index
        %swap3A_799 = tpu.vector_load %arg7[%swap3A_798] {strides = array<i32>} : memref<320xf32, #tpu.memory_space<vmem>>, vector<16xf32>,
        %swap3A_800 = vector.shape_cast %swap3A_799 : vector<16xf32> to vector<16xf32>
        %swap3A_801 = vector.shape_cast %select_n3A_797 : vector<16xf32> to vector<16xf32>
        tpu.vector_store %arg7[%swap3A_798], %swap3A_801 {strides = array<i32>} : memref<320xf32, #tpu.memory_space<vmem>>, vector<16xf32>,
        %eq3A_802 = arith.cmpf oeq, %get3A_434, %broadcast_in_dim3A_552 : vector<16xf32>
        %select_n3A_803 = arith.select %eq3A_802, %broadcast_in_dim3A_759, %get3A_434 : vector<16xi1>, vector<16xf32>
        %swap3A_804 = arith.constant 112 : index
        %swap3A_805 = tpu.vector_load %arg7[%swap3A_804] {strides = array<i32>} : memref<320xf32, #tpu.memory_space<vmem>>, vector<16xf32>,
        %swap3A_806 = vector.shape_cast %swap3A_805 : vector<16xf32> to vector<16xf32>
        %swap3A_807 = vector.shape_cast %select_n3A_803 : vector<16xf32> to vector<16xf32>
        tpu.vector_store %arg7[%swap3A_804], %swap3A_807 {strides = array<i32>} : memref<320xf32, #tpu.memory_space<vmem>>, vector<16xf32>,
        %eq3A_808 = arith.cmpf oeq, %get3A_437, %broadcast_in_dim3A_552 : vector<16xf32>
        %select_n3A_809 = arith.select %eq3A_808, %broadcast_in_dim3A_759, %get3A_437 : vector<16xi1>, vector<16xf32>
        %swap3A_810 = arith.constant 128 : index
        %swap3A_811 = tpu.vector_load %arg7[%swap3A_810] {strides = array<i32>} : memref<320xf32, #tpu.memory_space<vmem>>, vector<16xf32>,
        %swap3A_812 = vector.shape_cast %swap3A_811 : vector<16xf32> to vector<16xf32>
        %swap3A_813 = vector.shape_cast %select_n3A_809 : vector<16xf32> to vector<16xf32>
        tpu.vector_store %arg7[%swap3A_810], %swap3A_813 {strides = array<i32>} : memref<320xf32, #tpu.memory_space<vmem>>, vector<16xf32>,
        %eq3A_814 = arith.cmpf oeq, %get3A_440, %broadcast_in_dim3A_552 : vector<16xf32>
        %select_n3A_815 = arith.select %eq3A_814, %broadcast_in_dim3A_759, %get3A_440 : vector<16xi1>, vector<16xf32>
        %swap3A_816 = arith.constant 144 : index
        %swap3A_817 = tpu.vector_load %arg7[%swap3A_816] {strides = array<i32>} : memref<320xf32, #tpu.memory_space<vmem>>, vector<16xf32>,
        %swap3A_818 = vector.shape_cast %swap3A_817 : vector<16xf32> to vector<16xf32>
        %swap3A_819 = vector.shape_cast %select_n3A_815 : vector<16xf32> to vector<16xf32>
        tpu.vector_store %arg7[%swap3A_816], %swap3A_819 {strides = array<i32>} : memref<320xf32, #tpu.memory_space<vmem>>, vector<16xf32>,
        %eq3A_820 = arith.cmpf oeq, %get3A_443, %broadcast_in_dim3A_552 : vector<16xf32>
        %select_n3A_821 = arith.select %eq3A_820, %broadcast_in_dim3A_759, %get3A_443 : vector<16xi1>, vector<16xf32>
        %swap3A_822 = arith.constant 160 : index
        %swap3A_823 = tpu.vector_load %arg7[%swap3A_822] {strides = array<i32>} : memref<320xf32, #tpu.memory_space<vmem>>, vector<16xf32>,
        %swap3A_824 = vector.shape_cast %swap3A_823 : vector<16xf32> to vector<16xf32>
        %swap3A_825 = vector.shape_cast %select_n3A_821 : vector<16xf32> to vector<16xf32>
        tpu.vector_store %arg7[%swap3A_822], %swap3A_825 {strides = array<i32>} : memref<320xf32, #tpu.memory_space<vmem>>, vector<16xf32>,
        %eq3A_826 = arith.cmpf oeq, %get3A_446, %broadcast_in_dim3A_552 : vector<16xf32>
        %select_n3A_827 = arith.select %eq3A_826, %broadcast_in_dim3A_759, %get3A_446 : vector<16xi1>, vector<16xf32>
        %swap3A_828 = arith.constant 176 : index
        %swap3A_829 = tpu.vector_load %arg7[%swap3A_828] {strides = array<i32>} : memref<320xf32, #tpu.memory_space<vmem>>, vector<16xf32>,
        %swap3A_830 = vector.shape_cast %swap3A_829 : vector<16xf32> to vector<16xf32>
        %swap3A_831 = vector.shape_cast %select_n3A_827 : vector<16xf32> to vector<16xf32>
        tpu.vector_store %arg7[%swap3A_828], %swap3A_831 {strides = array<i32>} : memref<320xf32, #tpu.memory_space<vmem>>, vector<16xf32>,
        %eq3A_832 = arith.cmpf oeq, %get3A_449, %broadcast_in_dim3A_552 : vector<16xf32>
        %select_n3A_833 = arith.select %eq3A_832, %broadcast_in_dim3A_759, %get3A_449 : vector<16xi1>, vector<16xf32>
        %swap3A_834 = arith.constant 192 : index
        %swap3A_835 = tpu.vector_load %arg7[%swap3A_834] {strides = array<i32>} : memref<320xf32, #tpu.memory_space<vmem>>, vector<16xf32>,
        %swap3A_836 = vector.shape_cast %swap3A_835 : vector<16xf32> to vector<16xf32>
        %swap3A_837 = vector.shape_cast %select_n3A_833 : vector<16xf32> to vector<16xf32>
        tpu.vector_store %arg7[%swap3A_834], %swap3A_837 {strides = array<i32>} : memref<320xf32, #tpu.memory_space<vmem>>, vector<16xf32>,
        %eq3A_838 = arith.cmpf oeq, %get3A_452, %broadcast_in_dim3A_552 : vector<16xf32>
        %select_n3A_839 = arith.select %eq3A_838, %broadcast_in_dim3A_759, %get3A_452 : vector<16xi1>, vector<16xf32>
        %swap3A_840 = arith.constant 208 : index
        %swap3A_841 = tpu.vector_load %arg7[%swap3A_840] {strides = array<i32>} : memref<320xf32, #tpu.memory_space<vmem>>, vector<16xf32>,
        %swap3A_842 = vector.shape_cast %swap3A_841 : vector<16xf32> to vector<16xf32>
        %swap3A_843 = vector.shape_cast %select_n3A_839 : vector<16xf32> to vector<16xf32>
        tpu.vector_store %arg7[%swap3A_840], %swap3A_843 {strides = array<i32>} : memref<320xf32, #tpu.memory_space<vmem>>, vector<16xf32>,
        %eq3A_844 = arith.cmpf oeq, %get3A_455, %broadcast_in_dim3A_552 : vector<16xf32>
        %select_n3A_845 = arith.select %eq3A_844, %broadcast_in_dim3A_759, %get3A_455 : vector<16xi1>, vector<16xf32>
        %swap3A_846 = arith.constant 224 : index
        %swap3A_847 = tpu.vector_load %arg7[%swap3A_846] {strides = array<i32>} : memref<320xf32, #tpu.memory_space<vmem>>, vector<16xf32>,
        %swap3A_848 = vector.shape_cast %swap3A_847 : vector<16xf32> to vector<16xf32>
        %swap3A_849 = vector.shape_cast %select_n3A_845 : vector<16xf32> to vector<16xf32>
        tpu.vector_store %arg7[%swap3A_846], %swap3A_849 {strides = array<i32>} : memref<320xf32, #tpu.memory_space<vmem>>, vector<16xf32>,
        %eq3A_850 = arith.cmpf oeq, %get3A_458, %broadcast_in_dim3A_552 : vector<16xf32>
        %select_n3A_851 = arith.select %eq3A_850, %broadcast_in_dim3A_759, %get3A_458 : vector<16xi1>, vector<16xf32>
        %swap3A_852 = arith.constant 240 : index
        %swap3A_853 = tpu.vector_load %arg7[%swap3A_852] {strides = array<i32>} : memref<320xf32, #tpu.memory_space<vmem>>, vector<16xf32>,
        %swap3A_854 = vector.shape_cast %swap3A_853 : vector<16xf32> to vector<16xf32>
        %swap3A_855 = vector.shape_cast %select_n3A_851 : vector<16xf32> to vector<16xf32>
        tpu.vector_store %arg7[%swap3A_852], %swap3A_855 {strides = array<i32>} : memref<320xf32, #tpu.memory_space<vmem>>, vector<16xf32>,
        %eq3A_856 = arith.cmpf oeq, %get3A_461, %broadcast_in_dim3A_552 : vector<16xf32>
        %select_n3A_857 = arith.select %eq3A_856, %broadcast_in_dim3A_759, %get3A_461 : vector<16xi1>, vector<16xf32>
        %swap3A_858 = arith.constant 256 : index
        %swap3A_859 = tpu.vector_load %arg7[%swap3A_858] {strides = array<i32>} : memref<320xf32, #tpu.memory_space<vmem>>, vector<16xf32>,
        %swap3A_860 = vector.shape_cast %swap3A_859 : vector<16xf32> to vector<16xf32>
        %swap3A_861 = vector.shape_cast %select_n3A_857 : vector<16xf32> to vector<16xf32>
        tpu.vector_store %arg7[%swap3A_858], %swap3A_861 {strides = array<i32>} : memref<320xf32, #tpu.memory_space<vmem>>, vector<16xf32>,
        %eq3A_862 = arith.cmpf oeq, %get3A_464, %broadcast_in_dim3A_552 : vector<16xf32>
        %select_n3A_863 = arith.select %eq3A_862, %broadcast_in_dim3A_759, %get3A_464 : vector<16xi1>, vector<16xf32>
        %swap3A_864 = arith.constant 272 : index
        %swap3A_865 = tpu.vector_load %arg7[%swap3A_864] {strides = array<i32>} : memref<320xf32, #tpu.memory_space<vmem>>, vector<16xf32>,
        %swap3A_866 = vector.shape_cast %swap3A_865 : vector<16xf32> to vector<16xf32>
        %swap3A_867 = vector.shape_cast %select_n3A_863 : vector<16xf32> to vector<16xf32>
        tpu.vector_store %arg7[%swap3A_864], %swap3A_867 {strides = array<i32>} : memref<320xf32, #tpu.memory_space<vmem>>, vector<16xf32>,
        %eq3A_868 = arith.cmpf oeq, %get3A_467, %broadcast_in_dim3A_552 : vector<16xf32>
        %select_n3A_869 = arith.select %eq3A_868, %broadcast_in_dim3A_759, %get3A_467 : vector<16xi1>, vector<16xf32>
        %swap3A_870 = arith.constant 288 : index
        %swap3A_871 = tpu.vector_load %arg7[%swap3A_870] {strides = array<i32>} : memref<320xf32, #tpu.memory_space<vmem>>, vector<16xf32>,
        %swap3A_872 = vector.shape_cast %swap3A_871 : vector<16xf32> to vector<16xf32>
        %swap3A_873 = vector.shape_cast %select_n3A_869 : vector<16xf32> to vector<16xf32>
        tpu.vector_store %arg7[%swap3A_870], %swap3A_873 {strides = array<i32>} : memref<320xf32, #tpu.memory_space<vmem>>, vector<16xf32>,
        %eq3A_874 = arith.cmpf oeq, %get3A_470, %broadcast_in_dim3A_552 : vector<16xf32>
        %select_n3A_875 = arith.select %eq3A_874, %broadcast_in_dim3A_759, %get3A_470 : vector<16xi1>, vector<16xf32>
        %swap3A_876 = arith.constant 304 : index
        %swap3A_877 = tpu.vector_load %arg7[%swap3A_876] {strides = array<i32>} : memref<320xf32, #tpu.memory_space<vmem>>, vector<16xf32>,
        %swap3A_878 = vector.shape_cast %swap3A_877 : vector<16xf32> to vector<16xf32>
        %swap3A_879 = vector.shape_cast %select_n3A_875 : vector<16xf32> to vector<16xf32>
        tpu.vector_store %arg7[%swap3A_876], %swap3A_879 {strides = array<i32>} : memref<320xf32, #tpu.memory_space<vmem>>, vector<16xf32>,
        %add3A_880 = arith.addi %scan3A_409, %squeeze3A_753 : i32
        %min3A = arith.constant 25 : i32
        %min3A_881 = arith.minsi %add3A_880, %min3A : i32
        %select_n3A_882 = arith.select %gt3A_755, %min3A_881, %scan3A_409 : i32
        %jit3A_883 = arith.constant 0 : i32
        %select_n3A_884 = arith.select %gt3A_755, %squeeze3A_753, %jit3A_883 : i32
        %sub3A_885 = arith.subi %scan3A_408, %select_n3A_884 : i32
        %select_n3A_886 = arith.select %gt3A_755, %squeeze3A_551, %scan3A_410 : f32
        scf.yield %sub3A_885, %select_n3A_882, %select_n3A_886 : i32, i32, f32
      }
      %scan3A_317 = arith.constant 25 : i32
      %swap3A_318 = arith.constant 25 : index
      %swap3A_319 = tpu.vector_load %arg8[%swap3A_318] {strides = array<i32>} : memref<48xf32, #tpu.memory_space<vmem>>, vector<16xf32>,
      %swap3A_320 = vector.shape_cast %swap3A_319 : vector<16xf32> to vector<16xf32>
      %swap3A_321 = vector.shape_cast %broadcast_in_dim3A_0 : vector<16xf32> to vector<16xf32>
      tpu.vector_store %arg8[%swap3A_318], %swap3A_321 {strides = array<i32>} : memref<48xf32, #tpu.memory_space<vmem>>, vector<16xf32>,
      %swap3A_322 = arith.constant 0 : index
      %swap3A_323 = tpu.vector_load %arg7[%swap3A_322] {strides = array<i32>} : memref<320xf32, #tpu.memory_space<vmem>>, vector<16xf32>,
      %swap3A_324 = vector.shape_cast %swap3A_323 : vector<16xf32> to vector<16xf32>
      %swap3A_325 = vector.shape_cast %broadcast_in_dim3A_0 : vector<16xf32> to vector<16xf32>
      tpu.vector_store %arg7[%swap3A_322], %swap3A_325 {strides = array<i32>} : memref<320xf32, #tpu.memory_space<vmem>>, vector<16xf32>,
      %swap3A_326 = arith.constant 16 : index
      %swap3A_327 = tpu.vector_load %arg7[%swap3A_326] {strides = array<i32>} : memref<320xf32, #tpu.memory_space<vmem>>, vector<16xf32>,
      %swap3A_328 = vector.shape_cast %swap3A_327 : vector<16xf32> to vector<16xf32>
      %swap3A_329 = vector.shape_cast %broadcast_in_dim3A_0 : vector<16xf32> to vector<16xf32>
      tpu.vector_store %arg7[%swap3A_326], %swap3A_329 {strides = array<i32>} : memref<320xf32, #tpu.memory_space<vmem>>, vector<16xf32>,
      %swap3A_330 = arith.constant 32 : index
      %swap3A_331 = tpu.vector_load %arg7[%swap3A_330] {strides = array<i32>} : memref<320xf32, #tpu.memory_space<vmem>>, vector<16xf32>,
      %swap3A_332 = vector.shape_cast %swap3A_331 : vector<16xf32> to vector<16xf32>
      %swap3A_333 = vector.shape_cast %broadcast_in_dim3A_0 : vector<16xf32> to vector<16xf32>
      tpu.vector_store %arg7[%swap3A_330], %swap3A_333 {strides = array<i32>} : memref<320xf32, #tpu.memory_space<vmem>>, vector<16xf32>,
      %swap3A_334 = arith.constant 48 : index
      %swap3A_335 = tpu.vector_load %arg7[%swap3A_334] {strides = array<i32>} : memref<320xf32, #tpu.memory_space<vmem>>, vector<16xf32>,
      %swap3A_336 = vector.shape_cast %swap3A_335 : vector<16xf32> to vector<16xf32>
      %swap3A_337 = vector.shape_cast %broadcast_in_dim3A_0 : vector<16xf32> to vector<16xf32>
      tpu.vector_store %arg7[%swap3A_334], %swap3A_337 {strides = array<i32>} : memref<320xf32, #tpu.memory_space<vmem>>, vector<16xf32>,
      %swap3A_338 = arith.constant 64 : index
      %swap3A_339 = tpu.vector_load %arg7[%swap3A_338] {strides = array<i32>} : memref<320xf32, #tpu.memory_space<vmem>>, vector<16xf32>,
      %swap3A_340 = vector.shape_cast %swap3A_339 : vector<16xf32> to vector<16xf32>
      %swap3A_341 = vector.shape_cast %broadcast_in_dim3A_0 : vector<16xf32> to vector<16xf32>
      tpu.vector_store %arg7[%swap3A_338], %swap3A_341 {strides = array<i32>} : memref<320xf32, #tpu.memory_space<vmem>>, vector<16xf32>,
      %swap3A_342 = arith.constant 80 : index
      %swap3A_343 = tpu.vector_load %arg7[%swap3A_342] {strides = array<i32>} : memref<320xf32, #tpu.memory_space<vmem>>, vector<16xf32>,
      %swap3A_344 = vector.shape_cast %swap3A_343 : vector<16xf32> to vector<16xf32>
      %swap3A_345 = vector.shape_cast %broadcast_in_dim3A_0 : vector<16xf32> to vector<16xf32>
      tpu.vector_store %arg7[%swap3A_342], %swap3A_345 {strides = array<i32>} : memref<320xf32, #tpu.memory_space<vmem>>, vector<16xf32>,
      %swap3A_346 = arith.constant 96 : index
      %swap3A_347 = tpu.vector_load %arg7[%swap3A_346] {strides = array<i32>} : memref<320xf32, #tpu.memory_space<vmem>>, vector<16xf32>,
      %swap3A_348 = vector.shape_cast %swap3A_347 : vector<16xf32> to vector<16xf32>
      %swap3A_349 = vector.shape_cast %broadcast_in_dim3A_0 : vector<16xf32> to vector<16xf32>
      tpu.vector_store %arg7[%swap3A_346], %swap3A_349 {strides = array<i32>} : memref<320xf32, #tpu.memory_space<vmem>>, vector<16xf32>,
      %swap3A_350 = arith.constant 112 : index
      %swap3A_351 = tpu.vector_load %arg7[%swap3A_350] {strides = array<i32>} : memref<320xf32, #tpu.memory_space<vmem>>, vector<16xf32>,
      %swap3A_352 = vector.shape_cast %swap3A_351 : vector<16xf32> to vector<16xf32>
      %swap3A_353 = vector.shape_cast %broadcast_in_dim3A_0 : vector<16xf32> to vector<16xf32>
      tpu.vector_store %arg7[%swap3A_350], %swap3A_353 {strides = array<i32>} : memref<320xf32, #tpu.memory_space<vmem>>, vector<16xf32>,
      %swap3A_354 = arith.constant 128 : index
      %swap3A_355 = tpu.vector_load %arg7[%swap3A_354] {strides = array<i32>} : memref<320xf32, #tpu.memory_space<vmem>>, vector<16xf32>,
      %swap3A_356 = vector.shape_cast %swap3A_355 : vector<16xf32> to vector<16xf32>
      %swap3A_357 = vector.shape_cast %broadcast_in_dim3A_0 : vector<16xf32> to vector<16xf32>
      tpu.vector_store %arg7[%swap3A_354], %swap3A_357 {strides = array<i32>} : memref<320xf32, #tpu.memory_space<vmem>>, vector<16xf32>,
      %swap3A_358 = arith.constant 144 : index
      %swap3A_359 = tpu.vector_load %arg7[%swap3A_358] {strides = array<i32>} : memref<320xf32, #tpu.memory_space<vmem>>, vector<16xf32>,
      %swap3A_360 = vector.shape_cast %swap3A_359 : vector<16xf32> to vector<16xf32>
      %swap3A_361 = vector.shape_cast %broadcast_in_dim3A_0 : vector<16xf32> to vector<16xf32>
      tpu.vector_store %arg7[%swap3A_358], %swap3A_361 {strides = array<i32>} : memref<320xf32, #tpu.memory_space<vmem>>, vector<16xf32>,
      %swap3A_362 = arith.constant 160 : index
      %swap3A_363 = tpu.vector_load %arg7[%swap3A_362] {strides = array<i32>} : memref<320xf32, #tpu.memory_space<vmem>>, vector<16xf32>,
      %swap3A_364 = vector.shape_cast %swap3A_363 : vector<16xf32> to vector<16xf32>
      %swap3A_365 = vector.shape_cast %broadcast_in_dim3A_0 : vector<16xf32> to vector<16xf32>
      tpu.vector_store %arg7[%swap3A_362], %swap3A_365 {strides = array<i32>} : memref<320xf32, #tpu.memory_space<vmem>>, vector<16xf32>,
      %swap3A_366 = arith.constant 176 : index
      %swap3A_367 = tpu.vector_load %arg7[%swap3A_366] {strides = array<i32>} : memref<320xf32, #tpu.memory_space<vmem>>, vector<16xf32>,
      %swap3A_368 = vector.shape_cast %swap3A_367 : vector<16xf32> to vector<16xf32>
      %swap3A_369 = vector.shape_cast %broadcast_in_dim3A_0 : vector<16xf32> to vector<16xf32>
      tpu.vector_store %arg7[%swap3A_366], %swap3A_369 {strides = array<i32>} : memref<320xf32, #tpu.memory_space<vmem>>, vector<16xf32>,
      %swap3A_370 = arith.constant 192 : index
      %swap3A_371 = tpu.vector_load %arg7[%swap3A_370] {strides = array<i32>} : memref<320xf32, #tpu.memory_space<vmem>>, vector<16xf32>,
      %swap3A_372 = vector.shape_cast %swap3A_371 : vector<16xf32> to vector<16xf32>
      %swap3A_373 = vector.shape_cast %broadcast_in_dim3A_0 : vector<16xf32> to vector<16xf32>
      tpu.vector_store %arg7[%swap3A_370], %swap3A_373 {strides = array<i32>} : memref<320xf32, #tpu.memory_space<vmem>>, vector<16xf32>,
      %swap3A_374 = arith.constant 208 : index
      %swap3A_375 = tpu.vector_load %arg7[%swap3A_374] {strides = array<i32>} : memref<320xf32, #tpu.memory_space<vmem>>, vector<16xf32>,
      %swap3A_376 = vector.shape_cast %swap3A_375 : vector<16xf32> to vector<16xf32>
      %swap3A_377 = vector.shape_cast %broadcast_in_dim3A_0 : vector<16xf32> to vector<16xf32>
      tpu.vector_store %arg7[%swap3A_374], %swap3A_377 {strides = array<i32>} : memref<320xf32, #tpu.memory_space<vmem>>, vector<16xf32>,
      %swap3A_378 = arith.constant 224 : index
      %swap3A_379 = tpu.vector_load %arg7[%swap3A_378] {strides = array<i32>} : memref<320xf32, #tpu.memory_space<vmem>>, vector<16xf32>,
      %swap3A_380 = vector.shape_cast %swap3A_379 : vector<16xf32> to vector<16xf32>
      %swap3A_381 = vector.shape_cast %broadcast_in_dim3A_0 : vector<16xf32> to vector<16xf32>
      tpu.vector_store %arg7[%swap3A_378], %swap3A_381 {strides = array<i32>} : memref<320xf32, #tpu.memory_space<vmem>>, vector<16xf32>,
      %swap3A_382 = arith.constant 240 : index
      %swap3A_383 = tpu.vector_load %arg7[%swap3A_382] {strides = array<i32>} : memref<320xf32, #tpu.memory_space<vmem>>, vector<16xf32>,
      %swap3A_384 = vector.shape_cast %swap3A_383 : vector<16xf32> to vector<16xf32>
      %swap3A_385 = vector.shape_cast %broadcast_in_dim3A_0 : vector<16xf32> to vector<16xf32>
      tpu.vector_store %arg7[%swap3A_382], %swap3A_385 {strides = array<i32>} : memref<320xf32, #tpu.memory_space<vmem>>, vector<16xf32>,
      %swap3A_386 = arith.constant 256 : index
      %swap3A_387 = tpu.vector_load %arg7[%swap3A_386] {strides = array<i32>} : memref<320xf32, #tpu.memory_space<vmem>>, vector<16xf32>,
      %swap3A_388 = vector.shape_cast %swap3A_387 : vector<16xf32> to vector<16xf32>
      %swap3A_389 = vector.shape_cast %broadcast_in_dim3A_0 : vector<16xf32> to vector<16xf32>
      tpu.vector_store %arg7[%swap3A_386], %swap3A_389 {strides = array<i32>} : memref<320xf32, #tpu.memory_space<vmem>>, vector<16xf32>,
      %swap3A_390 = arith.constant 272 : index
      %swap3A_391 = tpu.vector_load %arg7[%swap3A_390] {strides = array<i32>} : memref<320xf32, #tpu.memory_space<vmem>>, vector<16xf32>,
      %swap3A_392 = vector.shape_cast %swap3A_391 : vector<16xf32> to vector<16xf32>
      %swap3A_393 = vector.shape_cast %broadcast_in_dim3A_0 : vector<16xf32> to vector<16xf32>
      tpu.vector_store %arg7[%swap3A_390], %swap3A_393 {strides = array<i32>} : memref<320xf32, #tpu.memory_space<vmem>>, vector<16xf32>,
      %swap3A_394 = arith.constant 288 : index
      %swap3A_395 = tpu.vector_load %arg7[%swap3A_394] {strides = array<i32>} : memref<320xf32, #tpu.memory_space<vmem>>, vector<16xf32>,
      %swap3A_396 = vector.shape_cast %swap3A_395 : vector<16xf32> to vector<16xf32>
      %swap3A_397 = vector.shape_cast %broadcast_in_dim3A_0 : vector<16xf32> to vector<16xf32>
      tpu.vector_store %arg7[%swap3A_394], %swap3A_397 {strides = array<i32>} : memref<320xf32, #tpu.memory_space<vmem>>, vector<16xf32>,
      %swap3A_398 = arith.constant 304 : index
      %swap3A_399 = tpu.vector_load %arg7[%swap3A_398] {strides = array<i32>} : memref<320xf32, #tpu.memory_space<vmem>>, vector<16xf32>,
      %swap3A_400 = vector.shape_cast %swap3A_399 : vector<16xf32> to vector<16xf32>
      %swap3A_401 = vector.shape_cast %broadcast_in_dim3A_0 : vector<16xf32> to vector<16xf32>
      tpu.vector_store %arg7[%swap3A_398], %swap3A_401 {strides = array<i32>} : memref<320xf32, #tpu.memory_space<vmem>>, vector<16xf32>,
      %mul3A_402 = arith.constant 2 : i32
      %mul3A_403 = arith.muli %add3A_12, %mul3A_402 : i32
      %mul3A_404 = arith.constant 16 : i32
      %mul3A_405 = arith.muli %mul3A_403, %mul3A_404 : i32
      "tpu.region"() ({
        %run_scoped3A = tpu.sem_alloc : memref<!tpu.dma_semaphore, #tpu.memory_space<semaphore_mem>>
        %dma_start3A = arith.constant 0 : i32
        %dma_start3A_407 = tpu.memref_slice %arg8[%dma_start3A] : memref<48xf32, #tpu.memory_space<vmem>> -> memref<32xf32, #tpu.memory_space<vmem>>
        %dma_start3A_408 = tpu.memref_slice %arg5[%mul3A_405] : memref<4096xf32, #tpu.memory_space<hbm>> -> memref<32xf32, #tpu.memory_space<hbm>>
        %dma_start3A_409 = tpu.memref_slice %arg5[%mul3A_405] : memref<4096xf32, #tpu.memory_space<hbm>> -> memref<32xf32, #tpu.memory_space<hbm>>
        %dma_start3A_410 = arith.constant 0 : i32
        %dma_start3A_411 = tpu.memref_slice %arg8[%dma_start3A_410] : memref<48xf32, #tpu.memory_space<vmem>> -> memref<32xf32, #tpu.memory_space<vmem>>
        tpu.enqueue_dma source(%dma_start3A_411 : memref<32xf32, #tpu.memory_space<vmem>>) target(%dma_start3A_409 : memref<32xf32, #tpu.memory_space<hbm>>) target_semaphore(%run_scoped3A : memref<!tpu.dma_semaphore, #tpu.memory_space<semaphore_mem>>)
        %dma_wait3A = arith.constant 0 : i32
        %dma_wait3A_412 = tpu.memref_slice %arg8[%dma_wait3A] : memref<48xf32, #tpu.memory_space<vmem>> -> memref<32xf32, #tpu.memory_space<vmem>>
        %dma_wait3A_413 = tpu.memref_slice %arg5[%mul3A_405] : memref<4096xf32, #tpu.memory_space<hbm>> -> memref<32xf32, #tpu.memory_space<hbm>>
        %dma_wait3A_414 = tpu.memref_slice %arg5[%mul3A_405] : memref<4096xf32, #tpu.memory_space<hbm>> -> memref<32xf32, #tpu.memory_space<hbm>>
        %dma_wait3A_415 = arith.constant 0 : i32
        %dma_wait3A_416 = tpu.memref_slice %arg8[%dma_wait3A_415] : memref<48xf32, #tpu.memory_space<vmem>> -> memref<32xf32, #tpu.memory_space<vmem>>
        tpu.wait_dma2 semaphore(%run_scoped3A : memref<!tpu.dma_semaphore, #tpu.memory_space<semaphore_mem>>) src(%dma_wait3A_416 : memref<32xf32, #tpu.memory_space<vmem>>) dst(%dma_wait3A_414 : memref<32xf32, #tpu.memory_space<hbm>>)
        tpu.yield
      }) : () -> ()
      %scan3A_406 = arith.constant 0 : i32
      scf.yield %scan3A_406 : i32
    }
    %scan3A_7 = arith.constant 4 : i32
    return
  }
}

module attributes {stable_mosaic.version = 14 : i64} {
  func.func @_stats_body(%arg0: i32, %arg1: memref<128xi32, #tpu.memory_space<smem>>, %arg2: memref<8x100000xf32, #tpu.memory_space<vmem>>, %arg3: memref<8x8xf32, #tpu.memory_space<vmem>>, %arg4: memref<8x896xf32, #tpu.memory_space<vmem>>) attributes {dimension_semantics = [#tpu.dimension_semantics<parallel>], iteration_bounds = array<i64: 16>, scalar_prefetch = 0 : i64, scratch_operands = 0 : i64, tpu.core_type = #tpu.core_type<tc>, window_params = [{transform_indices = @transform_0, window_bounds = array<i64: 128>}, {transform_indices = @transform_1, window_bounds = array<i64: 8, 100000>}, {transform_indices = @transform_2, window_bounds = array<i64: 8, 8>}, {transform_indices = @transform_3, window_bounds = array<i64: 8, 896>}]} {
    %get3A = arith.constant 0 : index
    %get3A_0 = arith.constant 0 : index
    %get3A_1 = vector.load %arg2[%get3A, %get3A_0] : memref<8x100000xf32, #tpu.memory_space<vmem>>, vector<8x100000xf32>
    %iota3A = tpu.iota {dimensions = array<i32: 1>} : vector<8x100000xi32>
    %reduce_max3A = arith.constant dense<0xFF800000> : vector<8xf32>
    %reduce_max3A_2 = vector.multi_reduction <maximumf>, %get3A_1, %reduce_max3A [1] : vector<8x100000xf32> to vector<8xf32>
    %broadcast_in_dim3A = vector.shape_cast %reduce_max3A_2 : vector<8xf32> to vector<8x1xf32>
    %reduce_sum3A = arith.constant dense<0.000000e+00> : vector<8xf32>
    %reduce_sum3A_3 = vector.multi_reduction <add>, %get3A_1, %reduce_sum3A [1] : vector<8x100000xf32> to vector<8xf32>
    %broadcast_in_dim3A_4 = vector.shape_cast %reduce_sum3A_3 : vector<8xf32> to vector<8x1xf32>
    %sub3A = vector.broadcast %broadcast_in_dim3A : vector<8x1xf32> to vector<8x100000xf32>
    %sub3A_5 = arith.subf %get3A_1, %sub3A : vector<8x100000xf32>
    %mul3A = arith.constant 2.000000e-01 : f32
    %mul3A_6 = vector.broadcast %mul3A : f32 to vector<8x100000xf32>
    %mul3A_7 = arith.mulf %sub3A_5, %mul3A_6 : vector<8x100000xf32>
    %exp3A = math.exp %mul3A_7 : vector<8x100000xf32>
    %reduce_sum3A_8 = arith.constant dense<0.000000e+00> : vector<8xf32>
    %reduce_sum3A_9 = vector.multi_reduction <add>, %exp3A, %reduce_sum3A_8 [1] : vector<8x100000xf32> to vector<8xf32>
    %broadcast_in_dim3A_10 = vector.shape_cast %reduce_sum3A_9 : vector<8xf32> to vector<8x1xf32>
    %mul3A_11 = arith.mulf %exp3A, %exp3A : vector<8x100000xf32>
    %mul3A_12 = arith.mulf %mul3A_11, %mul3A_11 : vector<8x100000xf32>
    %mul3A_13 = arith.mulf %mul3A_12, %exp3A : vector<8x100000xf32>
    %reduce_sum3A_14 = arith.constant dense<0.000000e+00> : vector<8xf32>
    %reduce_sum3A_15 = vector.multi_reduction <add>, %mul3A_13, %reduce_sum3A_14 [1] : vector<8x100000xf32> to vector<8xf32>
    %broadcast_in_dim3A_16 = vector.shape_cast %reduce_sum3A_15 : vector<8xf32> to vector<8x1xf32>
    %iota3A_17 = tpu.iota {dimensions = array<i32: 0>} : vector<8x1xi32>
    %broadcast_in_dim3A_18 = arith.constant 0 : i32
    %broadcast_in_dim3A_19 = vector.broadcast %broadcast_in_dim3A_18 : i32 to vector<8x1xi32>
    %eq3A = arith.constant 0 : i32
    %eq3A_20 = vector.broadcast %eq3A : i32 to vector<8x1xi32>
    %eq3A_21 = arith.cmpi eq, %iota3A_17, %eq3A_20 : vector<8x1xi32>
    %mul3A_22 = arith.constant 8 : i32
    %mul3A_23 = arith.muli %arg0, %mul3A_22 : i32
    %add3A = arith.constant 0 : i32
    %add3A_24 = arith.addi %mul3A_23, %add3A : i32
    %get3A_25 = arith.index_cast %add3A_24 : i32 to index
    %get3A_26 = memref.load %arg1[%get3A_25] : memref<128xi32, #tpu.memory_space<smem>>
    %broadcast_in_dim3A_27 = vector.broadcast %get3A_26 : i32 to vector<8x1xi32>
    %select_n3A = arith.select %eq3A_21, %broadcast_in_dim3A_27, %broadcast_in_dim3A_19 : vector<8x1xi1>, vector<8x1xi32>
    %eq3A_28 = arith.constant 1 : i32
    %eq3A_29 = vector.broadcast %eq3A_28 : i32 to vector<8x1xi32>
    %eq3A_30 = arith.cmpi eq, %iota3A_17, %eq3A_29 : vector<8x1xi32>
    %mul3A_31 = arith.constant 8 : i32
    %mul3A_32 = arith.muli %arg0, %mul3A_31 : i32
    %add3A_33 = arith.constant 1 : i32
    %add3A_34 = arith.addi %mul3A_32, %add3A_33 : i32
    %get3A_35 = arith.index_cast %add3A_34 : i32 to index
    %get3A_36 = memref.load %arg1[%get3A_35] : memref<128xi32, #tpu.memory_space<smem>>
    %broadcast_in_dim3A_37 = vector.broadcast %get3A_36 : i32 to vector<8x1xi32>
    %select_n3A_38 = arith.select %eq3A_30, %broadcast_in_dim3A_37, %select_n3A : vector<8x1xi1>, vector<8x1xi32>
    %eq3A_39 = arith.constant 2 : i32
    %eq3A_40 = vector.broadcast %eq3A_39 : i32 to vector<8x1xi32>
    %eq3A_41 = arith.cmpi eq, %iota3A_17, %eq3A_40 : vector<8x1xi32>
    %mul3A_42 = arith.constant 8 : i32
    %mul3A_43 = arith.muli %arg0, %mul3A_42 : i32
    %add3A_44 = arith.constant 2 : i32
    %add3A_45 = arith.addi %mul3A_43, %add3A_44 : i32
    %get3A_46 = arith.index_cast %add3A_45 : i32 to index
    %get3A_47 = memref.load %arg1[%get3A_46] : memref<128xi32, #tpu.memory_space<smem>>
    %broadcast_in_dim3A_48 = vector.broadcast %get3A_47 : i32 to vector<8x1xi32>
    %select_n3A_49 = arith.select %eq3A_41, %broadcast_in_dim3A_48, %select_n3A_38 : vector<8x1xi1>, vector<8x1xi32>
    %eq3A_50 = arith.constant 3 : i32
    %eq3A_51 = vector.broadcast %eq3A_50 : i32 to vector<8x1xi32>
    %eq3A_52 = arith.cmpi eq, %iota3A_17, %eq3A_51 : vector<8x1xi32>
    %mul3A_53 = arith.constant 8 : i32
    %mul3A_54 = arith.muli %arg0, %mul3A_53 : i32
    %add3A_55 = arith.constant 3 : i32
    %add3A_56 = arith.addi %mul3A_54, %add3A_55 : i32
    %get3A_57 = arith.index_cast %add3A_56 : i32 to index
    %get3A_58 = memref.load %arg1[%get3A_57] : memref<128xi32, #tpu.memory_space<smem>>
    %broadcast_in_dim3A_59 = vector.broadcast %get3A_58 : i32 to vector<8x1xi32>
    %select_n3A_60 = arith.select %eq3A_52, %broadcast_in_dim3A_59, %select_n3A_49 : vector<8x1xi1>, vector<8x1xi32>
    %eq3A_61 = arith.constant 4 : i32
    %eq3A_62 = vector.broadcast %eq3A_61 : i32 to vector<8x1xi32>
    %eq3A_63 = arith.cmpi eq, %iota3A_17, %eq3A_62 : vector<8x1xi32>
    %mul3A_64 = arith.constant 8 : i32
    %mul3A_65 = arith.muli %arg0, %mul3A_64 : i32
    %add3A_66 = arith.constant 4 : i32
    %add3A_67 = arith.addi %mul3A_65, %add3A_66 : i32
    %get3A_68 = arith.index_cast %add3A_67 : i32 to index
    %get3A_69 = memref.load %arg1[%get3A_68] : memref<128xi32, #tpu.memory_space<smem>>
    %broadcast_in_dim3A_70 = vector.broadcast %get3A_69 : i32 to vector<8x1xi32>
    %select_n3A_71 = arith.select %eq3A_63, %broadcast_in_dim3A_70, %select_n3A_60 : vector<8x1xi1>, vector<8x1xi32>
    %eq3A_72 = arith.constant 5 : i32
    %eq3A_73 = vector.broadcast %eq3A_72 : i32 to vector<8x1xi32>
    %eq3A_74 = arith.cmpi eq, %iota3A_17, %eq3A_73 : vector<8x1xi32>
    %mul3A_75 = arith.constant 8 : i32
    %mul3A_76 = arith.muli %arg0, %mul3A_75 : i32
    %add3A_77 = arith.constant 5 : i32
    %add3A_78 = arith.addi %mul3A_76, %add3A_77 : i32
    %get3A_79 = arith.index_cast %add3A_78 : i32 to index
    %get3A_80 = memref.load %arg1[%get3A_79] : memref<128xi32, #tpu.memory_space<smem>>
    %broadcast_in_dim3A_81 = vector.broadcast %get3A_80 : i32 to vector<8x1xi32>
    %select_n3A_82 = arith.select %eq3A_74, %broadcast_in_dim3A_81, %select_n3A_71 : vector<8x1xi1>, vector<8x1xi32>
    %eq3A_83 = arith.constant 6 : i32
    %eq3A_84 = vector.broadcast %eq3A_83 : i32 to vector<8x1xi32>
    %eq3A_85 = arith.cmpi eq, %iota3A_17, %eq3A_84 : vector<8x1xi32>
    %mul3A_86 = arith.constant 8 : i32
    %mul3A_87 = arith.muli %arg0, %mul3A_86 : i32
    %add3A_88 = arith.constant 6 : i32
    %add3A_89 = arith.addi %mul3A_87, %add3A_88 : i32
    %get3A_90 = arith.index_cast %add3A_89 : i32 to index
    %get3A_91 = memref.load %arg1[%get3A_90] : memref<128xi32, #tpu.memory_space<smem>>
    %broadcast_in_dim3A_92 = vector.broadcast %get3A_91 : i32 to vector<8x1xi32>
    %select_n3A_93 = arith.select %eq3A_85, %broadcast_in_dim3A_92, %select_n3A_82 : vector<8x1xi1>, vector<8x1xi32>
    %eq3A_94 = arith.constant 7 : i32
    %eq3A_95 = vector.broadcast %eq3A_94 : i32 to vector<8x1xi32>
    %eq3A_96 = arith.cmpi eq, %iota3A_17, %eq3A_95 : vector<8x1xi32>
    %mul3A_97 = arith.constant 8 : i32
    %mul3A_98 = arith.muli %arg0, %mul3A_97 : i32
    %add3A_99 = arith.constant 7 : i32
    %add3A_100 = arith.addi %mul3A_98, %add3A_99 : i32
    %get3A_101 = arith.index_cast %add3A_100 : i32 to index
    %get3A_102 = memref.load %arg1[%get3A_101] : memref<128xi32, #tpu.memory_space<smem>>
    %broadcast_in_dim3A_103 = vector.broadcast %get3A_102 : i32 to vector<8x1xi32>
    %select_n3A_104 = arith.select %eq3A_96, %broadcast_in_dim3A_103, %select_n3A_93 : vector<8x1xi1>, vector<8x1xi32>
    %eq3A_105 = vector.broadcast %select_n3A_104 : vector<8x1xi32> to vector<8x100000xi32>
    %eq3A_106 = arith.cmpi eq, %iota3A, %eq3A_105 : vector<8x100000xi32>
    %jit3A = arith.constant 0.000000e+00 : f32
    %broadcast_in_dim3A_107 = vector.broadcast %jit3A : f32 to vector<8x100000xf32>
    %select_n3A_108 = arith.select %eq3A_106, %get3A_1, %broadcast_in_dim3A_107 : vector<8x100000xi1>, vector<8x100000xf32>
    %reduce_sum3A_109 = arith.constant dense<0.000000e+00> : vector<8xf32>
    %reduce_sum3A_110 = vector.multi_reduction <add>, %select_n3A_108, %reduce_sum3A_109 [1] : vector<8x100000xf32> to vector<8xf32>
    %broadcast_in_dim3A_111 = vector.shape_cast %reduce_sum3A_110 : vector<8xf32> to vector<8x1xf32>
    %slice3A = vector.extract_strided_slice %get3A_1 {offsets = [0, 0], sizes = [8, 99968], strides = [1, 1]} : vector<8x100000xf32> to vector<8x99968xf32>
    %reshape3A = vector.shape_cast %slice3A : vector<8x99968xf32> to vector<8x781x128xf32>
    %reduce_max3A_112 = arith.constant dense<0xFF800000> : vector<8x781xf32>
    %reduce_max3A_113 = vector.multi_reduction <maximumf>, %reshape3A, %reduce_max3A_112 [2] : vector<8x781x128xf32> to vector<8x781xf32>
    %slice3A_114 = vector.extract_strided_slice %get3A_1 {offsets = [0, 99968], sizes = [8, 32], strides = [1, 1]} : vector<8x100000xf32> to vector<8x32xf32>
    %broadcast_in_dim3A_115 = arith.constant 0xFF800000 : f32
    %broadcast_in_dim3A_116 = vector.broadcast %broadcast_in_dim3A_115 : f32 to vector<8x64xf32>
    %slice3A_117 = vector.extract_strided_slice %broadcast_in_dim3A_116 {offsets = [0, 0], sizes = [8, 19], strides = [1, 1]} : vector<8x64xf32> to vector<8x19xf32>
    %concatenate3A = tpu.concatenate %reduce_max3A_113, %slice3A_117, %slice3A_114, %broadcast_in_dim3A_116 in 1 : vector<8x781xf32>, vector<8x19xf32>, vector<8x32xf32>, vector<8x64xf32> -> vector<8x896xf32>
    %swap3A = arith.constant 0 : index
    %swap3A_118 = arith.constant 0 : index
    %swap3A_119 = vector.load %arg4[%swap3A, %swap3A_118] : memref<8x896xf32, #tpu.memory_space<vmem>>, vector<8x896xf32>
    tpu.vector_store %arg4[%swap3A, %swap3A_118], %concatenate3A {strides = array<i32>} : memref<8x896xf32, #tpu.memory_space<vmem>>, vector<8x896xf32>,
    %mul3A_120 = arith.constant 0.000000e+00 : f32
    %mul3A_121 = vector.broadcast %mul3A_120 : f32 to vector<8x1xf32>
    %mul3A_122 = arith.mulf %broadcast_in_dim3A, %mul3A_121 : vector<8x1xf32>
    %scan3A = arith.constant 0 : i32
    %scan3A_123 = arith.constant 25 : i32
    %scan3A_124 = arith.addi %scan3A, %scan3A_123 : i32
    %scan3A_125 = arith.constant 1 : i32
    %scan3A_126:3 = scf.for %scan3A_169 = %scan3A to %scan3A_124 step %scan3A_125 iter_args(%scan3A_170 = %concatenate3A, %scan3A_171 = %mul3A_122, %scan3A_172 = %mul3A_122) -> (vector<8x896xf32>, vector<8x1xf32>, vector<8x1xf32>)  : i32 {
      %reduce_max3A_173 = arith.constant dense<0xFF800000> : vector<8xf32>
      %reduce_max3A_174 = vector.multi_reduction <maximumf>, %scan3A_170, %reduce_max3A_173 [1] : vector<8x896xf32> to vector<8xf32>
      %broadcast_in_dim3A_175 = vector.shape_cast %reduce_max3A_174 : vector<8xf32> to vector<8x1xf32>
      %eq3A_176 = vector.broadcast %broadcast_in_dim3A_175 : vector<8x1xf32> to vector<8x896xf32>
      %eq3A_177 = arith.cmpf oeq, %scan3A_170, %eq3A_176 : vector<8x896xf32>
      %jit3A_178 = arith.constant 1.000000e+00 : f32
      %jit3A_179 = arith.constant 0.000000e+00 : f32
      %broadcast_in_dim3A_180 = vector.broadcast %jit3A_178 : f32 to vector<8x896xf32>
      %broadcast_in_dim3A_181 = vector.broadcast %jit3A_179 : f32 to vector<8x896xf32>
      %select_n3A_182 = arith.select %eq3A_177, %broadcast_in_dim3A_180, %broadcast_in_dim3A_181 : vector<8x896xi1>, vector<8x896xf32>
      %reduce_sum3A_183 = arith.constant dense<0.000000e+00> : vector<8xf32>
      %reduce_sum3A_184 = vector.multi_reduction <add>, %select_n3A_182, %reduce_sum3A_183 [1] : vector<8x896xf32> to vector<8xf32>
      %broadcast_in_dim3A_185 = vector.shape_cast %reduce_sum3A_184 : vector<8xf32> to vector<8x1xf32>
      %lt3A = arith.constant 2.500000e+01 : f32
      %lt3A_186 = vector.broadcast %lt3A : f32 to vector<8x1xf32>
      %lt3A_187 = arith.cmpf olt, %scan3A_171, %lt3A_186 : vector<8x1xf32>
      %select_n3A_188 = arith.select %lt3A_187, %broadcast_in_dim3A_175, %scan3A_172 : vector<8x1xi1>, vector<8x1xf32>
      %add3A_189 = arith.addf %scan3A_171, %broadcast_in_dim3A_185 : vector<8x1xf32>
      %jit3A_190 = arith.constant 0xFF800000 : f32
      %broadcast_in_dim3A_191 = vector.broadcast %jit3A_190 : f32 to vector<8x896xf32>
      %select_n3A_192 = arith.select %eq3A_177, %broadcast_in_dim3A_191, %scan3A_170 : vector<8x896xi1>, vector<8x896xf32>
      scf.yield %select_n3A_192, %add3A_189, %select_n3A_188 : vector<8x896xf32>, vector<8x1xf32>, vector<8x1xf32>
    }
    %iota3A_127 = tpu.iota {dimensions = array<i32: 1>} : vector<8x8xi32>
    %broadcast_in_dim3A_128 = arith.constant 0.000000e+00 : f32
    %broadcast_in_dim3A_129 = vector.broadcast %broadcast_in_dim3A_128 : f32 to vector<8x8xf32>
    %eq3A_130 = arith.constant 0 : i32
    %eq3A_131 = vector.broadcast %eq3A_130 : i32 to vector<8x8xi32>
    %eq3A_132 = arith.cmpi eq, %iota3A_127, %eq3A_131 : vector<8x8xi32>
    %broadcast_in_dim3A_133 = vector.shape_cast %broadcast_in_dim3A : vector<8x1xf32> to vector<8x1xf32>
    %broadcast_in_dim3A_134 = vector.broadcast %broadcast_in_dim3A_133 : vector<8x1xf32> to vector<8x8xf32>
    %select_n3A_135 = arith.select %eq3A_132, %broadcast_in_dim3A_134, %broadcast_in_dim3A_129 : vector<8x8xi1>, vector<8x8xf32>
    %eq3A_136 = arith.constant 1 : i32
    %eq3A_137 = vector.broadcast %eq3A_136 : i32 to vector<8x8xi32>
    %eq3A_138 = arith.cmpi eq, %iota3A_127, %eq3A_137 : vector<8x8xi32>
    %broadcast_in_dim3A_139 = vector.shape_cast %broadcast_in_dim3A_16 : vector<8x1xf32> to vector<8x1xf32>
    %broadcast_in_dim3A_140 = vector.broadcast %broadcast_in_dim3A_139 : vector<8x1xf32> to vector<8x8xf32>
    %select_n3A_141 = arith.select %eq3A_138, %broadcast_in_dim3A_140, %select_n3A_135 : vector<8x8xi1>, vector<8x8xf32>
    %eq3A_142 = arith.constant 2 : i32
    %eq3A_143 = vector.broadcast %eq3A_142 : i32 to vector<8x8xi32>
    %eq3A_144 = arith.cmpi eq, %iota3A_127, %eq3A_143 : vector<8x8xi32>
    %broadcast_in_dim3A_145 = vector.shape_cast %broadcast_in_dim3A_10 : vector<8x1xf32> to vector<8x1xf32>
    %broadcast_in_dim3A_146 = vector.broadcast %broadcast_in_dim3A_145 : vector<8x1xf32> to vector<8x8xf32>
    %select_n3A_147 = arith.select %eq3A_144, %broadcast_in_dim3A_146, %select_n3A_141 : vector<8x8xi1>, vector<8x8xf32>
    %eq3A_148 = arith.constant 3 : i32
    %eq3A_149 = vector.broadcast %eq3A_148 : i32 to vector<8x8xi32>
    %eq3A_150 = arith.cmpi eq, %iota3A_127, %eq3A_149 : vector<8x8xi32>
    %broadcast_in_dim3A_151 = vector.shape_cast %broadcast_in_dim3A_4 : vector<8x1xf32> to vector<8x1xf32>
    %broadcast_in_dim3A_152 = vector.broadcast %broadcast_in_dim3A_151 : vector<8x1xf32> to vector<8x8xf32>
    %select_n3A_153 = arith.select %eq3A_150, %broadcast_in_dim3A_152, %select_n3A_147 : vector<8x8xi1>, vector<8x8xf32>
    %eq3A_154 = arith.constant 4 : i32
    %eq3A_155 = vector.broadcast %eq3A_154 : i32 to vector<8x8xi32>
    %eq3A_156 = arith.cmpi eq, %iota3A_127, %eq3A_155 : vector<8x8xi32>
    %broadcast_in_dim3A_157 = vector.shape_cast %broadcast_in_dim3A_111 : vector<8x1xf32> to vector<8x1xf32>
    %broadcast_in_dim3A_158 = vector.broadcast %broadcast_in_dim3A_157 : vector<8x1xf32> to vector<8x8xf32>
    %select_n3A_159 = arith.select %eq3A_156, %broadcast_in_dim3A_158, %select_n3A_153 : vector<8x8xi1>, vector<8x8xf32>
    %eq3A_160 = arith.constant 5 : i32
    %eq3A_161 = vector.broadcast %eq3A_160 : i32 to vector<8x8xi32>
    %eq3A_162 = arith.cmpi eq, %iota3A_127, %eq3A_161 : vector<8x8xi32>
    %broadcast_in_dim3A_163 = vector.shape_cast %scan3A_126#2 : vector<8x1xf32> to vector<8x1xf32>
    %broadcast_in_dim3A_164 = vector.broadcast %broadcast_in_dim3A_163 : vector<8x1xf32> to vector<8x8xf32>
    %select_n3A_165 = arith.select %eq3A_162, %broadcast_in_dim3A_164, %select_n3A_159 : vector<8x8xi1>, vector<8x8xf32>
    %swap3A_166 = arith.constant 0 : index
    %swap3A_167 = arith.constant 0 : index
    %swap3A_168 = vector.load %arg3[%swap3A_166, %swap3A_167] : memref<8x8xf32, #tpu.memory_space<vmem>>, vector<8x8xf32>
    tpu.vector_store %arg3[%swap3A_166, %swap3A_167], %select_n3A_165 {strides = array<i32>} : memref<8x8xf32, #tpu.memory_space<vmem>>, vector<8x8xf32>,
    return
  }
  func.func @transform_0(%arg0: i32) -> i32 {
    %c0_i32 = arith.constant 0 : i32
    %c0_i32_0 = arith.constant 0 : i32
    return %c0_i32 : i32
  }
  func.func @transform_1(%arg0: i32) -> (i32, i32) {
    %c0_i32 = arith.constant 0 : i32
    %c0_i32_0 = arith.constant 0 : i32
    return %arg0, %c0_i32 : i32, i32
  }
  func.func @transform_2(%arg0: i32) -> (i32, i32) {
    %c0_i32 = arith.constant 0 : i32
    %c0_i32_0 = arith.constant 0 : i32
    return %arg0, %c0_i32 : i32, i32
  }
  func.func @transform_3(%arg0: i32) -> (i32, i32) {
    %c0_i32 = arith.constant 0 : i32
    %c0_i32_0 = arith.constant 0 : i32
    return %arg0, %c0_i32 : i32, i32
  }
}

module attributes {stable_mosaic.version = 14 : i64} {
  func.func @_combine_body(%arg0: memref<128x8xf32, #tpu.memory_space<vmem>>, %arg1: memref<128x32xf32, #tpu.memory_space<vmem>>, %arg2: memref<1x1xf32, #tpu.memory_space<vmem>>) attributes {dimension_semantics = [], scalar_prefetch = 0 : i64, scratch_operands = 0 : i64, tpu.core_type = #tpu.core_type<tc>} {
    %get3A = arith.constant 0 : index
    %get3A_0 = arith.constant 0 : index
    %get3A_1 = vector.load %arg0[%get3A, %get3A_0] : memref<128x8xf32, #tpu.memory_space<vmem>>, vector<128x8xf32>
    %get3A_2 = arith.constant 0 : index
    %get3A_3 = arith.constant 0 : index
    %get3A_4 = vector.load %arg1[%get3A_2, %get3A_3] : memref<128x32xf32, #tpu.memory_space<vmem>>, vector<128x32xf32>
    %iota3A = tpu.iota {dimensions = array<i32: 1>} : vector<128x8xi32>
    %eq3A = arith.constant 0 : i32
    %eq3A_5 = vector.broadcast %eq3A : i32 to vector<128x8xi32>
    %eq3A_6 = arith.cmpi eq, %iota3A, %eq3A_5 : vector<128x8xi32>
    %jit3A = arith.constant 0.000000e+00 : f32
    %broadcast_in_dim3A = vector.broadcast %jit3A : f32 to vector<128x8xf32>
    %select_n3A = arith.select %eq3A_6, %get3A_1, %broadcast_in_dim3A : vector<128x8xi1>, vector<128x8xf32>
    %reduce_sum3A = arith.constant dense<0.000000e+00> : vector<128xf32>
    %reduce_sum3A_7 = vector.multi_reduction <add>, %select_n3A, %reduce_sum3A [1] : vector<128x8xf32> to vector<128xf32>
    %broadcast_in_dim3A_8 = vector.shape_cast %reduce_sum3A_7 : vector<128xf32> to vector<128x1xf32>
    %eq3A_9 = arith.constant 1 : i32
    %eq3A_10 = vector.broadcast %eq3A_9 : i32 to vector<128x8xi32>
    %eq3A_11 = arith.cmpi eq, %iota3A, %eq3A_10 : vector<128x8xi32>
    %jit3A_12 = arith.constant 0.000000e+00 : f32
    %broadcast_in_dim3A_13 = vector.broadcast %jit3A_12 : f32 to vector<128x8xf32>
    %select_n3A_14 = arith.select %eq3A_11, %get3A_1, %broadcast_in_dim3A_13 : vector<128x8xi1>, vector<128x8xf32>
    %reduce_sum3A_15 = arith.constant dense<0.000000e+00> : vector<128xf32>
    %reduce_sum3A_16 = vector.multi_reduction <add>, %select_n3A_14, %reduce_sum3A_15 [1] : vector<128x8xf32> to vector<128xf32>
    %broadcast_in_dim3A_17 = vector.shape_cast %reduce_sum3A_16 : vector<128xf32> to vector<128x1xf32>
    %eq3A_18 = arith.constant 2 : i32
    %eq3A_19 = vector.broadcast %eq3A_18 : i32 to vector<128x8xi32>
    %eq3A_20 = arith.cmpi eq, %iota3A, %eq3A_19 : vector<128x8xi32>
    %jit3A_21 = arith.constant 0.000000e+00 : f32
    %broadcast_in_dim3A_22 = vector.broadcast %jit3A_21 : f32 to vector<128x8xf32>
    %select_n3A_23 = arith.select %eq3A_20, %get3A_1, %broadcast_in_dim3A_22 : vector<128x8xi1>, vector<128x8xf32>
    %reduce_sum3A_24 = arith.constant dense<0.000000e+00> : vector<128xf32>
    %reduce_sum3A_25 = vector.multi_reduction <add>, %select_n3A_23, %reduce_sum3A_24 [1] : vector<128x8xf32> to vector<128xf32>
    %broadcast_in_dim3A_26 = vector.shape_cast %reduce_sum3A_25 : vector<128xf32> to vector<128x1xf32>
    %eq3A_27 = arith.constant 3 : i32
    %eq3A_28 = vector.broadcast %eq3A_27 : i32 to vector<128x8xi32>
    %eq3A_29 = arith.cmpi eq, %iota3A, %eq3A_28 : vector<128x8xi32>
    %jit3A_30 = arith.constant 0.000000e+00 : f32
    %broadcast_in_dim3A_31 = vector.broadcast %jit3A_30 : f32 to vector<128x8xf32>
    %select_n3A_32 = arith.select %eq3A_29, %get3A_1, %broadcast_in_dim3A_31 : vector<128x8xi1>, vector<128x8xf32>
    %reduce_sum3A_33 = arith.constant dense<0.000000e+00> : vector<128xf32>
    %reduce_sum3A_34 = vector.multi_reduction <add>, %select_n3A_32, %reduce_sum3A_33 [1] : vector<128x8xf32> to vector<128xf32>
    %broadcast_in_dim3A_35 = vector.shape_cast %reduce_sum3A_34 : vector<128xf32> to vector<128x1xf32>
    %eq3A_36 = arith.constant 4 : i32
    %eq3A_37 = vector.broadcast %eq3A_36 : i32 to vector<128x8xi32>
    %eq3A_38 = arith.cmpi eq, %iota3A, %eq3A_37 : vector<128x8xi32>
    %jit3A_39 = arith.constant 0.000000e+00 : f32
    %broadcast_in_dim3A_40 = vector.broadcast %jit3A_39 : f32 to vector<128x8xf32>
    %select_n3A_41 = arith.select %eq3A_38, %get3A_1, %broadcast_in_dim3A_40 : vector<128x8xi1>, vector<128x8xf32>
    %reduce_sum3A_42 = arith.constant dense<0.000000e+00> : vector<128xf32>
    %reduce_sum3A_43 = vector.multi_reduction <add>, %select_n3A_41, %reduce_sum3A_42 [1] : vector<128x8xf32> to vector<128xf32>
    %broadcast_in_dim3A_44 = vector.shape_cast %reduce_sum3A_43 : vector<128xf32> to vector<128x1xf32>
    %iota3A_45 = tpu.iota {dimensions = array<i32: 1>} : vector<128x32xi32>
    %lt3A = arith.constant 25 : i32
    %lt3A_46 = vector.broadcast %lt3A : i32 to vector<128x32xi32>
    %lt3A_47 = arith.cmpi slt, %iota3A_45, %lt3A_46 : vector<128x32xi32>
    %jit3A_48 = arith.constant 0.000000e+00 : f32
    %broadcast_in_dim3A_49 = vector.broadcast %jit3A_48 : f32 to vector<128x32xf32>
    %select_n3A_50 = arith.select %lt3A_47, %get3A_4, %broadcast_in_dim3A_49 : vector<128x32xi1>, vector<128x32xf32>
    %reduce_sum3A_51 = arith.constant dense<0.000000e+00> : vector<128xf32>
    %reduce_sum3A_52 = vector.multi_reduction <add>, %select_n3A_50, %reduce_sum3A_51 [1] : vector<128x32xf32> to vector<128xf32>
    %broadcast_in_dim3A_53 = vector.shape_cast %reduce_sum3A_52 : vector<128xf32> to vector<128x1xf32>
    %sub3A = vector.broadcast %broadcast_in_dim3A_8 : vector<128x1xf32> to vector<128x32xf32>
    %sub3A_54 = arith.subf %get3A_4, %sub3A : vector<128x32xf32>
    %mul3A = arith.constant 2.000000e-01 : f32
    %mul3A_55 = vector.broadcast %mul3A : f32 to vector<128x32xf32>
    %mul3A_56 = arith.mulf %sub3A_54, %mul3A_55 : vector<128x32xf32>
    %exp3A = math.exp %mul3A_56 : vector<128x32xf32>
    %jit3A_57 = arith.constant 0.000000e+00 : f32
    %broadcast_in_dim3A_58 = vector.broadcast %jit3A_57 : f32 to vector<128x32xf32>
    %select_n3A_59 = arith.select %lt3A_47, %exp3A, %broadcast_in_dim3A_58 : vector<128x32xi1>, vector<128x32xf32>
    %reduce_sum3A_60 = arith.constant dense<0.000000e+00> : vector<128xf32>
    %reduce_sum3A_61 = vector.multi_reduction <add>, %select_n3A_59, %reduce_sum3A_60 [1] : vector<128x32xf32> to vector<128xf32>
    %broadcast_in_dim3A_62 = vector.shape_cast %reduce_sum3A_61 : vector<128xf32> to vector<128x1xf32>
    %log3A = math.log %broadcast_in_dim3A_17 : vector<128x1xf32>
    %log3A_63 = math.log %broadcast_in_dim3A_26 : vector<128x1xf32>
    %sub3A_64 = arith.subf %broadcast_in_dim3A_44, %broadcast_in_dim3A_8 : vector<128x1xf32>
    %sub3A_65 = arith.subf %sub3A_64, %log3A : vector<128x1xf32>
    %neg3A = arith.constant 0.000000e+00 : f32
    %neg3A_66 = vector.broadcast %neg3A : f32 to vector<128x1xf32>
    %neg3A_67 = arith.subf %neg3A_66, %sub3A_65 : vector<128x1xf32>
    %div3A = arith.divf %broadcast_in_dim3A_62, %broadcast_in_dim3A_26 : vector<128x1xf32>
    %sub3A_68 = arith.constant 1.000000e+00 : f32
    %sub3A_69 = vector.broadcast %sub3A_68 : f32 to vector<128x1xf32>
    %sub3A_70 = arith.subf %sub3A_69, %div3A : vector<128x1xf32>
    %div3A_71 = arith.constant 9.997500e+04 : f32
    %div3A_72 = vector.broadcast %div3A_71 : f32 to vector<128x1xf32>
    %div3A_73 = arith.divf %sub3A_70, %div3A_72 : vector<128x1xf32>
    %mul3A_74 = arith.constant 2.000000e-01 : f32
    %mul3A_75 = vector.broadcast %mul3A_74 : f32 to vector<128x1xf32>
    %mul3A_76 = arith.mulf %broadcast_in_dim3A_8, %mul3A_75 : vector<128x1xf32>
    %add3A = arith.addf %mul3A_76, %log3A_63 : vector<128x1xf32>
    %mul3A_77 = arith.constant 2.000000e-01 : f32
    %mul3A_78 = vector.broadcast %mul3A_77 : f32 to vector<128x1xf32>
    %mul3A_79 = arith.mulf %broadcast_in_dim3A_35, %mul3A_78 : vector<128x1xf32>
    %mul3A_80 = arith.constant 1.000000e+05 : f32
    %mul3A_81 = vector.broadcast %mul3A_80 : f32 to vector<128x1xf32>
    %mul3A_82 = arith.mulf %mul3A_81, %add3A : vector<128x1xf32>
    %sub3A_83 = arith.subf %mul3A_79, %mul3A_82 : vector<128x1xf32>
    %mul3A_84 = arith.constant 2.000000e-01 : f32
    %mul3A_85 = vector.broadcast %mul3A_84 : f32 to vector<128x1xf32>
    %mul3A_86 = arith.mulf %broadcast_in_dim3A_53, %mul3A_85 : vector<128x1xf32>
    %mul3A_87 = arith.constant 2.500000e+01 : f32
    %mul3A_88 = vector.broadcast %mul3A_87 : f32 to vector<128x1xf32>
    %mul3A_89 = arith.mulf %mul3A_88, %add3A : vector<128x1xf32>
    %sub3A_90 = arith.subf %mul3A_86, %mul3A_89 : vector<128x1xf32>
    %log3A_91 = math.log %div3A_73 : vector<128x1xf32>
    %mul3A_92 = arith.constant 9.997500e+04 : f32
    %mul3A_93 = vector.broadcast %mul3A_92 : f32 to vector<128x1xf32>
    %mul3A_94 = arith.mulf %mul3A_93, %log3A_91 : vector<128x1xf32>
    %sub3A_95 = arith.subf %sub3A_83, %sub3A_90 : vector<128x1xf32>
    %sub3A_96 = arith.subf %mul3A_94, %sub3A_95 : vector<128x1xf32>
    %mul3A_97 = arith.mulf %div3A_73, %sub3A_96 : vector<128x1xf32>
    %mul3A_98 = arith.constant 5.000000e-01 : f32
    %mul3A_99 = vector.broadcast %mul3A_98 : f32 to vector<128x1xf32>
    %mul3A_100 = arith.mulf %mul3A_99, %neg3A_67 : vector<128x1xf32>
    %mul3A_101 = arith.constant 5.000000e-01 : f32
    %mul3A_102 = vector.broadcast %mul3A_101 : f32 to vector<128x1xf32>
    %mul3A_103 = arith.mulf %mul3A_102, %mul3A_97 : vector<128x1xf32>
    %add3A_104 = arith.addf %mul3A_100, %mul3A_103 : vector<128x1xf32>
    %reduce_sum3A_105 = vector.shape_cast %add3A_104 : vector<128x1xf32> to vector<1x128x1xf32>
    %reduce_sum3A_106 = arith.constant dense<0.000000e+00> : vector<1xf32>
    %reduce_sum3A_107 = vector.multi_reduction <add>, %reduce_sum3A_105, %reduce_sum3A_106 [1, 2] : vector<1x128x1xf32> to vector<1xf32>
    %reduce_sum3A_108 = vector.shape_cast %reduce_sum3A_107 : vector<1xf32> to vector<1x1x1xf32>
    %reduce_sum3A_109 = vector.extract %reduce_sum3A_108[0, 0, 0] : f32 from vector<1x1x1xf32>
    %broadcast_in_dim3A_110 = vector.broadcast %reduce_sum3A_109 : f32 to vector<1x1xf32>
    %div3A_111 = arith.constant 1.280000e+02 : f32
    %div3A_112 = vector.broadcast %div3A_111 : f32 to vector<1x1xf32>
    %div3A_113 = arith.divf %broadcast_in_dim3A_110, %div3A_112 : vector<1x1xf32>
    %swap3A = arith.constant 0 : index
    %swap3A_114 = arith.constant 0 : index
    %swap3A_115 = vector.load %arg2[%swap3A, %swap3A_114] : memref<1x1xf32, #tpu.memory_space<vmem>>, vector<1x1xf32>
    tpu.vector_store %arg2[%swap3A, %swap3A_114], %div3A_113 {strides = array<i32>} : memref<1x1xf32, #tpu.memory_space<vmem>>, vector<1x1xf32>,
    return
  }
}

</mosaic_0001>

<sc_bundles>
// kernel: kernel.5.cloned.1.call-start
scs
__scs_entry_jumppad:
0x0: {  	(pc) =	sbr.rel $0x88, $3  }
0x1: {  	(tag) =	ssettag $0x0;
	lr =	simm.s32 $0x1  }
0x2: {  	[smem:$0x3F9F] =	sst lr;
	_ =	strace $0xD0000000  }
0x3: {  	_ = 	snop  }
0x4: {  	_ = 	snop  }
0x5: {  	_ = 	snop  }
0x6: {  	_ = 	snop  }
0x7: {  	_ = 	snop  }
__scs_overlays_trampoline_lowered:
0x8: {  	[smem:$0x3FAE] =	sst s0  }
0x9: {  	[smem:$0x3FAF] =	sst s1  }
0xa: {  	[smem:$0x3FB0] =	sst s2  }
0xb: {  	[smem:$0x3FB1] =	sst s3  }
0xc: {  	[smem:$0x3FB2] =	sst s4  }
0xd: {  	[smem:$0x3FB3] =	sst s5  }
0xe: {  	[smem:$0x3FB4] =	sst s6  }
0xf: {  	[smem:$0x3FB5] =	sst s7  }
0x10: {  	[smem:$0x3FB6] =	sst s8  }
0x11: {  	[smem:$0x3FB7] =	sst s9;
	s0 =	simm.s32 @!p0 $0x0  }
0x12: {  	s1 =	sld [smem:$0x3F9D];
	s0 =	simm.s32 @p0 $0x1  }
0x13: {  	[smem:$0x3FB8] =	sst s0;
	s0 =	simm.s32 @!p1 $0x0  }
0x14: {  	s2 =	sld [smem:$0x3F9C];
	s0 =	simm.s32 @p1 $0x1  }
0x15: {  	[smem:$0x3FB9] =	sst s0;
	s0 =	simm.s32 @!p2 $0x0  }
0x16: {  	s3 =	sld [smem:$0x3FDB];
	s0 =	simm.s32 @p2 $0x1  }
0x17: {  	s4 =	simm.s32 $0x1BF5;
	[smem:$0x3FBB] =	sst s0  }
0x18: {  	s0 =	sld [smem:$0x3F9E];
	_ =	swait.ge [sflag:s4], $0x0  }
0x19: {  	s7 =	sld [smem:$0x3F9F]  }
0x1a: {  	s8 =	sadd.s32 $0xFFFFE003, lr  }
0x1b: {  	s9 =	sadd.s32 $0xFFFFFEF7, lr;
	s5 =	simm.s32 $0xFFFFFFFF;
	p2 =	slt.u32 s8, $0xFFFFF086  }
0x1c: {  	p1 =	slt.u32 s9, $0xF7A;
	s5 =	simm.s32 @!p2 $0x0  }
0x1d: {  	s5 =	simm.s32 @p1 $0x1;
	p0 =	seq.s32 s7, s2  }
0x1e: {  	s7 =	smul.u32 @!p0 $0xF7A, s2;
	p2 =	seq.s32 @!p0 s5, $0x0  }
0x1f: {  	s9 =	smul.u32 $0xF7A, s1;
	s8 =	simm.s32 @!p0 $0x1BF5;
	p2 =	por !p2, p0  }
0x20: {  	[sflag:s8] =	ssyncset.s32 @!p0 $0xFFFFF086;
	s6 =	sadd.s32 @!p0 s3, s7;
	s7 =	simm.s32 @!p0 $0x108  }
0x21: {  	s3 =	sadd.s32 s3, s9;
	s6 =	sadd.s32 @!p0 $0x88, s6;
	s7 =	simm.s32 @p2 $0x1082  }
0x22: {  	[simem:s7], [sflag:s8] =	dma.local @!p0 [hbm:s6], $0xF7A  }
0x23: {  	s9 =	sor.u32 $0xD0000000, s2;
	s6 =	simm.s32 $0x108;
	_ =	swait.ge @!p0 [sflag:s8], $0x0  }
0x24: {  	s3 =	sadd.s32 $0x88, s3;
	s6 =	simm.s32 @!p1 $0x1082;
	[sflag:s4] =	ssyncset.s32 $0xFFFFF086  }
0x25: {  	[simem:s6], [sflag:s4] =	dma.local [hbm:s3], $0xF7A  }
0x26: {  	[smem:$0x3F9F] =	sst s1;
	(tag) =	ssettag s2;
	_ =	strace s9  }
0x27: {  	s1 =	sld [smem:$0x3FAF]  }
0x28: {  	s2 =	sld [smem:$0x3FB0]  }
0x29: {  	s4 =	sld [smem:$0x3FB2]  }
0x2a: {  	p0 =	seq.s32 s5, $0x0;
	s5 =	sld [smem:$0x3FB3]  }
0x2b: {  	s6 =	sld [smem:$0x3FB4]  }
0x2c: {  	s7 =	sld [smem:$0x3FB5]  }
0x2d: {  	s3 =	simm.s32 $0x108;
	s8 =	sld [smem:$0x3FB6]  }
0x2e: {  	s3 =	simm.s32 @!p0 $0x1082;
	s9 =	sld [smem:$0x3FB7]  }
0x2f: {  	lr =	sadd.s32 s0, s3;
	s0 =	sld [smem:$0x3FAE]  }
0x30: {  	s3 =	sld [smem:$0x3FB1]  }
0x31: {  	[smem:$0x3FBA] =	sst s10  }
0x32: {  	s10 =	sld [smem:$0x3FB8];
	_ =	sdelay $0x3  }
0x33: {  	p0 =	seq.s32 s10, $0x1;
	s10 =	sld [smem:$0x3FBA];
	_ =	sdelay $0x3  }
0x34: {  	[smem:$0x3FBA] =	sst s10  }
0x35: {  	s10 =	sld [smem:$0x3FB9];
	_ =	sdelay $0x3  }
0x36: {  	p1 =	seq.s32 s10, $0x1;
	s10 =	sld [smem:$0x3FBA];
	_ =	sdelay $0x3  }
0x37: {  	[smem:$0x3FBA] =	sst s10  }
0x38: {  	s10 =	sld [smem:$0x3FBB]  }
0x39: {  	_ = 	snop;
	(pc) =	sbr.ind lr, $3  }
0x3a: {  	_ = 	snop  }
0x3b: {  	_ = 	snop  }
0x3c: {  	p2 =	seq.s32 s10, $0x1;
	s10 =	sld [smem:$0x3FBA]  }
0x3d: {  	_ =	shalt  }
0x3e: {  	_ =	shalt  }
0x3f: {  	_ =	shalt  }
0x40: {  	_ =	shalt  }
0x41: {  	_ =	shalt  }
0x42: {  	_ =	shalt  }
0x43: {  	_ =	shalt  }
0x44: {  	_ =	shalt  }
0x45: {  	_ =	shalt  }
0x46: {  	_ =	shalt  }
0x47: {  	_ =	shalt  }
0x48: {  	_ =	shalt  }
0x49: {  	_ =	shalt  }
0x4a: {  	_ =	shalt  }
0x4b: {  	_ =	shalt  }
0x4c: {  	_ =	shalt  }
0x4d: {  	_ =	shalt  }
0x4e: {  	_ =	shalt  }
0x4f: {  	_ =	shalt  }
0x50: {  	_ =	shalt  }
0x51: {  	_ =	shalt  }
0x52: {  	_ =	shalt  }
0x53: {  	_ =	shalt  }
0x54: {  	_ =	shalt  }
0x55: {  	_ =	shalt  }
0x56: {  	_ =	shalt  }
0x57: {  	_ =	shalt  }
0x58: {  	_ =	shalt  }
0x59: {  	_ =	shalt  }
0x5a: {  	_ =	shalt  }
0x5b: {  	_ =	shalt  }
0x5c: {  	_ =	shalt  }
0x5d: {  	_ =	shalt  }
0x5e: {  	_ =	shalt  }
0x5f: {  	_ =	shalt  }
0x60: {  	_ =	shalt  }
0x61: {  	_ =	shalt  }
0x62: {  	_ =	shalt  }
0x63: {  	_ =	shalt  }
0x64: {  	_ =	shalt  }
0x65: {  	_ =	shalt  }
0x66: {  	_ =	shalt  }
0x67: {  	_ =	shalt  }
0x68: {  	_ =	shalt  }
0x69: {  	_ =	shalt  }
0x6a: {  	_ =	shalt  }
0x6b: {  	_ =	shalt  }
0x6c: {  	_ =	shalt  }
0x6d: {  	_ =	shalt  }
0x6e: {  	_ =	shalt  }
0x6f: {  	_ =	shalt  }
0x70: {  	_ =	shalt  }
0x71: {  	_ =	shalt  }
0x72: {  	_ =	shalt  }
0x73: {  	_ =	shalt  }
0x74: {  	_ =	shalt  }
0x75: {  	_ =	shalt  }
0x76: {  	_ =	shalt  }
0x77: {  	_ =	shalt  }
0x78: {  	_ =	shalt  }
0x79: {  	_ =	shalt  }
0x7a: {  	_ =	shalt  }
0x7b: {  	_ =	shalt  }
0x7c: {  	_ =	shalt  }
0x7d: {  	_ =	shalt  }
0x7e: {  	_ =	shalt  }
0x7f: {  	_ =	shalt  }
0x80: {  	_ =	shalt  }
0x81: {  	_ =	shalt  }
0x82: {  	_ =	shalt  }
0x83: {  	_ =	shalt  }
0x84: {  	_ =	shalt  }
0x85: {  	_ =	shalt  }
0x86: {  	_ =	shalt  }
0x87: {  	_ =	shalt  }
.Lfunc_end0:
.L_simem_size_0:
called_computation_lowered:
.L_overlay_start_0:
0x88: {  	s2 =	sld [smem:$0x3FD9]  }
0x89: {  	s3 =	sld [smem:$0x3FFE];
	_ =	sdelay $0x1  }
0x8a: {  	s1 =	srdreg.scid  }
0x8b: {  	s0 =	sand.u32 $0x1, s1  }
0x8c: {  	s16 =	sshll.u32 s0, $0xA;
	s2 =	sadd.s32 s3, s2  }
0x8d: {  	s2 =	sadd.s32 s2, s16  }
0x8e: {  	[smem:$0x3FC6] =	sst s2  }
0x8f: {  	_ = 	snop  }
0x90: {  	(tm) =	ssettm $0x1  }
0x91: {  	s17 =	sld [smem:$0x3FFB];
	_ =	sdelay $0x3  }
0x92: {  	_ =	strace s17  }
0x93: {  	s2 =	sld [smem:$0x3FFC];
	_ =	sdelay $0x3  }
0x94: {  	_ =	strace s2  }
0x95: {  	s2 =	sld [smem:$0x3FFD];
	_ =	sdelay $0x3  }
0x96: {  	_ =	strace s2  }
0x97: {  	_ =	strace $0x8FFFFFFF  }
0x98: {  	s18 =	sld [smem:$0x3FDB];
	_ =	sdelay $0x1  }
0x99: {  	s19 =	simm.s32 $_scs_section_size  }
0x9a: {  	s4 =	simm.s32 $_size__tile_overlayer_lowered;
	s5 =	simm.s32 $_tile_overlayer_lowered  }
0x9b: {  	s22 =	simm.s32 $0x1BFF;
	s21 =	sshll.u32 s5, $0x1;
	s2 =	sadd.s32 s19, s18  }
0x9c: {  	s6 =	simm.s32 $0x0;
	s20 =	sshll.u32 s4, $0x1;
	s4 =	sadd.s32 s21, s2  }
0x9d: {  	[timem:s6], [sflag:s22] =	dma.local [hbm:s4], s20  }
0x9e: {  	_ =	swait.ge [sflag:s22], s20  }
0x9f: {  	s3 =	ssub.s32 $0x0, s20;
	[sflag:s22] =	ssyncset.done $0x0  }
0xa0: {  	[sflag:s22] =	ssyncadd.s32 s3;
	_ =	sdelay $0x1  }
0xa1: {  	s23 =	simm.s32 $0x1B8B  }
0xa2: {  	_ =	swait.ge [sflag:s23], $0x1  }
0xa3: {  	[sflag:s23] =	ssyncset.done $0x0  }
0xa4: {  	s25 =	simm.s32 $0x1B8E;
	s24 =	sld [smem:$0x3FFE];
	[sflag:s23] =	ssyncadd.s32 $0xFFFFFFFF  }
0xa5: {  	s26 =	simm.s32 $execute0_lowered;
	[smem:$0x3FD2] =	sst s25  }
0xa6: {  	s4 =	sshll.u32 s26, $0x1;
	_ =	strace $0x80000046;
	[dreg:$0x1] =	wrdreg $0xFFFFFFFF  }
0xa7: {  	s28 =	simm.s32 $_size_execute0_lowered;
	s2 =	sadd.s32 s2, s4;
	[dreg:$0x0] =	wrdreg $0x0  }
0xa8: {  	s4 =	sshll.u32 s28, $0x1;
	[dreg:$0x2] =	wrdreg s2  }
0xa9: {  	[dreg:$0x3] =	wrdreg s4  }
0xaa: {  	[dreg:$0x4] =	wrdreg $0xC0  }
0xab: {  	_ =	task [dreg:s6], $0x5FFFF  }
0xac: {  	[dreg:$0x1] =	wrdreg $0xFFFFFFFF  }
0xad: {  	[dreg:$0x0] =	wrdreg $0x60  }
0xae: {  	[dreg:$0x2] =	wrdreg s24  }
0xaf: {  	[dreg:$0x3] =	wrdreg $0x9  }
0xb0: {  	_ =	task.clear_ibuf [dreg:s6], $0x4FFFF;
	_ =	strace $0x90000046  }
0xb1: {  	s29 =	simm.s32 $0x9;
	_ =	strace $0x80000048  }
0xb2: {  	_ =	swait.ge [sflag:s29], $0x1  }
0xb3: {  	[sflag:s29] =	ssyncadd.s32 $0xFFFFFFFF  }
0xb4: {  	_ =	strace $0x90000048  }
0xb5: {  	_ =	sfence  }
0xb6: {  	s30 =	sld [smem:$0x0];
	_ =	sdelay $0x2  }
0xb7: {  	s31 =	sshll.u32 s1, $0xD;
	s1 =	sshrl.u32 s1, $0x2  }
0xb8: {  	s3 =	sand.u32 $0x4000, s31;
	s1 =	sadd.s32 s1, s30  }
0xb9: {  	s0 =	sor.u32 s3, s0;
	s1 =	sshll.u32 s1, $0x11  }
0xba: {  	s0 =	sor.u32 s1, s0  }
0xbb: {  	s0 =	sadd.s32 $0x8F2B, s0  }
0xbc: {  	[sflag:s0] =	ssyncadd.remote.s32 $0x1  }
0xbd: {  	_ =	sfence.sel $0xFFFF  }
0xbe: {  	[dreg:$0x0] =	wrdreg $0xFFFFFFFF;
	(pc) =	sbr.abs _section_cstart, $3  }
0xbf: {  	[dreg:$0x1] =	wrdreg $0xFFFFFFFF  }
0xc0: {  	_ =	task.clear_ibuf [dreg:s6], $0x2FFFF;
	_ =	strace $0x9FFFFFFF  }
0xc1: {  	(tm) =	ssettm $0x7FFFFFFF  }
tec
execute0_lowered:
.L_overlay_start_1:
0x0: {  	(tag) =	ssettag $0x1  }
0x1: {  	v0 =	vimm.s32 $0xEFCDAB89;
	v1 =	vimm.s32 $0x67452301  }
0x2: {  	v2 =	vimm.s32 $0xDCFE98BA;
	v3 =	vimm.s32 $0x54761032;
	v4 =	vimm.s32 $0xBA98FEDC  }
0x3: {  	s5 =	rddreg [dreg:$0x0];
	v5 =	vimm.s32 $0x32107654;
	v6 =	vimm.s32 $0xFEDCBA98;
	v7 =	vimm.s32 $0x76543210  }
0x4: {  	s0 =	rddreg [dreg:$0x1];
	s1 =	simm.s32 $0x0;
	s6 =	srdreg.scid;
	v0 =	vunpack.c.l.s4.s8 v0;
	v1 =	vunpack.c.l.s4.s8 v1;
	v2 =	vunpack.c.l.s4.s8 v2  }
0x5: {  	s12 =	simm.s32 $0x1;
	s13 =	simm.s32 $0x80;
	s14 =	simm.s32 $0x400;
	v3 =	vunpack.c.l.s4.s8 v3;
	v4 =	vunpack.c.l.s4.s8 v4;
	v5 =	vunpack.c.l.s4.s8 v5  }
0x6: {  	s15 =	simm.s32 $0xA00;
	s16 =	simm.s32 $0x500;
	s17 =	simm.s32 $0x0;
	v6 =	vunpack.c.l.s4.s8 v6;
	v7 =	vunpack.c.l.s4.s8 v7;
	v0 =	vunpack.c.0.s8.s32 v0  }
0x7: {  	[smem:$0x7FF] =	sst s1;
	s2 =	sadd.s32 $0xA00, s5;
	s3 =	sadd.s32 $0x18B200, s5;
	v1 =	vunpack.c.0.s8.s32 v1;
	v2 =	vunpack.c.0.s8.s32 v2;
	v3 =	vunpack.c.0.s8.s32 v3  }
0x8: {  	s4 =	sadd.s32 $0x187A00, s5;
	s7 =	sand.u32 $0x1, s6;
	s6 =	sadd.s32 $0x18B400, s5;
	v4 =	vunpack.c.0.s8.s32 v4;
	v5 =	vunpack.c.0.s8.s32 v5;
	v8 =	vunpack.c.0.s8.s32 v6  }
0x9: {  	v9 =	vimm.s32 $0x0;
	s5 =	stileid.u32;
	_ =	strace $0x80000047;
	s8 =	ssub.s32 $0x2, s7;
	v7 =	vunpack.c.0.s8.s32 v7;
	v0 =	vcombine.low v1, v0  }
0xa: {  	s10 =	sshll.u32 s5, $0x3;
	s7 =	sshll.u32 s7, $0x2;
	s9 =	sshrl.u32 s8, $0x1;
	v1 =	vcombine.low v3, v2;
	v2 =	vcombine.low v5, v4;
	v8 =	vand.u32 $0xF, v8  }
0xb: {  	s7 =	sor.u32 s7, s10;
	s11 =	ssub.s32 s8, s9;
	s8 =	smul.u32 $0x1C00, s5;
	v3 =	vimm.f32 $-Inf;
	v7 =	vcombine.low v8, v7;
	v8 =	vlaneseq.u32  }
0xc: {  	s9 =	smul.u32 $0xC3800, s5;
	s10 =	smax.u32 s11, $0x1;
	s11 =	simm.s32 $0x580;
	v4 =	vand.u32 $0xF, v0;
	v5 =	vand.u32 $0xF, v1;
	v6 =	vand.u32 $0xF, v2  }
.LBB2_1:
0xd: {  	[tilespmem:s11], [sflag:$0x1] =	stream.linear.gather [hbm4b:s3+s1], $0x400, $0x38;
	[tilespmem:$0xE00] =	vst v63  }
0xe: {  	_ =	swait.ge [sflag:s12], $0x400  }
0xf: {  	[sflag:s12] =	ssyncset.done $0x0  }
0x10: {  	s18 =	simm.s32 $0x0;
	[sflag:s12] =	ssyncadd.s32 $0xFFFFFC00  }
.LBB2_2:
0x11: {  	s19 =	sadd.s32 s7, s18  }
0x12: {  	s20 =	sshll.u32 s19, $0x7  }
0x13: {  	s20 =	sand.u32 $0x380, s20  }
0x14: {  	s21 =	sor.u32 s8, s20  }
0x15: {  	s21 =	sshrl.u32 s21, $0x3  }
0x16: {  	s22 =	sadd.s32 s4, s21;
	s21 =	simm.s32 $0x0  }
0x17: {  	[tilespmem:s21], [sflag:$0x1] =	stream.strided.gather [hbm4b:s22+s13], $0x380, s14, s13, $0x38;
	[tilespmem:$0xE00] =	vst v63  }
0x18: {  	_ =	swait.ge [sflag:s12], $0x380  }
0x19: {  	[sflag:s12] =	ssyncset.done $0x0  }
0x1a: {  	[sflag:s12] =	ssyncadd.s32 $0xFFFFFC80  }
0x1b: {  	v10 =	vld [tilespmem:$0x320];
	_ =	sdelay $0x1  }
0x1c: {  	v11 =	vld [tilespmem:$0x330];
	_ =	sdelay $0x2  }
0x1d: {  	v12 =	vperm.xlane v10, v4;
	_ =	sdelay $0x1  }
0x1e: {  	v14 =	vperm.xlane v11, v4;
	v12 =	vmax.f32 v10, v12  }
0x1f: {  	v15 =	vperm.xlane v12, v5  }
0x20: {  	s30 =	sshll.u32 s19, $0x3;
	v14 =	vmax.f32 v11, v14  }
0x21: {  	s22 =	sand.u32 $0x3FFFFFF8, s30;
	v60 =	vperm.xlane v14, v5;
	v12 =	vmax.f32 v12, v15  }
0x22: {  	v13 =	vld [tilespmem:s22+$0x580];
	v17 =	vperm.xlane v12, v6  }
0x23: {  	v14 =	vmax.f32 v14, v60  }
0x24: {  	[tilespmem:$0x520] =	vst v3;
	v15 =	vperm.xlane v14, v6;
	v12 =	vmax.f32 v12, v17  }
0x25: {  	[tilespmem:$0x380] =	vst v3;
	v61 =	vperm.xlane v12, v7  }
0x26: {  	[tilespmem:$0x390] =	vst v3;
	v14 =	vmax.f32 v14, v15  }
0x27: {  	[tilespmem:$0x3A0] =	vst v3;
	(v2sf) =	vpush v13, $0x5;
	v62 =	vperm.xlane v14, v7;
	v12 =	vmax.f32 v12, v61  }
0x28: {  	[tilespmem:$0x3B0] =	vst v3;
	(v2sf) =	vpush v12, $0x0  }
0x29: {  	[tilespmem:$0x3C0] =	vst v3;
	v63 =	vmax.f32 v14, v62  }
0x2a: {  	[tilespmem:$0x3D0] =	vst v3;
	(v2sf) =	vpush v63, $0x0  }
0x2b: {  	[tilespmem:$0x3E0] =	vst v3  }
0x2c: {  	[tilespmem:$0x3F0] =	vst v3  }
0x2d: {  	[tilespmem:$0x400] =	vst v3  }
0x2e: {  	[tilespmem:$0x410] =	vst v3  }
0x2f: {  	[tilespmem:$0x420] =	vst v3  }
0x30: {  	[tilespmem:$0x430] =	vst v3  }
0x31: {  	[tilespmem:$0x440] =	vst v3  }
0x32: {  	[tilespmem:$0x450] =	vst v3  }
0x33: {  	[tilespmem:$0x460] =	vst v3  }
0x34: {  	[tilespmem:$0x470] =	vst v3  }
0x35: {  	[tilespmem:$0x480] =	vst v3  }
0x36: {  	[tilespmem:$0x490] =	vst v3;
	s24 =	spop (v2sf)  }
0x37: {  	[tilespmem:$0x4A0] =	vst v3;
	s31 =	spop (v2sf)  }
.Ltmp0:
0x38: {  	[tilespmem:$0x4B0] =	vst v3;
	v16 =	vbroadcast v13, $0x5;
	p0 =	sgt.f32 s31, s24;
	(pc) =	sbr.rel .LBB2_3-.Ltmp0, $4  }
0x39: {  	s22 =	simm.s32 $0x10;
	[tilespmem:$0x380] =	vst v10;
	s23 =	spop (v2sf)  }
0x3a: {  	[tilespmem:$0x500] =	vst v16;
	s22 =	simm.s32 @!p0 $0x0;
	p0 =	sgt.f32 s23, s24  }
0x3b: {  	[tilespmem:$0x510] =	vst v16;
	s23 =	sadd.s32 $0x10, s22  }
0x3c: {  	[tilespmem:s22+$0x380] =	vst v11;
	s22 =	smov.u32 @p0 s23  }
.LBB2_16:
0x3d: {  	s21 =	sadd.s32 $0x1, s21  }
0x3e: {  	p0 =	sne.s32 s21, $0x31  }
.Ltmp1:
0x3f: {  	_ = 	snop;
	(pc) =	sbr.rel @!p0 .LBB2_17-.Ltmp1, $1  }
0x40: {  	_ =	sdelay $0x3  }
.LBB2_3:
0x41: {  	s23 =	sshll.u32 s21, $0x4  }
0x42: {  	v10 =	vld [tilespmem:s23+$0x0];
	_ =	sdelay $0x4  }
0x43: {  	v11 =	vperm.xlane v10, v0;
	_ =	sdelay $0x1  }
0x44: {  	v11 =	vmax.f32 v10, v11  }
0x45: {  	v12 =	vperm.xlane v11, v1;
	_ =	sdelay $0x1  }
0x46: {  	v11 =	vmax.f32 v11, v12  }
0x47: {  	v12 =	vperm.xlane v11, v2;
	_ =	sdelay $0x1  }
0x48: {  	v11 =	vmax.f32 v11, v12  }
0x49: {  	v12 =	vperm.xlane v11, v7;
	_ =	sdelay $0x1  }
0x4a: {  	v11 =	vmax.f32 v11, v12  }
0x4b: {  	(v2sf) =	vpush v11, $0x0;
	_ =	sdelay $0xe  }
0x4c: {  	s25 =	spop (v2sf)  }
0x4d: {  	p0 =	sgt.f32 s25, s24  }
.Ltmp2:
0x4e: {  	_ = 	snop;
	(pc) =	sbr.rel @!p0 .LBB2_16-.Ltmp2, $1  }
0x4f: {  	_ =	sdelay $0x3  }
0x50: {  	v11 =	vbroadcast v11, $0x0;
	_ =	sdelay $0x1  }
0x51: {  	vm0 =	veq.f32 v10, v11  }
0x52: {  	v11 =	vnsel vm0, $0x10, v8  }
0x53: {  	v12 =	vperm.xlane v11, v4;
	_ =	sdelay $0x1  }
0x54: {  	vm0 =	vlt.s32 v11, v12  }
0x55: {  	v11 =	vsel vm0, v11, v12  }
0x56: {  	v12 =	vperm.xlane v11, v5;
	_ =	sdelay $0x1  }
0x57: {  	vm0 =	vlt.s32 v11, v12  }
0x58: {  	v11 =	vsel vm0, v11, v12  }
0x59: {  	v12 =	vperm.xlane v11, v6;
	_ =	sdelay $0x1  }
0x5a: {  	vm0 =	vlt.s32 v11, v12  }
0x5b: {  	v11 =	vsel vm0, v11, v12  }
0x5c: {  	v12 =	vperm.xlane v11, v7;
	_ =	sdelay $0x1  }
0x5d: {  	vm0 =	vlt.s32 v11, v12  }
0x5e: {  	v11 =	vsel vm0, v11, v12  }
0x5f: {  	(v2sf) =	vpush v11, $0x0;
	_ =	sdelay $0xe  }
0x60: {  	s25 =	spop (v2sf)  }
0x61: {  	s25 =	sadd.s32 s23, s25  }
0x62: {  	s25 =	sshll.u32 s25, $0xA  }
0x63: {  	s25 =	sadd.s32 s9, s25  }
0x64: {  	s25 =	sshrl.u32 s25, $0x3  }
0x65: {  	s25 =	sadd.s32 s2, s25  }
0x66: {  	[tilespmem:s15], [sflag:$0x1] =	stream.linear.gather [hbm4b:s25+s1], $0x400, $0x38;
	[tilespmem:$0xE00] =	vst v63  }
0x67: {  	_ =	swait.ge [sflag:s12], $0x400  }
0x68: {  	[sflag:s12] =	ssyncset.done $0x0  }
0x69: {  	[sflag:s12] =	ssyncadd.s32 $0xFFFFFC00  }
0x6a: {  	v38 =	vld [tilespmem:s20+$0xA00];
	_ =	sdelay $0x4  }
0x6b: {  	[tilespmem:s22+$0x380] =	vst v38;
	v13 =	vperm.xlane v38, v4  }
0x6c: {  	v14 =	vld [tilespmem:s20+$0xA10]  }
0x6d: {  	v12 =	vmax.f32 v38, v13  }
0x6e: {  	v13 =	vperm.xlane v12, v5;
	_ =	sdelay $0x1  }
0x6f: {  	v12 =	vmax.f32 v12, v13  }
0x70: {  	v13 =	vperm.xlane v12, v6;
	v15 =	vperm.xlane v14, v4;
	_ =	sdelay $0x1  }
0x71: {  	v12 =	vmax.f32 v12, v13;
	v39 =	vmax.f32 v14, v15  }
0x72: {  	v40 =	vperm.xlane v12, v7;
	v16 =	vperm.xlane v39, v5;
	_ =	sdelay $0x1  }
0x73: {  	v12 =	vmax.f32 v12, v40;
	v13 =	vmax.f32 v39, v16  }
0x74: {  	(v2sf) =	vpush v12, $0x0;
	v41 =	vperm.xlane v13, v6;
	_ =	sdelay $0x1  }
0x75: {  	v12 =	vmax.f32 v13, v41  }
0x76: {  	v13 =	vperm.xlane v12, v7;
	_ =	sdelay $0x1  }
0x77: {  	v12 =	vmax.f32 v12, v13  }
0x78: {  	(v2sf) =	vpush v12, $0x0;
	_ =	sdelay $0x8  }
0x79: {  	s30 =	spop (v2sf)  }
0x7a: {  	p0 =	sgt.f32 s30, s24  }
0x7b: {  	s25 =	sadd.s32 $0x10, s22  }
0x7c: {  	s22 =	smov.u32 @p0 s25  }
0x7d: {  	[tilespmem:s22+$0x380] =	vst v14  }
0x7e: {  	v42 =	vld [tilespmem:s20+$0xA20]  }
0x7f: {  	s31 =	spop (v2sf)  }
0x80: {  	p0 =	sgt.f32 s31, s24  }
0x81: {  	s25 =	sadd.s32 $0x10, s22  }
0x82: {  	s22 =	smov.u32 @p0 s25  }
0x83: {  	[tilespmem:s22+$0x380] =	vst v42;
	v43 =	vperm.xlane v42, v4  }
0x84: {  	v14 =	vld [tilespmem:s20+$0xA30]  }
0x85: {  	v12 =	vmax.f32 v42, v43  }
0x86: {  	v13 =	vperm.xlane v12, v5;
	_ =	sdelay $0x1  }
0x87: {  	v12 =	vmax.f32 v12, v13  }
0x88: {  	v13 =	vperm.xlane v12, v6;
	v44 =	vperm.xlane v14, v4;
	_ =	sdelay $0x1  }
0x89: {  	v12 =	vmax.f32 v12, v13;
	v45 =	vmax.f32 v14, v44  }
0x8a: {  	v46 =	vperm.xlane v12, v7;
	v47 =	vperm.xlane v45, v5;
	_ =	sdelay $0x1  }
0x8b: {  	v12 =	vmax.f32 v12, v46;
	v13 =	vmax.f32 v45, v47  }
0x8c: {  	(v2sf) =	vpush v12, $0x0;
	v48 =	vperm.xlane v13, v6;
	_ =	sdelay $0x1  }
0x8d: {  	v12 =	vmax.f32 v13, v48  }
0x8e: {  	v13 =	vperm.xlane v12, v7;
	_ =	sdelay $0x1  }
0x8f: {  	v12 =	vmax.f32 v12, v13  }
0x90: {  	(v2sf) =	vpush v12, $0x0;
	_ =	sdelay $0x8  }
0x91: {  	s26 =	spop (v2sf)  }
0x92: {  	p0 =	sgt.f32 s26, s24  }
0x93: {  	s25 =	sadd.s32 $0x10, s22  }
0x94: {  	s22 =	smov.u32 @p0 s25  }
0x95: {  	[tilespmem:s22+$0x380] =	vst v14  }
0x96: {  	v49 =	vld [tilespmem:s20+$0xA40]  }
0x97: {  	s28 =	spop (v2sf)  }
0x98: {  	p0 =	sgt.f32 s28, s24  }
0x99: {  	s25 =	sadd.s32 $0x10, s22  }
0x9a: {  	s22 =	smov.u32 @p0 s25  }
0x9b: {  	[tilespmem:s22+$0x380] =	vst v49;
	v50 =	vperm.xlane v49, v4  }
0x9c: {  	v14 =	vld [tilespmem:s20+$0xA50]  }
0x9d: {  	v12 =	vmax.f32 v49, v50  }
0x9e: {  	v13 =	vperm.xlane v12, v5;
	_ =	sdelay $0x1  }
0x9f: {  	v12 =	vmax.f32 v12, v13  }
0xa0: {  	v13 =	vperm.xlane v12, v6;
	v51 =	vperm.xlane v14, v4;
	_ =	sdelay $0x1  }
0xa1: {  	v12 =	vmax.f32 v12, v13;
	v52 =	vmax.f32 v14, v51  }
0xa2: {  	v53 =	vperm.xlane v12, v7;
	v54 =	vperm.xlane v52, v5;
	_ =	sdelay $0x1  }
0xa3: {  	v12 =	vmax.f32 v12, v53;
	v13 =	vmax.f32 v52, v54  }
0xa4: {  	(v2sf) =	vpush v12, $0x0;
	v55 =	vperm.xlane v13, v6;
	_ =	sdelay $0x1  }
0xa5: {  	v12 =	vmax.f32 v13, v55  }
0xa6: {  	v13 =	vperm.xlane v12, v7;
	_ =	sdelay $0x1  }
0xa7: {  	v12 =	vmax.f32 v12, v13  }
0xa8: {  	(v2sf) =	vpush v12, $0x0;
	_ =	sdelay $0x8  }
0xa9: {  	s29 =	spop (v2sf)  }
0xaa: {  	p0 =	sgt.f32 s29, s24  }
0xab: {  	s25 =	sadd.s32 $0x10, s22  }
0xac: {  	s22 =	smov.u32 @p0 s25  }
0xad: {  	[tilespmem:s22+$0x380] =	vst v14  }
0xae: {  	v56 =	vld [tilespmem:s20+$0xA60]  }
0xaf: {  	s30 =	spop (v2sf)  }
0xb0: {  	p0 =	sgt.f32 s30, s24  }
0xb1: {  	s25 =	sadd.s32 $0x10, s22  }
0xb2: {  	s22 =	smov.u32 @p0 s25  }
0xb3: {  	[tilespmem:s22+$0x380] =	vst v56  }
0xb4: {  	v57 =	vld [tilespmem:s20+$0xA70];
	_ =	sdelay $0x2  }
0xb5: {  	v58 =	vperm.xlane v56, v4;
	_ =	sdelay $0x1  }
0xb6: {  	v12 =	vmax.f32 v56, v58;
	v59 =	vperm.xlane v57, v4  }
0xb7: {  	v60 =	vperm.xlane v12, v5  }
0xb8: {  	v14 =	vmax.f32 v57, v59  }
0xb9: {  	v12 =	vmax.f32 v12, v60;
	v61 =	vperm.xlane v14, v5  }
0xba: {  	v62 =	vperm.xlane v12, v6  }
0xbb: {  	v14 =	vmax.f32 v14, v61  }
0xbc: {  	v12 =	vmax.f32 v12, v62;
	v15 =	vperm.xlane v14, v6  }
0xbd: {  	v16 =	vperm.xlane v12, v7  }
0xbe: {  	v14 =	vmax.f32 v14, v15  }
0xbf: {  	v12 =	vmax.f32 v12, v16;
	v15 =	vperm.xlane v14, v7  }
0xc0: {  	(v2sf) =	vpush v12, $0x0  }
0xc1: {  	v63 =	vmax.f32 v14, v15  }
0xc2: {  	(v2sf) =	vpush v63, $0x0;
	_ =	sdelay $0xc  }
0xc3: {  	s31 =	spop (v2sf)  }
0xc4: {  	p0 =	sgt.f32 s31, s24  }
0xc5: {  	s25 =	sadd.s32 $0x10, s22;
	s26 =	spop (v2sf)  }
0xc6: {  	s22 =	smov.u32 @p0 s25;
	p0 =	sgt.f32 s26, s24  }
0xc7: {  	s25 =	sadd.s32 $0x10, s22  }
0xc8: {  	[tilespmem:s22+$0x380] =	vst v57;
	s22 =	smov.u32 @p0 s25  }
0xc9: {  	p0 =	slt.s32 s22, $0xA0  }
.Ltmp3:
0xca: {  	_ = 	snop;
	(pc) =	sbr.rel @p0 .LBB2_8-.Ltmp3, $1  }
0xcb: {  	_ =	sdelay $0x3  }
0xcc: {  	v12 =	vld [tilespmem:$0x500];
	_ =	sdelay $0x4  }
0xcd: {  	[tilespmem:s22+$0x380] =	vst v12  }
0xce: {  	v12 =	vld [tilespmem:$0x510];
	_ =	sdelay $0x4  }
0xcf: {  	[tilespmem:s22+$0x390] =	vst v12  }
0xd0: {  	v12 =	vld [tilespmem:$0x380]  }
0xd1: {  	v13 =	vld [tilespmem:$0x390]  }
0xd2: {  	v14 =	vld [tilespmem:$0x3A0]  }
0xd3: {  	v15 =	vld [tilespmem:$0x3B0]  }
0xd4: {  	v16 =	vld [tilespmem:$0x3C0]  }
0xd5: {  	v17 =	vld [tilespmem:$0x3D0]  }
0xd6: {  	v18 =	vld [tilespmem:$0x3E0];
	v19 =	vmax.f32 v12, v13  }
0xd7: {  	v20 =	vld [tilespmem:$0x3F0];
	v19 =	vmax.f32 v19, v14  }
0xd8: {  	v21 =	vld [tilespmem:$0x400];
	v19 =	vmax.f32 v19, v15  }
0xd9: {  	v22 =	vld [tilespmem:$0x410];
	v19 =	vmax.f32 v19, v16  }
0xda: {  	v23 =	vld [tilespmem:$0x420];
	v19 =	vmax.f32 v19, v17  }
0xdb: {  	v24 =	vld [tilespmem:$0x430];
	v19 =	vmax.f32 v19, v18  }
0xdc: {  	v25 =	vld [tilespmem:$0x440];
	v19 =	vmax.f32 v19, v20  }
0xdd: {  	v26 =	vld [tilespmem:$0x450];
	v19 =	vmax.f32 v19, v21  }
0xde: {  	v30 =	vld [tilespmem:$0x460];
	v19 =	vmax.f32 v19, v22  }
0xdf: {  	v31 =	vld [tilespmem:$0x470];
	v19 =	vmax.f32 v19, v23  }
0xe0: {  	v32 =	vld [tilespmem:$0x480];
	v19 =	vmax.f32 v19, v24  }
0xe1: {  	v27 =	vld [tilespmem:$0x490];
	v19 =	vmax.f32 v19, v25  }
0xe2: {  	v29 =	vld [tilespmem:$0x4A0];
	v19 =	vmax.f32 v19, v26  }
0xe3: {  	v28 =	vld [tilespmem:$0x4B0];
	v19 =	vmax.f32 v19, v30  }
0xe4: {  	v19 =	vmax.f32 v19, v31  }
0xe5: {  	v19 =	vmax.f32 v19, v32  }
0xe6: {  	v19 =	vmax.f32 v19, v27  }
0xe7: {  	v19 =	vmax.f32 v19, v29  }
0xe8: {  	v19 =	vmax.f32 v19, v28  }
0xe9: {  	v33 =	vperm.xlane v19, v4;
	_ =	sdelay $0x1  }
0xea: {  	v19 =	vmax.f32 v19, v33  }
0xeb: {  	v33 =	vperm.xlane v19, v5;
	_ =	sdelay $0x1  }
0xec: {  	v19 =	vmax.f32 v19, v33  }
0xed: {  	v33 =	vperm.xlane v19, v6;
	_ =	sdelay $0x1  }
0xee: {  	v19 =	vmax.f32 v19, v33  }
0xef: {  	v33 =	vperm.xlane v19, v7;
	_ =	sdelay $0x1  }
0xf0: {  	v19 =	vmax.f32 v19, v33  }
0xf1: {  	(v2sf) =	vpush v19, $0x0;
	_ =	sdelay $0x5  }
0xf2: {  	v33 =	vbroadcast v19, $0x0;
	_ =	sdelay $0x1  }
0xf3: {  	vm1 =	veq.f32 v12, v33;
	vm2 =	veq.f32 v13, v33  }
0xf4: {  	vm0 =	veq.f32 v28, v33;
	vm11 =	veq.f32 v14, v33;
	vm12 =	veq.f32 v15, v33  }
0xf5: {  	vm13 =	veq.f32 v17, v33;
	vm14 =	veq.f32 v18, v33;
	vm15 =	veq.f32 v20, v33  }
0xf6: {  	vm4 =	veq.f32 v16, v33;
	vm5 =	veq.f32 v21, v33;
	vm6 =	veq.f32 v22, v33  }
0xf7: {  	vm7 =	veq.f32 v23, v33;
	vm8 =	veq.f32 v24, v33;
	vm9 =	veq.f32 v29, v33  }
0xf8: {  	vm10 =	veq.f32 v25, v33;
	v19 =	vsel vm1, $0x1, v9;
	v34 =	vsel vm2, $0x1, v9  }
0xf9: {  	v35 =	vsel vm11, $0x1, v9;
	v37 =	vsel vm12, $0x1, v9;
	v38 =	vsel vm13, $0x1, v9  }
0xfa: {  	p0 =	por $0x0, $0x0;
	v39 =	vsel vm14, $0x1, v9;
	v40 =	vsel vm15, $0x1, v9;
	v41 =	vsel vm4, $0x1, v9;
	s28 =	spop (v2sf)  }
0xfb: {  	s26 =	simm.s32 $0x0;
	v43 =	vsel vm5, $0x1, v9;
	v44 =	vsel vm6, $0x1, v9;
	v62 =	vsel vm7, $0x1, v9;
	s25 =	smov.u32 s28;
	s28 =	simm.f32 @!p0 $-Inf  }
0xfc: {  	[tilespmem:s26+$0x500] =	vst @!p0 v33;
	v48 =	vsel vm8, $0x1, v9;
	v49 =	vsel vm10, $0x1, v9;
	v12 =	vsel vm1, s28, v12  }
0xfd: {  	v19 =	vadd.s32 v34, v19;
	v61 =	vsel vm2, s28, v13;
	v36 =	vsel vm11, s28, v14;
	[tilespmem:$0x380] =	vst v12  }
0xfe: {  	v15 =	vsel vm12, s28, v15;
	v17 =	vsel vm13, s28, v17;
	v18 =	vsel vm14, s28, v18;
	[tilespmem:$0x390] =	vst v61;
	v13 =	vld [tilespmem:$0x380]  }
0xff: {  	v20 =	vsel vm15, s28, v20;
	v42 =	vsel vm4, s28, v16;
	v21 =	vsel vm5, s28, v21;
	[tilespmem:$0x3A0] =	vst v36;
	v14 =	vld [tilespmem:$0x390]  }
0x100: {  	v22 =	vsel vm6, s28, v22;
	v63 =	vsel vm7, s28, v23;
	v45 =	vsel vm8, s28, v24;
	[tilespmem:$0x3B0] =	vst v15;
	v16 =	vld [tilespmem:$0x3A0]  }
0x101: {  	v25 =	vsel vm10, s28, v25;
	vm11 =	veq.f32 v26, v33;
	v12 =	vadd.s32 v35, v19;
	[tilespmem:$0x3C0] =	vst v42;
	v15 =	vld [tilespmem:$0x3B0]  }
0x102: {  	vm12 =	veq.f32 v30, v33;
	vm13 =	veq.f32 v31, v33;
	[tilespmem:$0x3D0] =	vst v17;
	v19 =	vadd.s32 v37, v12;
	v12 =	vld [tilespmem:$0x3C0]  }
0x103: {  	vm14 =	veq.f32 v32, v33;
	vm15 =	veq.f32 v27, v33;
	[tilespmem:$0x3E0] =	vst v18;
	v17 =	vadd.s32 v41, v19;
	v19 =	vld [tilespmem:$0x3D0]  }
0x104: {  	v58 =	vsel vm9, s28, v29;
	[tilespmem:$0x3F0] =	vst v20;
	v18 =	vld [tilespmem:$0x3E0];
	v17 =	vadd.s32 v38, v17;
	v23 =	vmax.f32 v13, v14  }
0x105: {  	v50 =	vsel vm11, $0x1, v9;
	[tilespmem:$0x400] =	vst v21;
	v24 =	vld [tilespmem:$0x3F0];
	v21 =	vadd.s32 v39, v17;
	v20 =	vmax.f32 v23, v16  }
0x106: {  	v26 =	vsel vm11, s28, v26;
	[tilespmem:$0x410] =	vst v22;
	v17 =	vld [tilespmem:$0x400];
	v21 =	vadd.s32 v40, v21;
	v20 =	vmax.f32 v20, v15  }
0x107: {  	v51 =	vsel vm12, $0x1, v9;
	[tilespmem:$0x420] =	vst v63;
	v22 =	vadd.s32 v43, v21;
	v23 =	vld [tilespmem:$0x410];
	v20 =	vmax.f32 v20, v12  }
0x108: {  	v30 =	vsel vm12, s28, v30;
	[tilespmem:$0x430] =	vst v45;
	v21 =	vld [tilespmem:$0x420];
	v53 =	vadd.s32 v44, v22;
	v20 =	vmax.f32 v20, v19  }
0x109: {  	v52 =	vsel vm13, $0x1, v9;
	[tilespmem:$0x440] =	vst v25;
	v22 =	vld [tilespmem:$0x430];
	v25 =	vadd.s32 v62, v53;
	v54 =	vmax.f32 v20, v18  }
0x10a: {  	v31 =	vsel vm13, s28, v31;
	[tilespmem:$0x450] =	vst v26;
	v26 =	vadd.s32 v48, v25;
	v20 =	vld [tilespmem:$0x440];
	v56 =	vmax.f32 v54, v24  }
0x10b: {  	v55 =	vsel vm14, $0x1, v9;
	[tilespmem:$0x460] =	vst v30;
	v25 =	vld [tilespmem:$0x450];
	v30 =	vadd.s32 v49, v26;
	v34 =	vmax.f32 v56, v17  }
0x10c: {  	v32 =	vsel vm14, s28, v32;
	[tilespmem:$0x470] =	vst v31;
	v26 =	vld [tilespmem:$0x460];
	v30 =	vadd.s32 v50, v30;
	v57 =	vmax.f32 v34, v23  }
0x10d: {  	v31 =	vsel vm15, s28, v27;
	[tilespmem:$0x480] =	vst v32;
	v27 =	vld [tilespmem:$0x470];
	v30 =	vadd.s32 v51, v30;
	v33 =	vmax.f32 v57, v21  }
0x10e: {  	v59 =	vsel vm15, $0x1, v9;
	v29 =	vld [tilespmem:$0x480];
	[tilespmem:$0x490] =	vst v31;
	v30 =	vadd.s32 v52, v30;
	v33 =	vmax.f32 v33, v22  }
0x10f: {  	[tilespmem:$0x4A0] =	vst v58;
	v31 =	vsel vm0, s28, v28;
	v28 =	vld [tilespmem:$0x490];
	v60 =	vadd.s32 v55, v30;
	v33 =	vmax.f32 v33, v20  }
0x110: {  	v61 =	vsel vm9, $0x1, v9;
	[tilespmem:$0x4B0] =	vst v31;
	v30 =	vld [tilespmem:$0x4A0];
	v32 =	vadd.s32 v59, v60;
	v33 =	vmax.f32 v33, v25  }
0x111: {  	v31 =	vld [tilespmem:$0x4B0];
	v62 =	vsel vm0, $0x1, v9;
	v32 =	vadd.s32 v61, v32;
	v33 =	vmax.f32 v33, v26  }
0x112: {  	v32 =	vadd.s32 v62, v32;
	v33 =	vmax.f32 v33, v27  }
0x113: {  	v34 =	vperm.xlane v32, v4;
	v33 =	vmax.f32 v33, v29  }
0x114: {  	v33 =	vmax.f32 v33, v28  }
0x115: {  	v32 =	vadd.s32 v34, v32;
	v33 =	vmax.f32 v33, v30  }
0x116: {  	v34 =	vperm.xlane v32, v5;
	v33 =	vmax.f32 v33, v31  }
0x117: {  	v63 =	vperm.xlane v33, v4  }
0x118: {  	v32 =	vadd.s32 v34, v32  }
0x119: {  	v34 =	vperm.xlane v32, v6;
	v33 =	vmax.f32 v33, v63  }
0x11a: {  	v35 =	vperm.xlane v33, v5  }
0x11b: {  	v32 =	vadd.s32 v34, v32  }
0x11c: {  	v34 =	vperm.xlane v32, v7;
	v33 =	vmax.f32 v33, v35  }
0x11d: {  	v35 =	vperm.xlane v33, v6  }
0x11e: {  	v34 =	vadd.s32 v34, v32  }
0x11f: {  	(v2sf) =	vpush v34, $0x0;
	v32 =	vmax.f32 v33, v35  }
0x120: {  	s29 =	simm.s32 $0x17;
	s25 =	smov.u32 @p0 s24;
	s28 =	simm.s32 $0x19;
	v33 =	vperm.xlane v32, v7  }
.LBB2_6:
0x121: {  	_ = 	snop  }
0x122: {  	v32 =	vmax.f32 v32, v33  }
0x123: {  	(v2sf) =	vpush v32, $0x0;
	_ =	sdelay $0x2  }
0x124: {  	v60 =	vimm.s32 $0x0;
	v61 =	vimm.s32 $0x0;
	v33 =	vbroadcast v32, $0x0  }
0x125: {  	v62 =	vimm.s32 $0x0;
	v47 =	vimm.s32 $0x0;
	v36 =	vimm.s32 $0x0  }
0x126: {  	vm1 =	veq.f32 v13, v33;
	vm2 =	veq.f32 v14, v33;
	vm0 =	veq.f32 v31, v33  }
0x127: {  	vm7 =	veq.f32 v16, v33;
	vm5 =	veq.f32 v30, v33;
	vm8 =	veq.f32 v15, v33  }
0x128: {  	vm9 =	veq.f32 v19, v33;
	vm6 =	veq.f32 v12, v33;
	vm10 =	veq.f32 v18, v33  }
0x129: {  	vm11 =	veq.f32 v28, v33;
	vm12 =	veq.f32 v24, v33;
	vm14 =	veq.f32 v23, v33  }
0x12a: {  	vm13 =	veq.f32 v21, v33;
	vm4 =	veq.f32 v22, v33;
	v32 =	vsel vm1, $0xFFFFFFFF, v60  }
0x12b: {  	vm15 =	veq.f32 v20, v33;
	vm3 =	veq.f32 v26, v33;
	v34 =	vsel vm1, $0x1, v9;
	[tilespmem:$0x1FFB0] =	vst v32  }
0x12c: {  	s24 =	smov.u32 s25;
	v35 =	vsel vm2, $0x1, v9;
	v63 =	vsel vm0, $0x1, v9;
	v48 =	vsel vm5, $0x1, v9;
	s25 =	spop (v2sf);
	v56 =	vld [tilespmem:$0x1FFB0]  }
0x12d: {  	v36 =	vsel vm11, $0xFFFFFFFF, v36;
	v49 =	vsel vm9, $0x1, v9;
	v37 =	vsel vm11, $0x1, v9;
	s30 =	sadd.s32 s26, s25  }
0x12e: {  	v38 =	vsel vm10, $0x1, v9;
	vm11 =	veq.f32 v17, v33;
	v32 =	vsel vm2, $0xFFFFFFFF, v61;
	[tilespmem:$0x1FFD0] =	vst v36;
	s25 =	simm.s32 @p0 $0x0;
	p2 =	slt.s32 s30, $0x19  }
0x12f: {  	v39 =	vsel vm7, $0x1, v9;
	v34 =	vadd.s32 v35, v34;
	v35 =	vsel vm5, $0xFFFFFFFF, v47;
	[tilespmem:$0x1FFC0] =	vst v32;
	p0 =	sgt.s32 s28, $0x0;
	s28 =	ssub.s32 s28, s25;
	s30 =	simm.s32 @!p2 $0x19  }
0x130: {  	v40 =	vsel vm12, $0x1, v9;
	v41 =	vsel vm6, $0x1, v9;
	v32 =	vsel vm0, $0xFFFFFFFF, v62;
	[tilespmem:$0x1FFE0] =	vst v35;
	v57 =	vld [tilespmem:$0x1FFC0];
	s26 =	smov.u32 @p0 s30;
	p0 =	slt.s32 s28, $0x1;
	s30 =	spop (v2sf)  }
0x131: {  	v42 =	vsel vm14, $0x1, v9;
	v43 =	vsel vm8, $0x1, v9;
	[tilespmem:$0x1FFF0] =	vst v32;
	vm5 =	vnez.u8 v56;
	s25 =	smov.u32 s30;
	s30 =	simm.f32 @!p0 $-Inf  }
0x132: {  	v44 =	vsel vm13, $0x1, v9;
	v34 =	vadd.s32 v39, v34;
	[tilespmem:s26+$0x500] =	vst @!p0 v33;
	v13 =	vsel vm5, s30, v13  }
0x133: {  	v51 =	vsel vm4, $0x1, v9;
	v34 =	vadd.s32 v43, v34;
	v17 =	vsel vm11, s30, v17;
	[tilespmem:$0x380] =	vst v13  }
0x134: {  	vm1 =	veq.f32 v27, v33;
	v34 =	vadd.s32 v41, v34;
	v23 =	vsel vm14, s30, v23;
	[tilespmem:$0x400] =	vst v17;
	v17 =	vld [tilespmem:$0x1FFD0]  }
0x135: {  	v34 =	vadd.s32 v49, v34;
	vm5 =	vnez.u8 v57;
	v21 =	vsel vm13, s30, v21;
	[tilespmem:$0x410] =	vst v23;
	v23 =	vld [tilespmem:$0x1FFE0]  }
0x136: {  	v50 =	vsel vm11, $0x1, v9;
	v34 =	vadd.s32 v38, v34;
	v14 =	vsel vm5, s30, v14;
	[tilespmem:$0x420] =	vst v21;
	v21 =	vld [tilespmem:$0x1FFF0]  }
0x137: {  	vm2 =	veq.f32 v25, v33;
	v55 =	vadd.s32 v40, v34;
	v16 =	vsel vm7, s30, v16;
	v13 =	vld [tilespmem:$0x380];
	[tilespmem:$0x390] =	vst v14  }
0x138: {  	vm0 =	veq.f32 v29, v33;
	v33 =	vadd.s32 v50, v55;
	v15 =	vsel vm8, s30, v15;
	[tilespmem:$0x3A0] =	vst v16;
	v14 =	vld [tilespmem:$0x390]  }
0x139: {  	v52 =	vsel vm15, $0x1, v9;
	v33 =	vadd.s32 v42, v33;
	v12 =	vsel vm6, s30, v12;
	[tilespmem:$0x3B0] =	vst v15;
	v16 =	vld [tilespmem:$0x3A0]  }
0x13a: {  	v54 =	vsel vm3, $0x1, v9;
	v33 =	vadd.s32 v44, v33;
	v19 =	vsel vm9, s30, v19;
	[tilespmem:$0x3C0] =	vst v12;
	v15 =	vld [tilespmem:$0x3B0]  }
0x13b: {  	v45 =	vsel vm1, $0x1, v9;
	v33 =	vadd.s32 v51, v33;
	v18 =	vsel vm10, s30, v18;
	[tilespmem:$0x3D0] =	vst v19;
	v12 =	vld [tilespmem:$0x3C0]  }
0x13c: {  	v53 =	vsel vm2, $0x1, v9;
	v33 =	vadd.s32 v52, v33;
	v24 =	vsel vm12, s30, v24;
	[tilespmem:$0x3E0] =	vst v18;
	v19 =	vld [tilespmem:$0x3D0]  }
0x13d: {  	v58 =	vsel vm0, $0x1, v9;
	v33 =	vadd.s32 v53, v33;
	[tilespmem:$0x3F0] =	vst v24;
	v18 =	vld [tilespmem:$0x3E0];
	v59 =	vmax.f32 v13, v14  }
0x13e: {  	v22 =	vsel vm4, s30, v22;
	v20 =	vsel vm15, s30, v20;
	v24 =	vld [tilespmem:$0x3F0];
	v36 =	vmax.f32 v59, v16  }
0x13f: {  	v33 =	vadd.s32 v54, v33;
	vm13 =	vnez.u8 v17;
	v17 =	vld [tilespmem:$0x400];
	v36 =	vmax.f32 v36, v15  }
0x140: {  	v33 =	vadd.s32 v45, v33;
	vm14 =	vnez.u8 v23;
	v23 =	vld [tilespmem:$0x410];
	v60 =	vmax.f32 v36, v12  }
0x141: {  	[tilespmem:$0x430] =	vst v22;
	v33 =	vadd.s32 v58, v33;
	vm15 =	vnez.u8 v21;
	v21 =	vld [tilespmem:$0x420];
	v34 =	vmax.f32 v60, v19  }
0x142: {  	v25 =	vsel vm2, s30, v25;
	[tilespmem:$0x440] =	vst v20;
	v22 =	vld [tilespmem:$0x430];
	v33 =	vadd.s32 v37, v33;
	v34 =	vmax.f32 v34, v18  }
0x143: {  	v26 =	vsel vm3, s30, v26;
	[tilespmem:$0x450] =	vst v25;
	v20 =	vld [tilespmem:$0x440];
	v33 =	vadd.s32 v48, v33;
	v61 =	vmax.f32 v34, v24  }
0x144: {  	v27 =	vsel vm1, s30, v27;
	[tilespmem:$0x460] =	vst v26;
	v25 =	vld [tilespmem:$0x450];
	v32 =	vadd.s32 v63, v33;
	v33 =	vmax.f32 v61, v17  }
0x145: {  	v29 =	vsel vm0, s30, v29;
	[tilespmem:$0x470] =	vst v27;
	v26 =	vld [tilespmem:$0x460];
	v33 =	vmax.f32 v33, v23  }
0x146: {  	[tilespmem:$0x480] =	vst v29;
	v27 =	vld [tilespmem:$0x470];
	v62 =	vperm.xlane v32, v4;
	v28 =	vsel vm13, s30, v28;
	v33 =	vmax.f32 v33, v21  }
0x147: {  	v29 =	vld [tilespmem:$0x480];
	v30 =	vsel vm14, s30, v30;
	[tilespmem:$0x490] =	vst v28;
	v33 =	vmax.f32 v33, v22  }
0x148: {  	v31 =	vsel vm15, s30, v31;
	v32 =	vadd.s32 v62, v32;
	[tilespmem:$0x4A0] =	vst v30;
	v28 =	vld [tilespmem:$0x490];
	v33 =	vmax.f32 v33, v20  }
0x149: {  	[tilespmem:$0x4B0] =	vst v31;
	v30 =	vld [tilespmem:$0x4A0];
	v34 =	vperm.xlane v32, v5;
	v33 =	vmax.f32 v33, v25  }
0x14a: {  	v31 =	vld [tilespmem:$0x4B0];
	v33 =	vmax.f32 v33, v26  }
0x14b: {  	v32 =	vadd.s32 v34, v32;
	v33 =	vmax.f32 v33, v27  }
0x14c: {  	v34 =	vperm.xlane v32, v6;
	v33 =	vmax.f32 v33, v29  }
0x14d: {  	v33 =	vmax.f32 v33, v28  }
0x14e: {  	v32 =	vadd.s32 v34, v32;
	v33 =	vmax.f32 v33, v30  }
0x14f: {  	v34 =	vperm.xlane v32, v7;
	v33 =	vmax.f32 v33, v31  }
0x150: {  	v63 =	vperm.xlane v33, v4  }
0x151: {  	v32 =	vadd.s32 v34, v32  }
0x152: {  	(v2sf) =	vpush v32, $0x0;
	v32 =	vmax.f32 v33, v63  }
0x153: {  	s29 =	sadd.s32 $0xFFFFFFFF, s29;
	v33 =	vperm.xlane v32, v5  }
0x154: {  	p1 =	sne.s32 s29, $0x0  }
.Ltmp4:
0x155: {  	v32 =	vmax.f32 v32, v33;
	(pc) =	sbr.rel @p1 .LBB2_6-.Ltmp4, $3  }
0x156: {  	v33 =	vperm.xlane v32, v6;
	_ =	sdelay $0x1  }
0x157: {  	v32 =	vmax.f32 v32, v33  }
0x158: {  	s25 =	smov.u32 @p0 s24;
	v33 =	vperm.xlane v32, v7  }
0x159: {  	_ = 	snop  }
0x15a: {  	v32 =	vmax.f32 v32, v33  }
0x15b: {  	(v2sf) =	vpush v32, $0x0;
	_ =	sdelay $0x2  }
0x15c: {  	v32 =	vbroadcast v32, $0x0;
	_ =	sdelay $0x1  }
0x15d: {  	vm1 =	veq.f32 v13, v32;
	vm3 =	veq.f32 v14, v32  }
0x15e: {  	vm4 =	veq.f32 v16, v32;
	vm0 =	veq.f32 v30, v32;
	vm5 =	veq.f32 v15, v32  }
0x15f: {  	vm6 =	veq.f32 v19, v32;
	vm2 =	veq.f32 v12, v32;
	vm7 =	veq.f32 v18, v32  }
0x160: {  	vm8 =	veq.f32 v24, v32;
	vm13 =	veq.f32 v17, v32;
	vm9 =	veq.f32 v23, v32  }
0x161: {  	vm14 =	veq.f32 v21, v32;
	vm15 =	veq.f32 v22, v32;
	vm10 =	veq.f32 v20, v32  }
0x162: {  	vm11 =	veq.f32 v25, v32;
	v58 =	vsel vm1, $0x1, v9;
	v34 =	vsel vm3, $0x1, v9  }
0x163: {  	vm12 =	veq.f32 v26, v32;
	v36 =	vsel vm4, $0x1, v9;
	v33 =	vadd.s32 v34, v58;
	s24 =	spop (v2sf)  }
0x164: {  	v59 =	vsel vm6, $0x1, v9;
	v60 =	vsel vm5, $0x1, v9;
	v33 =	vadd.s32 v36, v33;
	s30 =	sadd.s32 s26, s24  }
0x165: {  	v35 =	vsel vm7, $0x1, v9;
	v38 =	vsel vm2, $0x1, v9;
	s24 =	simm.s32 @p0 $0x0;
	v33 =	vadd.s32 v60, v33;
	p1 =	slt.s32 s30, $0x19  }
0x166: {  	p2 =	sgt.s32 s28, $0x0;
	v37 =	vsel vm8, $0x1, v9;
	v61 =	vsel vm13, $0x1, v9;
	s24 =	ssub.s32 s28, s24;
	v33 =	vadd.s32 v38, v33;
	s30 =	simm.s32 @!p1 $0x19  }
0x167: {  	v62 =	vsel vm9, $0x1, v9;
	v63 =	vsel vm14, $0x1, v9;
	p0 =	slt.s32 s24, $0x1;
	v33 =	vadd.s32 v59, v33;
	s26 =	smov.u32 @p2 s30;
	s29 =	spop (v2sf)  }
0x168: {  	v40 =	vsel vm15, $0x1, v9;
	v41 =	vsel vm10, $0x1, v9;
	v33 =	vadd.s32 v35, v33;
	[tilespmem:s26+$0x500] =	vst @!p0 v32;
	s24 =	smov.u32 s29;
	s29 =	simm.f32 @!p0 $-Inf  }
0x169: {  	v43 =	vsel vm11, $0x1, v9;
	v33 =	vadd.s32 v37, v33;
	[tilespmem:$0x519] =	vst v3;
	v13 =	vsel vm1, s29, v13  }
0x16a: {  	v45 =	vsel vm12, $0x1, v9;
	v39 =	vadd.s32 v61, v33;
	v14 =	vsel vm3, s29, v14;
	[tilespmem:$0x380] =	vst v13  }
0x16b: {  	v16 =	vsel vm4, s29, v16;
	v38 =	vsel vm8, s29, v24;
	v24 =	vadd.s32 v62, v39;
	[tilespmem:$0x390] =	vst v14  }
0x16c: {  	v51 =	vsel vm0, $0x1, v9;
	v15 =	vsel vm5, s29, v15;
	[tilespmem:$0x3A0] =	vst v16;
	v24 =	vadd.s32 v63, v24  }
0x16d: {  	vm1 =	veq.f32 v29, v32;
	v12 =	vsel vm2, s29, v12;
	[tilespmem:$0x3B0] =	vst v15;
	v14 =	vadd.s32 v40, v24  }
0x16e: {  	v19 =	vsel vm6, s29, v19;
	v18 =	vsel vm7, s29, v18;
	[tilespmem:$0x3C0] =	vst v12;
	v14 =	vadd.s32 v41, v14  }
0x16f: {  	v42 =	vsel vm13, s29, v17;
	vm13 =	veq.f32 v27, v32;
	[tilespmem:$0x3D0] =	vst v19;
	v12 =	vadd.s32 v43, v14  }
0x170: {  	v47 =	vsel vm14, s29, v21;
	[tilespmem:$0x3E0] =	vst v18;
	v46 =	vsel vm13, $0x1, v9;
	v12 =	vadd.s32 v45, v12  }
0x171: {  	vm14 =	veq.f32 v28, v32;
	[tilespmem:$0x3F0] =	vst v38;
	v48 =	vsel vm1, $0x1, v9;
	v12 =	vadd.s32 v46, v12  }
0x172: {  	v44 =	vsel vm9, s29, v23;
	[tilespmem:$0x400] =	vst v42;
	v49 =	vsel vm14, $0x1, v9;
	v12 =	vadd.s32 v48, v12  }
0x173: {  	v50 =	vsel vm15, s29, v22;
	vm15 =	veq.f32 v31, v32;
	[tilespmem:$0x410] =	vst v44;
	v12 =	vadd.s32 v49, v12  }
0x174: {  	[tilespmem:$0x420] =	vst v47;
	v53 =	vsel vm15, $0x1, v9;
	v12 =	vadd.s32 v51, v12  }
0x175: {  	v52 =	vsel vm10, s29, v20;
	[tilespmem:$0x430] =	vst v50;
	v12 =	vadd.s32 v53, v12  }
0x176: {  	v54 =	vsel vm11, s29, v25;
	[tilespmem:$0x440] =	vst v52;
	v56 =	vperm.xlane v12, v4  }
0x177: {  	v55 =	vsel vm12, s29, v26;
	[tilespmem:$0x450] =	vst v54  }
0x178: {  	v60 =	vsel vm0, s29, v30;
	[tilespmem:$0x460] =	vst v55;
	v12 =	vadd.s32 v56, v12  }
0x179: {  	v57 =	vsel vm13, s29, v27;
	[tilespmem:$0x4A0] =	vst v60;
	v15 =	vperm.xlane v12, v5  }
0x17a: {  	v58 =	vsel vm1, s29, v29;
	[tilespmem:$0x470] =	vst v57  }
0x17b: {  	v59 =	vsel vm14, s29, v28;
	[tilespmem:$0x480] =	vst v58;
	v12 =	vadd.s32 v15, v12  }
0x17c: {  	v61 =	vsel vm15, s29, v31;
	[tilespmem:$0x490] =	vst v59;
	v62 =	vperm.xlane v12, v6  }
0x17d: {  	[tilespmem:$0x4B0] =	vst v61  }
0x17e: {  	[tilespmem:$0x380] =	vst v3;
	v12 =	vadd.s32 v62, v12  }
0x17f: {  	[tilespmem:$0x390] =	vst v3;
	v63 =	vperm.xlane v12, v7  }
0x180: {  	[tilespmem:$0x3A0] =	vst v3  }
0x181: {  	[tilespmem:$0x3B0] =	vst v3;
	v12 =	vadd.s32 v63, v12  }
0x182: {  	[tilespmem:$0x3C0] =	vst v3;
	(v2sf) =	vpush v12, $0x0  }
0x183: {  	[tilespmem:$0x3D0] =	vst v3  }
0x184: {  	[tilespmem:$0x3E0] =	vst v3  }
0x185: {  	[tilespmem:$0x3F0] =	vst v3  }
0x186: {  	[tilespmem:$0x400] =	vst v3  }
0x187: {  	[tilespmem:$0x410] =	vst v3  }
0x188: {  	[tilespmem:$0x420] =	vst v3  }
0x189: {  	[tilespmem:$0x430] =	vst v3  }
0x18a: {  	[tilespmem:$0x440] =	vst v3  }
0x18b: {  	[tilespmem:$0x450] =	vst v3  }
0x18c: {  	[tilespmem:$0x460] =	vst v3  }
0x18d: {  	[tilespmem:$0x4A0] =	vst v3  }
0x18e: {  	[tilespmem:$0x470] =	vst v3  }
0x18f: {  	[tilespmem:$0x480] =	vst v3  }
0x190: {  	[tilespmem:$0x490] =	vst v3  }
0x191: {  	s24 =	smov.u32 @p0 s25;
	[tilespmem:$0x4B0] =	vst v3;
	s31 =	spop (v2sf)  }
.LBB2_8:
0x192: {  	v11 =	vbroadcast v11, $0x0;
	_ =	sdelay $0x1  }
0x193: {  	vm0 =	veq.s32 v11, v8  }
0x194: {  	v10 =	vsel vm0, $0xFF800000, v10  }
0x195: {  	v11 =	vperm.xlane v10, v0;
	_ =	sdelay $0x1  }
0x196: {  	v11 =	vmax.f32 v10, v11  }
0x197: {  	v12 =	vperm.xlane v11, v1;
	_ =	sdelay $0x1  }
0x198: {  	v11 =	vmax.f32 v11, v12  }
0x199: {  	v12 =	vperm.xlane v11, v2;
	_ =	sdelay $0x1  }
0x19a: {  	v11 =	vmax.f32 v11, v12  }
0x19b: {  	v12 =	vperm.xlane v11, v7;
	_ =	sdelay $0x1  }
0x19c: {  	v11 =	vmax.f32 v11, v12  }
0x19d: {  	(v2sf) =	vpush v11, $0x0;
	_ =	sdelay $0xe  }
0x19e: {  	s25 =	spop (v2sf)  }
0x19f: {  	p0 =	sgt.f32 s25, s24  }
.Ltmp5:
0x1a0: {  	_ = 	snop;
	(pc) =	sbr.rel @!p0 .LBB2_16-.Ltmp5, $4  }
.Ltmp6:
0x1a1: {  	_ = 	snop;
	(pc) =	sbr.rel @p0 .LBB2_9-.Ltmp6, $4  }
0x1a2: {  	_ = 	snop  }
0x1a3: {  	p1 =	sgt.s32 s22, $0x9F  }
0x1a4: {  	s22 =	simm.s32 @p1 $0x0;
	[tilespmem:s23+$0x0] =	vst v10;
	s25 =	simm.s32 $0x0  }
0x1a5: {  	_ = 	snop  }
.LBB2_14:
0x1a6: {  	v11 =	vbroadcast v11, $0x0;
	_ =	sdelay $0x1  }
0x1a7: {  	vm0 =	veq.s32 v11, v8  }
0x1a8: {  	p0 =	sgt.s32 s22, $0x9F;
	v10 =	vsel vm0, $0xFF800000, v10  }
0x1a9: {  	s22 =	simm.s32 @p0 $0x0;
	[tilespmem:s23+$0x0] =	vst v10  }
.LBB2_15:
0x1aa: {  	s25 =	sadd.s32 $0x1, s25  }
0x1ab: {  	p0 =	sne.s32 s25, $0x10  }
.Ltmp7:
0x1ac: {  	_ = 	snop;
	(pc) =	sbr.rel @!p0 .LBB2_16-.Ltmp7, $1  }
0x1ad: {  	_ =	sdelay $0x3  }
.LBB2_9:
0x1ae: {  	v11 =	vperm.xlane v10, v0;
	_ =	sdelay $0x1  }
0x1af: {  	v11 =	vmax.f32 v10, v11  }
0x1b0: {  	v12 =	vperm.xlane v11, v1;
	_ =	sdelay $0x1  }
0x1b1: {  	v11 =	vmax.f32 v11, v12  }
0x1b2: {  	v12 =	vperm.xlane v11, v2;
	_ =	sdelay $0x1  }
0x1b3: {  	v11 =	vmax.f32 v11, v12  }
0x1b4: {  	v12 =	vperm.xlane v11, v7;
	_ =	sdelay $0x1  }
0x1b5: {  	v11 =	vmax.f32 v11, v12  }
0x1b6: {  	(v2sf) =	vpush v11, $0x0;
	_ =	sdelay $0xe  }
0x1b7: {  	s26 =	spop (v2sf)  }
0x1b8: {  	p0 =	sgt.f32 s26, s24  }
.Ltmp8:
0x1b9: {  	_ = 	snop;
	(pc) =	sbr.rel @!p0 .LBB2_15-.Ltmp8, $1  }
0x1ba: {  	_ =	sdelay $0x3  }
0x1bb: {  	v11 =	vbroadcast v11, $0x0;
	_ =	sdelay $0x1  }
0x1bc: {  	vm0 =	veq.f32 v10, v11  }
0x1bd: {  	v11 =	vnsel vm0, $0x10, v8  }
0x1be: {  	v12 =	vperm.xlane v11, v4;
	_ =	sdelay $0x1  }
0x1bf: {  	vm0 =	vlt.s32 v11, v12  }
0x1c0: {  	v11 =	vsel vm0, v11, v12  }
0x1c1: {  	v12 =	vperm.xlane v11, v5;
	_ =	sdelay $0x1  }
0x1c2: {  	vm0 =	vlt.s32 v11, v12  }
0x1c3: {  	v11 =	vsel vm0, v11, v12  }
0x1c4: {  	v12 =	vperm.xlane v11, v6;
	_ =	sdelay $0x1  }
0x1c5: {  	vm0 =	vlt.s32 v11, v12  }
0x1c6: {  	v11 =	vsel vm0, v11, v12  }
0x1c7: {  	v12 =	vperm.xlane v11, v7;
	_ =	sdelay $0x1  }
0x1c8: {  	vm0 =	vlt.s32 v11, v12  }
0x1c9: {  	v11 =	vsel vm0, v11, v12  }
0x1ca: {  	(v2sf) =	vpush v11, $0x0;
	_ =	sdelay $0xe  }
0x1cb: {  	s26 =	spop (v2sf)  }
0x1cc: {  	s26 =	sadd.s32 s23, s26  }
0x1cd: {  	s26 =	sshll.u32 s26, $0xA  }
0x1ce: {  	s26 =	sadd.s32 s9, s26  }
0x1cf: {  	s26 =	sshrl.u32 s26, $0x3  }
0x1d0: {  	s26 =	sadd.s32 s2, s26  }
0x1d1: {  	[tilespmem:s15], [sflag:$0x1] =	stream.linear.gather [hbm4b:s26+s1], $0x400, $0x38;
	[tilespmem:$0xE00] =	vst v63  }
0x1d2: {  	_ =	swait.ge [sflag:s12], $0x400  }
0x1d3: {  	[sflag:s12] =	ssyncset.done $0x0  }
0x1d4: {  	[sflag:s12] =	ssyncadd.s32 $0xFFFFFC00  }
0x1d5: {  	v38 =	vld [tilespmem:s20+$0xA00];
	_ =	sdelay $0x4  }
0x1d6: {  	[tilespmem:s22+$0x380] =	vst v38;
	v13 =	vperm.xlane v38, v4  }
0x1d7: {  	v14 =	vld [tilespmem:s20+$0xA10]  }
0x1d8: {  	v12 =	vmax.f32 v38, v13  }
0x1d9: {  	v13 =	vperm.xlane v12, v5;
	_ =	sdelay $0x1  }
0x1da: {  	v12 =	vmax.f32 v12, v13  }
0x1db: {  	v13 =	vperm.xlane v12, v6;
	v15 =	vperm.xlane v14, v4;
	_ =	sdelay $0x1  }
0x1dc: {  	v12 =	vmax.f32 v12, v13;
	v39 =	vmax.f32 v14, v15  }
0x1dd: {  	v40 =	vperm.xlane v12, v7;
	v16 =	vperm.xlane v39, v5;
	_ =	sdelay $0x1  }
0x1de: {  	v12 =	vmax.f32 v12, v40;
	v13 =	vmax.f32 v39, v16  }
0x1df: {  	(v2sf) =	vpush v12, $0x0;
	v41 =	vperm.xlane v13, v6;
	_ =	sdelay $0x1  }
0x1e0: {  	v12 =	vmax.f32 v13, v41  }
0x1e1: {  	v13 =	vperm.xlane v12, v7;
	_ =	sdelay $0x1  }
0x1e2: {  	v12 =	vmax.f32 v12, v13  }
0x1e3: {  	(v2sf) =	vpush v12, $0x0;
	_ =	sdelay $0x8  }
0x1e4: {  	s29 =	spop (v2sf)  }
0x1e5: {  	p0 =	sgt.f32 s29, s24  }
0x1e6: {  	s26 =	sadd.s32 $0x10, s22  }
0x1e7: {  	s22 =	smov.u32 @p0 s26  }
0x1e8: {  	[tilespmem:s22+$0x380] =	vst v14  }
0x1e9: {  	v42 =	vld [tilespmem:s20+$0xA20]  }
0x1ea: {  	s30 =	spop (v2sf)  }
0x1eb: {  	p0 =	sgt.f32 s30, s24  }
0x1ec: {  	s26 =	sadd.s32 $0x10, s22  }
0x1ed: {  	s22 =	smov.u32 @p0 s26  }
0x1ee: {  	[tilespmem:s22+$0x380] =	vst v42;
	v43 =	vperm.xlane v42, v4  }
0x1ef: {  	v14 =	vld [tilespmem:s20+$0xA30]  }
0x1f0: {  	v12 =	vmax.f32 v42, v43  }
0x1f1: {  	v13 =	vperm.xlane v12, v5;
	_ =	sdelay $0x1  }
0x1f2: {  	v12 =	vmax.f32 v12, v13  }
0x1f3: {  	v13 =	vperm.xlane v12, v6;
	v44 =	vperm.xlane v14, v4;
	_ =	sdelay $0x1  }
0x1f4: {  	v12 =	vmax.f32 v12, v13;
	v45 =	vmax.f32 v14, v44  }
0x1f5: {  	v46 =	vperm.xlane v12, v7;
	v47 =	vperm.xlane v45, v5;
	_ =	sdelay $0x1  }
0x1f6: {  	v12 =	vmax.f32 v12, v46;
	v13 =	vmax.f32 v45, v47  }
0x1f7: {  	(v2sf) =	vpush v12, $0x0;
	v48 =	vperm.xlane v13, v6;
	_ =	sdelay $0x1  }
0x1f8: {  	v12 =	vmax.f32 v13, v48  }
0x1f9: {  	v13 =	vperm.xlane v12, v7;
	_ =	sdelay $0x1  }
0x1fa: {  	v12 =	vmax.f32 v12, v13  }
0x1fb: {  	(v2sf) =	vpush v12, $0x0;
	_ =	sdelay $0x8  }
0x1fc: {  	s31 =	spop (v2sf)  }
0x1fd: {  	p0 =	sgt.f32 s31, s24  }
0x1fe: {  	s26 =	sadd.s32 $0x10, s22  }
0x1ff: {  	s22 =	smov.u32 @p0 s26  }
0x200: {  	[tilespmem:s22+$0x380] =	vst v14  }
0x201: {  	v49 =	vld [tilespmem:s20+$0xA40]  }
0x202: {  	s28 =	spop (v2sf)  }
0x203: {  	p0 =	sgt.f32 s28, s24  }
0x204: {  	s26 =	sadd.s32 $0x10, s22  }
0x205: {  	s22 =	smov.u32 @p0 s26  }
0x206: {  	[tilespmem:s22+$0x380] =	vst v49;
	v50 =	vperm.xlane v49, v4  }
0x207: {  	v14 =	vld [tilespmem:s20+$0xA50]  }
0x208: {  	v12 =	vmax.f32 v49, v50  }
0x209: {  	v13 =	vperm.xlane v12, v5;
	_ =	sdelay $0x1  }
0x20a: {  	v12 =	vmax.f32 v12, v13  }
0x20b: {  	v13 =	vperm.xlane v12, v6;
	v51 =	vperm.xlane v14, v4;
	_ =	sdelay $0x1  }
0x20c: {  	v12 =	vmax.f32 v12, v13;
	v52 =	vmax.f32 v14, v51  }
0x20d: {  	v53 =	vperm.xlane v12, v7;
	v54 =	vperm.xlane v52, v5;
	_ =	sdelay $0x1  }
0x20e: {  	v12 =	vmax.f32 v12, v53;
	v13 =	vmax.f32 v52, v54  }
0x20f: {  	(v2sf) =	vpush v12, $0x0;
	v55 =	vperm.xlane v13, v6;
	_ =	sdelay $0x1  }
0x210: {  	v12 =	vmax.f32 v13, v55  }
0x211: {  	v13 =	vperm.xlane v12, v7;
	_ =	sdelay $0x1  }
0x212: {  	v12 =	vmax.f32 v12, v13  }
0x213: {  	(v2sf) =	vpush v12, $0x0;
	_ =	sdelay $0x8  }
0x214: {  	s29 =	spop (v2sf)  }
0x215: {  	p0 =	sgt.f32 s29, s24  }
0x216: {  	s26 =	sadd.s32 $0x10, s22  }
0x217: {  	s22 =	smov.u32 @p0 s26  }
0x218: {  	[tilespmem:s22+$0x380] =	vst v14  }
0x219: {  	v56 =	vld [tilespmem:s20+$0xA60]  }
0x21a: {  	s30 =	spop (v2sf)  }
0x21b: {  	p0 =	sgt.f32 s30, s24  }
0x21c: {  	s26 =	sadd.s32 $0x10, s22  }
0x21d: {  	s22 =	smov.u32 @p0 s26  }
0x21e: {  	[tilespmem:s22+$0x380] =	vst v56  }
0x21f: {  	v57 =	vld [tilespmem:s20+$0xA70];
	_ =	sdelay $0x2  }
0x220: {  	v58 =	vperm.xlane v56, v4;
	_ =	sdelay $0x1  }
0x221: {  	v12 =	vmax.f32 v56, v58;
	v59 =	vperm.xlane v57, v4  }
0x222: {  	v60 =	vperm.xlane v12, v5  }
0x223: {  	v14 =	vmax.f32 v57, v59  }
0x224: {  	v12 =	vmax.f32 v12, v60;
	v61 =	vperm.xlane v14, v5  }
0x225: {  	v62 =	vperm.xlane v12, v6  }
0x226: {  	v14 =	vmax.f32 v14, v61  }
0x227: {  	v12 =	vmax.f32 v12, v62;
	v15 =	vperm.xlane v14, v6  }
0x228: {  	v16 =	vperm.xlane v12, v7  }
0x229: {  	v14 =	vmax.f32 v14, v15  }
0x22a: {  	v12 =	vmax.f32 v12, v16;
	v15 =	vperm.xlane v14, v7  }
0x22b: {  	(v2sf) =	vpush v12, $0x0  }
0x22c: {  	v63 =	vmax.f32 v14, v15  }
0x22d: {  	(v2sf) =	vpush v63, $0x0;
	_ =	sdelay $0xc  }
0x22e: {  	s31 =	spop (v2sf)  }
0x22f: {  	p0 =	sgt.f32 s31, s24  }
0x230: {  	s26 =	sadd.s32 $0x10, s22;
	s28 =	spop (v2sf)  }
0x231: {  	s22 =	smov.u32 @p0 s26;
	p0 =	sgt.f32 s28, s24  }
0x232: {  	s26 =	sadd.s32 $0x10, s22  }
0x233: {  	[tilespmem:s22+$0x380] =	vst v57;
	s22 =	smov.u32 @p0 s26  }
0x234: {  	p0 =	slt.s32 s22, $0xA0  }
.Ltmp9:
0x235: {  	_ = 	snop;
	(pc) =	sbr.rel @p0 .LBB2_14-.Ltmp9, $1  }
0x236: {  	_ =	sdelay $0x3  }
0x237: {  	v12 =	vld [tilespmem:$0x500];
	_ =	sdelay $0x4  }
0x238: {  	[tilespmem:s22+$0x380] =	vst v12  }
0x239: {  	v12 =	vld [tilespmem:$0x510];
	_ =	sdelay $0x4  }
0x23a: {  	[tilespmem:s22+$0x390] =	vst v12  }
0x23b: {  	v12 =	vld [tilespmem:$0x380]  }
0x23c: {  	v13 =	vld [tilespmem:$0x390]  }
0x23d: {  	v14 =	vld [tilespmem:$0x3A0]  }
0x23e: {  	v15 =	vld [tilespmem:$0x3B0]  }
0x23f: {  	v16 =	vld [tilespmem:$0x3C0]  }
0x240: {  	v17 =	vld [tilespmem:$0x3D0]  }
0x241: {  	v18 =	vld [tilespmem:$0x3E0];
	v19 =	vmax.f32 v12, v13  }
0x242: {  	v20 =	vld [tilespmem:$0x3F0];
	v19 =	vmax.f32 v19, v14  }
0x243: {  	v21 =	vld [tilespmem:$0x400];
	v19 =	vmax.f32 v19, v15  }
0x244: {  	v22 =	vld [tilespmem:$0x410];
	v19 =	vmax.f32 v19, v16  }
0x245: {  	v23 =	vld [tilespmem:$0x420];
	v19 =	vmax.f32 v19, v17  }
0x246: {  	v24 =	vld [tilespmem:$0x430];
	v19 =	vmax.f32 v19, v18  }
0x247: {  	v25 =	vld [tilespmem:$0x440];
	v19 =	vmax.f32 v19, v20  }
0x248: {  	v26 =	vld [tilespmem:$0x450];
	v19 =	vmax.f32 v19, v21  }
0x249: {  	v30 =	vld [tilespmem:$0x460];
	v19 =	vmax.f32 v19, v22  }
0x24a: {  	v31 =	vld [tilespmem:$0x470];
	v19 =	vmax.f32 v19, v23  }
0x24b: {  	v32 =	vld [tilespmem:$0x480];
	v19 =	vmax.f32 v19, v24  }
0x24c: {  	v27 =	vld [tilespmem:$0x490];
	v19 =	vmax.f32 v19, v25  }
0x24d: {  	v29 =	vld [tilespmem:$0x4A0];
	v19 =	vmax.f32 v19, v26  }
0x24e: {  	v28 =	vld [tilespmem:$0x4B0];
	v19 =	vmax.f32 v19, v30  }
0x24f: {  	v19 =	vmax.f32 v19, v31  }
0x250: {  	v19 =	vmax.f32 v19, v32  }
0x251: {  	v19 =	vmax.f32 v19, v27  }
0x252: {  	v19 =	vmax.f32 v19, v29  }
0x253: {  	v19 =	vmax.f32 v19, v28  }
0x254: {  	v33 =	vperm.xlane v19, v4;
	_ =	sdelay $0x1  }
0x255: {  	v19 =	vmax.f32 v19, v33  }
0x256: {  	v33 =	vperm.xlane v19, v5;
	_ =	sdelay $0x1  }
0x257: {  	v19 =	vmax.f32 v19, v33  }
0x258: {  	v33 =	vperm.xlane v19, v6;
	_ =	sdelay $0x1  }
0x259: {  	v19 =	vmax.f32 v19, v33  }
0x25a: {  	v33 =	vperm.xlane v19, v7;
	_ =	sdelay $0x1  }
0x25b: {  	v19 =	vmax.f32 v19, v33  }
0x25c: {  	(v2sf) =	vpush v19, $0x0;
	_ =	sdelay $0x5  }
0x25d: {  	v33 =	vbroadcast v19, $0x0;
	_ =	sdelay $0x1  }
0x25e: {  	vm1 =	veq.f32 v12, v33;
	vm2 =	veq.f32 v13, v33  }
0x25f: {  	vm0 =	veq.f32 v28, v33;
	vm11 =	veq.f32 v14, v33;
	vm12 =	veq.f32 v15, v33  }
0x260: {  	vm13 =	veq.f32 v17, v33;
	vm14 =	veq.f32 v18, v33;
	vm15 =	veq.f32 v20, v33  }
0x261: {  	vm4 =	veq.f32 v16, v33;
	vm5 =	veq.f32 v21, v33;
	vm6 =	veq.f32 v22, v33  }
0x262: {  	vm7 =	veq.f32 v23, v33;
	vm8 =	veq.f32 v24, v33;
	vm9 =	veq.f32 v29, v33  }
0x263: {  	vm10 =	veq.f32 v25, v33;
	v19 =	vsel vm1, $0x1, v9;
	v34 =	vsel vm2, $0x1, v9  }
0x264: {  	v35 =	vsel vm11, $0x1, v9;
	v37 =	vsel vm12, $0x1, v9;
	v38 =	vsel vm13, $0x1, v9  }
0x265: {  	p0 =	por $0x0, $0x0;
	v39 =	vsel vm14, $0x1, v9;
	v40 =	vsel vm15, $0x1, v9;
	v41 =	vsel vm4, $0x1, v9;
	s29 =	spop (v2sf)  }
0x266: {  	s28 =	simm.s32 $0x0;
	v43 =	vsel vm5, $0x1, v9;
	v44 =	vsel vm6, $0x1, v9;
	v62 =	vsel vm7, $0x1, v9;
	s26 =	smov.u32 s29;
	s29 =	simm.f32 @!p0 $-Inf  }
0x267: {  	[tilespmem:s28+$0x500] =	vst @!p0 v33;
	v48 =	vsel vm8, $0x1, v9;
	v49 =	vsel vm10, $0x1, v9;
	v12 =	vsel vm1, s29, v12  }
0x268: {  	v19 =	vadd.s32 v34, v19;
	v61 =	vsel vm2, s29, v13;
	v36 =	vsel vm11, s29, v14;
	[tilespmem:$0x380] =	vst v12  }
0x269: {  	v15 =	vsel vm12, s29, v15;
	v17 =	vsel vm13, s29, v17;
	v18 =	vsel vm14, s29, v18;
	[tilespmem:$0x390] =	vst v61;
	v13 =	vld [tilespmem:$0x380]  }
0x26a: {  	v20 =	vsel vm15, s29, v20;
	v42 =	vsel vm4, s29, v16;
	v21 =	vsel vm5, s29, v21;
	[tilespmem:$0x3A0] =	vst v36;
	v14 =	vld [tilespmem:$0x390]  }
0x26b: {  	v22 =	vsel vm6, s29, v22;
	v63 =	vsel vm7, s29, v23;
	v45 =	vsel vm8, s29, v24;
	[tilespmem:$0x3B0] =	vst v15;
	v16 =	vld [tilespmem:$0x3A0]  }
0x26c: {  	v25 =	vsel vm10, s29, v25;
	vm11 =	veq.f32 v26, v33;
	v12 =	vadd.s32 v35, v19;
	[tilespmem:$0x3C0] =	vst v42;
	v15 =	vld [tilespmem:$0x3B0]  }
0x26d: {  	vm12 =	veq.f32 v30, v33;
	vm13 =	veq.f32 v31, v33;
	[tilespmem:$0x3D0] =	vst v17;
	v19 =	vadd.s32 v37, v12;
	v12 =	vld [tilespmem:$0x3C0]  }
0x26e: {  	vm14 =	veq.f32 v32, v33;
	vm15 =	veq.f32 v27, v33;
	[tilespmem:$0x3E0] =	vst v18;
	v17 =	vadd.s32 v41, v19;
	v19 =	vld [tilespmem:$0x3D0]  }
0x26f: {  	v58 =	vsel vm9, s29, v29;
	[tilespmem:$0x3F0] =	vst v20;
	v18 =	vld [tilespmem:$0x3E0];
	v17 =	vadd.s32 v38, v17;
	v23 =	vmax.f32 v13, v14  }
0x270: {  	v50 =	vsel vm11, $0x1, v9;
	[tilespmem:$0x400] =	vst v21;
	v24 =	vld [tilespmem:$0x3F0];
	v21 =	vadd.s32 v39, v17;
	v20 =	vmax.f32 v23, v16  }
0x271: {  	v26 =	vsel vm11, s29, v26;
	[tilespmem:$0x410] =	vst v22;
	v17 =	vld [tilespmem:$0x400];
	v21 =	vadd.s32 v40, v21;
	v20 =	vmax.f32 v20, v15  }
0x272: {  	v51 =	vsel vm12, $0x1, v9;
	[tilespmem:$0x420] =	vst v63;
	v22 =	vadd.s32 v43, v21;
	v23 =	vld [tilespmem:$0x410];
	v20 =	vmax.f32 v20, v12  }
0x273: {  	v30 =	vsel vm12, s29, v30;
	[tilespmem:$0x430] =	vst v45;
	v21 =	vld [tilespmem:$0x420];
	v53 =	vadd.s32 v44, v22;
	v20 =	vmax.f32 v20, v19  }
0x274: {  	v52 =	vsel vm13, $0x1, v9;
	[tilespmem:$0x440] =	vst v25;
	v22 =	vld [tilespmem:$0x430];
	v25 =	vadd.s32 v62, v53;
	v54 =	vmax.f32 v20, v18  }
0x275: {  	v31 =	vsel vm13, s29, v31;
	[tilespmem:$0x450] =	vst v26;
	v26 =	vadd.s32 v48, v25;
	v20 =	vld [tilespmem:$0x440];
	v56 =	vmax.f32 v54, v24  }
0x276: {  	v55 =	vsel vm14, $0x1, v9;
	[tilespmem:$0x460] =	vst v30;
	v25 =	vld [tilespmem:$0x450];
	v30 =	vadd.s32 v49, v26;
	v34 =	vmax.f32 v56, v17  }
0x277: {  	v32 =	vsel vm14, s29, v32;
	[tilespmem:$0x470] =	vst v31;
	v26 =	vld [tilespmem:$0x460];
	v30 =	vadd.s32 v50, v30;
	v57 =	vmax.f32 v34, v23  }
0x278: {  	v31 =	vsel vm15, s29, v27;
	[tilespmem:$0x480] =	vst v32;
	v27 =	vld [tilespmem:$0x470];
	v30 =	vadd.s32 v51, v30;
	v33 =	vmax.f32 v57, v21  }
0x279: {  	v59 =	vsel vm15, $0x1, v9;
	v29 =	vld [tilespmem:$0x480];
	[tilespmem:$0x490] =	vst v31;
	v30 =	vadd.s32 v52, v30;
	v33 =	vmax.f32 v33, v22  }
0x27a: {  	[tilespmem:$0x4A0] =	vst v58;
	v31 =	vsel vm0, s29, v28;
	v28 =	vld [tilespmem:$0x490];
	v60 =	vadd.s32 v55, v30;
	v33 =	vmax.f32 v33, v20  }
0x27b: {  	v61 =	vsel vm9, $0x1, v9;
	[tilespmem:$0x4B0] =	vst v31;
	v30 =	vld [tilespmem:$0x4A0];
	v32 =	vadd.s32 v59, v60;
	v33 =	vmax.f32 v33, v25  }
0x27c: {  	v31 =	vld [tilespmem:$0x4B0];
	v62 =	vsel vm0, $0x1, v9;
	v32 =	vadd.s32 v61, v32;
	v33 =	vmax.f32 v33, v26  }
0x27d: {  	v32 =	vadd.s32 v62, v32;
	v33 =	vmax.f32 v33, v27  }
0x27e: {  	v34 =	vperm.xlane v32, v4;
	v33 =	vmax.f32 v33, v29  }
0x27f: {  	v33 =	vmax.f32 v33, v28  }
0x280: {  	v32 =	vadd.s32 v34, v32;
	v33 =	vmax.f32 v33, v30  }
0x281: {  	v34 =	vperm.xlane v32, v5;
	v33 =	vmax.f32 v33, v31  }
0x282: {  	v63 =	vperm.xlane v33, v4  }
0x283: {  	v32 =	vadd.s32 v34, v32  }
0x284: {  	v34 =	vperm.xlane v32, v6;
	v33 =	vmax.f32 v33, v63  }
0x285: {  	v35 =	vperm.xlane v33, v5  }
0x286: {  	v32 =	vadd.s32 v34, v32  }
0x287: {  	v34 =	vperm.xlane v32, v7;
	v33 =	vmax.f32 v33, v35  }
0x288: {  	v35 =	vperm.xlane v33, v6  }
0x289: {  	v34 =	vadd.s32 v34, v32  }
0x28a: {  	(v2sf) =	vpush v34, $0x0;
	v32 =	vmax.f32 v33, v35  }
0x28b: {  	s30 =	simm.s32 $0x17;
	s26 =	smov.u32 @p0 s24;
	s29 =	simm.s32 $0x19;
	v33 =	vperm.xlane v32, v7  }
.LBB2_12:
0x28c: {  	_ = 	snop  }
0x28d: {  	v32 =	vmax.f32 v32, v33  }
0x28e: {  	(v2sf) =	vpush v32, $0x0;
	_ =	sdelay $0x2  }
0x28f: {  	v60 =	vimm.s32 $0x0;
	v61 =	vimm.s32 $0x0;
	v33 =	vbroadcast v32, $0x0  }
0x290: {  	v62 =	vimm.s32 $0x0;
	v47 =	vimm.s32 $0x0;
	v36 =	vimm.s32 $0x0  }
0x291: {  	vm1 =	veq.f32 v13, v33;
	vm2 =	veq.f32 v14, v33;
	vm0 =	veq.f32 v31, v33  }
0x292: {  	vm7 =	veq.f32 v16, v33;
	vm5 =	veq.f32 v30, v33;
	vm8 =	veq.f32 v15, v33  }
0x293: {  	vm9 =	veq.f32 v19, v33;
	vm6 =	veq.f32 v12, v33;
	vm10 =	veq.f32 v18, v33  }
0x294: {  	vm11 =	veq.f32 v28, v33;
	vm12 =	veq.f32 v24, v33;
	vm14 =	veq.f32 v23, v33  }
0x295: {  	vm13 =	veq.f32 v21, v33;
	vm4 =	veq.f32 v22, v33;
	v32 =	vsel vm1, $0xFFFFFFFF, v60  }
0x296: {  	vm15 =	veq.f32 v20, v33;
	vm3 =	veq.f32 v26, v33;
	v34 =	vsel vm1, $0x1, v9;
	[tilespmem:$0x1FF60] =	vst v32  }
0x297: {  	s24 =	smov.u32 s26;
	v35 =	vsel vm2, $0x1, v9;
	v63 =	vsel vm0, $0x1, v9;
	v48 =	vsel vm5, $0x1, v9;
	s26 =	spop (v2sf);
	v56 =	vld [tilespmem:$0x1FF60]  }
0x298: {  	v36 =	vsel vm11, $0xFFFFFFFF, v36;
	v49 =	vsel vm9, $0x1, v9;
	v37 =	vsel vm11, $0x1, v9;
	s31 =	sadd.s32 s28, s26  }
0x299: {  	v38 =	vsel vm10, $0x1, v9;
	vm11 =	veq.f32 v17, v33;
	v32 =	vsel vm2, $0xFFFFFFFF, v61;
	[tilespmem:$0x1FF80] =	vst v36;
	s26 =	simm.s32 @p0 $0x0;
	p2 =	slt.s32 s31, $0x19  }
0x29a: {  	v39 =	vsel vm7, $0x1, v9;
	v34 =	vadd.s32 v35, v34;
	v35 =	vsel vm5, $0xFFFFFFFF, v47;
	[tilespmem:$0x1FF70] =	vst v32;
	p0 =	sgt.s32 s29, $0x0;
	s29 =	ssub.s32 s29, s26;
	s31 =	simm.s32 @!p2 $0x19  }
0x29b: {  	v40 =	vsel vm12, $0x1, v9;
	v41 =	vsel vm6, $0x1, v9;
	v32 =	vsel vm0, $0xFFFFFFFF, v62;
	[tilespmem:$0x1FF90] =	vst v35;
	v57 =	vld [tilespmem:$0x1FF70];
	s28 =	smov.u32 @p0 s31;
	p0 =	slt.s32 s29, $0x1;
	s31 =	spop (v2sf)  }
0x29c: {  	v42 =	vsel vm14, $0x1, v9;
	v43 =	vsel vm8, $0x1, v9;
	[tilespmem:$0x1FFA0] =	vst v32;
	vm5 =	vnez.u8 v56;
	s26 =	smov.u32 s31;
	s31 =	simm.f32 @!p0 $-Inf  }
0x29d: {  	v44 =	vsel vm13, $0x1, v9;
	v34 =	vadd.s32 v39, v34;
	[tilespmem:s28+$0x500] =	vst @!p0 v33;
	v13 =	vsel vm5, s31, v13  }
0x29e: {  	v51 =	vsel vm4, $0x1, v9;
	v34 =	vadd.s32 v43, v34;
	v17 =	vsel vm11, s31, v17;
	[tilespmem:$0x380] =	vst v13  }
0x29f: {  	vm1 =	veq.f32 v27, v33;
	v34 =	vadd.s32 v41, v34;
	v23 =	vsel vm14, s31, v23;
	[tilespmem:$0x400] =	vst v17;
	v17 =	vld [tilespmem:$0x1FF80]  }
0x2a0: {  	v34 =	vadd.s32 v49, v34;
	vm5 =	vnez.u8 v57;
	v21 =	vsel vm13, s31, v21;
	[tilespmem:$0x410] =	vst v23;
	v23 =	vld [tilespmem:$0x1FF90]  }
0x2a1: {  	v50 =	vsel vm11, $0x1, v9;
	v34 =	vadd.s32 v38, v34;
	v14 =	vsel vm5, s31, v14;
	[tilespmem:$0x420] =	vst v21;
	v21 =	vld [tilespmem:$0x1FFA0]  }
0x2a2: {  	vm2 =	veq.f32 v25, v33;
	v55 =	vadd.s32 v40, v34;
	v16 =	vsel vm7, s31, v16;
	v13 =	vld [tilespmem:$0x380];
	[tilespmem:$0x390] =	vst v14  }
0x2a3: {  	vm0 =	veq.f32 v29, v33;
	v33 =	vadd.s32 v50, v55;
	v15 =	vsel vm8, s31, v15;
	[tilespmem:$0x3A0] =	vst v16;
	v14 =	vld [tilespmem:$0x390]  }
0x2a4: {  	v52 =	vsel vm15, $0x1, v9;
	v33 =	vadd.s32 v42, v33;
	v12 =	vsel vm6, s31, v12;
	[tilespmem:$0x3B0] =	vst v15;
	v16 =	vld [tilespmem:$0x3A0]  }
0x2a5: {  	v54 =	vsel vm3, $0x1, v9;
	v33 =	vadd.s32 v44, v33;
	v19 =	vsel vm9, s31, v19;
	[tilespmem:$0x3C0] =	vst v12;
	v15 =	vld [tilespmem:$0x3B0]  }
0x2a6: {  	v45 =	vsel vm1, $0x1, v9;
	v33 =	vadd.s32 v51, v33;
	v18 =	vsel vm10, s31, v18;
	[tilespmem:$0x3D0] =	vst v19;
	v12 =	vld [tilespmem:$0x3C0]  }
0x2a7: {  	v53 =	vsel vm2, $0x1, v9;
	v33 =	vadd.s32 v52, v33;
	v24 =	vsel vm12, s31, v24;
	[tilespmem:$0x3E0] =	vst v18;
	v19 =	vld [tilespmem:$0x3D0]  }
0x2a8: {  	v58 =	vsel vm0, $0x1, v9;
	v33 =	vadd.s32 v53, v33;
	[tilespmem:$0x3F0] =	vst v24;
	v18 =	vld [tilespmem:$0x3E0];
	v59 =	vmax.f32 v13, v14  }
0x2a9: {  	v22 =	vsel vm4, s31, v22;
	v20 =	vsel vm15, s31, v20;
	v24 =	vld [tilespmem:$0x3F0];
	v36 =	vmax.f32 v59, v16  }
0x2aa: {  	v33 =	vadd.s32 v54, v33;
	vm13 =	vnez.u8 v17;
	v17 =	vld [tilespmem:$0x400];
	v36 =	vmax.f32 v36, v15  }
0x2ab: {  	v33 =	vadd.s32 v45, v33;
	vm14 =	vnez.u8 v23;
	v23 =	vld [tilespmem:$0x410];
	v60 =	vmax.f32 v36, v12  }
0x2ac: {  	[tilespmem:$0x430] =	vst v22;
	v33 =	vadd.s32 v58, v33;
	vm15 =	vnez.u8 v21;
	v21 =	vld [tilespmem:$0x420];
	v34 =	vmax.f32 v60, v19  }
0x2ad: {  	v25 =	vsel vm2, s31, v25;
	[tilespmem:$0x440] =	vst v20;
	v22 =	vld [tilespmem:$0x430];
	v33 =	vadd.s32 v37, v33;
	v34 =	vmax.f32 v34, v18  }
0x2ae: {  	v26 =	vsel vm3, s31, v26;
	[tilespmem:$0x450] =	vst v25;
	v20 =	vld [tilespmem:$0x440];
	v33 =	vadd.s32 v48, v33;
	v61 =	vmax.f32 v34, v24  }
0x2af: {  	v27 =	vsel vm1, s31, v27;
	[tilespmem:$0x460] =	vst v26;
	v25 =	vld [tilespmem:$0x450];
	v32 =	vadd.s32 v63, v33;
	v33 =	vmax.f32 v61, v17  }
0x2b0: {  	v29 =	vsel vm0, s31, v29;
	[tilespmem:$0x470] =	vst v27;
	v26 =	vld [tilespmem:$0x460];
	v33 =	vmax.f32 v33, v23  }
0x2b1: {  	[tilespmem:$0x480] =	vst v29;
	v27 =	vld [tilespmem:$0x470];
	v62 =	vperm.xlane v32, v4;
	v28 =	vsel vm13, s31, v28;
	v33 =	vmax.f32 v33, v21  }
0x2b2: {  	v29 =	vld [tilespmem:$0x480];
	v30 =	vsel vm14, s31, v30;
	[tilespmem:$0x490] =	vst v28;
	v33 =	vmax.f32 v33, v22  }
0x2b3: {  	v31 =	vsel vm15, s31, v31;
	v32 =	vadd.s32 v62, v32;
	[tilespmem:$0x4A0] =	vst v30;
	v28 =	vld [tilespmem:$0x490];
	v33 =	vmax.f32 v33, v20  }
0x2b4: {  	[tilespmem:$0x4B0] =	vst v31;
	v30 =	vld [tilespmem:$0x4A0];
	v34 =	vperm.xlane v32, v5;
	v33 =	vmax.f32 v33, v25  }
0x2b5: {  	v31 =	vld [tilespmem:$0x4B0];
	v33 =	vmax.f32 v33, v26  }
0x2b6: {  	v32 =	vadd.s32 v34, v32;
	v33 =	vmax.f32 v33, v27  }
0x2b7: {  	v34 =	vperm.xlane v32, v6;
	v33 =	vmax.f32 v33, v29  }
0x2b8: {  	v33 =	vmax.f32 v33, v28  }
0x2b9: {  	v32 =	vadd.s32 v34, v32;
	v33 =	vmax.f32 v33, v30  }
0x2ba: {  	v34 =	vperm.xlane v32, v7;
	v33 =	vmax.f32 v33, v31  }
0x2bb: {  	v63 =	vperm.xlane v33, v4  }
0x2bc: {  	v32 =	vadd.s32 v34, v32  }
0x2bd: {  	(v2sf) =	vpush v32, $0x0;
	v32 =	vmax.f32 v33, v63  }
0x2be: {  	s30 =	sadd.s32 $0xFFFFFFFF, s30;
	v33 =	vperm.xlane v32, v5  }
0x2bf: {  	p1 =	sne.s32 s30, $0x0  }
.Ltmp10:
0x2c0: {  	v32 =	vmax.f32 v32, v33;
	(pc) =	sbr.rel @p1 .LBB2_12-.Ltmp10, $3  }
0x2c1: {  	v33 =	vperm.xlane v32, v6;
	_ =	sdelay $0x1  }
0x2c2: {  	v32 =	vmax.f32 v32, v33  }
0x2c3: {  	s26 =	smov.u32 @p0 s24;
	v33 =	vperm.xlane v32, v7  }
0x2c4: {  	_ = 	snop  }
0x2c5: {  	v32 =	vmax.f32 v32, v33  }
0x2c6: {  	(v2sf) =	vpush v32, $0x0;
	_ =	sdelay $0x2  }
0x2c7: {  	v32 =	vbroadcast v32, $0x0;
	_ =	sdelay $0x1  }
0x2c8: {  	vm1 =	veq.f32 v13, v32;
	vm3 =	veq.f32 v14, v32  }
0x2c9: {  	vm4 =	veq.f32 v16, v32;
	vm0 =	veq.f32 v30, v32;
	vm5 =	veq.f32 v15, v32  }
0x2ca: {  	vm6 =	veq.f32 v19, v32;
	vm2 =	veq.f32 v12, v32;
	vm7 =	veq.f32 v18, v32  }
0x2cb: {  	vm8 =	veq.f32 v24, v32;
	vm13 =	veq.f32 v17, v32;
	vm9 =	veq.f32 v23, v32  }
0x2cc: {  	vm14 =	veq.f32 v21, v32;
	vm15 =	veq.f32 v22, v32;
	vm10 =	veq.f32 v20, v32  }
0x2cd: {  	vm11 =	veq.f32 v25, v32;
	v58 =	vsel vm1, $0x1, v9;
	v34 =	vsel vm3, $0x1, v9  }
0x2ce: {  	vm12 =	veq.f32 v26, v32;
	v36 =	vsel vm4, $0x1, v9;
	v33 =	vadd.s32 v34, v58;
	s24 =	spop (v2sf)  }
0x2cf: {  	v59 =	vsel vm6, $0x1, v9;
	v60 =	vsel vm5, $0x1, v9;
	v33 =	vadd.s32 v36, v33;
	s31 =	sadd.s32 s28, s24  }
0x2d0: {  	v35 =	vsel vm7, $0x1, v9;
	v38 =	vsel vm2, $0x1, v9;
	s24 =	simm.s32 @p0 $0x0;
	v33 =	vadd.s32 v60, v33;
	p1 =	slt.s32 s31, $0x19  }
0x2d1: {  	p2 =	sgt.s32 s29, $0x0;
	v37 =	vsel vm8, $0x1, v9;
	v61 =	vsel vm13, $0x1, v9;
	s24 =	ssub.s32 s29, s24;
	v33 =	vadd.s32 v38, v33;
	s31 =	simm.s32 @!p1 $0x19  }
0x2d2: {  	v62 =	vsel vm9, $0x1, v9;
	v63 =	vsel vm14, $0x1, v9;
	p0 =	slt.s32 s24, $0x1;
	v33 =	vadd.s32 v59, v33;
	s28 =	smov.u32 @p2 s31;
	s30 =	spop (v2sf)  }
0x2d3: {  	v40 =	vsel vm15, $0x1, v9;
	v41 =	vsel vm10, $0x1, v9;
	v33 =	vadd.s32 v35, v33;
	[tilespmem:s28+$0x500] =	vst @!p0 v32;
	s24 =	smov.u32 s30;
	s30 =	simm.f32 @!p0 $-Inf  }
0x2d4: {  	v43 =	vsel vm11, $0x1, v9;
	v33 =	vadd.s32 v37, v33;
	[tilespmem:$0x519] =	vst v3;
	v13 =	vsel vm1, s30, v13  }
0x2d5: {  	v45 =	vsel vm12, $0x1, v9;
	v39 =	vadd.s32 v61, v33;
	v14 =	vsel vm3, s30, v14;
	[tilespmem:$0x380] =	vst v13  }
0x2d6: {  	v16 =	vsel vm4, s30, v16;
	v38 =	vsel vm8, s30, v24;
	v24 =	vadd.s32 v62, v39;
	[tilespmem:$0x390] =	vst v14  }
0x2d7: {  	v51 =	vsel vm0, $0x1, v9;
	v15 =	vsel vm5, s30, v15;
	[tilespmem:$0x3A0] =	vst v16;
	v24 =	vadd.s32 v63, v24  }
0x2d8: {  	vm1 =	veq.f32 v29, v32;
	v12 =	vsel vm2, s30, v12;
	[tilespmem:$0x3B0] =	vst v15;
	v14 =	vadd.s32 v40, v24  }
0x2d9: {  	v19 =	vsel vm6, s30, v19;
	v18 =	vsel vm7, s30, v18;
	[tilespmem:$0x3C0] =	vst v12;
	v14 =	vadd.s32 v41, v14  }
0x2da: {  	v42 =	vsel vm13, s30, v17;
	vm13 =	veq.f32 v27, v32;
	[tilespmem:$0x3D0] =	vst v19;
	v12 =	vadd.s32 v43, v14  }
0x2db: {  	v47 =	vsel vm14, s30, v21;
	[tilespmem:$0x3E0] =	vst v18;
	v46 =	vsel vm13, $0x1, v9;
	v12 =	vadd.s32 v45, v12  }
0x2dc: {  	vm14 =	veq.f32 v28, v32;
	[tilespmem:$0x3F0] =	vst v38;
	v48 =	vsel vm1, $0x1, v9;
	v12 =	vadd.s32 v46, v12  }
0x2dd: {  	v44 =	vsel vm9, s30, v23;
	[tilespmem:$0x400] =	vst v42;
	v49 =	vsel vm14, $0x1, v9;
	v12 =	vadd.s32 v48, v12  }
0x2de: {  	v50 =	vsel vm15, s30, v22;
	vm15 =	veq.f32 v31, v32;
	[tilespmem:$0x410] =	vst v44;
	v12 =	vadd.s32 v49, v12  }
0x2df: {  	[tilespmem:$0x420] =	vst v47;
	v53 =	vsel vm15, $0x1, v9;
	v12 =	vadd.s32 v51, v12  }
0x2e0: {  	v52 =	vsel vm10, s30, v20;
	[tilespmem:$0x430] =	vst v50;
	v12 =	vadd.s32 v53, v12  }
0x2e1: {  	v54 =	vsel vm11, s30, v25;
	[tilespmem:$0x440] =	vst v52;
	v56 =	vperm.xlane v12, v4  }
0x2e2: {  	v55 =	vsel vm12, s30, v26;
	[tilespmem:$0x450] =	vst v54  }
0x2e3: {  	v60 =	vsel vm0, s30, v30;
	[tilespmem:$0x460] =	vst v55;
	v12 =	vadd.s32 v56, v12  }
0x2e4: {  	v57 =	vsel vm13, s30, v27;
	[tilespmem:$0x4A0] =	vst v60;
	v15 =	vperm.xlane v12, v5  }
0x2e5: {  	v58 =	vsel vm1, s30, v29;
	[tilespmem:$0x470] =	vst v57  }
0x2e6: {  	v59 =	vsel vm14, s30, v28;
	[tilespmem:$0x480] =	vst v58;
	v12 =	vadd.s32 v15, v12  }
0x2e7: {  	v61 =	vsel vm15, s30, v31;
	[tilespmem:$0x490] =	vst v59;
	v62 =	vperm.xlane v12, v6  }
0x2e8: {  	[tilespmem:$0x4B0] =	vst v61  }
0x2e9: {  	[tilespmem:$0x380] =	vst v3;
	v12 =	vadd.s32 v62, v12  }
0x2ea: {  	[tilespmem:$0x390] =	vst v3;
	v63 =	vperm.xlane v12, v7  }
0x2eb: {  	[tilespmem:$0x3A0] =	vst v3  }
0x2ec: {  	[tilespmem:$0x3B0] =	vst v3;
	v12 =	vadd.s32 v63, v12  }
0x2ed: {  	[tilespmem:$0x3C0] =	vst v3;
	(v2sf) =	vpush v12, $0x0  }
0x2ee: {  	[tilespmem:$0x3D0] =	vst v3  }
0x2ef: {  	[tilespmem:$0x3E0] =	vst v3  }
0x2f0: {  	[tilespmem:$0x3F0] =	vst v3  }
0x2f1: {  	[tilespmem:$0x400] =	vst v3  }
0x2f2: {  	[tilespmem:$0x410] =	vst v3  }
0x2f3: {  	[tilespmem:$0x420] =	vst v3  }
0x2f4: {  	[tilespmem:$0x430] =	vst v3  }
0x2f5: {  	[tilespmem:$0x440] =	vst v3  }
0x2f6: {  	[tilespmem:$0x450] =	vst v3  }
0x2f7: {  	[tilespmem:$0x460] =	vst v3  }
.Ltmp11:
0x2f8: {  	[tilespmem:$0x4A0] =	vst v3;
	(pc) =	sbr.rel .LBB2_14-.Ltmp11, $4  }
0x2f9: {  	[tilespmem:$0x470] =	vst v3  }
0x2fa: {  	[tilespmem:$0x480] =	vst v3  }
0x2fb: {  	[tilespmem:$0x490] =	vst v3  }
0x2fc: {  	s24 =	smov.u32 @p0 s26;
	[tilespmem:$0x4B0] =	vst v3;
	s31 =	spop (v2sf)  }
.LBB2_17:
0x2fd: {  	v10 =	vld [tilespmem:$0x500];
	_ =	sdelay $0x4  }
0x2fe: {  	[tilespmem:s22+$0x380] =	vst v10  }
0x2ff: {  	v10 =	vld [tilespmem:$0x510];
	_ =	sdelay $0x4  }
0x300: {  	[tilespmem:s22+$0x390] =	vst v10  }
0x301: {  	v10 =	vld [tilespmem:$0x380]  }
0x302: {  	v11 =	vld [tilespmem:$0x390]  }
0x303: {  	v12 =	vld [tilespmem:$0x3A0]  }
0x304: {  	v13 =	vld [tilespmem:$0x3B0]  }
0x305: {  	v14 =	vld [tilespmem:$0x3C0]  }
0x306: {  	v15 =	vld [tilespmem:$0x3D0]  }
0x307: {  	v16 =	vld [tilespmem:$0x3E0];
	v17 =	vmax.f32 v10, v11  }
0x308: {  	v18 =	vld [tilespmem:$0x3F0];
	v17 =	vmax.f32 v17, v12  }
0x309: {  	v19 =	vld [tilespmem:$0x400];
	v17 =	vmax.f32 v17, v13  }
0x30a: {  	v20 =	vld [tilespmem:$0x410];
	v17 =	vmax.f32 v17, v14  }
0x30b: {  	v21 =	vld [tilespmem:$0x420];
	v17 =	vmax.f32 v17, v15  }
0x30c: {  	v22 =	vld [tilespmem:$0x430];
	v17 =	vmax.f32 v17, v16  }
0x30d: {  	v23 =	vld [tilespmem:$0x440];
	v17 =	vmax.f32 v17, v18  }
0x30e: {  	v24 =	vld [tilespmem:$0x450];
	v17 =	vmax.f32 v17, v19  }
0x30f: {  	v28 =	vld [tilespmem:$0x460];
	v17 =	vmax.f32 v17, v20  }
0x310: {  	v29 =	vld [tilespmem:$0x470];
	v17 =	vmax.f32 v17, v21  }
0x311: {  	v30 =	vld [tilespmem:$0x480];
	v17 =	vmax.f32 v17, v22  }
0x312: {  	v25 =	vld [tilespmem:$0x490];
	v17 =	vmax.f32 v17, v23  }
0x313: {  	v27 =	vld [tilespmem:$0x4A0];
	v17 =	vmax.f32 v17, v24  }
0x314: {  	v26 =	vld [tilespmem:$0x4B0];
	v17 =	vmax.f32 v17, v28  }
0x315: {  	v17 =	vmax.f32 v17, v29  }
0x316: {  	v17 =	vmax.f32 v17, v30  }
0x317: {  	v17 =	vmax.f32 v17, v25  }
0x318: {  	v17 =	vmax.f32 v17, v27  }
0x319: {  	v17 =	vmax.f32 v17, v26  }
0x31a: {  	v31 =	vperm.xlane v17, v4;
	_ =	sdelay $0x1  }
0x31b: {  	v17 =	vmax.f32 v17, v31  }
0x31c: {  	v31 =	vperm.xlane v17, v5;
	_ =	sdelay $0x1  }
0x31d: {  	v17 =	vmax.f32 v17, v31  }
0x31e: {  	v31 =	vperm.xlane v17, v6;
	_ =	sdelay $0x1  }
0x31f: {  	v17 =	vmax.f32 v17, v31  }
0x320: {  	v31 =	vperm.xlane v17, v7;
	_ =	sdelay $0x1  }
0x321: {  	v17 =	vmax.f32 v17, v31  }
0x322: {  	(v2sf) =	vpush v17, $0x0;
	_ =	sdelay $0x5  }
0x323: {  	v31 =	vbroadcast v17, $0x0;
	_ =	sdelay $0x1  }
0x324: {  	vm1 =	veq.f32 v10, v31;
	vm2 =	veq.f32 v11, v31  }
0x325: {  	vm0 =	veq.f32 v26, v31;
	vm11 =	veq.f32 v12, v31;
	vm12 =	veq.f32 v13, v31  }
0x326: {  	vm13 =	veq.f32 v15, v31;
	vm14 =	veq.f32 v16, v31;
	vm15 =	veq.f32 v18, v31  }
0x327: {  	vm4 =	veq.f32 v14, v31;
	vm5 =	veq.f32 v19, v31;
	vm6 =	veq.f32 v20, v31  }
0x328: {  	vm7 =	veq.f32 v21, v31;
	vm8 =	veq.f32 v22, v31;
	vm9 =	veq.f32 v27, v31  }
0x329: {  	vm10 =	veq.f32 v23, v31;
	v17 =	vsel vm1, $0x1, v9;
	v32 =	vsel vm2, $0x1, v9  }
0x32a: {  	v33 =	vsel vm11, $0x1, v9;
	v35 =	vsel vm12, $0x1, v9;
	v36 =	vsel vm13, $0x1, v9  }
0x32b: {  	p0 =	por $0x0, $0x0;
	v37 =	vsel vm14, $0x1, v9;
	v38 =	vsel vm15, $0x1, v9;
	v39 =	vsel vm4, $0x1, v9;
	s21 =	spop (v2sf)  }
0x32c: {  	s20 =	simm.s32 $0x0;
	v41 =	vsel vm5, $0x1, v9;
	v42 =	vsel vm6, $0x1, v9;
	v49 =	vsel vm7, $0x1, v9;
	s21 =	simm.f32 @!p0 $-Inf  }
0x32d: {  	[tilespmem:s20+$0x500] =	vst @!p0 v31;
	v51 =	vsel vm8, $0x1, v9;
	v52 =	vsel vm10, $0x1, v9;
	v10 =	vsel vm1, s21, v10  }
0x32e: {  	v17 =	vadd.s32 v32, v17;
	v48 =	vsel vm2, s21, v11;
	v34 =	vsel vm11, s21, v12;
	[tilespmem:$0x380] =	vst v10  }
0x32f: {  	v13 =	vsel vm12, s21, v13;
	v15 =	vsel vm13, s21, v15;
	v16 =	vsel vm14, s21, v16;
	[tilespmem:$0x390] =	vst v48;
	v11 =	vld [tilespmem:$0x380]  }
0x330: {  	v18 =	vsel vm15, s21, v18;
	v40 =	vsel vm4, s21, v14;
	v19 =	vsel vm5, s21, v19;
	[tilespmem:$0x3A0] =	vst v34;
	v12 =	vld [tilespmem:$0x390]  }
0x331: {  	v20 =	vsel vm6, s21, v20;
	v50 =	vsel vm7, s21, v21;
	v43 =	vsel vm8, s21, v22;
	[tilespmem:$0x3B0] =	vst v13;
	v14 =	vld [tilespmem:$0x3A0]  }
0x332: {  	v23 =	vsel vm10, s21, v23;
	vm11 =	veq.f32 v24, v31;
	v10 =	vadd.s32 v33, v17;
	[tilespmem:$0x3C0] =	vst v40;
	v13 =	vld [tilespmem:$0x3B0]  }
0x333: {  	vm12 =	veq.f32 v28, v31;
	vm13 =	veq.f32 v29, v31;
	[tilespmem:$0x3D0] =	vst v15;
	v17 =	vadd.s32 v35, v10;
	v10 =	vld [tilespmem:$0x3C0]  }
0x334: {  	vm14 =	veq.f32 v30, v31;
	vm15 =	veq.f32 v25, v31;
	[tilespmem:$0x3E0] =	vst v16;
	v15 =	vadd.s32 v39, v17;
	v17 =	vld [tilespmem:$0x3D0]  }
0x335: {  	v53 =	vsel vm11, $0x1, v9;
	[tilespmem:$0x3F0] =	vst v18;
	v16 =	vld [tilespmem:$0x3E0];
	v15 =	vadd.s32 v36, v15;
	v21 =	vmax.f32 v11, v12  }
0x336: {  	v24 =	vsel vm11, s21, v24;
	[tilespmem:$0x400] =	vst v19;
	v22 =	vld [tilespmem:$0x3F0];
	v19 =	vadd.s32 v37, v15;
	v18 =	vmax.f32 v21, v14  }
0x337: {  	v54 =	vsel vm12, $0x1, v9;
	[tilespmem:$0x410] =	vst v20;
	v15 =	vld [tilespmem:$0x400];
	v19 =	vadd.s32 v38, v19;
	v18 =	vmax.f32 v18, v13  }
0x338: {  	v28 =	vsel vm12, s21, v28;
	[tilespmem:$0x420] =	vst v50;
	v20 =	vadd.s32 v41, v19;
	v21 =	vld [tilespmem:$0x410];
	v18 =	vmax.f32 v18, v10  }
0x339: {  	v55 =	vsel vm13, $0x1, v9;
	[tilespmem:$0x430] =	vst v43;
	v19 =	vld [tilespmem:$0x420];
	v56 =	vadd.s32 v42, v20;
	v18 =	vmax.f32 v18, v17  }
0x33a: {  	v29 =	vsel vm13, s21, v29;
	[tilespmem:$0x440] =	vst v23;
	v20 =	vld [tilespmem:$0x430];
	v23 =	vadd.s32 v49, v56;
	v57 =	vmax.f32 v18, v16  }
0x33b: {  	v58 =	vsel vm14, $0x1, v9;
	[tilespmem:$0x450] =	vst v24;
	v24 =	vadd.s32 v51, v23;
	v18 =	vld [tilespmem:$0x440];
	v59 =	vmax.f32 v57, v22  }
0x33c: {  	v30 =	vsel vm14, s21, v30;
	[tilespmem:$0x460] =	vst v28;
	v23 =	vld [tilespmem:$0x450];
	v28 =	vadd.s32 v52, v24;
	v32 =	vmax.f32 v59, v15  }
0x33d: {  	[tilespmem:$0x470] =	vst v29;
	v29 =	vsel vm15, s21, v25;
	v24 =	vld [tilespmem:$0x460];
	v28 =	vadd.s32 v53, v28;
	v31 =	vmax.f32 v32, v21  }
0x33e: {  	[tilespmem:$0x480] =	vst v30;
	v30 =	vsel vm9, s21, v27;
	v25 =	vld [tilespmem:$0x470];
	v28 =	vadd.s32 v54, v28;
	v31 =	vmax.f32 v31, v19  }
0x33f: {  	v27 =	vld [tilespmem:$0x480];
	[tilespmem:$0x490] =	vst v29;
	v29 =	vsel vm0, s21, v26;
	v28 =	vadd.s32 v55, v28;
	v31 =	vmax.f32 v31, v20  }
0x340: {  	[tilespmem:$0x4A0] =	vst v30;
	v30 =	vsel vm15, $0x1, v9;
	v26 =	vld [tilespmem:$0x490];
	v60 =	vadd.s32 v58, v28;
	v31 =	vmax.f32 v31, v18  }
0x341: {  	v61 =	vsel vm9, $0x1, v9;
	[tilespmem:$0x4B0] =	vst v29;
	v28 =	vld [tilespmem:$0x4A0];
	v30 =	vadd.s32 v30, v60;
	v31 =	vmax.f32 v31, v23  }
0x342: {  	v62 =	vsel vm0, $0x1, v9;
	v29 =	vld [tilespmem:$0x4B0];
	v30 =	vadd.s32 v61, v30;
	v31 =	vmax.f32 v31, v24  }
0x343: {  	v30 =	vadd.s32 v62, v30;
	v31 =	vmax.f32 v31, v25  }
0x344: {  	v32 =	vperm.xlane v30, v4;
	v31 =	vmax.f32 v31, v27  }
0x345: {  	v31 =	vmax.f32 v31, v26  }
0x346: {  	v30 =	vadd.s32 v32, v30;
	v31 =	vmax.f32 v31, v28  }
0x347: {  	v32 =	vperm.xlane v30, v5;
	v31 =	vmax.f32 v31, v29  }
0x348: {  	v63 =	vperm.xlane v31, v4  }
0x349: {  	v30 =	vadd.s32 v32, v30  }
0x34a: {  	v32 =	vperm.xlane v30, v6;
	v31 =	vmax.f32 v31, v63  }
0x34b: {  	v33 =	vperm.xlane v31, v5  }
0x34c: {  	v30 =	vadd.s32 v32, v30  }
0x34d: {  	v32 =	vperm.xlane v30, v7;
	v31 =	vmax.f32 v31, v33  }
0x34e: {  	v33 =	vperm.xlane v31, v6  }
0x34f: {  	v32 =	vadd.s32 v32, v30  }
0x350: {  	(v2sf) =	vpush v32, $0x0;
	v30 =	vmax.f32 v31, v33  }
0x351: {  	s22 =	simm.s32 $0x17;
	s21 =	simm.s32 $0x19;
	v31 =	vperm.xlane v30, v7  }
.LBB2_18:
0x352: {  	_ = 	snop  }
0x353: {  	v30 =	vmax.f32 v30, v31  }
0x354: {  	(v2sf) =	vpush v30, $0x0;
	_ =	sdelay $0x1  }
0x355: {  	v31 =	vbroadcast v30, $0x0  }
0x356: {  	v50 =	vimm.s32 $0x0;
	v34 =	vimm.s32 $0x0;
	v30 =	vimm.s32 $0x0  }
0x357: {  	vm1 =	veq.f32 v11, v31;
	vm2 =	veq.f32 v12, v31;
	vm0 =	veq.f32 v29, v31  }
0x358: {  	vm7 =	veq.f32 v14, v31;
	vm5 =	veq.f32 v28, v31;
	vm8 =	veq.f32 v13, v31  }
0x359: {  	vm9 =	veq.f32 v17, v31;
	vm6 =	veq.f32 v10, v31;
	vm10 =	veq.f32 v16, v31  }
0x35a: {  	vm11 =	veq.f32 v26, v31;
	vm12 =	veq.f32 v22, v31;
	vm4 =	veq.f32 v27, v31  }
0x35b: {  	vm14 =	veq.f32 v21, v31;
	vm13 =	veq.f32 v19, v31;
	vm3 =	veq.f32 v20, v31  }
0x35c: {  	vm15 =	veq.f32 v18, v31;
	v30 =	vsel vm1, $0xFFFFFFFF, v30;
	v32 =	vsel vm1, $0x1, v9  }
0x35d: {  	v33 =	vsel vm2, $0x1, v9;
	v51 =	vsel vm5, $0x1, v9;
	v34 =	vsel vm11, $0xFFFFFFFF, v34;
	[tilespmem:$0x1FF10] =	vst v30  }
0x35e: {  	s23 =	spop (v2sf);
	v52 =	vsel vm9, $0x1, v9;
	v35 =	vsel vm11, $0x1, v9;
	v36 =	vsel vm10, $0x1, v9;
	v58 =	vld [tilespmem:$0x1FF10]  }
0x35f: {  	vm11 =	veq.f32 v15, v31;
	v37 =	vsel vm7, $0x1, v9;
	v30 =	vimm.s32 $0x0;
	s24 =	sadd.s32 s20, s23  }
0x360: {  	v38 =	vsel vm12, $0x1, v9;
	v39 =	vsel vm6, $0x1, v9;
	s23 =	simm.s32 @p0 $0x0;
	[tilespmem:$0x1FF30] =	vst v34;
	v30 =	vsel vm2, $0xFFFFFFFF, v30;
	p2 =	slt.s32 s24, $0x19  }
0x361: {  	v32 =	vadd.s32 v33, v32;
	v33 =	vsel vm5, $0xFFFFFFFF, v50;
	p0 =	sgt.s32 s21, $0x0;
	s21 =	ssub.s32 s21, s23;
	[tilespmem:$0x1FF20] =	vst v30;
	v30 =	vimm.s32 $0x0;
	s24 =	simm.s32 @!p2 $0x19  }
0x362: {  	v40 =	vsel vm14, $0x1, v9;
	v41 =	vsel vm8, $0x1, v9;
	[tilespmem:$0x1FF40] =	vst v33;
	v30 =	vsel vm0, $0xFFFFFFFF, v30;
	s20 =	smov.u32 @p0 s24;
	p0 =	slt.s32 s21, $0x1;
	v59 =	vld [tilespmem:$0x1FF20];
	s23 =	spop (v2sf)  }
0x363: {  	v42 =	vsel vm13, $0x1, v9;
	v54 =	vsel vm3, $0x1, v9;
	[tilespmem:$0x1FF50] =	vst v30;
	vm5 =	vnez.u8 v58;
	s23 =	simm.f32 @!p0 $-Inf  }
0x364: {  	vm1 =	veq.f32 v23, v31;
	v32 =	vadd.s32 v37, v32;
	[tilespmem:s20+$0x500] =	vst @!p0 v31;
	v11 =	vsel vm5, s23, v11  }
0x365: {  	v53 =	vsel vm11, $0x1, v9;
	v32 =	vadd.s32 v41, v32;
	v15 =	vsel vm11, s23, v15;
	[tilespmem:$0x380] =	vst v11  }
0x366: {  	vm2 =	veq.f32 v24, v31;
	v32 =	vadd.s32 v39, v32;
	v21 =	vsel vm14, s23, v21;
	[tilespmem:$0x400] =	vst v15;
	v15 =	vld [tilespmem:$0x1FF30]  }
0x367: {  	v32 =	vadd.s32 v52, v32;
	vm5 =	vnez.u8 v59;
	v19 =	vsel vm13, s23, v19;
	[tilespmem:$0x410] =	vst v21;
	v21 =	vld [tilespmem:$0x1FF40]  }
0x368: {  	v30 =	vsel vm0, $0x1, v9;
	v32 =	vadd.s32 v36, v32;
	v12 =	vsel vm5, s23, v12;
	[tilespmem:$0x420] =	vst v19;
	v19 =	vld [tilespmem:$0x1FF50]  }
0x369: {  	vm0 =	veq.f32 v25, v31;
	v31 =	vadd.s32 v38, v32;
	v14 =	vsel vm7, s23, v14;
	v11 =	vld [tilespmem:$0x380];
	[tilespmem:$0x390] =	vst v12  }
0x36a: {  	v55 =	vsel vm15, $0x1, v9;
	v31 =	vadd.s32 v53, v31;
	v13 =	vsel vm8, s23, v13;
	[tilespmem:$0x3A0] =	vst v14;
	v12 =	vld [tilespmem:$0x390]  }
0x36b: {  	v60 =	vsel vm4, $0x1, v9;
	v31 =	vadd.s32 v40, v31;
	v10 =	vsel vm6, s23, v10;
	[tilespmem:$0x3B0] =	vst v13;
	v14 =	vld [tilespmem:$0x3A0]  }
0x36c: {  	v56 =	vsel vm1, $0x1, v9;
	v31 =	vadd.s32 v42, v31;
	v17 =	vsel vm9, s23, v17;
	[tilespmem:$0x3C0] =	vst v10;
	v13 =	vld [tilespmem:$0x3B0]  }
0x36d: {  	v57 =	vsel vm2, $0x1, v9;
	v31 =	vadd.s32 v54, v31;
	v16 =	vsel vm10, s23, v16;
	[tilespmem:$0x3D0] =	vst v17;
	v10 =	vld [tilespmem:$0x3C0]  }
0x36e: {  	v43 =	vsel vm0, $0x1, v9;
	v31 =	vadd.s32 v55, v31;
	v22 =	vsel vm12, s23, v22;
	[tilespmem:$0x3E0] =	vst v16;
	v17 =	vld [tilespmem:$0x3D0]  }
0x36f: {  	v31 =	vadd.s32 v56, v31;
	v20 =	vsel vm3, s23, v20;
	[tilespmem:$0x3F0] =	vst v22;
	v16 =	vld [tilespmem:$0x3E0];
	v61 =	vmax.f32 v11, v12  }
0x370: {  	v18 =	vsel vm15, s23, v18;
	v31 =	vadd.s32 v57, v31;
	v22 =	vld [tilespmem:$0x3F0];
	v34 =	vmax.f32 v61, v14  }
0x371: {  	v31 =	vadd.s32 v43, v31;
	vm13 =	vnez.u8 v15;
	v15 =	vld [tilespmem:$0x400];
	v34 =	vmax.f32 v34, v13  }
0x372: {  	v31 =	vadd.s32 v60, v31;
	vm14 =	vnez.u8 v21;
	v21 =	vld [tilespmem:$0x410];
	v62 =	vmax.f32 v34, v10  }
0x373: {  	[tilespmem:$0x430] =	vst v20;
	v31 =	vadd.s32 v35, v31;
	vm15 =	vnez.u8 v19;
	v19 =	vld [tilespmem:$0x420];
	v32 =	vmax.f32 v62, v17  }
0x374: {  	v23 =	vsel vm1, s23, v23;
	[tilespmem:$0x440] =	vst v18;
	v20 =	vld [tilespmem:$0x430];
	v31 =	vadd.s32 v51, v31;
	v32 =	vmax.f32 v32, v16  }
0x375: {  	v24 =	vsel vm2, s23, v24;
	[tilespmem:$0x450] =	vst v23;
	v18 =	vld [tilespmem:$0x440];
	v30 =	vadd.s32 v30, v31;
	v31 =	vmax.f32 v32, v22  }
0x376: {  	v25 =	vsel vm0, s23, v25;
	[tilespmem:$0x460] =	vst v24;
	v23 =	vld [tilespmem:$0x450];
	v63 =	vperm.xlane v30, v4;
	v31 =	vmax.f32 v31, v15  }
0x377: {  	v27 =	vsel vm4, s23, v27;
	[tilespmem:$0x470] =	vst v25;
	v24 =	vld [tilespmem:$0x460];
	v31 =	vmax.f32 v31, v21  }
0x378: {  	[tilespmem:$0x480] =	vst v27;
	v25 =	vld [tilespmem:$0x470];
	v26 =	vsel vm13, s23, v26;
	v30 =	vadd.s32 v63, v30;
	v31 =	vmax.f32 v31, v19  }
0x379: {  	v27 =	vld [tilespmem:$0x480];
	v28 =	vsel vm14, s23, v28;
	[tilespmem:$0x490] =	vst v26;
	v32 =	vperm.xlane v30, v5;
	v31 =	vmax.f32 v31, v20  }
0x37a: {  	v29 =	vsel vm15, s23, v29;
	[tilespmem:$0x4A0] =	vst v28;
	v26 =	vld [tilespmem:$0x490];
	v31 =	vmax.f32 v31, v18  }
0x37b: {  	[tilespmem:$0x4B0] =	vst v29;
	v28 =	vld [tilespmem:$0x4A0];
	v30 =	vadd.s32 v32, v30;
	v31 =	vmax.f32 v31, v23  }
0x37c: {  	v29 =	vld [tilespmem:$0x4B0];
	v32 =	vperm.xlane v30, v6;
	v31 =	vmax.f32 v31, v24  }
0x37d: {  	v31 =	vmax.f32 v31, v25  }
0x37e: {  	v30 =	vadd.s32 v32, v30;
	v31 =	vmax.f32 v31, v27  }
0x37f: {  	v32 =	vperm.xlane v30, v7;
	v31 =	vmax.f32 v31, v26  }
0x380: {  	v31 =	vmax.f32 v31, v28  }
0x381: {  	v30 =	vadd.s32 v32, v30;
	v31 =	vmax.f32 v31, v29  }
0x382: {  	(v2sf) =	vpush v30, $0x0;
	v30 =	vperm.xlane v31, v4;
	_ =	sdelay $0x1  }
0x383: {  	v30 =	vmax.f32 v31, v30  }
0x384: {  	s22 =	sadd.s32 $0xFFFFFFFF, s22;
	v31 =	vperm.xlane v30, v5  }
0x385: {  	p1 =	sne.s32 s22, $0x0  }
.Ltmp12:
0x386: {  	v30 =	vmax.f32 v30, v31;
	(pc) =	sbr.rel @p1 .LBB2_18-.Ltmp12, $3  }
0x387: {  	v31 =	vperm.xlane v30, v6;
	_ =	sdelay $0x1  }
0x388: {  	v30 =	vmax.f32 v30, v31  }
0x389: {  	v31 =	vperm.xlane v30, v7  }
0x38a: {  	_ = 	snop  }
0x38b: {  	v30 =	vmax.f32 v30, v31  }
0x38c: {  	(v2sf) =	vpush v30, $0x0;
	_ =	sdelay $0x4  }
0x38d: {  	v30 =	vbroadcast v30, $0x0;
	_ =	sdelay $0x1  }
0x38e: {  	vm1 =	veq.f32 v11, v30  }
0x38f: {  	vm3 =	veq.f32 v12, v30;
	vm4 =	veq.f32 v14, v30;
	vm0 =	veq.f32 v28, v30  }
0x390: {  	vm5 =	veq.f32 v13, v30;
	vm6 =	veq.f32 v17, v30;
	vm2 =	veq.f32 v10, v30  }
0x391: {  	vm7 =	veq.f32 v16, v30;
	vm8 =	veq.f32 v22, v30;
	vm13 =	veq.f32 v15, v30  }
0x392: {  	vm9 =	veq.f32 v21, v30;
	vm14 =	veq.f32 v19, v30;
	vm15 =	veq.f32 v20, v30;
	s22 =	spop (v2sf)  }
0x393: {  	vm10 =	veq.f32 v18, v30;
	vm11 =	veq.f32 v23, v30;
	vm12 =	veq.f32 v24, v30;
	s23 =	sadd.s32 s20, s22  }
0x394: {  	v41 =	vsel vm1, $0x1, v9;
	v32 =	vsel vm3, $0x1, v9;
	v42 =	vsel vm6, $0x1, v9;
	s22 =	simm.s32 @p0 $0x0;
	p1 =	slt.s32 s23, $0x19  }
0x395: {  	v33 =	vsel vm7, $0x1, v9;
	v34 =	vsel vm4, $0x1, v9;
	v31 =	vadd.s32 v32, v41;
	s22 =	ssub.s32 s21, s22;
	s23 =	simm.s32 @!p1 $0x19;
	p1 =	sgt.s32 s21, $0x0  }
0x396: {  	v35 =	vsel vm8, $0x1, v9;
	v43 =	vsel vm5, $0x1, v9;
	v31 =	vadd.s32 v34, v31;
	p0 =	slt.s32 s22, $0x1;
	s20 =	smov.u32 @p1 s23;
	s22 =	spop (v2sf)  }
0x397: {  	v36 =	vsel vm2, $0x1, v9;
	v44 =	vsel vm13, $0x1, v9;
	v31 =	vadd.s32 v43, v31;
	[tilespmem:s20+$0x500] =	vst @!p0 v30;
	s22 =	simm.f32 @!p0 $-Inf  }
0x398: {  	v45 =	vsel vm9, $0x1, v9;
	v31 =	vadd.s32 v36, v31;
	[tilespmem:$0x519] =	vst v3;
	v11 =	vsel vm1, s22, v11  }
0x399: {  	v46 =	vsel vm14, $0x1, v9;
	v31 =	vadd.s32 v42, v31;
	v12 =	vsel vm3, s22, v12;
	[tilespmem:$0x380] =	vst v11  }
0x39a: {  	v48 =	vsel vm15, $0x1, v9;
	v31 =	vadd.s32 v33, v31;
	v14 =	vsel vm4, s22, v14;
	[tilespmem:$0x390] =	vst v12  }
0x39b: {  	v49 =	vsel vm10, $0x1, v9;
	v31 =	vadd.s32 v35, v31;
	v13 =	vsel vm5, s22, v13;
	[tilespmem:$0x3A0] =	vst v14  }
0x39c: {  	v52 =	vsel vm12, $0x1, v9;
	v47 =	vadd.s32 v44, v31;
	v10 =	vsel vm2, s22, v10;
	[tilespmem:$0x3B0] =	vst v13  }
0x39d: {  	v17 =	vsel vm6, s22, v17;
	v11 =	vsel vm8, s22, v22;
	v22 =	vadd.s32 v45, v47;
	[tilespmem:$0x3C0] =	vst v10  }
0x39e: {  	vm1 =	veq.f32 v27, v30;
	v16 =	vsel vm7, s22, v16;
	[tilespmem:$0x3D0] =	vst v17;
	v22 =	vadd.s32 v46, v22  }
0x39f: {  	v50 =	vsel vm13, s22, v15;
	v51 =	vsel vm9, s22, v21;
	[tilespmem:$0x3E0] =	vst v16;
	v12 =	vadd.s32 v48, v22  }
0x3a0: {  	vm13 =	veq.f32 v25, v30;
	v10 =	vsel vm11, $0x1, v9;
	[tilespmem:$0x400] =	vst v50;
	v12 =	vadd.s32 v49, v12  }
0x3a1: {  	v54 =	vsel vm14, s22, v19;
	vm14 =	veq.f32 v26, v30;
	[tilespmem:$0x410] =	vst v51;
	v10 =	vadd.s32 v10, v12  }
0x3a2: {  	v56 =	vsel vm15, s22, v20;
	v53 =	vsel vm13, $0x1, v9;
	[tilespmem:$0x420] =	vst v54;
	v10 =	vadd.s32 v52, v10  }
0x3a3: {  	vm15 =	veq.f32 v29, v30;
	[tilespmem:$0x3F0] =	vst v11;
	v11 =	vsel vm1, $0x1, v9;
	v10 =	vadd.s32 v53, v10  }
0x3a4: {  	v57 =	vsel vm10, s22, v18;
	v55 =	vsel vm14, $0x1, v9;
	[tilespmem:$0x430] =	vst v56;
	v10 =	vadd.s32 v11, v10  }
0x3a5: {  	v59 =	vsel vm12, s22, v24;
	[tilespmem:$0x440] =	vst v57;
	v11 =	vsel vm0, $0x1, v9;
	v10 =	vadd.s32 v55, v10  }
0x3a6: {  	v62 =	vsel vm0, s22, v28;
	v58 =	vsel vm15, $0x1, v9;
	[tilespmem:$0x460] =	vst v59;
	v10 =	vadd.s32 v11, v10  }
0x3a7: {  	v61 =	vsel vm1, s22, v27;
	[tilespmem:$0x4A0] =	vst v62;
	v10 =	vadd.s32 v58, v10  }
0x3a8: {  	[tilespmem:$0x480] =	vst v61;
	v60 =	vperm.xlane v10, v4  }
0x3a9: {  	[tilespmem:$0x380] =	vst v3  }
0x3aa: {  	[tilespmem:$0x390] =	vst v3;
	v10 =	vadd.s32 v60, v10  }
0x3ab: {  	[tilespmem:$0x3A0] =	vst v3;
	v13 =	vperm.xlane v10, v5  }
0x3ac: {  	[tilespmem:$0x3B0] =	vst v3  }
0x3ad: {  	[tilespmem:$0x3C0] =	vst v3;
	v11 =	vsel vm11, s22, v23;
	v10 =	vadd.s32 v13, v10  }
0x3ae: {  	[tilespmem:$0x450] =	vst v11;
	v11 =	vsel vm13, s22, v25;
	v63 =	vperm.xlane v10, v6  }
0x3af: {  	[tilespmem:$0x470] =	vst v11;
	v11 =	vsel vm14, s22, v26  }
0x3b0: {  	[tilespmem:$0x490] =	vst v11;
	v11 =	vsel vm15, s22, v29;
	v10 =	vadd.s32 v63, v10  }
0x3b1: {  	[tilespmem:$0x4B0] =	vst v11;
	v11 =	vperm.xlane v10, v7  }
0x3b2: {  	[tilespmem:$0x3D0] =	vst v3  }
0x3b3: {  	[tilespmem:$0x3E0] =	vst v3;
	v10 =	vadd.s32 v11, v10  }
0x3b4: {  	[tilespmem:$0x400] =	vst v3;
	(v2sf) =	vpush v10, $0x0  }
0x3b5: {  	[tilespmem:$0x410] =	vst v3  }
0x3b6: {  	[tilespmem:$0x420] =	vst v3  }
0x3b7: {  	[tilespmem:$0x430] =	vst v3  }
0x3b8: {  	[tilespmem:$0x440] =	vst v3  }
0x3b9: {  	[tilespmem:$0x460] =	vst v3  }
0x3ba: {  	[tilespmem:$0x4A0] =	vst v3  }
0x3bb: {  	[tilespmem:$0x3F0] =	vst v3  }
0x3bc: {  	[tilespmem:$0x480] =	vst v3  }
0x3bd: {  	[tilespmem:$0x450] =	vst v3  }
0x3be: {  	[tilespmem:$0x470] =	vst v3  }
0x3bf: {  	s19 =	sshll.u32 s19, $0x2;
	s18 =	sadd.s32 $0x1, s18;
	[tilespmem:$0x490] =	vst v3  }
0x3c0: {  	s19 =	sadd.s32 s6, s19;
	p0 =	sne.s32 s18, $0x4;
	[tilespmem:$0x4B0] =	vst v3  }
0x3c1: {  	[hbm4b:s19+s1] =	stream.linear.scatter [tilespmem:s16], [sflag:$0x1], $0x20, $0x38;
	[tilespmem:$0xE00] =	vst v63  }
.Ltmp13:
0x3c2: {  	_ = 	snop;
	(pc) =	sbr.rel @p0 .LBB2_2-.Ltmp13, $4  }
0x3c3: {  	s31 =	spop (v2sf)  }
0x3c4: {  	_ =	swait.ge [sflag:s12], $0x20  }
0x3c5: {  	[sflag:s12] =	ssyncset.done $0x0  }
0x3c6: {  	[sflag:s12] =	ssyncadd.s32 $0xFFFFFFE0  }
0x3c7: {  	s17 =	sadd.s32 $0x1, s17  }
0x3c8: {  	p0 =	sne.s32 s17, s10  }
.Ltmp14:
0x3c9: {  	_ = 	snop;
	(pc) =	sbr.rel @p0 .LBB2_1-.Ltmp14, $1  }
0x3ca: {  	_ =	sdelay $0x3  }
0x3cb: {  	_ =	sfence.sel $0x180000  }
0x3cc: {  	[bflag:$0x0] =	sbarrier.arrive $0xFFFF  }
0x3cd: {  	p0 =	sne.s32 s5, $0x0;
	_ =	strace $0x90000047  }
0x3ce: {  	s0 =	sadd.s32 @!p0 $0x100000, s0;
	[bflag:$0x2] =	sbarrier.arrive $0xFFFF  }
0x3cf: {  	[sflag:s0] =	ssyncadd.tile.s32 @!p0 $0x1;
	_ =	shalt  }
.Lfunc_end2:
_tile_overlayer_lowered:
.L_overlay_start_2:
0x3d0: {  	(tag) =	ssettag $0x2  }
0x3d1: {  	s0 =	rddreg [dreg:$0x0];
	s2 =	stileid.u32  }
0x3d2: {  	s1 =	rddreg [dreg:$0x1];
	p0 =	sne.s32 s2, $0x0  }
0x3d3: {  	s3 =	rddreg [dreg:$0x2];
	[bflag:$0x3] =	sbarrier.arrive $0xFFFF;
	s2 =	simm.s32 @!p0 $0x1C01  }
0x3d4: {  	[timem:s3], [sflag:s2] =	dma.local @!p0 [hbm:s0], s1  }
0x3d5: {  	s0 =	simm.s32 @!p0 $0x1  }
0x3d6: {  	_ =	swait.ge @!p0 [sflag:s0], s1  }
0x3d7: {  	s1 =	ssub.s32 @!p0 $0x0, s1;
	[sflag:s0] =	ssyncset.done @!p0 $0x0  }
0x3d8: {  	[sflag:s0] =	ssyncadd.s32 @!p0 s1  }
0x3d9: {  	[bflag:$0x3] =	sbarrier.arrive $0xFFFF  }
0x3da: {  	_ =	shalt  }

</sc_bundles>
